<compile_context>
chip_gen: v7x
topology: tpu7x:2x2x1
jax: 0.10.2.dev20260603
libtpu: 0.0.44.dev20260713+nightly
codegen_flags: <defaults>
</compile_context>

<pallas_src>
import functools

import jax
import jax.numpy as jnp
from jax import lax
from jax.experimental import pallas as pl
from jax.experimental.pallas import tpu as pltpu
from jax.experimental.pallas import tpu_sc as plsc

_NUM_OBJS = 1000
_NUM_RELS = 64
_BATCH = 16384
_TBL_COLS = _NUM_OBJS * _NUM_OBJS

_NC, _NS, _L = 2, 16, 16
_NW = _NC * _NS
_B_PER_W = _BATCH // _NW
_PAN = 128
_RING = 10
_LEAD = _RING - 1
_ND_CAP = _B_PER_W + _L


@functools.partial(
    pl.kernel,
    out_type=jax.ShapeDtypeStruct((_NUM_RELS, _BATCH), jnp.float32),
    mesh=plsc.VectorSubcoreMesh(core_axis_name="c", subcore_axis_name="s"),
    scratch_types=[
        pltpu.VMEM((2 * _BATCH,), jnp.int32),
        pltpu.VMEM((_B_PER_W,), jnp.int32),
        pltpu.VMEM((_B_PER_W,), jnp.int32),
        pltpu.VMEM((_ND_CAP,), jnp.int32),
        pltpu.VMEM((_ND_CAP,), jnp.int32),
        pltpu.VMEM((_RING, _NUM_RELS, _PAN), jnp.float32),
        pltpu.VMEM((_NUM_RELS, _PAN), jnp.float32),
        pltpu.SemaphoreType.DMA((_RING,)),
    ],
    compiler_params=pltpu.CompilerParams(
        use_tc_tiling_on_sc=True,
        disable_bounds_checks=True,
        needs_layout_passes=False,
    ),
)
def _gather_sorted_sc(labels_hbm, tbl_t_hbm, perm_hbm, out_t_hbm,
                      lab_v, perm_v, flat_v, dpan_v, dstart_v,
                      slab_v, blk_v, sem):
    wid = lax.axis_index("s") * _NC + lax.axis_index("c")
    base = wid * _B_PER_W

    pltpu.sync_copy(labels_hbm, lab_v)
    pltpu.sync_copy(perm_hbm.at[pl.ds(base, _B_PER_W)], perm_v)

    lane = lax.iota(jnp.int32, _L)
    lanem1 = jnp.maximum(lane - 1, 0)

    def _vperm(v, idx):
        dnums = lax.GatherDimensionNumbers(
            offset_dims=(), collapsed_slice_dims=(0,), start_index_map=(0,))
        return lax.gather(v, idx[:, None], dnums, slice_sizes=(1,),
                          mode=lax.GatherScatterMode.PROMISE_IN_BOUNDS)

    def _lane15(v):
        return jnp.sum(jnp.where(lane == _L - 1, v, 0))

    def _scalar_read(ref, j):
        chunk = ref[pl.ds((j // _L) * _L, _L)]
        return jnp.sum(jnp.where(lane == lax.rem(j, _L), chunk, 0))

    n_d = jnp.int32(0)
    carry = jnp.int32(-1)
    for i in range(_B_PER_W // _L):
        p = perm_v[pl.ds(i * _L, _L)]
        l0 = plsc.load_gather(lab_v, [p * 2])
        l1 = plsc.load_gather(lab_v, [p * 2 + 1])
        fl = l0 * _NUM_OBJS + l1
        flat_v[pl.ds(i * _L, _L)] = fl
        pan = fl >> 7
        shifted = jnp.where(lane == 0, carry, _vperm(pan, lanem1))
        m = pan != shifted
        d = n_d + jnp.cumsum(m.astype(jnp.int32)) - 1
        plsc.store_scatter(dpan_v, [d], pan, mask=m)
        plsc.store_scatter(dstart_v, [d], lane + i * _L, mask=m)
        n_d = _lane15(d) + 1
        carry = _lane15(pan)

    plsc.store_scatter(dstart_v, [jnp.broadcast_to(n_d, (_L,))],
                       jnp.broadcast_to(jnp.int32(_B_PER_W), (_L,)),
                       mask=lane == 0)

    def fire(d):
        slot = lax.rem(d, _RING)
        panel = _scalar_read(dpan_v, d)
        cbase = pl.multiple_of(panel * _PAN, _PAN)
        pltpu.async_copy(
            tbl_t_hbm.at[:, pl.ds(cbase, _PAN)],
            slab_v.at[slot], sem.at[slot])

    for d0 in range(_LEAD):
        @pl.when(d0 < n_d)
        def _():
            fire(jnp.int32(d0))

    def body(d, _):
        slot = lax.rem(d, _RING)

        @pl.when(d + _LEAD < n_d)
        def _():
            fire(d + _LEAD)

        pltpu.make_async_copy(
            tbl_t_hbm.at[:, pl.ds(0, _PAN)],
            slab_v.at[slot], sem.at[slot]).wait()

        j0 = _scalar_read(dstart_v, d)
        j1 = _scalar_read(dstart_v, d + 1)

        def item_body(j, _):
            r = _scalar_read(flat_v, j)
            rr = r & (_PAN - 1)
            jj = j & (_PAN - 1)
            rrv = jnp.broadcast_to(rr, (_L,))
            jjv = jnp.broadcast_to(jj, (_L,))
            for k in range(_NUM_RELS // _L):
                dvec = lane + k * _L
                col = plsc.load_gather(slab_v.at[slot], [dvec, rrv])
                plsc.store_scatter(blk_v, [dvec, jjv], col)

            @pl.when(jj == _PAN - 1)
            def _():
                boff = pl.multiple_of(base + (j // _PAN) * _PAN, _PAN)
                pltpu.sync_copy(blk_v, out_t_hbm.at[:, pl.ds(boff, _PAN)])

            return 0

        lax.fori_loop(j0, j1, item_body, 0)
        return 0

    lax.fori_loop(0, n_d, body, 0)


_INV_CHUNKS = _B_PER_W // _PAN


@functools.partial(
    pl.kernel,
    out_type=jax.ShapeDtypeStruct((_BATCH, _NUM_RELS), jnp.float32),
    mesh=plsc.VectorSubcoreMesh(core_axis_name="c", subcore_axis_name="s"),
    scratch_types=[
        pltpu.VMEM((_INV_CHUNKS, _PAN), jnp.int32),
        pltpu.VMEM((_B_PER_W, _NUM_RELS), jnp.float32),
        pltpu.SemaphoreType.DMA,
    ],
    compiler_params=pltpu.CompilerParams(use_tc_tiling_on_sc=False),
)
def _unpermute_sc(rows_hbm, perm_hbm, out_hbm, perm_v, rows_v, sem):
    wid = lax.axis_index("s") * _NC + lax.axis_index("c")
    base = wid * _B_PER_W

    for j in range(_INV_CHUNKS):
        pltpu.sync_copy(perm_hbm.at[pl.ds(base + j * _PAN, _PAN)], perm_v.at[j])

    pltpu.sync_copy(rows_hbm.at[pl.ds(base, _B_PER_W), :], rows_v)

    copies = []
    for j in range(_INV_CHUNKS):
        copies.append(
            pltpu.async_copy(
                rows_v.at[pl.ds(j * _PAN, _PAN), :],
                out_hbm.at[perm_v.at[j]],
                sem))
    for c in copies:
        c.wait()


def kernel(labels, obj_baseline):
    labels = labels.astype(jnp.int32)
    flat = labels[:, 0] * _NUM_OBJS + labels[:, 1]
    key = (flat >> 7) * _BATCH + jnp.arange(_BATCH, dtype=jnp.int32)
    perm = jnp.sort(key) & (_BATCH - 1)
    out2_t = _gather_sorted_sc(labels.reshape(-1), obj_baseline.T, perm)
    return _unpermute_sc(out2_t.T, perm)

# --- scband reference (transcript-rebuilt; emitter-appended) ---
"""Pipeline reference for scband-frequency-bias-11716670783565 (READ-ONLY COPY).

The authoritative reference and input builder live on the scoring server;
editing this copy changes nothing except your own understanding.
"""

import jax, jax.numpy as jnp
import numpy as np

NUM_OBJS = 1000
NUM_RELS = 64
BATCH = 16384


def setup_inputs(seed: int = 0) -> dict:
    key = jax.random.key(seed)
    k1, k2 = jax.random.split(key)
    # labels: [batch, 2] object-pair label indices, each in [0, NUM_OBJS)
    labels = jax.random.randint(k1, (BATCH, 2), 0, NUM_OBJS, dtype=jnp.int32)
    # obj_baseline embedding table: rows = NUM_OBJS*NUM_OBJS, cols = NUM_RELS
    # (corresponds to statistics['pred_dist'].view(-1, num_rels) copied into nn.Embedding)
    obj_baseline = jax.random.normal(k2, (NUM_OBJS * NUM_OBJS, NUM_RELS), dtype=jnp.float32)
    return {"labels": labels, "obj_baseline": obj_baseline}


def reference(labels, obj_baseline):
    # FrequencyBias.forward -> index_with_labels:
    #   obj_baseline(labels[:, 0] * num_objs + labels[:, 1])
    flat_idx = labels[:, 0] * NUM_OBJS + labels[:, 1]
    return jnp.take(obj_baseline, flat_idx, axis=0)

if __name__ == "__main__":
    import jax
    _d = setup_inputs()
    print(jax.jit(kernel)(*tuple(_d.values())))

</pallas_src>

<mosaic_0001>
#map = affine_map<(d0, d1) -> (0)>
#map1 = affine_map<(d0, d1) -> (0, 0)>
module attributes {stable_mosaic.version = 14 : i64} {
  func.func @_gather_sorted_sc(%arg0: i32, %arg1: i32, %arg2: memref<32768xi32, #tpu.memory_space<hbm>>, %arg3: memref<64x1000000xf32, #tpu.memory_space<hbm>>, %arg4: memref<16384xi32, #tpu.memory_space<hbm>>, %arg5: memref<64x16384xf32, #tpu.memory_space<hbm>>, %arg6: memref<32768xi32, #tpu.memory_space<vmem>>, %arg7: memref<512xi32, #tpu.memory_space<vmem>>, %arg8: memref<512xi32, #tpu.memory_space<vmem>>, %arg9: memref<528xi32, #tpu.memory_space<vmem>>, %arg10: memref<528xi32, #tpu.memory_space<vmem>>, %arg11: memref<10x64x128xf32, #tpu.memory_space<vmem>>, %arg12: memref<64x128xf32, #tpu.memory_space<vmem>>, %arg13: memref<10x!tpu.dma_semaphore, #tpu.memory_space<semaphore_mem>>) attributes {dimension_semantics = [#tpu.dimension_semantics<core_parallel>, #tpu.dimension_semantics<subcore_parallel>], iteration_bounds = array<i64: 2, 16>, scalar_prefetch = 0 : i64, scratch_operands = 8 : i64, tpu.core_type = #tpu.core_type<sc_vector_subcore>, window_params = [{transform_indices = #map}, {transform_indices = #map1}, {transform_indices = #map}, {transform_indices = #map1}]} {
    %mul3A = arith.constant 2 : i32
    %mul3A_0 = arith.muli %arg1, %mul3A : i32
    %add3A = arith.addi %mul3A_0, %arg0 : i32
    %mul3A_1 = arith.constant 512 : i32
    %mul3A_2 = arith.muli %add3A, %mul3A_1 : i32
    "tpu.region"() ({
      %run_scoped3A = tpu.sem_alloc : memref<!tpu.dma_semaphore, #tpu.memory_space<semaphore_mem>>
      tpu.enqueue_dma source(%arg2 : memref<32768xi32, #tpu.memory_space<hbm>>) target(%arg6 : memref<32768xi32, #tpu.memory_space<vmem>>) target_semaphore(%run_scoped3A : memref<!tpu.dma_semaphore, #tpu.memory_space<semaphore_mem>>)
      tpu.wait_dma2 semaphore(%run_scoped3A : memref<!tpu.dma_semaphore, #tpu.memory_space<semaphore_mem>>) src(%arg2 : memref<32768xi32, #tpu.memory_space<hbm>>) dst(%arg6 : memref<32768xi32, #tpu.memory_space<vmem>>)
      tpu.yield
    }) : () -> ()
    "tpu.region"() ({
      %run_scoped3A = tpu.sem_alloc : memref<!tpu.dma_semaphore, #tpu.memory_space<semaphore_mem>>
      %dma_start3A = tpu.memref_slice %arg4[%mul3A_2] : memref<16384xi32, #tpu.memory_space<hbm>> -> memref<512xi32, #tpu.memory_space<hbm>>
      %dma_start3A_2137 = tpu.memref_slice %arg4[%mul3A_2] : memref<16384xi32, #tpu.memory_space<hbm>> -> memref<512xi32, #tpu.memory_space<hbm>>
      tpu.enqueue_dma source(%dma_start3A_2137 : memref<512xi32, #tpu.memory_space<hbm>>) target(%arg7 : memref<512xi32, #tpu.memory_space<vmem>>) target_semaphore(%run_scoped3A : memref<!tpu.dma_semaphore, #tpu.memory_space<semaphore_mem>>)
      %dma_wait3A = tpu.memref_slice %arg4[%mul3A_2] : memref<16384xi32, #tpu.memory_space<hbm>> -> memref<512xi32, #tpu.memory_space<hbm>>
      %dma_wait3A_2138 = tpu.memref_slice %arg4[%mul3A_2] : memref<16384xi32, #tpu.memory_space<hbm>> -> memref<512xi32, #tpu.memory_space<hbm>>
      tpu.wait_dma2 semaphore(%run_scoped3A : memref<!tpu.dma_semaphore, #tpu.memory_space<semaphore_mem>>) src(%dma_wait3A_2138 : memref<512xi32, #tpu.memory_space<hbm>>) dst(%arg7 : memref<512xi32, #tpu.memory_space<vmem>>)
      tpu.yield
    }) : () -> ()
    %iota3A = tpu.iota {dimensions = array<i32: 0>} : vector<16xi32>
    %sub3A = arith.constant 1 : i32
    %sub3A_3 = vector.broadcast %sub3A : i32 to vector<16xi32>
    %sub3A_4 = arith.subi %iota3A, %sub3A_3 : vector<16xi32>
    %max3A = arith.constant 0 : i32
    %max3A_5 = vector.broadcast %max3A : i32 to vector<16xi32>
    %max3A_6 = arith.maxsi %sub3A_4, %max3A_5 : vector<16xi32>
    %get3A = arith.constant 0 : index
    %get3A_7 = tpu.vector_load %arg7[%get3A] {strides = array<i32>} : memref<512xi32, #tpu.memory_space<vmem>>, vector<16xi32>,
    %mul3A_8 = arith.constant 2 : i32
    %mul3A_9 = vector.broadcast %mul3A_8 : i32 to vector<16xi32>
    %mul3A_10 = arith.muli %get3A_7, %mul3A_9 : vector<16xi32>
    %gather3A = tpu.vector_load_idx %arg6[%mul3A_10] : memref<32768xi32, #tpu.memory_space<vmem>>[vector<16xi32>], vector<16xi32>,
    %mul3A_11 = arith.constant 2 : i32
    %mul3A_12 = vector.broadcast %mul3A_11 : i32 to vector<16xi32>
    %mul3A_13 = arith.muli %get3A_7, %mul3A_12 : vector<16xi32>
    %add3A_14 = arith.constant 1 : i32
    %add3A_15 = vector.broadcast %add3A_14 : i32 to vector<16xi32>
    %add3A_16 = arith.addi %mul3A_13, %add3A_15 : vector<16xi32>
    %gather3A_17 = tpu.vector_load_idx %arg6[%add3A_16] : memref<32768xi32, #tpu.memory_space<vmem>>[vector<16xi32>], vector<16xi32>,
    %mul3A_18 = arith.constant 1000 : i32
    %mul3A_19 = vector.broadcast %mul3A_18 : i32 to vector<16xi32>
    %mul3A_20 = arith.muli %gather3A, %mul3A_19 : vector<16xi32>
    %add3A_21 = arith.addi %mul3A_20, %gather3A_17 : vector<16xi32>
    %swap3A = arith.constant 0 : index
    %swap3A_22 = tpu.vector_load %arg8[%swap3A] {strides = array<i32>} : memref<512xi32, #tpu.memory_space<vmem>>, vector<16xi32>,
    tpu.vector_store %arg8[%swap3A], %add3A_21 {strides = array<i32>} : memref<512xi32, #tpu.memory_space<vmem>>, vector<16xi32>,
    %shift_right_arithmetic3A = arith.constant 7 : i32
    %shift_right_arithmetic3A_23 = vector.broadcast %shift_right_arithmetic3A : i32 to vector<16xi32>
    %shift_right_arithmetic3A_24 = arith.shrsi %add3A_21, %shift_right_arithmetic3A_23 : vector<16xi32>
    %eq3A = arith.constant 0 : i32
    %eq3A_25 = vector.broadcast %eq3A : i32 to vector<16xi32>
    %eq3A_26 = arith.cmpi eq, %iota3A, %eq3A_25 : vector<16xi32>
    %broadcast_in_dim3A = vector.shape_cast %max3A_6 : vector<16xi32> to vector<16x1xi32>
    %gather3A_27 = vector.shape_cast %broadcast_in_dim3A : vector<16x1xi32> to vector<16xi32>
    %gather3A_28 = tpu.dynamic_gather %shift_right_arithmetic3A_24[%gather3A_27] in [0] : vector<16xi32>, vector<16xi32> -> vector<16xi32>
    %jit3A = arith.constant -1 : i32
    %broadcast_in_dim3A_29 = vector.broadcast %jit3A : i32 to vector<16xi32>
    %select_n3A = arith.select %eq3A_26, %broadcast_in_dim3A_29, %gather3A_28 : vector<16xi1>, vector<16xi32>
    %ne3A = arith.cmpi ne, %shift_right_arithmetic3A_24, %select_n3A : vector<16xi32>
    %convert_element_type3A = arith.extui %ne3A : vector<16xi1> to vector<16xi32>
    %cumsum3A = arith.constant true
    %cumsum3A_30 = vector.broadcast %cumsum3A : i1 to vector<16xi1>
    %cumsum3A_31 = tpu.scan <sum>, %convert_element_type3A masked %cumsum3A_30 : vector<16xi32>, vector<16xi1> -> vector<16xi32>
    %add3A_32 = arith.constant 0 : i32
    %add3A_33 = vector.broadcast %add3A_32 : i32 to vector<16xi32>
    %add3A_34 = arith.addi %add3A_33, %cumsum3A_31 : vector<16xi32>
    %sub3A_35 = arith.constant 1 : i32
    %sub3A_36 = vector.broadcast %sub3A_35 : i32 to vector<16xi32>
    %sub3A_37 = arith.subi %add3A_34, %sub3A_36 : vector<16xi32>
    tpu.vector_store_idx %arg9[%sub3A_37], %shift_right_arithmetic3A_24 masked %ne3A : memref<528xi32, #tpu.memory_space<vmem>>[vector<16xi32>], vector<16xi32>, vector<16xi1>
    %add3A_38 = arith.constant 0 : i32
    %add3A_39 = vector.broadcast %add3A_38 : i32 to vector<16xi32>
    %add3A_40 = arith.addi %iota3A, %add3A_39 : vector<16xi32>
    tpu.vector_store_idx %arg10[%sub3A_37], %add3A_40 masked %ne3A : memref<528xi32, #tpu.memory_space<vmem>>[vector<16xi32>], vector<16xi32>, vector<16xi1>
    %eq3A_41 = arith.constant 15 : i32
    %eq3A_42 = vector.broadcast %eq3A_41 : i32 to vector<16xi32>
    %eq3A_43 = arith.cmpi eq, %iota3A, %eq3A_42 : vector<16xi32>
    %jit3A_44 = arith.constant 0 : i32
    %broadcast_in_dim3A_45 = vector.broadcast %jit3A_44 : i32 to vector<16xi32>
    %select_n3A_46 = arith.select %eq3A_43, %sub3A_37, %broadcast_in_dim3A_45 : vector<16xi1>, vector<16xi32>
    %reduce_sum3A = arith.constant true
    %reduce_sum3A_47 = vector.broadcast %reduce_sum3A : i1 to vector<16xi1>
    %reduce_sum3A_48 = tpu.scan <sum>, %select_n3A_46 masked %reduce_sum3A_47 : vector<16xi32>, vector<16xi1> -> vector<16xi32>
    %reduce_sum3A_49 = vector.extract %reduce_sum3A_48[15] : i32 from vector<16xi32>
    %add3A_50 = arith.constant 1 : i32
    %add3A_51 = arith.addi %reduce_sum3A_49, %add3A_50 : i32
    %eq3A_52 = arith.constant 15 : i32
    %eq3A_53 = vector.broadcast %eq3A_52 : i32 to vector<16xi32>
    %eq3A_54 = arith.cmpi eq, %iota3A, %eq3A_53 : vector<16xi32>
    %jit3A_55 = arith.constant 0 : i32
    %broadcast_in_dim3A_56 = vector.broadcast %jit3A_55 : i32 to vector<16xi32>
    %select_n3A_57 = arith.select %eq3A_54, %shift_right_arithmetic3A_24, %broadcast_in_dim3A_56 : vector<16xi1>, vector<16xi32>
    %reduce_sum3A_58 = arith.constant true
    %reduce_sum3A_59 = vector.broadcast %reduce_sum3A_58 : i1 to vector<16xi1>
    %reduce_sum3A_60 = tpu.scan <sum>, %select_n3A_57 masked %reduce_sum3A_59 : vector<16xi32>, vector<16xi1> -> vector<16xi32>
    %reduce_sum3A_61 = vector.extract %reduce_sum3A_60[15] : i32 from vector<16xi32>
    %get3A_62 = arith.constant 16 : index
    %get3A_63 = tpu.vector_load %arg7[%get3A_62] {strides = array<i32>} : memref<512xi32, #tpu.memory_space<vmem>>, vector<16xi32>,
    %mul3A_64 = arith.constant 2 : i32
    %mul3A_65 = vector.broadcast %mul3A_64 : i32 to vector<16xi32>
    %mul3A_66 = arith.muli %get3A_63, %mul3A_65 : vector<16xi32>
    %gather3A_67 = tpu.vector_load_idx %arg6[%mul3A_66] : memref<32768xi32, #tpu.memory_space<vmem>>[vector<16xi32>], vector<16xi32>,
    %mul3A_68 = arith.constant 2 : i32
    %mul3A_69 = vector.broadcast %mul3A_68 : i32 to vector<16xi32>
    %mul3A_70 = arith.muli %get3A_63, %mul3A_69 : vector<16xi32>
    %add3A_71 = arith.constant 1 : i32
    %add3A_72 = vector.broadcast %add3A_71 : i32 to vector<16xi32>
    %add3A_73 = arith.addi %mul3A_70, %add3A_72 : vector<16xi32>
    %gather3A_74 = tpu.vector_load_idx %arg6[%add3A_73] : memref<32768xi32, #tpu.memory_space<vmem>>[vector<16xi32>], vector<16xi32>,
    %mul3A_75 = arith.constant 1000 : i32
    %mul3A_76 = vector.broadcast %mul3A_75 : i32 to vector<16xi32>
    %mul3A_77 = arith.muli %gather3A_67, %mul3A_76 : vector<16xi32>
    %add3A_78 = arith.addi %mul3A_77, %gather3A_74 : vector<16xi32>
    %swap3A_79 = arith.constant 16 : index
    %swap3A_80 = tpu.vector_load %arg8[%swap3A_79] {strides = array<i32>} : memref<512xi32, #tpu.memory_space<vmem>>, vector<16xi32>,
    tpu.vector_store %arg8[%swap3A_79], %add3A_78 {strides = array<i32>} : memref<512xi32, #tpu.memory_space<vmem>>, vector<16xi32>,
    %shift_right_arithmetic3A_81 = arith.constant 7 : i32
    %shift_right_arithmetic3A_82 = vector.broadcast %shift_right_arithmetic3A_81 : i32 to vector<16xi32>
    %shift_right_arithmetic3A_83 = arith.shrsi %add3A_78, %shift_right_arithmetic3A_82 : vector<16xi32>
    %eq3A_84 = arith.constant 0 : i32
    %eq3A_85 = vector.broadcast %eq3A_84 : i32 to vector<16xi32>
    %eq3A_86 = arith.cmpi eq, %iota3A, %eq3A_85 : vector<16xi32>
    %broadcast_in_dim3A_87 = vector.shape_cast %max3A_6 : vector<16xi32> to vector<16x1xi32>
    %gather3A_88 = vector.shape_cast %broadcast_in_dim3A_87 : vector<16x1xi32> to vector<16xi32>
    %gather3A_89 = tpu.dynamic_gather %shift_right_arithmetic3A_83[%gather3A_88] in [0] : vector<16xi32>, vector<16xi32> -> vector<16xi32>
    %broadcast_in_dim3A_90 = vector.broadcast %reduce_sum3A_61 : i32 to vector<16xi32>
    %select_n3A_91 = arith.select %eq3A_86, %broadcast_in_dim3A_90, %gather3A_89 : vector<16xi1>, vector<16xi32>
    %ne3A_92 = arith.cmpi ne, %shift_right_arithmetic3A_83, %select_n3A_91 : vector<16xi32>
    %convert_element_type3A_93 = arith.extui %ne3A_92 : vector<16xi1> to vector<16xi32>
    %cumsum3A_94 = arith.constant true
    %cumsum3A_95 = vector.broadcast %cumsum3A_94 : i1 to vector<16xi1>
    %cumsum3A_96 = tpu.scan <sum>, %convert_element_type3A_93 masked %cumsum3A_95 : vector<16xi32>, vector<16xi1> -> vector<16xi32>
    %add3A_97 = vector.broadcast %add3A_51 : i32 to vector<16xi32>
    %add3A_98 = arith.addi %add3A_97, %cumsum3A_96 : vector<16xi32>
    %sub3A_99 = arith.constant 1 : i32
    %sub3A_100 = vector.broadcast %sub3A_99 : i32 to vector<16xi32>
    %sub3A_101 = arith.subi %add3A_98, %sub3A_100 : vector<16xi32>
    tpu.vector_store_idx %arg9[%sub3A_101], %shift_right_arithmetic3A_83 masked %ne3A_92 : memref<528xi32, #tpu.memory_space<vmem>>[vector<16xi32>], vector<16xi32>, vector<16xi1>
    %add3A_102 = arith.constant 16 : i32
    %add3A_103 = vector.broadcast %add3A_102 : i32 to vector<16xi32>
    %add3A_104 = arith.addi %iota3A, %add3A_103 : vector<16xi32>
    tpu.vector_store_idx %arg10[%sub3A_101], %add3A_104 masked %ne3A_92 : memref<528xi32, #tpu.memory_space<vmem>>[vector<16xi32>], vector<16xi32>, vector<16xi1>
    %eq3A_105 = arith.constant 15 : i32
    %eq3A_106 = vector.broadcast %eq3A_105 : i32 to vector<16xi32>
    %eq3A_107 = arith.cmpi eq, %iota3A, %eq3A_106 : vector<16xi32>
    %jit3A_108 = arith.constant 0 : i32
    %broadcast_in_dim3A_109 = vector.broadcast %jit3A_108 : i32 to vector<16xi32>
    %select_n3A_110 = arith.select %eq3A_107, %sub3A_101, %broadcast_in_dim3A_109 : vector<16xi1>, vector<16xi32>
    %reduce_sum3A_111 = arith.constant true
    %reduce_sum3A_112 = vector.broadcast %reduce_sum3A_111 : i1 to vector<16xi1>
    %reduce_sum3A_113 = tpu.scan <sum>, %select_n3A_110 masked %reduce_sum3A_112 : vector<16xi32>, vector<16xi1> -> vector<16xi32>
    %reduce_sum3A_114 = vector.extract %reduce_sum3A_113[15] : i32 from vector<16xi32>
    %add3A_115 = arith.constant 1 : i32
    %add3A_116 = arith.addi %reduce_sum3A_114, %add3A_115 : i32
    %eq3A_117 = arith.constant 15 : i32
    %eq3A_118 = vector.broadcast %eq3A_117 : i32 to vector<16xi32>
    %eq3A_119 = arith.cmpi eq, %iota3A, %eq3A_118 : vector<16xi32>
    %jit3A_120 = arith.constant 0 : i32
    %broadcast_in_dim3A_121 = vector.broadcast %jit3A_120 : i32 to vector<16xi32>
    %select_n3A_122 = arith.select %eq3A_119, %shift_right_arithmetic3A_83, %broadcast_in_dim3A_121 : vector<16xi1>, vector<16xi32>
    %reduce_sum3A_123 = arith.constant true
    %reduce_sum3A_124 = vector.broadcast %reduce_sum3A_123 : i1 to vector<16xi1>
    %reduce_sum3A_125 = tpu.scan <sum>, %select_n3A_122 masked %reduce_sum3A_124 : vector<16xi32>, vector<16xi1> -> vector<16xi32>
    %reduce_sum3A_126 = vector.extract %reduce_sum3A_125[15] : i32 from vector<16xi32>
    %get3A_127 = arith.constant 32 : index
    %get3A_128 = tpu.vector_load %arg7[%get3A_127] {strides = array<i32>} : memref<512xi32, #tpu.memory_space<vmem>>, vector<16xi32>,
    %mul3A_129 = arith.constant 2 : i32
    %mul3A_130 = vector.broadcast %mul3A_129 : i32 to vector<16xi32>
    %mul3A_131 = arith.muli %get3A_128, %mul3A_130 : vector<16xi32>
    %gather3A_132 = tpu.vector_load_idx %arg6[%mul3A_131] : memref<32768xi32, #tpu.memory_space<vmem>>[vector<16xi32>], vector<16xi32>,
    %mul3A_133 = arith.constant 2 : i32
    %mul3A_134 = vector.broadcast %mul3A_133 : i32 to vector<16xi32>
    %mul3A_135 = arith.muli %get3A_128, %mul3A_134 : vector<16xi32>
    %add3A_136 = arith.constant 1 : i32
    %add3A_137 = vector.broadcast %add3A_136 : i32 to vector<16xi32>
    %add3A_138 = arith.addi %mul3A_135, %add3A_137 : vector<16xi32>
    %gather3A_139 = tpu.vector_load_idx %arg6[%add3A_138] : memref<32768xi32, #tpu.memory_space<vmem>>[vector<16xi32>], vector<16xi32>,
    %mul3A_140 = arith.constant 1000 : i32
    %mul3A_141 = vector.broadcast %mul3A_140 : i32 to vector<16xi32>
    %mul3A_142 = arith.muli %gather3A_132, %mul3A_141 : vector<16xi32>
    %add3A_143 = arith.addi %mul3A_142, %gather3A_139 : vector<16xi32>
    %swap3A_144 = arith.constant 32 : index
    %swap3A_145 = tpu.vector_load %arg8[%swap3A_144] {strides = array<i32>} : memref<512xi32, #tpu.memory_space<vmem>>, vector<16xi32>,
    tpu.vector_store %arg8[%swap3A_144], %add3A_143 {strides = array<i32>} : memref<512xi32, #tpu.memory_space<vmem>>, vector<16xi32>,
    %shift_right_arithmetic3A_146 = arith.constant 7 : i32
    %shift_right_arithmetic3A_147 = vector.broadcast %shift_right_arithmetic3A_146 : i32 to vector<16xi32>
    %shift_right_arithmetic3A_148 = arith.shrsi %add3A_143, %shift_right_arithmetic3A_147 : vector<16xi32>
    %eq3A_149 = arith.constant 0 : i32
    %eq3A_150 = vector.broadcast %eq3A_149 : i32 to vector<16xi32>
    %eq3A_151 = arith.cmpi eq, %iota3A, %eq3A_150 : vector<16xi32>
    %broadcast_in_dim3A_152 = vector.shape_cast %max3A_6 : vector<16xi32> to vector<16x1xi32>
    %gather3A_153 = vector.shape_cast %broadcast_in_dim3A_152 : vector<16x1xi32> to vector<16xi32>
    %gather3A_154 = tpu.dynamic_gather %shift_right_arithmetic3A_148[%gather3A_153] in [0] : vector<16xi32>, vector<16xi32> -> vector<16xi32>
    %broadcast_in_dim3A_155 = vector.broadcast %reduce_sum3A_126 : i32 to vector<16xi32>
    %select_n3A_156 = arith.select %eq3A_151, %broadcast_in_dim3A_155, %gather3A_154 : vector<16xi1>, vector<16xi32>
    %ne3A_157 = arith.cmpi ne, %shift_right_arithmetic3A_148, %select_n3A_156 : vector<16xi32>
    %convert_element_type3A_158 = arith.extui %ne3A_157 : vector<16xi1> to vector<16xi32>
    %cumsum3A_159 = arith.constant true
    %cumsum3A_160 = vector.broadcast %cumsum3A_159 : i1 to vector<16xi1>
    %cumsum3A_161 = tpu.scan <sum>, %convert_element_type3A_158 masked %cumsum3A_160 : vector<16xi32>, vector<16xi1> -> vector<16xi32>
    %add3A_162 = vector.broadcast %add3A_116 : i32 to vector<16xi32>
    %add3A_163 = arith.addi %add3A_162, %cumsum3A_161 : vector<16xi32>
    %sub3A_164 = arith.constant 1 : i32
    %sub3A_165 = vector.broadcast %sub3A_164 : i32 to vector<16xi32>
    %sub3A_166 = arith.subi %add3A_163, %sub3A_165 : vector<16xi32>
    tpu.vector_store_idx %arg9[%sub3A_166], %shift_right_arithmetic3A_148 masked %ne3A_157 : memref<528xi32, #tpu.memory_space<vmem>>[vector<16xi32>], vector<16xi32>, vector<16xi1>
    %add3A_167 = arith.constant 32 : i32
    %add3A_168 = vector.broadcast %add3A_167 : i32 to vector<16xi32>
    %add3A_169 = arith.addi %iota3A, %add3A_168 : vector<16xi32>
    tpu.vector_store_idx %arg10[%sub3A_166], %add3A_169 masked %ne3A_157 : memref<528xi32, #tpu.memory_space<vmem>>[vector<16xi32>], vector<16xi32>, vector<16xi1>
    %eq3A_170 = arith.constant 15 : i32
    %eq3A_171 = vector.broadcast %eq3A_170 : i32 to vector<16xi32>
    %eq3A_172 = arith.cmpi eq, %iota3A, %eq3A_171 : vector<16xi32>
    %jit3A_173 = arith.constant 0 : i32
    %broadcast_in_dim3A_174 = vector.broadcast %jit3A_173 : i32 to vector<16xi32>
    %select_n3A_175 = arith.select %eq3A_172, %sub3A_166, %broadcast_in_dim3A_174 : vector<16xi1>, vector<16xi32>
    %reduce_sum3A_176 = arith.constant true
    %reduce_sum3A_177 = vector.broadcast %reduce_sum3A_176 : i1 to vector<16xi1>
    %reduce_sum3A_178 = tpu.scan <sum>, %select_n3A_175 masked %reduce_sum3A_177 : vector<16xi32>, vector<16xi1> -> vector<16xi32>
    %reduce_sum3A_179 = vector.extract %reduce_sum3A_178[15] : i32 from vector<16xi32>
    %add3A_180 = arith.constant 1 : i32
    %add3A_181 = arith.addi %reduce_sum3A_179, %add3A_180 : i32
    %eq3A_182 = arith.constant 15 : i32
    %eq3A_183 = vector.broadcast %eq3A_182 : i32 to vector<16xi32>
    %eq3A_184 = arith.cmpi eq, %iota3A, %eq3A_183 : vector<16xi32>
    %jit3A_185 = arith.constant 0 : i32
    %broadcast_in_dim3A_186 = vector.broadcast %jit3A_185 : i32 to vector<16xi32>
    %select_n3A_187 = arith.select %eq3A_184, %shift_right_arithmetic3A_148, %broadcast_in_dim3A_186 : vector<16xi1>, vector<16xi32>
    %reduce_sum3A_188 = arith.constant true
    %reduce_sum3A_189 = vector.broadcast %reduce_sum3A_188 : i1 to vector<16xi1>
    %reduce_sum3A_190 = tpu.scan <sum>, %select_n3A_187 masked %reduce_sum3A_189 : vector<16xi32>, vector<16xi1> -> vector<16xi32>
    %reduce_sum3A_191 = vector.extract %reduce_sum3A_190[15] : i32 from vector<16xi32>
    %get3A_192 = arith.constant 48 : index
    %get3A_193 = tpu.vector_load %arg7[%get3A_192] {strides = array<i32>} : memref<512xi32, #tpu.memory_space<vmem>>, vector<16xi32>,
    %mul3A_194 = arith.constant 2 : i32
    %mul3A_195 = vector.broadcast %mul3A_194 : i32 to vector<16xi32>
    %mul3A_196 = arith.muli %get3A_193, %mul3A_195 : vector<16xi32>
    %gather3A_197 = tpu.vector_load_idx %arg6[%mul3A_196] : memref<32768xi32, #tpu.memory_space<vmem>>[vector<16xi32>], vector<16xi32>,
    %mul3A_198 = arith.constant 2 : i32
    %mul3A_199 = vector.broadcast %mul3A_198 : i32 to vector<16xi32>
    %mul3A_200 = arith.muli %get3A_193, %mul3A_199 : vector<16xi32>
    %add3A_201 = arith.constant 1 : i32
    %add3A_202 = vector.broadcast %add3A_201 : i32 to vector<16xi32>
    %add3A_203 = arith.addi %mul3A_200, %add3A_202 : vector<16xi32>
    %gather3A_204 = tpu.vector_load_idx %arg6[%add3A_203] : memref<32768xi32, #tpu.memory_space<vmem>>[vector<16xi32>], vector<16xi32>,
    %mul3A_205 = arith.constant 1000 : i32
    %mul3A_206 = vector.broadcast %mul3A_205 : i32 to vector<16xi32>
    %mul3A_207 = arith.muli %gather3A_197, %mul3A_206 : vector<16xi32>
    %add3A_208 = arith.addi %mul3A_207, %gather3A_204 : vector<16xi32>
    %swap3A_209 = arith.constant 48 : index
    %swap3A_210 = tpu.vector_load %arg8[%swap3A_209] {strides = array<i32>} : memref<512xi32, #tpu.memory_space<vmem>>, vector<16xi32>,
    tpu.vector_store %arg8[%swap3A_209], %add3A_208 {strides = array<i32>} : memref<512xi32, #tpu.memory_space<vmem>>, vector<16xi32>,
    %shift_right_arithmetic3A_211 = arith.constant 7 : i32
    %shift_right_arithmetic3A_212 = vector.broadcast %shift_right_arithmetic3A_211 : i32 to vector<16xi32>
    %shift_right_arithmetic3A_213 = arith.shrsi %add3A_208, %shift_right_arithmetic3A_212 : vector<16xi32>
    %eq3A_214 = arith.constant 0 : i32
    %eq3A_215 = vector.broadcast %eq3A_214 : i32 to vector<16xi32>
    %eq3A_216 = arith.cmpi eq, %iota3A, %eq3A_215 : vector<16xi32>
    %broadcast_in_dim3A_217 = vector.shape_cast %max3A_6 : vector<16xi32> to vector<16x1xi32>
    %gather3A_218 = vector.shape_cast %broadcast_in_dim3A_217 : vector<16x1xi32> to vector<16xi32>
    %gather3A_219 = tpu.dynamic_gather %shift_right_arithmetic3A_213[%gather3A_218] in [0] : vector<16xi32>, vector<16xi32> -> vector<16xi32>
    %broadcast_in_dim3A_220 = vector.broadcast %reduce_sum3A_191 : i32 to vector<16xi32>
    %select_n3A_221 = arith.select %eq3A_216, %broadcast_in_dim3A_220, %gather3A_219 : vector<16xi1>, vector<16xi32>
    %ne3A_222 = arith.cmpi ne, %shift_right_arithmetic3A_213, %select_n3A_221 : vector<16xi32>
    %convert_element_type3A_223 = arith.extui %ne3A_222 : vector<16xi1> to vector<16xi32>
    %cumsum3A_224 = arith.constant true
    %cumsum3A_225 = vector.broadcast %cumsum3A_224 : i1 to vector<16xi1>
    %cumsum3A_226 = tpu.scan <sum>, %convert_element_type3A_223 masked %cumsum3A_225 : vector<16xi32>, vector<16xi1> -> vector<16xi32>
    %add3A_227 = vector.broadcast %add3A_181 : i32 to vector<16xi32>
    %add3A_228 = arith.addi %add3A_227, %cumsum3A_226 : vector<16xi32>
    %sub3A_229 = arith.constant 1 : i32
    %sub3A_230 = vector.broadcast %sub3A_229 : i32 to vector<16xi32>
    %sub3A_231 = arith.subi %add3A_228, %sub3A_230 : vector<16xi32>
    tpu.vector_store_idx %arg9[%sub3A_231], %shift_right_arithmetic3A_213 masked %ne3A_222 : memref<528xi32, #tpu.memory_space<vmem>>[vector<16xi32>], vector<16xi32>, vector<16xi1>
    %add3A_232 = arith.constant 48 : i32
    %add3A_233 = vector.broadcast %add3A_232 : i32 to vector<16xi32>
    %add3A_234 = arith.addi %iota3A, %add3A_233 : vector<16xi32>
    tpu.vector_store_idx %arg10[%sub3A_231], %add3A_234 masked %ne3A_222 : memref<528xi32, #tpu.memory_space<vmem>>[vector<16xi32>], vector<16xi32>, vector<16xi1>
    %eq3A_235 = arith.constant 15 : i32
    %eq3A_236 = vector.broadcast %eq3A_235 : i32 to vector<16xi32>
    %eq3A_237 = arith.cmpi eq, %iota3A, %eq3A_236 : vector<16xi32>
    %jit3A_238 = arith.constant 0 : i32
    %broadcast_in_dim3A_239 = vector.broadcast %jit3A_238 : i32 to vector<16xi32>
    %select_n3A_240 = arith.select %eq3A_237, %sub3A_231, %broadcast_in_dim3A_239 : vector<16xi1>, vector<16xi32>
    %reduce_sum3A_241 = arith.constant true
    %reduce_sum3A_242 = vector.broadcast %reduce_sum3A_241 : i1 to vector<16xi1>
    %reduce_sum3A_243 = tpu.scan <sum>, %select_n3A_240 masked %reduce_sum3A_242 : vector<16xi32>, vector<16xi1> -> vector<16xi32>
    %reduce_sum3A_244 = vector.extract %reduce_sum3A_243[15] : i32 from vector<16xi32>
    %add3A_245 = arith.constant 1 : i32
    %add3A_246 = arith.addi %reduce_sum3A_244, %add3A_245 : i32
    %eq3A_247 = arith.constant 15 : i32
    %eq3A_248 = vector.broadcast %eq3A_247 : i32 to vector<16xi32>
    %eq3A_249 = arith.cmpi eq, %iota3A, %eq3A_248 : vector<16xi32>
    %jit3A_250 = arith.constant 0 : i32
    %broadcast_in_dim3A_251 = vector.broadcast %jit3A_250 : i32 to vector<16xi32>
    %select_n3A_252 = arith.select %eq3A_249, %shift_right_arithmetic3A_213, %broadcast_in_dim3A_251 : vector<16xi1>, vector<16xi32>
    %reduce_sum3A_253 = arith.constant true
    %reduce_sum3A_254 = vector.broadcast %reduce_sum3A_253 : i1 to vector<16xi1>
    %reduce_sum3A_255 = tpu.scan <sum>, %select_n3A_252 masked %reduce_sum3A_254 : vector<16xi32>, vector<16xi1> -> vector<16xi32>
    %reduce_sum3A_256 = vector.extract %reduce_sum3A_255[15] : i32 from vector<16xi32>
    %get3A_257 = arith.constant 64 : index
    %get3A_258 = tpu.vector_load %arg7[%get3A_257] {strides = array<i32>} : memref<512xi32, #tpu.memory_space<vmem>>, vector<16xi32>,
    %mul3A_259 = arith.constant 2 : i32
    %mul3A_260 = vector.broadcast %mul3A_259 : i32 to vector<16xi32>
    %mul3A_261 = arith.muli %get3A_258, %mul3A_260 : vector<16xi32>
    %gather3A_262 = tpu.vector_load_idx %arg6[%mul3A_261] : memref<32768xi32, #tpu.memory_space<vmem>>[vector<16xi32>], vector<16xi32>,
    %mul3A_263 = arith.constant 2 : i32
    %mul3A_264 = vector.broadcast %mul3A_263 : i32 to vector<16xi32>
    %mul3A_265 = arith.muli %get3A_258, %mul3A_264 : vector<16xi32>
    %add3A_266 = arith.constant 1 : i32
    %add3A_267 = vector.broadcast %add3A_266 : i32 to vector<16xi32>
    %add3A_268 = arith.addi %mul3A_265, %add3A_267 : vector<16xi32>
    %gather3A_269 = tpu.vector_load_idx %arg6[%add3A_268] : memref<32768xi32, #tpu.memory_space<vmem>>[vector<16xi32>], vector<16xi32>,
    %mul3A_270 = arith.constant 1000 : i32
    %mul3A_271 = vector.broadcast %mul3A_270 : i32 to vector<16xi32>
    %mul3A_272 = arith.muli %gather3A_262, %mul3A_271 : vector<16xi32>
    %add3A_273 = arith.addi %mul3A_272, %gather3A_269 : vector<16xi32>
    %swap3A_274 = arith.constant 64 : index
    %swap3A_275 = tpu.vector_load %arg8[%swap3A_274] {strides = array<i32>} : memref<512xi32, #tpu.memory_space<vmem>>, vector<16xi32>,
    tpu.vector_store %arg8[%swap3A_274], %add3A_273 {strides = array<i32>} : memref<512xi32, #tpu.memory_space<vmem>>, vector<16xi32>,
    %shift_right_arithmetic3A_276 = arith.constant 7 : i32
    %shift_right_arithmetic3A_277 = vector.broadcast %shift_right_arithmetic3A_276 : i32 to vector<16xi32>
    %shift_right_arithmetic3A_278 = arith.shrsi %add3A_273, %shift_right_arithmetic3A_277 : vector<16xi32>
    %eq3A_279 = arith.constant 0 : i32
    %eq3A_280 = vector.broadcast %eq3A_279 : i32 to vector<16xi32>
    %eq3A_281 = arith.cmpi eq, %iota3A, %eq3A_280 : vector<16xi32>
    %broadcast_in_dim3A_282 = vector.shape_cast %max3A_6 : vector<16xi32> to vector<16x1xi32>
    %gather3A_283 = vector.shape_cast %broadcast_in_dim3A_282 : vector<16x1xi32> to vector<16xi32>
    %gather3A_284 = tpu.dynamic_gather %shift_right_arithmetic3A_278[%gather3A_283] in [0] : vector<16xi32>, vector<16xi32> -> vector<16xi32>
    %broadcast_in_dim3A_285 = vector.broadcast %reduce_sum3A_256 : i32 to vector<16xi32>
    %select_n3A_286 = arith.select %eq3A_281, %broadcast_in_dim3A_285, %gather3A_284 : vector<16xi1>, vector<16xi32>
    %ne3A_287 = arith.cmpi ne, %shift_right_arithmetic3A_278, %select_n3A_286 : vector<16xi32>
    %convert_element_type3A_288 = arith.extui %ne3A_287 : vector<16xi1> to vector<16xi32>
    %cumsum3A_289 = arith.constant true
    %cumsum3A_290 = vector.broadcast %cumsum3A_289 : i1 to vector<16xi1>
    %cumsum3A_291 = tpu.scan <sum>, %convert_element_type3A_288 masked %cumsum3A_290 : vector<16xi32>, vector<16xi1> -> vector<16xi32>
    %add3A_292 = vector.broadcast %add3A_246 : i32 to vector<16xi32>
    %add3A_293 = arith.addi %add3A_292, %cumsum3A_291 : vector<16xi32>
    %sub3A_294 = arith.constant 1 : i32
    %sub3A_295 = vector.broadcast %sub3A_294 : i32 to vector<16xi32>
    %sub3A_296 = arith.subi %add3A_293, %sub3A_295 : vector<16xi32>
    tpu.vector_store_idx %arg9[%sub3A_296], %shift_right_arithmetic3A_278 masked %ne3A_287 : memref<528xi32, #tpu.memory_space<vmem>>[vector<16xi32>], vector<16xi32>, vector<16xi1>
    %add3A_297 = arith.constant 64 : i32
    %add3A_298 = vector.broadcast %add3A_297 : i32 to vector<16xi32>
    %add3A_299 = arith.addi %iota3A, %add3A_298 : vector<16xi32>
    tpu.vector_store_idx %arg10[%sub3A_296], %add3A_299 masked %ne3A_287 : memref<528xi32, #tpu.memory_space<vmem>>[vector<16xi32>], vector<16xi32>, vector<16xi1>
    %eq3A_300 = arith.constant 15 : i32
    %eq3A_301 = vector.broadcast %eq3A_300 : i32 to vector<16xi32>
    %eq3A_302 = arith.cmpi eq, %iota3A, %eq3A_301 : vector<16xi32>
    %jit3A_303 = arith.constant 0 : i32
    %broadcast_in_dim3A_304 = vector.broadcast %jit3A_303 : i32 to vector<16xi32>
    %select_n3A_305 = arith.select %eq3A_302, %sub3A_296, %broadcast_in_dim3A_304 : vector<16xi1>, vector<16xi32>
    %reduce_sum3A_306 = arith.constant true
    %reduce_sum3A_307 = vector.broadcast %reduce_sum3A_306 : i1 to vector<16xi1>
    %reduce_sum3A_308 = tpu.scan <sum>, %select_n3A_305 masked %reduce_sum3A_307 : vector<16xi32>, vector<16xi1> -> vector<16xi32>
    %reduce_sum3A_309 = vector.extract %reduce_sum3A_308[15] : i32 from vector<16xi32>
    %add3A_310 = arith.constant 1 : i32
    %add3A_311 = arith.addi %reduce_sum3A_309, %add3A_310 : i32
    %eq3A_312 = arith.constant 15 : i32
    %eq3A_313 = vector.broadcast %eq3A_312 : i32 to vector<16xi32>
    %eq3A_314 = arith.cmpi eq, %iota3A, %eq3A_313 : vector<16xi32>
    %jit3A_315 = arith.constant 0 : i32
    %broadcast_in_dim3A_316 = vector.broadcast %jit3A_315 : i32 to vector<16xi32>
    %select_n3A_317 = arith.select %eq3A_314, %shift_right_arithmetic3A_278, %broadcast_in_dim3A_316 : vector<16xi1>, vector<16xi32>
    %reduce_sum3A_318 = arith.constant true
    %reduce_sum3A_319 = vector.broadcast %reduce_sum3A_318 : i1 to vector<16xi1>
    %reduce_sum3A_320 = tpu.scan <sum>, %select_n3A_317 masked %reduce_sum3A_319 : vector<16xi32>, vector<16xi1> -> vector<16xi32>
    %reduce_sum3A_321 = vector.extract %reduce_sum3A_320[15] : i32 from vector<16xi32>
    %get3A_322 = arith.constant 80 : index
    %get3A_323 = tpu.vector_load %arg7[%get3A_322] {strides = array<i32>} : memref<512xi32, #tpu.memory_space<vmem>>, vector<16xi32>,
    %mul3A_324 = arith.constant 2 : i32
    %mul3A_325 = vector.broadcast %mul3A_324 : i32 to vector<16xi32>
    %mul3A_326 = arith.muli %get3A_323, %mul3A_325 : vector<16xi32>
    %gather3A_327 = tpu.vector_load_idx %arg6[%mul3A_326] : memref<32768xi32, #tpu.memory_space<vmem>>[vector<16xi32>], vector<16xi32>,
    %mul3A_328 = arith.constant 2 : i32
    %mul3A_329 = vector.broadcast %mul3A_328 : i32 to vector<16xi32>
    %mul3A_330 = arith.muli %get3A_323, %mul3A_329 : vector<16xi32>
    %add3A_331 = arith.constant 1 : i32
    %add3A_332 = vector.broadcast %add3A_331 : i32 to vector<16xi32>
    %add3A_333 = arith.addi %mul3A_330, %add3A_332 : vector<16xi32>
    %gather3A_334 = tpu.vector_load_idx %arg6[%add3A_333] : memref<32768xi32, #tpu.memory_space<vmem>>[vector<16xi32>], vector<16xi32>,
    %mul3A_335 = arith.constant 1000 : i32
    %mul3A_336 = vector.broadcast %mul3A_335 : i32 to vector<16xi32>
    %mul3A_337 = arith.muli %gather3A_327, %mul3A_336 : vector<16xi32>
    %add3A_338 = arith.addi %mul3A_337, %gather3A_334 : vector<16xi32>
    %swap3A_339 = arith.constant 80 : index
    %swap3A_340 = tpu.vector_load %arg8[%swap3A_339] {strides = array<i32>} : memref<512xi32, #tpu.memory_space<vmem>>, vector<16xi32>,
    tpu.vector_store %arg8[%swap3A_339], %add3A_338 {strides = array<i32>} : memref<512xi32, #tpu.memory_space<vmem>>, vector<16xi32>,
    %shift_right_arithmetic3A_341 = arith.constant 7 : i32
    %shift_right_arithmetic3A_342 = vector.broadcast %shift_right_arithmetic3A_341 : i32 to vector<16xi32>
    %shift_right_arithmetic3A_343 = arith.shrsi %add3A_338, %shift_right_arithmetic3A_342 : vector<16xi32>
    %eq3A_344 = arith.constant 0 : i32
    %eq3A_345 = vector.broadcast %eq3A_344 : i32 to vector<16xi32>
    %eq3A_346 = arith.cmpi eq, %iota3A, %eq3A_345 : vector<16xi32>
    %broadcast_in_dim3A_347 = vector.shape_cast %max3A_6 : vector<16xi32> to vector<16x1xi32>
    %gather3A_348 = vector.shape_cast %broadcast_in_dim3A_347 : vector<16x1xi32> to vector<16xi32>
    %gather3A_349 = tpu.dynamic_gather %shift_right_arithmetic3A_343[%gather3A_348] in [0] : vector<16xi32>, vector<16xi32> -> vector<16xi32>
    %broadcast_in_dim3A_350 = vector.broadcast %reduce_sum3A_321 : i32 to vector<16xi32>
    %select_n3A_351 = arith.select %eq3A_346, %broadcast_in_dim3A_350, %gather3A_349 : vector<16xi1>, vector<16xi32>
    %ne3A_352 = arith.cmpi ne, %shift_right_arithmetic3A_343, %select_n3A_351 : vector<16xi32>
    %convert_element_type3A_353 = arith.extui %ne3A_352 : vector<16xi1> to vector<16xi32>
    %cumsum3A_354 = arith.constant true
    %cumsum3A_355 = vector.broadcast %cumsum3A_354 : i1 to vector<16xi1>
    %cumsum3A_356 = tpu.scan <sum>, %convert_element_type3A_353 masked %cumsum3A_355 : vector<16xi32>, vector<16xi1> -> vector<16xi32>
    %add3A_357 = vector.broadcast %add3A_311 : i32 to vector<16xi32>
    %add3A_358 = arith.addi %add3A_357, %cumsum3A_356 : vector<16xi32>
    %sub3A_359 = arith.constant 1 : i32
    %sub3A_360 = vector.broadcast %sub3A_359 : i32 to vector<16xi32>
    %sub3A_361 = arith.subi %add3A_358, %sub3A_360 : vector<16xi32>
    tpu.vector_store_idx %arg9[%sub3A_361], %shift_right_arithmetic3A_343 masked %ne3A_352 : memref<528xi32, #tpu.memory_space<vmem>>[vector<16xi32>], vector<16xi32>, vector<16xi1>
    %add3A_362 = arith.constant 80 : i32
    %add3A_363 = vector.broadcast %add3A_362 : i32 to vector<16xi32>
    %add3A_364 = arith.addi %iota3A, %add3A_363 : vector<16xi32>
    tpu.vector_store_idx %arg10[%sub3A_361], %add3A_364 masked %ne3A_352 : memref<528xi32, #tpu.memory_space<vmem>>[vector<16xi32>], vector<16xi32>, vector<16xi1>
    %eq3A_365 = arith.constant 15 : i32
    %eq3A_366 = vector.broadcast %eq3A_365 : i32 to vector<16xi32>
    %eq3A_367 = arith.cmpi eq, %iota3A, %eq3A_366 : vector<16xi32>
    %jit3A_368 = arith.constant 0 : i32
    %broadcast_in_dim3A_369 = vector.broadcast %jit3A_368 : i32 to vector<16xi32>
    %select_n3A_370 = arith.select %eq3A_367, %sub3A_361, %broadcast_in_dim3A_369 : vector<16xi1>, vector<16xi32>
    %reduce_sum3A_371 = arith.constant true
    %reduce_sum3A_372 = vector.broadcast %reduce_sum3A_371 : i1 to vector<16xi1>
    %reduce_sum3A_373 = tpu.scan <sum>, %select_n3A_370 masked %reduce_sum3A_372 : vector<16xi32>, vector<16xi1> -> vector<16xi32>
    %reduce_sum3A_374 = vector.extract %reduce_sum3A_373[15] : i32 from vector<16xi32>
    %add3A_375 = arith.constant 1 : i32
    %add3A_376 = arith.addi %reduce_sum3A_374, %add3A_375 : i32
    %eq3A_377 = arith.constant 15 : i32
    %eq3A_378 = vector.broadcast %eq3A_377 : i32 to vector<16xi32>
    %eq3A_379 = arith.cmpi eq, %iota3A, %eq3A_378 : vector<16xi32>
    %jit3A_380 = arith.constant 0 : i32
    %broadcast_in_dim3A_381 = vector.broadcast %jit3A_380 : i32 to vector<16xi32>
    %select_n3A_382 = arith.select %eq3A_379, %shift_right_arithmetic3A_343, %broadcast_in_dim3A_381 : vector<16xi1>, vector<16xi32>
    %reduce_sum3A_383 = arith.constant true
    %reduce_sum3A_384 = vector.broadcast %reduce_sum3A_383 : i1 to vector<16xi1>
    %reduce_sum3A_385 = tpu.scan <sum>, %select_n3A_382 masked %reduce_sum3A_384 : vector<16xi32>, vector<16xi1> -> vector<16xi32>
    %reduce_sum3A_386 = vector.extract %reduce_sum3A_385[15] : i32 from vector<16xi32>
    %get3A_387 = arith.constant 96 : index
    %get3A_388 = tpu.vector_load %arg7[%get3A_387] {strides = array<i32>} : memref<512xi32, #tpu.memory_space<vmem>>, vector<16xi32>,
    %mul3A_389 = arith.constant 2 : i32
    %mul3A_390 = vector.broadcast %mul3A_389 : i32 to vector<16xi32>
    %mul3A_391 = arith.muli %get3A_388, %mul3A_390 : vector<16xi32>
    %gather3A_392 = tpu.vector_load_idx %arg6[%mul3A_391] : memref<32768xi32, #tpu.memory_space<vmem>>[vector<16xi32>], vector<16xi32>,
    %mul3A_393 = arith.constant 2 : i32
    %mul3A_394 = vector.broadcast %mul3A_393 : i32 to vector<16xi32>
    %mul3A_395 = arith.muli %get3A_388, %mul3A_394 : vector<16xi32>
    %add3A_396 = arith.constant 1 : i32
    %add3A_397 = vector.broadcast %add3A_396 : i32 to vector<16xi32>
    %add3A_398 = arith.addi %mul3A_395, %add3A_397 : vector<16xi32>
    %gather3A_399 = tpu.vector_load_idx %arg6[%add3A_398] : memref<32768xi32, #tpu.memory_space<vmem>>[vector<16xi32>], vector<16xi32>,
    %mul3A_400 = arith.constant 1000 : i32
    %mul3A_401 = vector.broadcast %mul3A_400 : i32 to vector<16xi32>
    %mul3A_402 = arith.muli %gather3A_392, %mul3A_401 : vector<16xi32>
    %add3A_403 = arith.addi %mul3A_402, %gather3A_399 : vector<16xi32>
    %swap3A_404 = arith.constant 96 : index
    %swap3A_405 = tpu.vector_load %arg8[%swap3A_404] {strides = array<i32>} : memref<512xi32, #tpu.memory_space<vmem>>, vector<16xi32>,
    tpu.vector_store %arg8[%swap3A_404], %add3A_403 {strides = array<i32>} : memref<512xi32, #tpu.memory_space<vmem>>, vector<16xi32>,
    %shift_right_arithmetic3A_406 = arith.constant 7 : i32
    %shift_right_arithmetic3A_407 = vector.broadcast %shift_right_arithmetic3A_406 : i32 to vector<16xi32>
    %shift_right_arithmetic3A_408 = arith.shrsi %add3A_403, %shift_right_arithmetic3A_407 : vector<16xi32>
    %eq3A_409 = arith.constant 0 : i32
    %eq3A_410 = vector.broadcast %eq3A_409 : i32 to vector<16xi32>
    %eq3A_411 = arith.cmpi eq, %iota3A, %eq3A_410 : vector<16xi32>
    %broadcast_in_dim3A_412 = vector.shape_cast %max3A_6 : vector<16xi32> to vector<16x1xi32>
    %gather3A_413 = vector.shape_cast %broadcast_in_dim3A_412 : vector<16x1xi32> to vector<16xi32>
    %gather3A_414 = tpu.dynamic_gather %shift_right_arithmetic3A_408[%gather3A_413] in [0] : vector<16xi32>, vector<16xi32> -> vector<16xi32>
    %broadcast_in_dim3A_415 = vector.broadcast %reduce_sum3A_386 : i32 to vector<16xi32>
    %select_n3A_416 = arith.select %eq3A_411, %broadcast_in_dim3A_415, %gather3A_414 : vector<16xi1>, vector<16xi32>
    %ne3A_417 = arith.cmpi ne, %shift_right_arithmetic3A_408, %select_n3A_416 : vector<16xi32>
    %convert_element_type3A_418 = arith.extui %ne3A_417 : vector<16xi1> to vector<16xi32>
    %cumsum3A_419 = arith.constant true
    %cumsum3A_420 = vector.broadcast %cumsum3A_419 : i1 to vector<16xi1>
    %cumsum3A_421 = tpu.scan <sum>, %convert_element_type3A_418 masked %cumsum3A_420 : vector<16xi32>, vector<16xi1> -> vector<16xi32>
    %add3A_422 = vector.broadcast %add3A_376 : i32 to vector<16xi32>
    %add3A_423 = arith.addi %add3A_422, %cumsum3A_421 : vector<16xi32>
    %sub3A_424 = arith.constant 1 : i32
    %sub3A_425 = vector.broadcast %sub3A_424 : i32 to vector<16xi32>
    %sub3A_426 = arith.subi %add3A_423, %sub3A_425 : vector<16xi32>
    tpu.vector_store_idx %arg9[%sub3A_426], %shift_right_arithmetic3A_408 masked %ne3A_417 : memref<528xi32, #tpu.memory_space<vmem>>[vector<16xi32>], vector<16xi32>, vector<16xi1>
    %add3A_427 = arith.constant 96 : i32
    %add3A_428 = vector.broadcast %add3A_427 : i32 to vector<16xi32>
    %add3A_429 = arith.addi %iota3A, %add3A_428 : vector<16xi32>
    tpu.vector_store_idx %arg10[%sub3A_426], %add3A_429 masked %ne3A_417 : memref<528xi32, #tpu.memory_space<vmem>>[vector<16xi32>], vector<16xi32>, vector<16xi1>
    %eq3A_430 = arith.constant 15 : i32
    %eq3A_431 = vector.broadcast %eq3A_430 : i32 to vector<16xi32>
    %eq3A_432 = arith.cmpi eq, %iota3A, %eq3A_431 : vector<16xi32>
    %jit3A_433 = arith.constant 0 : i32
    %broadcast_in_dim3A_434 = vector.broadcast %jit3A_433 : i32 to vector<16xi32>
    %select_n3A_435 = arith.select %eq3A_432, %sub3A_426, %broadcast_in_dim3A_434 : vector<16xi1>, vector<16xi32>
    %reduce_sum3A_436 = arith.constant true
    %reduce_sum3A_437 = vector.broadcast %reduce_sum3A_436 : i1 to vector<16xi1>
    %reduce_sum3A_438 = tpu.scan <sum>, %select_n3A_435 masked %reduce_sum3A_437 : vector<16xi32>, vector<16xi1> -> vector<16xi32>
    %reduce_sum3A_439 = vector.extract %reduce_sum3A_438[15] : i32 from vector<16xi32>
    %add3A_440 = arith.constant 1 : i32
    %add3A_441 = arith.addi %reduce_sum3A_439, %add3A_440 : i32
    %eq3A_442 = arith.constant 15 : i32
    %eq3A_443 = vector.broadcast %eq3A_442 : i32 to vector<16xi32>
    %eq3A_444 = arith.cmpi eq, %iota3A, %eq3A_443 : vector<16xi32>
    %jit3A_445 = arith.constant 0 : i32
    %broadcast_in_dim3A_446 = vector.broadcast %jit3A_445 : i32 to vector<16xi32>
    %select_n3A_447 = arith.select %eq3A_444, %shift_right_arithmetic3A_408, %broadcast_in_dim3A_446 : vector<16xi1>, vector<16xi32>
    %reduce_sum3A_448 = arith.constant true
    %reduce_sum3A_449 = vector.broadcast %reduce_sum3A_448 : i1 to vector<16xi1>
    %reduce_sum3A_450 = tpu.scan <sum>, %select_n3A_447 masked %reduce_sum3A_449 : vector<16xi32>, vector<16xi1> -> vector<16xi32>
    %reduce_sum3A_451 = vector.extract %reduce_sum3A_450[15] : i32 from vector<16xi32>
    %get3A_452 = arith.constant 112 : index
    %get3A_453 = tpu.vector_load %arg7[%get3A_452] {strides = array<i32>} : memref<512xi32, #tpu.memory_space<vmem>>, vector<16xi32>,
    %mul3A_454 = arith.constant 2 : i32
    %mul3A_455 = vector.broadcast %mul3A_454 : i32 to vector<16xi32>
    %mul3A_456 = arith.muli %get3A_453, %mul3A_455 : vector<16xi32>
    %gather3A_457 = tpu.vector_load_idx %arg6[%mul3A_456] : memref<32768xi32, #tpu.memory_space<vmem>>[vector<16xi32>], vector<16xi32>,
    %mul3A_458 = arith.constant 2 : i32
    %mul3A_459 = vector.broadcast %mul3A_458 : i32 to vector<16xi32>
    %mul3A_460 = arith.muli %get3A_453, %mul3A_459 : vector<16xi32>
    %add3A_461 = arith.constant 1 : i32
    %add3A_462 = vector.broadcast %add3A_461 : i32 to vector<16xi32>
    %add3A_463 = arith.addi %mul3A_460, %add3A_462 : vector<16xi32>
    %gather3A_464 = tpu.vector_load_idx %arg6[%add3A_463] : memref<32768xi32, #tpu.memory_space<vmem>>[vector<16xi32>], vector<16xi32>,
    %mul3A_465 = arith.constant 1000 : i32
    %mul3A_466 = vector.broadcast %mul3A_465 : i32 to vector<16xi32>
    %mul3A_467 = arith.muli %gather3A_457, %mul3A_466 : vector<16xi32>
    %add3A_468 = arith.addi %mul3A_467, %gather3A_464 : vector<16xi32>
    %swap3A_469 = arith.constant 112 : index
    %swap3A_470 = tpu.vector_load %arg8[%swap3A_469] {strides = array<i32>} : memref<512xi32, #tpu.memory_space<vmem>>, vector<16xi32>,
    tpu.vector_store %arg8[%swap3A_469], %add3A_468 {strides = array<i32>} : memref<512xi32, #tpu.memory_space<vmem>>, vector<16xi32>,
    %shift_right_arithmetic3A_471 = arith.constant 7 : i32
    %shift_right_arithmetic3A_472 = vector.broadcast %shift_right_arithmetic3A_471 : i32 to vector<16xi32>
    %shift_right_arithmetic3A_473 = arith.shrsi %add3A_468, %shift_right_arithmetic3A_472 : vector<16xi32>
    %eq3A_474 = arith.constant 0 : i32
    %eq3A_475 = vector.broadcast %eq3A_474 : i32 to vector<16xi32>
    %eq3A_476 = arith.cmpi eq, %iota3A, %eq3A_475 : vector<16xi32>
    %broadcast_in_dim3A_477 = vector.shape_cast %max3A_6 : vector<16xi32> to vector<16x1xi32>
    %gather3A_478 = vector.shape_cast %broadcast_in_dim3A_477 : vector<16x1xi32> to vector<16xi32>
    %gather3A_479 = tpu.dynamic_gather %shift_right_arithmetic3A_473[%gather3A_478] in [0] : vector<16xi32>, vector<16xi32> -> vector<16xi32>
    %broadcast_in_dim3A_480 = vector.broadcast %reduce_sum3A_451 : i32 to vector<16xi32>
    %select_n3A_481 = arith.select %eq3A_476, %broadcast_in_dim3A_480, %gather3A_479 : vector<16xi1>, vector<16xi32>
    %ne3A_482 = arith.cmpi ne, %shift_right_arithmetic3A_473, %select_n3A_481 : vector<16xi32>
    %convert_element_type3A_483 = arith.extui %ne3A_482 : vector<16xi1> to vector<16xi32>
    %cumsum3A_484 = arith.constant true
    %cumsum3A_485 = vector.broadcast %cumsum3A_484 : i1 to vector<16xi1>
    %cumsum3A_486 = tpu.scan <sum>, %convert_element_type3A_483 masked %cumsum3A_485 : vector<16xi32>, vector<16xi1> -> vector<16xi32>
    %add3A_487 = vector.broadcast %add3A_441 : i32 to vector<16xi32>
    %add3A_488 = arith.addi %add3A_487, %cumsum3A_486 : vector<16xi32>
    %sub3A_489 = arith.constant 1 : i32
    %sub3A_490 = vector.broadcast %sub3A_489 : i32 to vector<16xi32>
    %sub3A_491 = arith.subi %add3A_488, %sub3A_490 : vector<16xi32>
    tpu.vector_store_idx %arg9[%sub3A_491], %shift_right_arithmetic3A_473 masked %ne3A_482 : memref<528xi32, #tpu.memory_space<vmem>>[vector<16xi32>], vector<16xi32>, vector<16xi1>
    %add3A_492 = arith.constant 112 : i32
    %add3A_493 = vector.broadcast %add3A_492 : i32 to vector<16xi32>
    %add3A_494 = arith.addi %iota3A, %add3A_493 : vector<16xi32>
    tpu.vector_store_idx %arg10[%sub3A_491], %add3A_494 masked %ne3A_482 : memref<528xi32, #tpu.memory_space<vmem>>[vector<16xi32>], vector<16xi32>, vector<16xi1>
    %eq3A_495 = arith.constant 15 : i32
    %eq3A_496 = vector.broadcast %eq3A_495 : i32 to vector<16xi32>
    %eq3A_497 = arith.cmpi eq, %iota3A, %eq3A_496 : vector<16xi32>
    %jit3A_498 = arith.constant 0 : i32
    %broadcast_in_dim3A_499 = vector.broadcast %jit3A_498 : i32 to vector<16xi32>
    %select_n3A_500 = arith.select %eq3A_497, %sub3A_491, %broadcast_in_dim3A_499 : vector<16xi1>, vector<16xi32>
    %reduce_sum3A_501 = arith.constant true
    %reduce_sum3A_502 = vector.broadcast %reduce_sum3A_501 : i1 to vector<16xi1>
    %reduce_sum3A_503 = tpu.scan <sum>, %select_n3A_500 masked %reduce_sum3A_502 : vector<16xi32>, vector<16xi1> -> vector<16xi32>
    %reduce_sum3A_504 = vector.extract %reduce_sum3A_503[15] : i32 from vector<16xi32>
    %add3A_505 = arith.constant 1 : i32
    %add3A_506 = arith.addi %reduce_sum3A_504, %add3A_505 : i32
    %eq3A_507 = arith.constant 15 : i32
    %eq3A_508 = vector.broadcast %eq3A_507 : i32 to vector<16xi32>
    %eq3A_509 = arith.cmpi eq, %iota3A, %eq3A_508 : vector<16xi32>
    %jit3A_510 = arith.constant 0 : i32
    %broadcast_in_dim3A_511 = vector.broadcast %jit3A_510 : i32 to vector<16xi32>
    %select_n3A_512 = arith.select %eq3A_509, %shift_right_arithmetic3A_473, %broadcast_in_dim3A_511 : vector<16xi1>, vector<16xi32>
    %reduce_sum3A_513 = arith.constant true
    %reduce_sum3A_514 = vector.broadcast %reduce_sum3A_513 : i1 to vector<16xi1>
    %reduce_sum3A_515 = tpu.scan <sum>, %select_n3A_512 masked %reduce_sum3A_514 : vector<16xi32>, vector<16xi1> -> vector<16xi32>
    %reduce_sum3A_516 = vector.extract %reduce_sum3A_515[15] : i32 from vector<16xi32>
    %get3A_517 = arith.constant 128 : index
    %get3A_518 = tpu.vector_load %arg7[%get3A_517] {strides = array<i32>} : memref<512xi32, #tpu.memory_space<vmem>>, vector<16xi32>,
    %mul3A_519 = arith.constant 2 : i32
    %mul3A_520 = vector.broadcast %mul3A_519 : i32 to vector<16xi32>
    %mul3A_521 = arith.muli %get3A_518, %mul3A_520 : vector<16xi32>
    %gather3A_522 = tpu.vector_load_idx %arg6[%mul3A_521] : memref<32768xi32, #tpu.memory_space<vmem>>[vector<16xi32>], vector<16xi32>,
    %mul3A_523 = arith.constant 2 : i32
    %mul3A_524 = vector.broadcast %mul3A_523 : i32 to vector<16xi32>
    %mul3A_525 = arith.muli %get3A_518, %mul3A_524 : vector<16xi32>
    %add3A_526 = arith.constant 1 : i32
    %add3A_527 = vector.broadcast %add3A_526 : i32 to vector<16xi32>
    %add3A_528 = arith.addi %mul3A_525, %add3A_527 : vector<16xi32>
    %gather3A_529 = tpu.vector_load_idx %arg6[%add3A_528] : memref<32768xi32, #tpu.memory_space<vmem>>[vector<16xi32>], vector<16xi32>,
    %mul3A_530 = arith.constant 1000 : i32
    %mul3A_531 = vector.broadcast %mul3A_530 : i32 to vector<16xi32>
    %mul3A_532 = arith.muli %gather3A_522, %mul3A_531 : vector<16xi32>
    %add3A_533 = arith.addi %mul3A_532, %gather3A_529 : vector<16xi32>
    %swap3A_534 = arith.constant 128 : index
    %swap3A_535 = tpu.vector_load %arg8[%swap3A_534] {strides = array<i32>} : memref<512xi32, #tpu.memory_space<vmem>>, vector<16xi32>,
    tpu.vector_store %arg8[%swap3A_534], %add3A_533 {strides = array<i32>} : memref<512xi32, #tpu.memory_space<vmem>>, vector<16xi32>,
    %shift_right_arithmetic3A_536 = arith.constant 7 : i32
    %shift_right_arithmetic3A_537 = vector.broadcast %shift_right_arithmetic3A_536 : i32 to vector<16xi32>
    %shift_right_arithmetic3A_538 = arith.shrsi %add3A_533, %shift_right_arithmetic3A_537 : vector<16xi32>
    %eq3A_539 = arith.constant 0 : i32
    %eq3A_540 = vector.broadcast %eq3A_539 : i32 to vector<16xi32>
    %eq3A_541 = arith.cmpi eq, %iota3A, %eq3A_540 : vector<16xi32>
    %broadcast_in_dim3A_542 = vector.shape_cast %max3A_6 : vector<16xi32> to vector<16x1xi32>
    %gather3A_543 = vector.shape_cast %broadcast_in_dim3A_542 : vector<16x1xi32> to vector<16xi32>
    %gather3A_544 = tpu.dynamic_gather %shift_right_arithmetic3A_538[%gather3A_543] in [0] : vector<16xi32>, vector<16xi32> -> vector<16xi32>
    %broadcast_in_dim3A_545 = vector.broadcast %reduce_sum3A_516 : i32 to vector<16xi32>
    %select_n3A_546 = arith.select %eq3A_541, %broadcast_in_dim3A_545, %gather3A_544 : vector<16xi1>, vector<16xi32>
    %ne3A_547 = arith.cmpi ne, %shift_right_arithmetic3A_538, %select_n3A_546 : vector<16xi32>
    %convert_element_type3A_548 = arith.extui %ne3A_547 : vector<16xi1> to vector<16xi32>
    %cumsum3A_549 = arith.constant true
    %cumsum3A_550 = vector.broadcast %cumsum3A_549 : i1 to vector<16xi1>
    %cumsum3A_551 = tpu.scan <sum>, %convert_element_type3A_548 masked %cumsum3A_550 : vector<16xi32>, vector<16xi1> -> vector<16xi32>
    %add3A_552 = vector.broadcast %add3A_506 : i32 to vector<16xi32>
    %add3A_553 = arith.addi %add3A_552, %cumsum3A_551 : vector<16xi32>
    %sub3A_554 = arith.constant 1 : i32
    %sub3A_555 = vector.broadcast %sub3A_554 : i32 to vector<16xi32>
    %sub3A_556 = arith.subi %add3A_553, %sub3A_555 : vector<16xi32>
    tpu.vector_store_idx %arg9[%sub3A_556], %shift_right_arithmetic3A_538 masked %ne3A_547 : memref<528xi32, #tpu.memory_space<vmem>>[vector<16xi32>], vector<16xi32>, vector<16xi1>
    %add3A_557 = arith.constant 128 : i32
    %add3A_558 = vector.broadcast %add3A_557 : i32 to vector<16xi32>
    %add3A_559 = arith.addi %iota3A, %add3A_558 : vector<16xi32>
    tpu.vector_store_idx %arg10[%sub3A_556], %add3A_559 masked %ne3A_547 : memref<528xi32, #tpu.memory_space<vmem>>[vector<16xi32>], vector<16xi32>, vector<16xi1>
    %eq3A_560 = arith.constant 15 : i32
    %eq3A_561 = vector.broadcast %eq3A_560 : i32 to vector<16xi32>
    %eq3A_562 = arith.cmpi eq, %iota3A, %eq3A_561 : vector<16xi32>
    %jit3A_563 = arith.constant 0 : i32
    %broadcast_in_dim3A_564 = vector.broadcast %jit3A_563 : i32 to vector<16xi32>
    %select_n3A_565 = arith.select %eq3A_562, %sub3A_556, %broadcast_in_dim3A_564 : vector<16xi1>, vector<16xi32>
    %reduce_sum3A_566 = arith.constant true
    %reduce_sum3A_567 = vector.broadcast %reduce_sum3A_566 : i1 to vector<16xi1>
    %reduce_sum3A_568 = tpu.scan <sum>, %select_n3A_565 masked %reduce_sum3A_567 : vector<16xi32>, vector<16xi1> -> vector<16xi32>
    %reduce_sum3A_569 = vector.extract %reduce_sum3A_568[15] : i32 from vector<16xi32>
    %add3A_570 = arith.constant 1 : i32
    %add3A_571 = arith.addi %reduce_sum3A_569, %add3A_570 : i32
    %eq3A_572 = arith.constant 15 : i32
    %eq3A_573 = vector.broadcast %eq3A_572 : i32 to vector<16xi32>
    %eq3A_574 = arith.cmpi eq, %iota3A, %eq3A_573 : vector<16xi32>
    %jit3A_575 = arith.constant 0 : i32
    %broadcast_in_dim3A_576 = vector.broadcast %jit3A_575 : i32 to vector<16xi32>
    %select_n3A_577 = arith.select %eq3A_574, %shift_right_arithmetic3A_538, %broadcast_in_dim3A_576 : vector<16xi1>, vector<16xi32>
    %reduce_sum3A_578 = arith.constant true
    %reduce_sum3A_579 = vector.broadcast %reduce_sum3A_578 : i1 to vector<16xi1>
    %reduce_sum3A_580 = tpu.scan <sum>, %select_n3A_577 masked %reduce_sum3A_579 : vector<16xi32>, vector<16xi1> -> vector<16xi32>
    %reduce_sum3A_581 = vector.extract %reduce_sum3A_580[15] : i32 from vector<16xi32>
    %get3A_582 = arith.constant 144 : index
    %get3A_583 = tpu.vector_load %arg7[%get3A_582] {strides = array<i32>} : memref<512xi32, #tpu.memory_space<vmem>>, vector<16xi32>,
    %mul3A_584 = arith.constant 2 : i32
    %mul3A_585 = vector.broadcast %mul3A_584 : i32 to vector<16xi32>
    %mul3A_586 = arith.muli %get3A_583, %mul3A_585 : vector<16xi32>
    %gather3A_587 = tpu.vector_load_idx %arg6[%mul3A_586] : memref<32768xi32, #tpu.memory_space<vmem>>[vector<16xi32>], vector<16xi32>,
    %mul3A_588 = arith.constant 2 : i32
    %mul3A_589 = vector.broadcast %mul3A_588 : i32 to vector<16xi32>
    %mul3A_590 = arith.muli %get3A_583, %mul3A_589 : vector<16xi32>
    %add3A_591 = arith.constant 1 : i32
    %add3A_592 = vector.broadcast %add3A_591 : i32 to vector<16xi32>
    %add3A_593 = arith.addi %mul3A_590, %add3A_592 : vector<16xi32>
    %gather3A_594 = tpu.vector_load_idx %arg6[%add3A_593] : memref<32768xi32, #tpu.memory_space<vmem>>[vector<16xi32>], vector<16xi32>,
    %mul3A_595 = arith.constant 1000 : i32
    %mul3A_596 = vector.broadcast %mul3A_595 : i32 to vector<16xi32>
    %mul3A_597 = arith.muli %gather3A_587, %mul3A_596 : vector<16xi32>
    %add3A_598 = arith.addi %mul3A_597, %gather3A_594 : vector<16xi32>
    %swap3A_599 = arith.constant 144 : index
    %swap3A_600 = tpu.vector_load %arg8[%swap3A_599] {strides = array<i32>} : memref<512xi32, #tpu.memory_space<vmem>>, vector<16xi32>,
    tpu.vector_store %arg8[%swap3A_599], %add3A_598 {strides = array<i32>} : memref<512xi32, #tpu.memory_space<vmem>>, vector<16xi32>,
    %shift_right_arithmetic3A_601 = arith.constant 7 : i32
    %shift_right_arithmetic3A_602 = vector.broadcast %shift_right_arithmetic3A_601 : i32 to vector<16xi32>
    %shift_right_arithmetic3A_603 = arith.shrsi %add3A_598, %shift_right_arithmetic3A_602 : vector<16xi32>
    %eq3A_604 = arith.constant 0 : i32
    %eq3A_605 = vector.broadcast %eq3A_604 : i32 to vector<16xi32>
    %eq3A_606 = arith.cmpi eq, %iota3A, %eq3A_605 : vector<16xi32>
    %broadcast_in_dim3A_607 = vector.shape_cast %max3A_6 : vector<16xi32> to vector<16x1xi32>
    %gather3A_608 = vector.shape_cast %broadcast_in_dim3A_607 : vector<16x1xi32> to vector<16xi32>
    %gather3A_609 = tpu.dynamic_gather %shift_right_arithmetic3A_603[%gather3A_608] in [0] : vector<16xi32>, vector<16xi32> -> vector<16xi32>
    %broadcast_in_dim3A_610 = vector.broadcast %reduce_sum3A_581 : i32 to vector<16xi32>
    %select_n3A_611 = arith.select %eq3A_606, %broadcast_in_dim3A_610, %gather3A_609 : vector<16xi1>, vector<16xi32>
    %ne3A_612 = arith.cmpi ne, %shift_right_arithmetic3A_603, %select_n3A_611 : vector<16xi32>
    %convert_element_type3A_613 = arith.extui %ne3A_612 : vector<16xi1> to vector<16xi32>
    %cumsum3A_614 = arith.constant true
    %cumsum3A_615 = vector.broadcast %cumsum3A_614 : i1 to vector<16xi1>
    %cumsum3A_616 = tpu.scan <sum>, %convert_element_type3A_613 masked %cumsum3A_615 : vector<16xi32>, vector<16xi1> -> vector<16xi32>
    %add3A_617 = vector.broadcast %add3A_571 : i32 to vector<16xi32>
    %add3A_618 = arith.addi %add3A_617, %cumsum3A_616 : vector<16xi32>
    %sub3A_619 = arith.constant 1 : i32
    %sub3A_620 = vector.broadcast %sub3A_619 : i32 to vector<16xi32>
    %sub3A_621 = arith.subi %add3A_618, %sub3A_620 : vector<16xi32>
    tpu.vector_store_idx %arg9[%sub3A_621], %shift_right_arithmetic3A_603 masked %ne3A_612 : memref<528xi32, #tpu.memory_space<vmem>>[vector<16xi32>], vector<16xi32>, vector<16xi1>
    %add3A_622 = arith.constant 144 : i32
    %add3A_623 = vector.broadcast %add3A_622 : i32 to vector<16xi32>
    %add3A_624 = arith.addi %iota3A, %add3A_623 : vector<16xi32>
    tpu.vector_store_idx %arg10[%sub3A_621], %add3A_624 masked %ne3A_612 : memref<528xi32, #tpu.memory_space<vmem>>[vector<16xi32>], vector<16xi32>, vector<16xi1>
    %eq3A_625 = arith.constant 15 : i32
    %eq3A_626 = vector.broadcast %eq3A_625 : i32 to vector<16xi32>
    %eq3A_627 = arith.cmpi eq, %iota3A, %eq3A_626 : vector<16xi32>
    %jit3A_628 = arith.constant 0 : i32
    %broadcast_in_dim3A_629 = vector.broadcast %jit3A_628 : i32 to vector<16xi32>
    %select_n3A_630 = arith.select %eq3A_627, %sub3A_621, %broadcast_in_dim3A_629 : vector<16xi1>, vector<16xi32>
    %reduce_sum3A_631 = arith.constant true
    %reduce_sum3A_632 = vector.broadcast %reduce_sum3A_631 : i1 to vector<16xi1>
    %reduce_sum3A_633 = tpu.scan <sum>, %select_n3A_630 masked %reduce_sum3A_632 : vector<16xi32>, vector<16xi1> -> vector<16xi32>
    %reduce_sum3A_634 = vector.extract %reduce_sum3A_633[15] : i32 from vector<16xi32>
    %add3A_635 = arith.constant 1 : i32
    %add3A_636 = arith.addi %reduce_sum3A_634, %add3A_635 : i32
    %eq3A_637 = arith.constant 15 : i32
    %eq3A_638 = vector.broadcast %eq3A_637 : i32 to vector<16xi32>
    %eq3A_639 = arith.cmpi eq, %iota3A, %eq3A_638 : vector<16xi32>
    %jit3A_640 = arith.constant 0 : i32
    %broadcast_in_dim3A_641 = vector.broadcast %jit3A_640 : i32 to vector<16xi32>
    %select_n3A_642 = arith.select %eq3A_639, %shift_right_arithmetic3A_603, %broadcast_in_dim3A_641 : vector<16xi1>, vector<16xi32>
    %reduce_sum3A_643 = arith.constant true
    %reduce_sum3A_644 = vector.broadcast %reduce_sum3A_643 : i1 to vector<16xi1>
    %reduce_sum3A_645 = tpu.scan <sum>, %select_n3A_642 masked %reduce_sum3A_644 : vector<16xi32>, vector<16xi1> -> vector<16xi32>
    %reduce_sum3A_646 = vector.extract %reduce_sum3A_645[15] : i32 from vector<16xi32>
    %get3A_647 = arith.constant 160 : index
    %get3A_648 = tpu.vector_load %arg7[%get3A_647] {strides = array<i32>} : memref<512xi32, #tpu.memory_space<vmem>>, vector<16xi32>,
    %mul3A_649 = arith.constant 2 : i32
    %mul3A_650 = vector.broadcast %mul3A_649 : i32 to vector<16xi32>
    %mul3A_651 = arith.muli %get3A_648, %mul3A_650 : vector<16xi32>
    %gather3A_652 = tpu.vector_load_idx %arg6[%mul3A_651] : memref<32768xi32, #tpu.memory_space<vmem>>[vector<16xi32>], vector<16xi32>,
    %mul3A_653 = arith.constant 2 : i32
    %mul3A_654 = vector.broadcast %mul3A_653 : i32 to vector<16xi32>
    %mul3A_655 = arith.muli %get3A_648, %mul3A_654 : vector<16xi32>
    %add3A_656 = arith.constant 1 : i32
    %add3A_657 = vector.broadcast %add3A_656 : i32 to vector<16xi32>
    %add3A_658 = arith.addi %mul3A_655, %add3A_657 : vector<16xi32>
    %gather3A_659 = tpu.vector_load_idx %arg6[%add3A_658] : memref<32768xi32, #tpu.memory_space<vmem>>[vector<16xi32>], vector<16xi32>,
    %mul3A_660 = arith.constant 1000 : i32
    %mul3A_661 = vector.broadcast %mul3A_660 : i32 to vector<16xi32>
    %mul3A_662 = arith.muli %gather3A_652, %mul3A_661 : vector<16xi32>
    %add3A_663 = arith.addi %mul3A_662, %gather3A_659 : vector<16xi32>
    %swap3A_664 = arith.constant 160 : index
    %swap3A_665 = tpu.vector_load %arg8[%swap3A_664] {strides = array<i32>} : memref<512xi32, #tpu.memory_space<vmem>>, vector<16xi32>,
    tpu.vector_store %arg8[%swap3A_664], %add3A_663 {strides = array<i32>} : memref<512xi32, #tpu.memory_space<vmem>>, vector<16xi32>,
    %shift_right_arithmetic3A_666 = arith.constant 7 : i32
    %shift_right_arithmetic3A_667 = vector.broadcast %shift_right_arithmetic3A_666 : i32 to vector<16xi32>
    %shift_right_arithmetic3A_668 = arith.shrsi %add3A_663, %shift_right_arithmetic3A_667 : vector<16xi32>
    %eq3A_669 = arith.constant 0 : i32
    %eq3A_670 = vector.broadcast %eq3A_669 : i32 to vector<16xi32>
    %eq3A_671 = arith.cmpi eq, %iota3A, %eq3A_670 : vector<16xi32>
    %broadcast_in_dim3A_672 = vector.shape_cast %max3A_6 : vector<16xi32> to vector<16x1xi32>
    %gather3A_673 = vector.shape_cast %broadcast_in_dim3A_672 : vector<16x1xi32> to vector<16xi32>
    %gather3A_674 = tpu.dynamic_gather %shift_right_arithmetic3A_668[%gather3A_673] in [0] : vector<16xi32>, vector<16xi32> -> vector<16xi32>
    %broadcast_in_dim3A_675 = vector.broadcast %reduce_sum3A_646 : i32 to vector<16xi32>
    %select_n3A_676 = arith.select %eq3A_671, %broadcast_in_dim3A_675, %gather3A_674 : vector<16xi1>, vector<16xi32>
    %ne3A_677 = arith.cmpi ne, %shift_right_arithmetic3A_668, %select_n3A_676 : vector<16xi32>
    %convert_element_type3A_678 = arith.extui %ne3A_677 : vector<16xi1> to vector<16xi32>
    %cumsum3A_679 = arith.constant true
    %cumsum3A_680 = vector.broadcast %cumsum3A_679 : i1 to vector<16xi1>
    %cumsum3A_681 = tpu.scan <sum>, %convert_element_type3A_678 masked %cumsum3A_680 : vector<16xi32>, vector<16xi1> -> vector<16xi32>
    %add3A_682 = vector.broadcast %add3A_636 : i32 to vector<16xi32>
    %add3A_683 = arith.addi %add3A_682, %cumsum3A_681 : vector<16xi32>
    %sub3A_684 = arith.constant 1 : i32
    %sub3A_685 = vector.broadcast %sub3A_684 : i32 to vector<16xi32>
    %sub3A_686 = arith.subi %add3A_683, %sub3A_685 : vector<16xi32>
    tpu.vector_store_idx %arg9[%sub3A_686], %shift_right_arithmetic3A_668 masked %ne3A_677 : memref<528xi32, #tpu.memory_space<vmem>>[vector<16xi32>], vector<16xi32>, vector<16xi1>
    %add3A_687 = arith.constant 160 : i32
    %add3A_688 = vector.broadcast %add3A_687 : i32 to vector<16xi32>
    %add3A_689 = arith.addi %iota3A, %add3A_688 : vector<16xi32>
    tpu.vector_store_idx %arg10[%sub3A_686], %add3A_689 masked %ne3A_677 : memref<528xi32, #tpu.memory_space<vmem>>[vector<16xi32>], vector<16xi32>, vector<16xi1>
    %eq3A_690 = arith.constant 15 : i32
    %eq3A_691 = vector.broadcast %eq3A_690 : i32 to vector<16xi32>
    %eq3A_692 = arith.cmpi eq, %iota3A, %eq3A_691 : vector<16xi32>
    %jit3A_693 = arith.constant 0 : i32
    %broadcast_in_dim3A_694 = vector.broadcast %jit3A_693 : i32 to vector<16xi32>
    %select_n3A_695 = arith.select %eq3A_692, %sub3A_686, %broadcast_in_dim3A_694 : vector<16xi1>, vector<16xi32>
    %reduce_sum3A_696 = arith.constant true
    %reduce_sum3A_697 = vector.broadcast %reduce_sum3A_696 : i1 to vector<16xi1>
    %reduce_sum3A_698 = tpu.scan <sum>, %select_n3A_695 masked %reduce_sum3A_697 : vector<16xi32>, vector<16xi1> -> vector<16xi32>
    %reduce_sum3A_699 = vector.extract %reduce_sum3A_698[15] : i32 from vector<16xi32>
    %add3A_700 = arith.constant 1 : i32
    %add3A_701 = arith.addi %reduce_sum3A_699, %add3A_700 : i32
    %eq3A_702 = arith.constant 15 : i32
    %eq3A_703 = vector.broadcast %eq3A_702 : i32 to vector<16xi32>
    %eq3A_704 = arith.cmpi eq, %iota3A, %eq3A_703 : vector<16xi32>
    %jit3A_705 = arith.constant 0 : i32
    %broadcast_in_dim3A_706 = vector.broadcast %jit3A_705 : i32 to vector<16xi32>
    %select_n3A_707 = arith.select %eq3A_704, %shift_right_arithmetic3A_668, %broadcast_in_dim3A_706 : vector<16xi1>, vector<16xi32>
    %reduce_sum3A_708 = arith.constant true
    %reduce_sum3A_709 = vector.broadcast %reduce_sum3A_708 : i1 to vector<16xi1>
    %reduce_sum3A_710 = tpu.scan <sum>, %select_n3A_707 masked %reduce_sum3A_709 : vector<16xi32>, vector<16xi1> -> vector<16xi32>
    %reduce_sum3A_711 = vector.extract %reduce_sum3A_710[15] : i32 from vector<16xi32>
    %get3A_712 = arith.constant 176 : index
    %get3A_713 = tpu.vector_load %arg7[%get3A_712] {strides = array<i32>} : memref<512xi32, #tpu.memory_space<vmem>>, vector<16xi32>,
    %mul3A_714 = arith.constant 2 : i32
    %mul3A_715 = vector.broadcast %mul3A_714 : i32 to vector<16xi32>
    %mul3A_716 = arith.muli %get3A_713, %mul3A_715 : vector<16xi32>
    %gather3A_717 = tpu.vector_load_idx %arg6[%mul3A_716] : memref<32768xi32, #tpu.memory_space<vmem>>[vector<16xi32>], vector<16xi32>,
    %mul3A_718 = arith.constant 2 : i32
    %mul3A_719 = vector.broadcast %mul3A_718 : i32 to vector<16xi32>
    %mul3A_720 = arith.muli %get3A_713, %mul3A_719 : vector<16xi32>
    %add3A_721 = arith.constant 1 : i32
    %add3A_722 = vector.broadcast %add3A_721 : i32 to vector<16xi32>
    %add3A_723 = arith.addi %mul3A_720, %add3A_722 : vector<16xi32>
    %gather3A_724 = tpu.vector_load_idx %arg6[%add3A_723] : memref<32768xi32, #tpu.memory_space<vmem>>[vector<16xi32>], vector<16xi32>,
    %mul3A_725 = arith.constant 1000 : i32
    %mul3A_726 = vector.broadcast %mul3A_725 : i32 to vector<16xi32>
    %mul3A_727 = arith.muli %gather3A_717, %mul3A_726 : vector<16xi32>
    %add3A_728 = arith.addi %mul3A_727, %gather3A_724 : vector<16xi32>
    %swap3A_729 = arith.constant 176 : index
    %swap3A_730 = tpu.vector_load %arg8[%swap3A_729] {strides = array<i32>} : memref<512xi32, #tpu.memory_space<vmem>>, vector<16xi32>,
    tpu.vector_store %arg8[%swap3A_729], %add3A_728 {strides = array<i32>} : memref<512xi32, #tpu.memory_space<vmem>>, vector<16xi32>,
    %shift_right_arithmetic3A_731 = arith.constant 7 : i32
    %shift_right_arithmetic3A_732 = vector.broadcast %shift_right_arithmetic3A_731 : i32 to vector<16xi32>
    %shift_right_arithmetic3A_733 = arith.shrsi %add3A_728, %shift_right_arithmetic3A_732 : vector<16xi32>
    %eq3A_734 = arith.constant 0 : i32
    %eq3A_735 = vector.broadcast %eq3A_734 : i32 to vector<16xi32>
    %eq3A_736 = arith.cmpi eq, %iota3A, %eq3A_735 : vector<16xi32>
    %broadcast_in_dim3A_737 = vector.shape_cast %max3A_6 : vector<16xi32> to vector<16x1xi32>
    %gather3A_738 = vector.shape_cast %broadcast_in_dim3A_737 : vector<16x1xi32> to vector<16xi32>
    %gather3A_739 = tpu.dynamic_gather %shift_right_arithmetic3A_733[%gather3A_738] in [0] : vector<16xi32>, vector<16xi32> -> vector<16xi32>
    %broadcast_in_dim3A_740 = vector.broadcast %reduce_sum3A_711 : i32 to vector<16xi32>
    %select_n3A_741 = arith.select %eq3A_736, %broadcast_in_dim3A_740, %gather3A_739 : vector<16xi1>, vector<16xi32>
    %ne3A_742 = arith.cmpi ne, %shift_right_arithmetic3A_733, %select_n3A_741 : vector<16xi32>
    %convert_element_type3A_743 = arith.extui %ne3A_742 : vector<16xi1> to vector<16xi32>
    %cumsum3A_744 = arith.constant true
    %cumsum3A_745 = vector.broadcast %cumsum3A_744 : i1 to vector<16xi1>
    %cumsum3A_746 = tpu.scan <sum>, %convert_element_type3A_743 masked %cumsum3A_745 : vector<16xi32>, vector<16xi1> -> vector<16xi32>
    %add3A_747 = vector.broadcast %add3A_701 : i32 to vector<16xi32>
    %add3A_748 = arith.addi %add3A_747, %cumsum3A_746 : vector<16xi32>
    %sub3A_749 = arith.constant 1 : i32
    %sub3A_750 = vector.broadcast %sub3A_749 : i32 to vector<16xi32>
    %sub3A_751 = arith.subi %add3A_748, %sub3A_750 : vector<16xi32>
    tpu.vector_store_idx %arg9[%sub3A_751], %shift_right_arithmetic3A_733 masked %ne3A_742 : memref<528xi32, #tpu.memory_space<vmem>>[vector<16xi32>], vector<16xi32>, vector<16xi1>
    %add3A_752 = arith.constant 176 : i32
    %add3A_753 = vector.broadcast %add3A_752 : i32 to vector<16xi32>
    %add3A_754 = arith.addi %iota3A, %add3A_753 : vector<16xi32>
    tpu.vector_store_idx %arg10[%sub3A_751], %add3A_754 masked %ne3A_742 : memref<528xi32, #tpu.memory_space<vmem>>[vector<16xi32>], vector<16xi32>, vector<16xi1>
    %eq3A_755 = arith.constant 15 : i32
    %eq3A_756 = vector.broadcast %eq3A_755 : i32 to vector<16xi32>
    %eq3A_757 = arith.cmpi eq, %iota3A, %eq3A_756 : vector<16xi32>
    %jit3A_758 = arith.constant 0 : i32
    %broadcast_in_dim3A_759 = vector.broadcast %jit3A_758 : i32 to vector<16xi32>
    %select_n3A_760 = arith.select %eq3A_757, %sub3A_751, %broadcast_in_dim3A_759 : vector<16xi1>, vector<16xi32>
    %reduce_sum3A_761 = arith.constant true
    %reduce_sum3A_762 = vector.broadcast %reduce_sum3A_761 : i1 to vector<16xi1>
    %reduce_sum3A_763 = tpu.scan <sum>, %select_n3A_760 masked %reduce_sum3A_762 : vector<16xi32>, vector<16xi1> -> vector<16xi32>
    %reduce_sum3A_764 = vector.extract %reduce_sum3A_763[15] : i32 from vector<16xi32>
    %add3A_765 = arith.constant 1 : i32
    %add3A_766 = arith.addi %reduce_sum3A_764, %add3A_765 : i32
    %eq3A_767 = arith.constant 15 : i32
    %eq3A_768 = vector.broadcast %eq3A_767 : i32 to vector<16xi32>
    %eq3A_769 = arith.cmpi eq, %iota3A, %eq3A_768 : vector<16xi32>
    %jit3A_770 = arith.constant 0 : i32
    %broadcast_in_dim3A_771 = vector.broadcast %jit3A_770 : i32 to vector<16xi32>
    %select_n3A_772 = arith.select %eq3A_769, %shift_right_arithmetic3A_733, %broadcast_in_dim3A_771 : vector<16xi1>, vector<16xi32>
    %reduce_sum3A_773 = arith.constant true
    %reduce_sum3A_774 = vector.broadcast %reduce_sum3A_773 : i1 to vector<16xi1>
    %reduce_sum3A_775 = tpu.scan <sum>, %select_n3A_772 masked %reduce_sum3A_774 : vector<16xi32>, vector<16xi1> -> vector<16xi32>
    %reduce_sum3A_776 = vector.extract %reduce_sum3A_775[15] : i32 from vector<16xi32>
    %get3A_777 = arith.constant 192 : index
    %get3A_778 = tpu.vector_load %arg7[%get3A_777] {strides = array<i32>} : memref<512xi32, #tpu.memory_space<vmem>>, vector<16xi32>,
    %mul3A_779 = arith.constant 2 : i32
    %mul3A_780 = vector.broadcast %mul3A_779 : i32 to vector<16xi32>
    %mul3A_781 = arith.muli %get3A_778, %mul3A_780 : vector<16xi32>
    %gather3A_782 = tpu.vector_load_idx %arg6[%mul3A_781] : memref<32768xi32, #tpu.memory_space<vmem>>[vector<16xi32>], vector<16xi32>,
    %mul3A_783 = arith.constant 2 : i32
    %mul3A_784 = vector.broadcast %mul3A_783 : i32 to vector<16xi32>
    %mul3A_785 = arith.muli %get3A_778, %mul3A_784 : vector<16xi32>
    %add3A_786 = arith.constant 1 : i32
    %add3A_787 = vector.broadcast %add3A_786 : i32 to vector<16xi32>
    %add3A_788 = arith.addi %mul3A_785, %add3A_787 : vector<16xi32>
    %gather3A_789 = tpu.vector_load_idx %arg6[%add3A_788] : memref<32768xi32, #tpu.memory_space<vmem>>[vector<16xi32>], vector<16xi32>,
    %mul3A_790 = arith.constant 1000 : i32
    %mul3A_791 = vector.broadcast %mul3A_790 : i32 to vector<16xi32>
    %mul3A_792 = arith.muli %gather3A_782, %mul3A_791 : vector<16xi32>
    %add3A_793 = arith.addi %mul3A_792, %gather3A_789 : vector<16xi32>
    %swap3A_794 = arith.constant 192 : index
    %swap3A_795 = tpu.vector_load %arg8[%swap3A_794] {strides = array<i32>} : memref<512xi32, #tpu.memory_space<vmem>>, vector<16xi32>,
    tpu.vector_store %arg8[%swap3A_794], %add3A_793 {strides = array<i32>} : memref<512xi32, #tpu.memory_space<vmem>>, vector<16xi32>,
    %shift_right_arithmetic3A_796 = arith.constant 7 : i32
    %shift_right_arithmetic3A_797 = vector.broadcast %shift_right_arithmetic3A_796 : i32 to vector<16xi32>
    %shift_right_arithmetic3A_798 = arith.shrsi %add3A_793, %shift_right_arithmetic3A_797 : vector<16xi32>
    %eq3A_799 = arith.constant 0 : i32
    %eq3A_800 = vector.broadcast %eq3A_799 : i32 to vector<16xi32>
    %eq3A_801 = arith.cmpi eq, %iota3A, %eq3A_800 : vector<16xi32>
    %broadcast_in_dim3A_802 = vector.shape_cast %max3A_6 : vector<16xi32> to vector<16x1xi32>
    %gather3A_803 = vector.shape_cast %broadcast_in_dim3A_802 : vector<16x1xi32> to vector<16xi32>
    %gather3A_804 = tpu.dynamic_gather %shift_right_arithmetic3A_798[%gather3A_803] in [0] : vector<16xi32>, vector<16xi32> -> vector<16xi32>
    %broadcast_in_dim3A_805 = vector.broadcast %reduce_sum3A_776 : i32 to vector<16xi32>
    %select_n3A_806 = arith.select %eq3A_801, %broadcast_in_dim3A_805, %gather3A_804 : vector<16xi1>, vector<16xi32>
    %ne3A_807 = arith.cmpi ne, %shift_right_arithmetic3A_798, %select_n3A_806 : vector<16xi32>
    %convert_element_type3A_808 = arith.extui %ne3A_807 : vector<16xi1> to vector<16xi32>
    %cumsum3A_809 = arith.constant true
    %cumsum3A_810 = vector.broadcast %cumsum3A_809 : i1 to vector<16xi1>
    %cumsum3A_811 = tpu.scan <sum>, %convert_element_type3A_808 masked %cumsum3A_810 : vector<16xi32>, vector<16xi1> -> vector<16xi32>
    %add3A_812 = vector.broadcast %add3A_766 : i32 to vector<16xi32>
    %add3A_813 = arith.addi %add3A_812, %cumsum3A_811 : vector<16xi32>
    %sub3A_814 = arith.constant 1 : i32
    %sub3A_815 = vector.broadcast %sub3A_814 : i32 to vector<16xi32>
    %sub3A_816 = arith.subi %add3A_813, %sub3A_815 : vector<16xi32>
    tpu.vector_store_idx %arg9[%sub3A_816], %shift_right_arithmetic3A_798 masked %ne3A_807 : memref<528xi32, #tpu.memory_space<vmem>>[vector<16xi32>], vector<16xi32>, vector<16xi1>
    %add3A_817 = arith.constant 192 : i32
    %add3A_818 = vector.broadcast %add3A_817 : i32 to vector<16xi32>
    %add3A_819 = arith.addi %iota3A, %add3A_818 : vector<16xi32>
    tpu.vector_store_idx %arg10[%sub3A_816], %add3A_819 masked %ne3A_807 : memref<528xi32, #tpu.memory_space<vmem>>[vector<16xi32>], vector<16xi32>, vector<16xi1>
    %eq3A_820 = arith.constant 15 : i32
    %eq3A_821 = vector.broadcast %eq3A_820 : i32 to vector<16xi32>
    %eq3A_822 = arith.cmpi eq, %iota3A, %eq3A_821 : vector<16xi32>
    %jit3A_823 = arith.constant 0 : i32
    %broadcast_in_dim3A_824 = vector.broadcast %jit3A_823 : i32 to vector<16xi32>
    %select_n3A_825 = arith.select %eq3A_822, %sub3A_816, %broadcast_in_dim3A_824 : vector<16xi1>, vector<16xi32>
    %reduce_sum3A_826 = arith.constant true
    %reduce_sum3A_827 = vector.broadcast %reduce_sum3A_826 : i1 to vector<16xi1>
    %reduce_sum3A_828 = tpu.scan <sum>, %select_n3A_825 masked %reduce_sum3A_827 : vector<16xi32>, vector<16xi1> -> vector<16xi32>
    %reduce_sum3A_829 = vector.extract %reduce_sum3A_828[15] : i32 from vector<16xi32>
    %add3A_830 = arith.constant 1 : i32
    %add3A_831 = arith.addi %reduce_sum3A_829, %add3A_830 : i32
    %eq3A_832 = arith.constant 15 : i32
    %eq3A_833 = vector.broadcast %eq3A_832 : i32 to vector<16xi32>
    %eq3A_834 = arith.cmpi eq, %iota3A, %eq3A_833 : vector<16xi32>
    %jit3A_835 = arith.constant 0 : i32
    %broadcast_in_dim3A_836 = vector.broadcast %jit3A_835 : i32 to vector<16xi32>
    %select_n3A_837 = arith.select %eq3A_834, %shift_right_arithmetic3A_798, %broadcast_in_dim3A_836 : vector<16xi1>, vector<16xi32>
    %reduce_sum3A_838 = arith.constant true
    %reduce_sum3A_839 = vector.broadcast %reduce_sum3A_838 : i1 to vector<16xi1>
    %reduce_sum3A_840 = tpu.scan <sum>, %select_n3A_837 masked %reduce_sum3A_839 : vector<16xi32>, vector<16xi1> -> vector<16xi32>
    %reduce_sum3A_841 = vector.extract %reduce_sum3A_840[15] : i32 from vector<16xi32>
    %get3A_842 = arith.constant 208 : index
    %get3A_843 = tpu.vector_load %arg7[%get3A_842] {strides = array<i32>} : memref<512xi32, #tpu.memory_space<vmem>>, vector<16xi32>,
    %mul3A_844 = arith.constant 2 : i32
    %mul3A_845 = vector.broadcast %mul3A_844 : i32 to vector<16xi32>
    %mul3A_846 = arith.muli %get3A_843, %mul3A_845 : vector<16xi32>
    %gather3A_847 = tpu.vector_load_idx %arg6[%mul3A_846] : memref<32768xi32, #tpu.memory_space<vmem>>[vector<16xi32>], vector<16xi32>,
    %mul3A_848 = arith.constant 2 : i32
    %mul3A_849 = vector.broadcast %mul3A_848 : i32 to vector<16xi32>
    %mul3A_850 = arith.muli %get3A_843, %mul3A_849 : vector<16xi32>
    %add3A_851 = arith.constant 1 : i32
    %add3A_852 = vector.broadcast %add3A_851 : i32 to vector<16xi32>
    %add3A_853 = arith.addi %mul3A_850, %add3A_852 : vector<16xi32>
    %gather3A_854 = tpu.vector_load_idx %arg6[%add3A_853] : memref<32768xi32, #tpu.memory_space<vmem>>[vector<16xi32>], vector<16xi32>,
    %mul3A_855 = arith.constant 1000 : i32
    %mul3A_856 = vector.broadcast %mul3A_855 : i32 to vector<16xi32>
    %mul3A_857 = arith.muli %gather3A_847, %mul3A_856 : vector<16xi32>
    %add3A_858 = arith.addi %mul3A_857, %gather3A_854 : vector<16xi32>
    %swap3A_859 = arith.constant 208 : index
    %swap3A_860 = tpu.vector_load %arg8[%swap3A_859] {strides = array<i32>} : memref<512xi32, #tpu.memory_space<vmem>>, vector<16xi32>,
    tpu.vector_store %arg8[%swap3A_859], %add3A_858 {strides = array<i32>} : memref<512xi32, #tpu.memory_space<vmem>>, vector<16xi32>,
    %shift_right_arithmetic3A_861 = arith.constant 7 : i32
    %shift_right_arithmetic3A_862 = vector.broadcast %shift_right_arithmetic3A_861 : i32 to vector<16xi32>
    %shift_right_arithmetic3A_863 = arith.shrsi %add3A_858, %shift_right_arithmetic3A_862 : vector<16xi32>
    %eq3A_864 = arith.constant 0 : i32
    %eq3A_865 = vector.broadcast %eq3A_864 : i32 to vector<16xi32>
    %eq3A_866 = arith.cmpi eq, %iota3A, %eq3A_865 : vector<16xi32>
    %broadcast_in_dim3A_867 = vector.shape_cast %max3A_6 : vector<16xi32> to vector<16x1xi32>
    %gather3A_868 = vector.shape_cast %broadcast_in_dim3A_867 : vector<16x1xi32> to vector<16xi32>
    %gather3A_869 = tpu.dynamic_gather %shift_right_arithmetic3A_863[%gather3A_868] in [0] : vector<16xi32>, vector<16xi32> -> vector<16xi32>
    %broadcast_in_dim3A_870 = vector.broadcast %reduce_sum3A_841 : i32 to vector<16xi32>
    %select_n3A_871 = arith.select %eq3A_866, %broadcast_in_dim3A_870, %gather3A_869 : vector<16xi1>, vector<16xi32>
    %ne3A_872 = arith.cmpi ne, %shift_right_arithmetic3A_863, %select_n3A_871 : vector<16xi32>
    %convert_element_type3A_873 = arith.extui %ne3A_872 : vector<16xi1> to vector<16xi32>
    %cumsum3A_874 = arith.constant true
    %cumsum3A_875 = vector.broadcast %cumsum3A_874 : i1 to vector<16xi1>
    %cumsum3A_876 = tpu.scan <sum>, %convert_element_type3A_873 masked %cumsum3A_875 : vector<16xi32>, vector<16xi1> -> vector<16xi32>
    %add3A_877 = vector.broadcast %add3A_831 : i32 to vector<16xi32>
    %add3A_878 = arith.addi %add3A_877, %cumsum3A_876 : vector<16xi32>
    %sub3A_879 = arith.constant 1 : i32
    %sub3A_880 = vector.broadcast %sub3A_879 : i32 to vector<16xi32>
    %sub3A_881 = arith.subi %add3A_878, %sub3A_880 : vector<16xi32>
    tpu.vector_store_idx %arg9[%sub3A_881], %shift_right_arithmetic3A_863 masked %ne3A_872 : memref<528xi32, #tpu.memory_space<vmem>>[vector<16xi32>], vector<16xi32>, vector<16xi1>
    %add3A_882 = arith.constant 208 : i32
    %add3A_883 = vector.broadcast %add3A_882 : i32 to vector<16xi32>
    %add3A_884 = arith.addi %iota3A, %add3A_883 : vector<16xi32>
    tpu.vector_store_idx %arg10[%sub3A_881], %add3A_884 masked %ne3A_872 : memref<528xi32, #tpu.memory_space<vmem>>[vector<16xi32>], vector<16xi32>, vector<16xi1>
    %eq3A_885 = arith.constant 15 : i32
    %eq3A_886 = vector.broadcast %eq3A_885 : i32 to vector<16xi32>
    %eq3A_887 = arith.cmpi eq, %iota3A, %eq3A_886 : vector<16xi32>
    %jit3A_888 = arith.constant 0 : i32
    %broadcast_in_dim3A_889 = vector.broadcast %jit3A_888 : i32 to vector<16xi32>
    %select_n3A_890 = arith.select %eq3A_887, %sub3A_881, %broadcast_in_dim3A_889 : vector<16xi1>, vector<16xi32>
    %reduce_sum3A_891 = arith.constant true
    %reduce_sum3A_892 = vector.broadcast %reduce_sum3A_891 : i1 to vector<16xi1>
    %reduce_sum3A_893 = tpu.scan <sum>, %select_n3A_890 masked %reduce_sum3A_892 : vector<16xi32>, vector<16xi1> -> vector<16xi32>
    %reduce_sum3A_894 = vector.extract %reduce_sum3A_893[15] : i32 from vector<16xi32>
    %add3A_895 = arith.constant 1 : i32
    %add3A_896 = arith.addi %reduce_sum3A_894, %add3A_895 : i32
    %eq3A_897 = arith.constant 15 : i32
    %eq3A_898 = vector.broadcast %eq3A_897 : i32 to vector<16xi32>
    %eq3A_899 = arith.cmpi eq, %iota3A, %eq3A_898 : vector<16xi32>
    %jit3A_900 = arith.constant 0 : i32
    %broadcast_in_dim3A_901 = vector.broadcast %jit3A_900 : i32 to vector<16xi32>
    %select_n3A_902 = arith.select %eq3A_899, %shift_right_arithmetic3A_863, %broadcast_in_dim3A_901 : vector<16xi1>, vector<16xi32>
    %reduce_sum3A_903 = arith.constant true
    %reduce_sum3A_904 = vector.broadcast %reduce_sum3A_903 : i1 to vector<16xi1>
    %reduce_sum3A_905 = tpu.scan <sum>, %select_n3A_902 masked %reduce_sum3A_904 : vector<16xi32>, vector<16xi1> -> vector<16xi32>
    %reduce_sum3A_906 = vector.extract %reduce_sum3A_905[15] : i32 from vector<16xi32>
    %get3A_907 = arith.constant 224 : index
    %get3A_908 = tpu.vector_load %arg7[%get3A_907] {strides = array<i32>} : memref<512xi32, #tpu.memory_space<vmem>>, vector<16xi32>,
    %mul3A_909 = arith.constant 2 : i32
    %mul3A_910 = vector.broadcast %mul3A_909 : i32 to vector<16xi32>
    %mul3A_911 = arith.muli %get3A_908, %mul3A_910 : vector<16xi32>
    %gather3A_912 = tpu.vector_load_idx %arg6[%mul3A_911] : memref<32768xi32, #tpu.memory_space<vmem>>[vector<16xi32>], vector<16xi32>,
    %mul3A_913 = arith.constant 2 : i32
    %mul3A_914 = vector.broadcast %mul3A_913 : i32 to vector<16xi32>
    %mul3A_915 = arith.muli %get3A_908, %mul3A_914 : vector<16xi32>
    %add3A_916 = arith.constant 1 : i32
    %add3A_917 = vector.broadcast %add3A_916 : i32 to vector<16xi32>
    %add3A_918 = arith.addi %mul3A_915, %add3A_917 : vector<16xi32>
    %gather3A_919 = tpu.vector_load_idx %arg6[%add3A_918] : memref<32768xi32, #tpu.memory_space<vmem>>[vector<16xi32>], vector<16xi32>,
    %mul3A_920 = arith.constant 1000 : i32
    %mul3A_921 = vector.broadcast %mul3A_920 : i32 to vector<16xi32>
    %mul3A_922 = arith.muli %gather3A_912, %mul3A_921 : vector<16xi32>
    %add3A_923 = arith.addi %mul3A_922, %gather3A_919 : vector<16xi32>
    %swap3A_924 = arith.constant 224 : index
    %swap3A_925 = tpu.vector_load %arg8[%swap3A_924] {strides = array<i32>} : memref<512xi32, #tpu.memory_space<vmem>>, vector<16xi32>,
    tpu.vector_store %arg8[%swap3A_924], %add3A_923 {strides = array<i32>} : memref<512xi32, #tpu.memory_space<vmem>>, vector<16xi32>,
    %shift_right_arithmetic3A_926 = arith.constant 7 : i32
    %shift_right_arithmetic3A_927 = vector.broadcast %shift_right_arithmetic3A_926 : i32 to vector<16xi32>
    %shift_right_arithmetic3A_928 = arith.shrsi %add3A_923, %shift_right_arithmetic3A_927 : vector<16xi32>
    %eq3A_929 = arith.constant 0 : i32
    %eq3A_930 = vector.broadcast %eq3A_929 : i32 to vector<16xi32>
    %eq3A_931 = arith.cmpi eq, %iota3A, %eq3A_930 : vector<16xi32>
    %broadcast_in_dim3A_932 = vector.shape_cast %max3A_6 : vector<16xi32> to vector<16x1xi32>
    %gather3A_933 = vector.shape_cast %broadcast_in_dim3A_932 : vector<16x1xi32> to vector<16xi32>
    %gather3A_934 = tpu.dynamic_gather %shift_right_arithmetic3A_928[%gather3A_933] in [0] : vector<16xi32>, vector<16xi32> -> vector<16xi32>
    %broadcast_in_dim3A_935 = vector.broadcast %reduce_sum3A_906 : i32 to vector<16xi32>
    %select_n3A_936 = arith.select %eq3A_931, %broadcast_in_dim3A_935, %gather3A_934 : vector<16xi1>, vector<16xi32>
    %ne3A_937 = arith.cmpi ne, %shift_right_arithmetic3A_928, %select_n3A_936 : vector<16xi32>
    %convert_element_type3A_938 = arith.extui %ne3A_937 : vector<16xi1> to vector<16xi32>
    %cumsum3A_939 = arith.constant true
    %cumsum3A_940 = vector.broadcast %cumsum3A_939 : i1 to vector<16xi1>
    %cumsum3A_941 = tpu.scan <sum>, %convert_element_type3A_938 masked %cumsum3A_940 : vector<16xi32>, vector<16xi1> -> vector<16xi32>
    %add3A_942 = vector.broadcast %add3A_896 : i32 to vector<16xi32>
    %add3A_943 = arith.addi %add3A_942, %cumsum3A_941 : vector<16xi32>
    %sub3A_944 = arith.constant 1 : i32
    %sub3A_945 = vector.broadcast %sub3A_944 : i32 to vector<16xi32>
    %sub3A_946 = arith.subi %add3A_943, %sub3A_945 : vector<16xi32>
    tpu.vector_store_idx %arg9[%sub3A_946], %shift_right_arithmetic3A_928 masked %ne3A_937 : memref<528xi32, #tpu.memory_space<vmem>>[vector<16xi32>], vector<16xi32>, vector<16xi1>
    %add3A_947 = arith.constant 224 : i32
    %add3A_948 = vector.broadcast %add3A_947 : i32 to vector<16xi32>
    %add3A_949 = arith.addi %iota3A, %add3A_948 : vector<16xi32>
    tpu.vector_store_idx %arg10[%sub3A_946], %add3A_949 masked %ne3A_937 : memref<528xi32, #tpu.memory_space<vmem>>[vector<16xi32>], vector<16xi32>, vector<16xi1>
    %eq3A_950 = arith.constant 15 : i32
    %eq3A_951 = vector.broadcast %eq3A_950 : i32 to vector<16xi32>
    %eq3A_952 = arith.cmpi eq, %iota3A, %eq3A_951 : vector<16xi32>
    %jit3A_953 = arith.constant 0 : i32
    %broadcast_in_dim3A_954 = vector.broadcast %jit3A_953 : i32 to vector<16xi32>
    %select_n3A_955 = arith.select %eq3A_952, %sub3A_946, %broadcast_in_dim3A_954 : vector<16xi1>, vector<16xi32>
    %reduce_sum3A_956 = arith.constant true
    %reduce_sum3A_957 = vector.broadcast %reduce_sum3A_956 : i1 to vector<16xi1>
    %reduce_sum3A_958 = tpu.scan <sum>, %select_n3A_955 masked %reduce_sum3A_957 : vector<16xi32>, vector<16xi1> -> vector<16xi32>
    %reduce_sum3A_959 = vector.extract %reduce_sum3A_958[15] : i32 from vector<16xi32>
    %add3A_960 = arith.constant 1 : i32
    %add3A_961 = arith.addi %reduce_sum3A_959, %add3A_960 : i32
    %eq3A_962 = arith.constant 15 : i32
    %eq3A_963 = vector.broadcast %eq3A_962 : i32 to vector<16xi32>
    %eq3A_964 = arith.cmpi eq, %iota3A, %eq3A_963 : vector<16xi32>
    %jit3A_965 = arith.constant 0 : i32
    %broadcast_in_dim3A_966 = vector.broadcast %jit3A_965 : i32 to vector<16xi32>
    %select_n3A_967 = arith.select %eq3A_964, %shift_right_arithmetic3A_928, %broadcast_in_dim3A_966 : vector<16xi1>, vector<16xi32>
    %reduce_sum3A_968 = arith.constant true
    %reduce_sum3A_969 = vector.broadcast %reduce_sum3A_968 : i1 to vector<16xi1>
    %reduce_sum3A_970 = tpu.scan <sum>, %select_n3A_967 masked %reduce_sum3A_969 : vector<16xi32>, vector<16xi1> -> vector<16xi32>
    %reduce_sum3A_971 = vector.extract %reduce_sum3A_970[15] : i32 from vector<16xi32>
    %get3A_972 = arith.constant 240 : index
    %get3A_973 = tpu.vector_load %arg7[%get3A_972] {strides = array<i32>} : memref<512xi32, #tpu.memory_space<vmem>>, vector<16xi32>,
    %mul3A_974 = arith.constant 2 : i32
    %mul3A_975 = vector.broadcast %mul3A_974 : i32 to vector<16xi32>
    %mul3A_976 = arith.muli %get3A_973, %mul3A_975 : vector<16xi32>
    %gather3A_977 = tpu.vector_load_idx %arg6[%mul3A_976] : memref<32768xi32, #tpu.memory_space<vmem>>[vector<16xi32>], vector<16xi32>,
    %mul3A_978 = arith.constant 2 : i32
    %mul3A_979 = vector.broadcast %mul3A_978 : i32 to vector<16xi32>
    %mul3A_980 = arith.muli %get3A_973, %mul3A_979 : vector<16xi32>
    %add3A_981 = arith.constant 1 : i32
    %add3A_982 = vector.broadcast %add3A_981 : i32 to vector<16xi32>
    %add3A_983 = arith.addi %mul3A_980, %add3A_982 : vector<16xi32>
    %gather3A_984 = tpu.vector_load_idx %arg6[%add3A_983] : memref<32768xi32, #tpu.memory_space<vmem>>[vector<16xi32>], vector<16xi32>,
    %mul3A_985 = arith.constant 1000 : i32
    %mul3A_986 = vector.broadcast %mul3A_985 : i32 to vector<16xi32>
    %mul3A_987 = arith.muli %gather3A_977, %mul3A_986 : vector<16xi32>
    %add3A_988 = arith.addi %mul3A_987, %gather3A_984 : vector<16xi32>
    %swap3A_989 = arith.constant 240 : index
    %swap3A_990 = tpu.vector_load %arg8[%swap3A_989] {strides = array<i32>} : memref<512xi32, #tpu.memory_space<vmem>>, vector<16xi32>,
    tpu.vector_store %arg8[%swap3A_989], %add3A_988 {strides = array<i32>} : memref<512xi32, #tpu.memory_space<vmem>>, vector<16xi32>,
    %shift_right_arithmetic3A_991 = arith.constant 7 : i32
    %shift_right_arithmetic3A_992 = vector.broadcast %shift_right_arithmetic3A_991 : i32 to vector<16xi32>
    %shift_right_arithmetic3A_993 = arith.shrsi %add3A_988, %shift_right_arithmetic3A_992 : vector<16xi32>
    %eq3A_994 = arith.constant 0 : i32
    %eq3A_995 = vector.broadcast %eq3A_994 : i32 to vector<16xi32>
    %eq3A_996 = arith.cmpi eq, %iota3A, %eq3A_995 : vector<16xi32>
    %broadcast_in_dim3A_997 = vector.shape_cast %max3A_6 : vector<16xi32> to vector<16x1xi32>
    %gather3A_998 = vector.shape_cast %broadcast_in_dim3A_997 : vector<16x1xi32> to vector<16xi32>
    %gather3A_999 = tpu.dynamic_gather %shift_right_arithmetic3A_993[%gather3A_998] in [0] : vector<16xi32>, vector<16xi32> -> vector<16xi32>
    %broadcast_in_dim3A_1000 = vector.broadcast %reduce_sum3A_971 : i32 to vector<16xi32>
    %select_n3A_1001 = arith.select %eq3A_996, %broadcast_in_dim3A_1000, %gather3A_999 : vector<16xi1>, vector<16xi32>
    %ne3A_1002 = arith.cmpi ne, %shift_right_arithmetic3A_993, %select_n3A_1001 : vector<16xi32>
    %convert_element_type3A_1003 = arith.extui %ne3A_1002 : vector<16xi1> to vector<16xi32>
    %cumsum3A_1004 = arith.constant true
    %cumsum3A_1005 = vector.broadcast %cumsum3A_1004 : i1 to vector<16xi1>
    %cumsum3A_1006 = tpu.scan <sum>, %convert_element_type3A_1003 masked %cumsum3A_1005 : vector<16xi32>, vector<16xi1> -> vector<16xi32>
    %add3A_1007 = vector.broadcast %add3A_961 : i32 to vector<16xi32>
    %add3A_1008 = arith.addi %add3A_1007, %cumsum3A_1006 : vector<16xi32>
    %sub3A_1009 = arith.constant 1 : i32
    %sub3A_1010 = vector.broadcast %sub3A_1009 : i32 to vector<16xi32>
    %sub3A_1011 = arith.subi %add3A_1008, %sub3A_1010 : vector<16xi32>
    tpu.vector_store_idx %arg9[%sub3A_1011], %shift_right_arithmetic3A_993 masked %ne3A_1002 : memref<528xi32, #tpu.memory_space<vmem>>[vector<16xi32>], vector<16xi32>, vector<16xi1>
    %add3A_1012 = arith.constant 240 : i32
    %add3A_1013 = vector.broadcast %add3A_1012 : i32 to vector<16xi32>
    %add3A_1014 = arith.addi %iota3A, %add3A_1013 : vector<16xi32>
    tpu.vector_store_idx %arg10[%sub3A_1011], %add3A_1014 masked %ne3A_1002 : memref<528xi32, #tpu.memory_space<vmem>>[vector<16xi32>], vector<16xi32>, vector<16xi1>
    %eq3A_1015 = arith.constant 15 : i32
    %eq3A_1016 = vector.broadcast %eq3A_1015 : i32 to vector<16xi32>
    %eq3A_1017 = arith.cmpi eq, %iota3A, %eq3A_1016 : vector<16xi32>
    %jit3A_1018 = arith.constant 0 : i32
    %broadcast_in_dim3A_1019 = vector.broadcast %jit3A_1018 : i32 to vector<16xi32>
    %select_n3A_1020 = arith.select %eq3A_1017, %sub3A_1011, %broadcast_in_dim3A_1019 : vector<16xi1>, vector<16xi32>
    %reduce_sum3A_1021 = arith.constant true
    %reduce_sum3A_1022 = vector.broadcast %reduce_sum3A_1021 : i1 to vector<16xi1>
    %reduce_sum3A_1023 = tpu.scan <sum>, %select_n3A_1020 masked %reduce_sum3A_1022 : vector<16xi32>, vector<16xi1> -> vector<16xi32>
    %reduce_sum3A_1024 = vector.extract %reduce_sum3A_1023[15] : i32 from vector<16xi32>
    %add3A_1025 = arith.constant 1 : i32
    %add3A_1026 = arith.addi %reduce_sum3A_1024, %add3A_1025 : i32
    %eq3A_1027 = arith.constant 15 : i32
    %eq3A_1028 = vector.broadcast %eq3A_1027 : i32 to vector<16xi32>
    %eq3A_1029 = arith.cmpi eq, %iota3A, %eq3A_1028 : vector<16xi32>
    %jit3A_1030 = arith.constant 0 : i32
    %broadcast_in_dim3A_1031 = vector.broadcast %jit3A_1030 : i32 to vector<16xi32>
    %select_n3A_1032 = arith.select %eq3A_1029, %shift_right_arithmetic3A_993, %broadcast_in_dim3A_1031 : vector<16xi1>, vector<16xi32>
    %reduce_sum3A_1033 = arith.constant true
    %reduce_sum3A_1034 = vector.broadcast %reduce_sum3A_1033 : i1 to vector<16xi1>
    %reduce_sum3A_1035 = tpu.scan <sum>, %select_n3A_1032 masked %reduce_sum3A_1034 : vector<16xi32>, vector<16xi1> -> vector<16xi32>
    %reduce_sum3A_1036 = vector.extract %reduce_sum3A_1035[15] : i32 from vector<16xi32>
    %get3A_1037 = arith.constant 256 : index
    %get3A_1038 = tpu.vector_load %arg7[%get3A_1037] {strides = array<i32>} : memref<512xi32, #tpu.memory_space<vmem>>, vector<16xi32>,
    %mul3A_1039 = arith.constant 2 : i32
    %mul3A_1040 = vector.broadcast %mul3A_1039 : i32 to vector<16xi32>
    %mul3A_1041 = arith.muli %get3A_1038, %mul3A_1040 : vector<16xi32>
    %gather3A_1042 = tpu.vector_load_idx %arg6[%mul3A_1041] : memref<32768xi32, #tpu.memory_space<vmem>>[vector<16xi32>], vector<16xi32>,
    %mul3A_1043 = arith.constant 2 : i32
    %mul3A_1044 = vector.broadcast %mul3A_1043 : i32 to vector<16xi32>
    %mul3A_1045 = arith.muli %get3A_1038, %mul3A_1044 : vector<16xi32>
    %add3A_1046 = arith.constant 1 : i32
    %add3A_1047 = vector.broadcast %add3A_1046 : i32 to vector<16xi32>
    %add3A_1048 = arith.addi %mul3A_1045, %add3A_1047 : vector<16xi32>
    %gather3A_1049 = tpu.vector_load_idx %arg6[%add3A_1048] : memref<32768xi32, #tpu.memory_space<vmem>>[vector<16xi32>], vector<16xi32>,
    %mul3A_1050 = arith.constant 1000 : i32
    %mul3A_1051 = vector.broadcast %mul3A_1050 : i32 to vector<16xi32>
    %mul3A_1052 = arith.muli %gather3A_1042, %mul3A_1051 : vector<16xi32>
    %add3A_1053 = arith.addi %mul3A_1052, %gather3A_1049 : vector<16xi32>
    %swap3A_1054 = arith.constant 256 : index
    %swap3A_1055 = tpu.vector_load %arg8[%swap3A_1054] {strides = array<i32>} : memref<512xi32, #tpu.memory_space<vmem>>, vector<16xi32>,
    tpu.vector_store %arg8[%swap3A_1054], %add3A_1053 {strides = array<i32>} : memref<512xi32, #tpu.memory_space<vmem>>, vector<16xi32>,
    %shift_right_arithmetic3A_1056 = arith.constant 7 : i32
    %shift_right_arithmetic3A_1057 = vector.broadcast %shift_right_arithmetic3A_1056 : i32 to vector<16xi32>
    %shift_right_arithmetic3A_1058 = arith.shrsi %add3A_1053, %shift_right_arithmetic3A_1057 : vector<16xi32>
    %eq3A_1059 = arith.constant 0 : i32
    %eq3A_1060 = vector.broadcast %eq3A_1059 : i32 to vector<16xi32>
    %eq3A_1061 = arith.cmpi eq, %iota3A, %eq3A_1060 : vector<16xi32>
    %broadcast_in_dim3A_1062 = vector.shape_cast %max3A_6 : vector<16xi32> to vector<16x1xi32>
    %gather3A_1063 = vector.shape_cast %broadcast_in_dim3A_1062 : vector<16x1xi32> to vector<16xi32>
    %gather3A_1064 = tpu.dynamic_gather %shift_right_arithmetic3A_1058[%gather3A_1063] in [0] : vector<16xi32>, vector<16xi32> -> vector<16xi32>
    %broadcast_in_dim3A_1065 = vector.broadcast %reduce_sum3A_1036 : i32 to vector<16xi32>
    %select_n3A_1066 = arith.select %eq3A_1061, %broadcast_in_dim3A_1065, %gather3A_1064 : vector<16xi1>, vector<16xi32>
    %ne3A_1067 = arith.cmpi ne, %shift_right_arithmetic3A_1058, %select_n3A_1066 : vector<16xi32>
    %convert_element_type3A_1068 = arith.extui %ne3A_1067 : vector<16xi1> to vector<16xi32>
    %cumsum3A_1069 = arith.constant true
    %cumsum3A_1070 = vector.broadcast %cumsum3A_1069 : i1 to vector<16xi1>
    %cumsum3A_1071 = tpu.scan <sum>, %convert_element_type3A_1068 masked %cumsum3A_1070 : vector<16xi32>, vector<16xi1> -> vector<16xi32>
    %add3A_1072 = vector.broadcast %add3A_1026 : i32 to vector<16xi32>
    %add3A_1073 = arith.addi %add3A_1072, %cumsum3A_1071 : vector<16xi32>
    %sub3A_1074 = arith.constant 1 : i32
    %sub3A_1075 = vector.broadcast %sub3A_1074 : i32 to vector<16xi32>
    %sub3A_1076 = arith.subi %add3A_1073, %sub3A_1075 : vector<16xi32>
    tpu.vector_store_idx %arg9[%sub3A_1076], %shift_right_arithmetic3A_1058 masked %ne3A_1067 : memref<528xi32, #tpu.memory_space<vmem>>[vector<16xi32>], vector<16xi32>, vector<16xi1>
    %add3A_1077 = arith.constant 256 : i32
    %add3A_1078 = vector.broadcast %add3A_1077 : i32 to vector<16xi32>
    %add3A_1079 = arith.addi %iota3A, %add3A_1078 : vector<16xi32>
    tpu.vector_store_idx %arg10[%sub3A_1076], %add3A_1079 masked %ne3A_1067 : memref<528xi32, #tpu.memory_space<vmem>>[vector<16xi32>], vector<16xi32>, vector<16xi1>
    %eq3A_1080 = arith.constant 15 : i32
    %eq3A_1081 = vector.broadcast %eq3A_1080 : i32 to vector<16xi32>
    %eq3A_1082 = arith.cmpi eq, %iota3A, %eq3A_1081 : vector<16xi32>
    %jit3A_1083 = arith.constant 0 : i32
    %broadcast_in_dim3A_1084 = vector.broadcast %jit3A_1083 : i32 to vector<16xi32>
    %select_n3A_1085 = arith.select %eq3A_1082, %sub3A_1076, %broadcast_in_dim3A_1084 : vector<16xi1>, vector<16xi32>
    %reduce_sum3A_1086 = arith.constant true
    %reduce_sum3A_1087 = vector.broadcast %reduce_sum3A_1086 : i1 to vector<16xi1>
    %reduce_sum3A_1088 = tpu.scan <sum>, %select_n3A_1085 masked %reduce_sum3A_1087 : vector<16xi32>, vector<16xi1> -> vector<16xi32>
    %reduce_sum3A_1089 = vector.extract %reduce_sum3A_1088[15] : i32 from vector<16xi32>
    %add3A_1090 = arith.constant 1 : i32
    %add3A_1091 = arith.addi %reduce_sum3A_1089, %add3A_1090 : i32
    %eq3A_1092 = arith.constant 15 : i32
    %eq3A_1093 = vector.broadcast %eq3A_1092 : i32 to vector<16xi32>
    %eq3A_1094 = arith.cmpi eq, %iota3A, %eq3A_1093 : vector<16xi32>
    %jit3A_1095 = arith.constant 0 : i32
    %broadcast_in_dim3A_1096 = vector.broadcast %jit3A_1095 : i32 to vector<16xi32>
    %select_n3A_1097 = arith.select %eq3A_1094, %shift_right_arithmetic3A_1058, %broadcast_in_dim3A_1096 : vector<16xi1>, vector<16xi32>
    %reduce_sum3A_1098 = arith.constant true
    %reduce_sum3A_1099 = vector.broadcast %reduce_sum3A_1098 : i1 to vector<16xi1>
    %reduce_sum3A_1100 = tpu.scan <sum>, %select_n3A_1097 masked %reduce_sum3A_1099 : vector<16xi32>, vector<16xi1> -> vector<16xi32>
    %reduce_sum3A_1101 = vector.extract %reduce_sum3A_1100[15] : i32 from vector<16xi32>
    %get3A_1102 = arith.constant 272 : index
    %get3A_1103 = tpu.vector_load %arg7[%get3A_1102] {strides = array<i32>} : memref<512xi32, #tpu.memory_space<vmem>>, vector<16xi32>,
    %mul3A_1104 = arith.constant 2 : i32
    %mul3A_1105 = vector.broadcast %mul3A_1104 : i32 to vector<16xi32>
    %mul3A_1106 = arith.muli %get3A_1103, %mul3A_1105 : vector<16xi32>
    %gather3A_1107 = tpu.vector_load_idx %arg6[%mul3A_1106] : memref<32768xi32, #tpu.memory_space<vmem>>[vector<16xi32>], vector<16xi32>,
    %mul3A_1108 = arith.constant 2 : i32
    %mul3A_1109 = vector.broadcast %mul3A_1108 : i32 to vector<16xi32>
    %mul3A_1110 = arith.muli %get3A_1103, %mul3A_1109 : vector<16xi32>
    %add3A_1111 = arith.constant 1 : i32
    %add3A_1112 = vector.broadcast %add3A_1111 : i32 to vector<16xi32>
    %add3A_1113 = arith.addi %mul3A_1110, %add3A_1112 : vector<16xi32>
    %gather3A_1114 = tpu.vector_load_idx %arg6[%add3A_1113] : memref<32768xi32, #tpu.memory_space<vmem>>[vector<16xi32>], vector<16xi32>,
    %mul3A_1115 = arith.constant 1000 : i32
    %mul3A_1116 = vector.broadcast %mul3A_1115 : i32 to vector<16xi32>
    %mul3A_1117 = arith.muli %gather3A_1107, %mul3A_1116 : vector<16xi32>
    %add3A_1118 = arith.addi %mul3A_1117, %gather3A_1114 : vector<16xi32>
    %swap3A_1119 = arith.constant 272 : index
    %swap3A_1120 = tpu.vector_load %arg8[%swap3A_1119] {strides = array<i32>} : memref<512xi32, #tpu.memory_space<vmem>>, vector<16xi32>,
    tpu.vector_store %arg8[%swap3A_1119], %add3A_1118 {strides = array<i32>} : memref<512xi32, #tpu.memory_space<vmem>>, vector<16xi32>,
    %shift_right_arithmetic3A_1121 = arith.constant 7 : i32
    %shift_right_arithmetic3A_1122 = vector.broadcast %shift_right_arithmetic3A_1121 : i32 to vector<16xi32>
    %shift_right_arithmetic3A_1123 = arith.shrsi %add3A_1118, %shift_right_arithmetic3A_1122 : vector<16xi32>
    %eq3A_1124 = arith.constant 0 : i32
    %eq3A_1125 = vector.broadcast %eq3A_1124 : i32 to vector<16xi32>
    %eq3A_1126 = arith.cmpi eq, %iota3A, %eq3A_1125 : vector<16xi32>
    %broadcast_in_dim3A_1127 = vector.shape_cast %max3A_6 : vector<16xi32> to vector<16x1xi32>
    %gather3A_1128 = vector.shape_cast %broadcast_in_dim3A_1127 : vector<16x1xi32> to vector<16xi32>
    %gather3A_1129 = tpu.dynamic_gather %shift_right_arithmetic3A_1123[%gather3A_1128] in [0] : vector<16xi32>, vector<16xi32> -> vector<16xi32>
    %broadcast_in_dim3A_1130 = vector.broadcast %reduce_sum3A_1101 : i32 to vector<16xi32>
    %select_n3A_1131 = arith.select %eq3A_1126, %broadcast_in_dim3A_1130, %gather3A_1129 : vector<16xi1>, vector<16xi32>
    %ne3A_1132 = arith.cmpi ne, %shift_right_arithmetic3A_1123, %select_n3A_1131 : vector<16xi32>
    %convert_element_type3A_1133 = arith.extui %ne3A_1132 : vector<16xi1> to vector<16xi32>
    %cumsum3A_1134 = arith.constant true
    %cumsum3A_1135 = vector.broadcast %cumsum3A_1134 : i1 to vector<16xi1>
    %cumsum3A_1136 = tpu.scan <sum>, %convert_element_type3A_1133 masked %cumsum3A_1135 : vector<16xi32>, vector<16xi1> -> vector<16xi32>
    %add3A_1137 = vector.broadcast %add3A_1091 : i32 to vector<16xi32>
    %add3A_1138 = arith.addi %add3A_1137, %cumsum3A_1136 : vector<16xi32>
    %sub3A_1139 = arith.constant 1 : i32
    %sub3A_1140 = vector.broadcast %sub3A_1139 : i32 to vector<16xi32>
    %sub3A_1141 = arith.subi %add3A_1138, %sub3A_1140 : vector<16xi32>
    tpu.vector_store_idx %arg9[%sub3A_1141], %shift_right_arithmetic3A_1123 masked %ne3A_1132 : memref<528xi32, #tpu.memory_space<vmem>>[vector<16xi32>], vector<16xi32>, vector<16xi1>
    %add3A_1142 = arith.constant 272 : i32
    %add3A_1143 = vector.broadcast %add3A_1142 : i32 to vector<16xi32>
    %add3A_1144 = arith.addi %iota3A, %add3A_1143 : vector<16xi32>
    tpu.vector_store_idx %arg10[%sub3A_1141], %add3A_1144 masked %ne3A_1132 : memref<528xi32, #tpu.memory_space<vmem>>[vector<16xi32>], vector<16xi32>, vector<16xi1>
    %eq3A_1145 = arith.constant 15 : i32
    %eq3A_1146 = vector.broadcast %eq3A_1145 : i32 to vector<16xi32>
    %eq3A_1147 = arith.cmpi eq, %iota3A, %eq3A_1146 : vector<16xi32>
    %jit3A_1148 = arith.constant 0 : i32
    %broadcast_in_dim3A_1149 = vector.broadcast %jit3A_1148 : i32 to vector<16xi32>
    %select_n3A_1150 = arith.select %eq3A_1147, %sub3A_1141, %broadcast_in_dim3A_1149 : vector<16xi1>, vector<16xi32>
    %reduce_sum3A_1151 = arith.constant true
    %reduce_sum3A_1152 = vector.broadcast %reduce_sum3A_1151 : i1 to vector<16xi1>
    %reduce_sum3A_1153 = tpu.scan <sum>, %select_n3A_1150 masked %reduce_sum3A_1152 : vector<16xi32>, vector<16xi1> -> vector<16xi32>
    %reduce_sum3A_1154 = vector.extract %reduce_sum3A_1153[15] : i32 from vector<16xi32>
    %add3A_1155 = arith.constant 1 : i32
    %add3A_1156 = arith.addi %reduce_sum3A_1154, %add3A_1155 : i32
    %eq3A_1157 = arith.constant 15 : i32
    %eq3A_1158 = vector.broadcast %eq3A_1157 : i32 to vector<16xi32>
    %eq3A_1159 = arith.cmpi eq, %iota3A, %eq3A_1158 : vector<16xi32>
    %jit3A_1160 = arith.constant 0 : i32
    %broadcast_in_dim3A_1161 = vector.broadcast %jit3A_1160 : i32 to vector<16xi32>
    %select_n3A_1162 = arith.select %eq3A_1159, %shift_right_arithmetic3A_1123, %broadcast_in_dim3A_1161 : vector<16xi1>, vector<16xi32>
    %reduce_sum3A_1163 = arith.constant true
    %reduce_sum3A_1164 = vector.broadcast %reduce_sum3A_1163 : i1 to vector<16xi1>
    %reduce_sum3A_1165 = tpu.scan <sum>, %select_n3A_1162 masked %reduce_sum3A_1164 : vector<16xi32>, vector<16xi1> -> vector<16xi32>
    %reduce_sum3A_1166 = vector.extract %reduce_sum3A_1165[15] : i32 from vector<16xi32>
    %get3A_1167 = arith.constant 288 : index
    %get3A_1168 = tpu.vector_load %arg7[%get3A_1167] {strides = array<i32>} : memref<512xi32, #tpu.memory_space<vmem>>, vector<16xi32>,
    %mul3A_1169 = arith.constant 2 : i32
    %mul3A_1170 = vector.broadcast %mul3A_1169 : i32 to vector<16xi32>
    %mul3A_1171 = arith.muli %get3A_1168, %mul3A_1170 : vector<16xi32>
    %gather3A_1172 = tpu.vector_load_idx %arg6[%mul3A_1171] : memref<32768xi32, #tpu.memory_space<vmem>>[vector<16xi32>], vector<16xi32>,
    %mul3A_1173 = arith.constant 2 : i32
    %mul3A_1174 = vector.broadcast %mul3A_1173 : i32 to vector<16xi32>
    %mul3A_1175 = arith.muli %get3A_1168, %mul3A_1174 : vector<16xi32>
    %add3A_1176 = arith.constant 1 : i32
    %add3A_1177 = vector.broadcast %add3A_1176 : i32 to vector<16xi32>
    %add3A_1178 = arith.addi %mul3A_1175, %add3A_1177 : vector<16xi32>
    %gather3A_1179 = tpu.vector_load_idx %arg6[%add3A_1178] : memref<32768xi32, #tpu.memory_space<vmem>>[vector<16xi32>], vector<16xi32>,
    %mul3A_1180 = arith.constant 1000 : i32
    %mul3A_1181 = vector.broadcast %mul3A_1180 : i32 to vector<16xi32>
    %mul3A_1182 = arith.muli %gather3A_1172, %mul3A_1181 : vector<16xi32>
    %add3A_1183 = arith.addi %mul3A_1182, %gather3A_1179 : vector<16xi32>
    %swap3A_1184 = arith.constant 288 : index
    %swap3A_1185 = tpu.vector_load %arg8[%swap3A_1184] {strides = array<i32>} : memref<512xi32, #tpu.memory_space<vmem>>, vector<16xi32>,
    tpu.vector_store %arg8[%swap3A_1184], %add3A_1183 {strides = array<i32>} : memref<512xi32, #tpu.memory_space<vmem>>, vector<16xi32>,
    %shift_right_arithmetic3A_1186 = arith.constant 7 : i32
    %shift_right_arithmetic3A_1187 = vector.broadcast %shift_right_arithmetic3A_1186 : i32 to vector<16xi32>
    %shift_right_arithmetic3A_1188 = arith.shrsi %add3A_1183, %shift_right_arithmetic3A_1187 : vector<16xi32>
    %eq3A_1189 = arith.constant 0 : i32
    %eq3A_1190 = vector.broadcast %eq3A_1189 : i32 to vector<16xi32>
    %eq3A_1191 = arith.cmpi eq, %iota3A, %eq3A_1190 : vector<16xi32>
    %broadcast_in_dim3A_1192 = vector.shape_cast %max3A_6 : vector<16xi32> to vector<16x1xi32>
    %gather3A_1193 = vector.shape_cast %broadcast_in_dim3A_1192 : vector<16x1xi32> to vector<16xi32>
    %gather3A_1194 = tpu.dynamic_gather %shift_right_arithmetic3A_1188[%gather3A_1193] in [0] : vector<16xi32>, vector<16xi32> -> vector<16xi32>
    %broadcast_in_dim3A_1195 = vector.broadcast %reduce_sum3A_1166 : i32 to vector<16xi32>
    %select_n3A_1196 = arith.select %eq3A_1191, %broadcast_in_dim3A_1195, %gather3A_1194 : vector<16xi1>, vector<16xi32>
    %ne3A_1197 = arith.cmpi ne, %shift_right_arithmetic3A_1188, %select_n3A_1196 : vector<16xi32>
    %convert_element_type3A_1198 = arith.extui %ne3A_1197 : vector<16xi1> to vector<16xi32>
    %cumsum3A_1199 = arith.constant true
    %cumsum3A_1200 = vector.broadcast %cumsum3A_1199 : i1 to vector<16xi1>
    %cumsum3A_1201 = tpu.scan <sum>, %convert_element_type3A_1198 masked %cumsum3A_1200 : vector<16xi32>, vector<16xi1> -> vector<16xi32>
    %add3A_1202 = vector.broadcast %add3A_1156 : i32 to vector<16xi32>
    %add3A_1203 = arith.addi %add3A_1202, %cumsum3A_1201 : vector<16xi32>
    %sub3A_1204 = arith.constant 1 : i32
    %sub3A_1205 = vector.broadcast %sub3A_1204 : i32 to vector<16xi32>
    %sub3A_1206 = arith.subi %add3A_1203, %sub3A_1205 : vector<16xi32>
    tpu.vector_store_idx %arg9[%sub3A_1206], %shift_right_arithmetic3A_1188 masked %ne3A_1197 : memref<528xi32, #tpu.memory_space<vmem>>[vector<16xi32>], vector<16xi32>, vector<16xi1>
    %add3A_1207 = arith.constant 288 : i32
    %add3A_1208 = vector.broadcast %add3A_1207 : i32 to vector<16xi32>
    %add3A_1209 = arith.addi %iota3A, %add3A_1208 : vector<16xi32>
    tpu.vector_store_idx %arg10[%sub3A_1206], %add3A_1209 masked %ne3A_1197 : memref<528xi32, #tpu.memory_space<vmem>>[vector<16xi32>], vector<16xi32>, vector<16xi1>
    %eq3A_1210 = arith.constant 15 : i32
    %eq3A_1211 = vector.broadcast %eq3A_1210 : i32 to vector<16xi32>
    %eq3A_1212 = arith.cmpi eq, %iota3A, %eq3A_1211 : vector<16xi32>
    %jit3A_1213 = arith.constant 0 : i32
    %broadcast_in_dim3A_1214 = vector.broadcast %jit3A_1213 : i32 to vector<16xi32>
    %select_n3A_1215 = arith.select %eq3A_1212, %sub3A_1206, %broadcast_in_dim3A_1214 : vector<16xi1>, vector<16xi32>
    %reduce_sum3A_1216 = arith.constant true
    %reduce_sum3A_1217 = vector.broadcast %reduce_sum3A_1216 : i1 to vector<16xi1>
    %reduce_sum3A_1218 = tpu.scan <sum>, %select_n3A_1215 masked %reduce_sum3A_1217 : vector<16xi32>, vector<16xi1> -> vector<16xi32>
    %reduce_sum3A_1219 = vector.extract %reduce_sum3A_1218[15] : i32 from vector<16xi32>
    %add3A_1220 = arith.constant 1 : i32
    %add3A_1221 = arith.addi %reduce_sum3A_1219, %add3A_1220 : i32
    %eq3A_1222 = arith.constant 15 : i32
    %eq3A_1223 = vector.broadcast %eq3A_1222 : i32 to vector<16xi32>
    %eq3A_1224 = arith.cmpi eq, %iota3A, %eq3A_1223 : vector<16xi32>
    %jit3A_1225 = arith.constant 0 : i32
    %broadcast_in_dim3A_1226 = vector.broadcast %jit3A_1225 : i32 to vector<16xi32>
    %select_n3A_1227 = arith.select %eq3A_1224, %shift_right_arithmetic3A_1188, %broadcast_in_dim3A_1226 : vector<16xi1>, vector<16xi32>
    %reduce_sum3A_1228 = arith.constant true
    %reduce_sum3A_1229 = vector.broadcast %reduce_sum3A_1228 : i1 to vector<16xi1>
    %reduce_sum3A_1230 = tpu.scan <sum>, %select_n3A_1227 masked %reduce_sum3A_1229 : vector<16xi32>, vector<16xi1> -> vector<16xi32>
    %reduce_sum3A_1231 = vector.extract %reduce_sum3A_1230[15] : i32 from vector<16xi32>
    %get3A_1232 = arith.constant 304 : index
    %get3A_1233 = tpu.vector_load %arg7[%get3A_1232] {strides = array<i32>} : memref<512xi32, #tpu.memory_space<vmem>>, vector<16xi32>,
    %mul3A_1234 = arith.constant 2 : i32
    %mul3A_1235 = vector.broadcast %mul3A_1234 : i32 to vector<16xi32>
    %mul3A_1236 = arith.muli %get3A_1233, %mul3A_1235 : vector<16xi32>
    %gather3A_1237 = tpu.vector_load_idx %arg6[%mul3A_1236] : memref<32768xi32, #tpu.memory_space<vmem>>[vector<16xi32>], vector<16xi32>,
    %mul3A_1238 = arith.constant 2 : i32
    %mul3A_1239 = vector.broadcast %mul3A_1238 : i32 to vector<16xi32>
    %mul3A_1240 = arith.muli %get3A_1233, %mul3A_1239 : vector<16xi32>
    %add3A_1241 = arith.constant 1 : i32
    %add3A_1242 = vector.broadcast %add3A_1241 : i32 to vector<16xi32>
    %add3A_1243 = arith.addi %mul3A_1240, %add3A_1242 : vector<16xi32>
    %gather3A_1244 = tpu.vector_load_idx %arg6[%add3A_1243] : memref<32768xi32, #tpu.memory_space<vmem>>[vector<16xi32>], vector<16xi32>,
    %mul3A_1245 = arith.constant 1000 : i32
    %mul3A_1246 = vector.broadcast %mul3A_1245 : i32 to vector<16xi32>
    %mul3A_1247 = arith.muli %gather3A_1237, %mul3A_1246 : vector<16xi32>
    %add3A_1248 = arith.addi %mul3A_1247, %gather3A_1244 : vector<16xi32>
    %swap3A_1249 = arith.constant 304 : index
    %swap3A_1250 = tpu.vector_load %arg8[%swap3A_1249] {strides = array<i32>} : memref<512xi32, #tpu.memory_space<vmem>>, vector<16xi32>,
    tpu.vector_store %arg8[%swap3A_1249], %add3A_1248 {strides = array<i32>} : memref<512xi32, #tpu.memory_space<vmem>>, vector<16xi32>,
    %shift_right_arithmetic3A_1251 = arith.constant 7 : i32
    %shift_right_arithmetic3A_1252 = vector.broadcast %shift_right_arithmetic3A_1251 : i32 to vector<16xi32>
    %shift_right_arithmetic3A_1253 = arith.shrsi %add3A_1248, %shift_right_arithmetic3A_1252 : vector<16xi32>
    %eq3A_1254 = arith.constant 0 : i32
    %eq3A_1255 = vector.broadcast %eq3A_1254 : i32 to vector<16xi32>
    %eq3A_1256 = arith.cmpi eq, %iota3A, %eq3A_1255 : vector<16xi32>
    %broadcast_in_dim3A_1257 = vector.shape_cast %max3A_6 : vector<16xi32> to vector<16x1xi32>
    %gather3A_1258 = vector.shape_cast %broadcast_in_dim3A_1257 : vector<16x1xi32> to vector<16xi32>
    %gather3A_1259 = tpu.dynamic_gather %shift_right_arithmetic3A_1253[%gather3A_1258] in [0] : vector<16xi32>, vector<16xi32> -> vector<16xi32>
    %broadcast_in_dim3A_1260 = vector.broadcast %reduce_sum3A_1231 : i32 to vector<16xi32>
    %select_n3A_1261 = arith.select %eq3A_1256, %broadcast_in_dim3A_1260, %gather3A_1259 : vector<16xi1>, vector<16xi32>
    %ne3A_1262 = arith.cmpi ne, %shift_right_arithmetic3A_1253, %select_n3A_1261 : vector<16xi32>
    %convert_element_type3A_1263 = arith.extui %ne3A_1262 : vector<16xi1> to vector<16xi32>
    %cumsum3A_1264 = arith.constant true
    %cumsum3A_1265 = vector.broadcast %cumsum3A_1264 : i1 to vector<16xi1>
    %cumsum3A_1266 = tpu.scan <sum>, %convert_element_type3A_1263 masked %cumsum3A_1265 : vector<16xi32>, vector<16xi1> -> vector<16xi32>
    %add3A_1267 = vector.broadcast %add3A_1221 : i32 to vector<16xi32>
    %add3A_1268 = arith.addi %add3A_1267, %cumsum3A_1266 : vector<16xi32>
    %sub3A_1269 = arith.constant 1 : i32
    %sub3A_1270 = vector.broadcast %sub3A_1269 : i32 to vector<16xi32>
    %sub3A_1271 = arith.subi %add3A_1268, %sub3A_1270 : vector<16xi32>
    tpu.vector_store_idx %arg9[%sub3A_1271], %shift_right_arithmetic3A_1253 masked %ne3A_1262 : memref<528xi32, #tpu.memory_space<vmem>>[vector<16xi32>], vector<16xi32>, vector<16xi1>
    %add3A_1272 = arith.constant 304 : i32
    %add3A_1273 = vector.broadcast %add3A_1272 : i32 to vector<16xi32>
    %add3A_1274 = arith.addi %iota3A, %add3A_1273 : vector<16xi32>
    tpu.vector_store_idx %arg10[%sub3A_1271], %add3A_1274 masked %ne3A_1262 : memref<528xi32, #tpu.memory_space<vmem>>[vector<16xi32>], vector<16xi32>, vector<16xi1>
    %eq3A_1275 = arith.constant 15 : i32
    %eq3A_1276 = vector.broadcast %eq3A_1275 : i32 to vector<16xi32>
    %eq3A_1277 = arith.cmpi eq, %iota3A, %eq3A_1276 : vector<16xi32>
    %jit3A_1278 = arith.constant 0 : i32
    %broadcast_in_dim3A_1279 = vector.broadcast %jit3A_1278 : i32 to vector<16xi32>
    %select_n3A_1280 = arith.select %eq3A_1277, %sub3A_1271, %broadcast_in_dim3A_1279 : vector<16xi1>, vector<16xi32>
    %reduce_sum3A_1281 = arith.constant true
    %reduce_sum3A_1282 = vector.broadcast %reduce_sum3A_1281 : i1 to vector<16xi1>
    %reduce_sum3A_1283 = tpu.scan <sum>, %select_n3A_1280 masked %reduce_sum3A_1282 : vector<16xi32>, vector<16xi1> -> vector<16xi32>
    %reduce_sum3A_1284 = vector.extract %reduce_sum3A_1283[15] : i32 from vector<16xi32>
    %add3A_1285 = arith.constant 1 : i32
    %add3A_1286 = arith.addi %reduce_sum3A_1284, %add3A_1285 : i32
    %eq3A_1287 = arith.constant 15 : i32
    %eq3A_1288 = vector.broadcast %eq3A_1287 : i32 to vector<16xi32>
    %eq3A_1289 = arith.cmpi eq, %iota3A, %eq3A_1288 : vector<16xi32>
    %jit3A_1290 = arith.constant 0 : i32
    %broadcast_in_dim3A_1291 = vector.broadcast %jit3A_1290 : i32 to vector<16xi32>
    %select_n3A_1292 = arith.select %eq3A_1289, %shift_right_arithmetic3A_1253, %broadcast_in_dim3A_1291 : vector<16xi1>, vector<16xi32>
    %reduce_sum3A_1293 = arith.constant true
    %reduce_sum3A_1294 = vector.broadcast %reduce_sum3A_1293 : i1 to vector<16xi1>
    %reduce_sum3A_1295 = tpu.scan <sum>, %select_n3A_1292 masked %reduce_sum3A_1294 : vector<16xi32>, vector<16xi1> -> vector<16xi32>
    %reduce_sum3A_1296 = vector.extract %reduce_sum3A_1295[15] : i32 from vector<16xi32>
    %get3A_1297 = arith.constant 320 : index
    %get3A_1298 = tpu.vector_load %arg7[%get3A_1297] {strides = array<i32>} : memref<512xi32, #tpu.memory_space<vmem>>, vector<16xi32>,
    %mul3A_1299 = arith.constant 2 : i32
    %mul3A_1300 = vector.broadcast %mul3A_1299 : i32 to vector<16xi32>
    %mul3A_1301 = arith.muli %get3A_1298, %mul3A_1300 : vector<16xi32>
    %gather3A_1302 = tpu.vector_load_idx %arg6[%mul3A_1301] : memref<32768xi32, #tpu.memory_space<vmem>>[vector<16xi32>], vector<16xi32>,
    %mul3A_1303 = arith.constant 2 : i32
    %mul3A_1304 = vector.broadcast %mul3A_1303 : i32 to vector<16xi32>
    %mul3A_1305 = arith.muli %get3A_1298, %mul3A_1304 : vector<16xi32>
    %add3A_1306 = arith.constant 1 : i32
    %add3A_1307 = vector.broadcast %add3A_1306 : i32 to vector<16xi32>
    %add3A_1308 = arith.addi %mul3A_1305, %add3A_1307 : vector<16xi32>
    %gather3A_1309 = tpu.vector_load_idx %arg6[%add3A_1308] : memref<32768xi32, #tpu.memory_space<vmem>>[vector<16xi32>], vector<16xi32>,
    %mul3A_1310 = arith.constant 1000 : i32
    %mul3A_1311 = vector.broadcast %mul3A_1310 : i32 to vector<16xi32>
    %mul3A_1312 = arith.muli %gather3A_1302, %mul3A_1311 : vector<16xi32>
    %add3A_1313 = arith.addi %mul3A_1312, %gather3A_1309 : vector<16xi32>
    %swap3A_1314 = arith.constant 320 : index
    %swap3A_1315 = tpu.vector_load %arg8[%swap3A_1314] {strides = array<i32>} : memref<512xi32, #tpu.memory_space<vmem>>, vector<16xi32>,
    tpu.vector_store %arg8[%swap3A_1314], %add3A_1313 {strides = array<i32>} : memref<512xi32, #tpu.memory_space<vmem>>, vector<16xi32>,
    %shift_right_arithmetic3A_1316 = arith.constant 7 : i32
    %shift_right_arithmetic3A_1317 = vector.broadcast %shift_right_arithmetic3A_1316 : i32 to vector<16xi32>
    %shift_right_arithmetic3A_1318 = arith.shrsi %add3A_1313, %shift_right_arithmetic3A_1317 : vector<16xi32>
    %eq3A_1319 = arith.constant 0 : i32
    %eq3A_1320 = vector.broadcast %eq3A_1319 : i32 to vector<16xi32>
    %eq3A_1321 = arith.cmpi eq, %iota3A, %eq3A_1320 : vector<16xi32>
    %broadcast_in_dim3A_1322 = vector.shape_cast %max3A_6 : vector<16xi32> to vector<16x1xi32>
    %gather3A_1323 = vector.shape_cast %broadcast_in_dim3A_1322 : vector<16x1xi32> to vector<16xi32>
    %gather3A_1324 = tpu.dynamic_gather %shift_right_arithmetic3A_1318[%gather3A_1323] in [0] : vector<16xi32>, vector<16xi32> -> vector<16xi32>
    %broadcast_in_dim3A_1325 = vector.broadcast %reduce_sum3A_1296 : i32 to vector<16xi32>
    %select_n3A_1326 = arith.select %eq3A_1321, %broadcast_in_dim3A_1325, %gather3A_1324 : vector<16xi1>, vector<16xi32>
    %ne3A_1327 = arith.cmpi ne, %shift_right_arithmetic3A_1318, %select_n3A_1326 : vector<16xi32>
    %convert_element_type3A_1328 = arith.extui %ne3A_1327 : vector<16xi1> to vector<16xi32>
    %cumsum3A_1329 = arith.constant true
    %cumsum3A_1330 = vector.broadcast %cumsum3A_1329 : i1 to vector<16xi1>
    %cumsum3A_1331 = tpu.scan <sum>, %convert_element_type3A_1328 masked %cumsum3A_1330 : vector<16xi32>, vector<16xi1> -> vector<16xi32>
    %add3A_1332 = vector.broadcast %add3A_1286 : i32 to vector<16xi32>
    %add3A_1333 = arith.addi %add3A_1332, %cumsum3A_1331 : vector<16xi32>
    %sub3A_1334 = arith.constant 1 : i32
    %sub3A_1335 = vector.broadcast %sub3A_1334 : i32 to vector<16xi32>
    %sub3A_1336 = arith.subi %add3A_1333, %sub3A_1335 : vector<16xi32>
    tpu.vector_store_idx %arg9[%sub3A_1336], %shift_right_arithmetic3A_1318 masked %ne3A_1327 : memref<528xi32, #tpu.memory_space<vmem>>[vector<16xi32>], vector<16xi32>, vector<16xi1>
    %add3A_1337 = arith.constant 320 : i32
    %add3A_1338 = vector.broadcast %add3A_1337 : i32 to vector<16xi32>
    %add3A_1339 = arith.addi %iota3A, %add3A_1338 : vector<16xi32>
    tpu.vector_store_idx %arg10[%sub3A_1336], %add3A_1339 masked %ne3A_1327 : memref<528xi32, #tpu.memory_space<vmem>>[vector<16xi32>], vector<16xi32>, vector<16xi1>
    %eq3A_1340 = arith.constant 15 : i32
    %eq3A_1341 = vector.broadcast %eq3A_1340 : i32 to vector<16xi32>
    %eq3A_1342 = arith.cmpi eq, %iota3A, %eq3A_1341 : vector<16xi32>
    %jit3A_1343 = arith.constant 0 : i32
    %broadcast_in_dim3A_1344 = vector.broadcast %jit3A_1343 : i32 to vector<16xi32>
    %select_n3A_1345 = arith.select %eq3A_1342, %sub3A_1336, %broadcast_in_dim3A_1344 : vector<16xi1>, vector<16xi32>
    %reduce_sum3A_1346 = arith.constant true
    %reduce_sum3A_1347 = vector.broadcast %reduce_sum3A_1346 : i1 to vector<16xi1>
    %reduce_sum3A_1348 = tpu.scan <sum>, %select_n3A_1345 masked %reduce_sum3A_1347 : vector<16xi32>, vector<16xi1> -> vector<16xi32>
    %reduce_sum3A_1349 = vector.extract %reduce_sum3A_1348[15] : i32 from vector<16xi32>
    %add3A_1350 = arith.constant 1 : i32
    %add3A_1351 = arith.addi %reduce_sum3A_1349, %add3A_1350 : i32
    %eq3A_1352 = arith.constant 15 : i32
    %eq3A_1353 = vector.broadcast %eq3A_1352 : i32 to vector<16xi32>
    %eq3A_1354 = arith.cmpi eq, %iota3A, %eq3A_1353 : vector<16xi32>
    %jit3A_1355 = arith.constant 0 : i32
    %broadcast_in_dim3A_1356 = vector.broadcast %jit3A_1355 : i32 to vector<16xi32>
    %select_n3A_1357 = arith.select %eq3A_1354, %shift_right_arithmetic3A_1318, %broadcast_in_dim3A_1356 : vector<16xi1>, vector<16xi32>
    %reduce_sum3A_1358 = arith.constant true
    %reduce_sum3A_1359 = vector.broadcast %reduce_sum3A_1358 : i1 to vector<16xi1>
    %reduce_sum3A_1360 = tpu.scan <sum>, %select_n3A_1357 masked %reduce_sum3A_1359 : vector<16xi32>, vector<16xi1> -> vector<16xi32>
    %reduce_sum3A_1361 = vector.extract %reduce_sum3A_1360[15] : i32 from vector<16xi32>
    %get3A_1362 = arith.constant 336 : index
    %get3A_1363 = tpu.vector_load %arg7[%get3A_1362] {strides = array<i32>} : memref<512xi32, #tpu.memory_space<vmem>>, vector<16xi32>,
    %mul3A_1364 = arith.constant 2 : i32
    %mul3A_1365 = vector.broadcast %mul3A_1364 : i32 to vector<16xi32>
    %mul3A_1366 = arith.muli %get3A_1363, %mul3A_1365 : vector<16xi32>
    %gather3A_1367 = tpu.vector_load_idx %arg6[%mul3A_1366] : memref<32768xi32, #tpu.memory_space<vmem>>[vector<16xi32>], vector<16xi32>,
    %mul3A_1368 = arith.constant 2 : i32
    %mul3A_1369 = vector.broadcast %mul3A_1368 : i32 to vector<16xi32>
    %mul3A_1370 = arith.muli %get3A_1363, %mul3A_1369 : vector<16xi32>
    %add3A_1371 = arith.constant 1 : i32
    %add3A_1372 = vector.broadcast %add3A_1371 : i32 to vector<16xi32>
    %add3A_1373 = arith.addi %mul3A_1370, %add3A_1372 : vector<16xi32>
    %gather3A_1374 = tpu.vector_load_idx %arg6[%add3A_1373] : memref<32768xi32, #tpu.memory_space<vmem>>[vector<16xi32>], vector<16xi32>,
    %mul3A_1375 = arith.constant 1000 : i32
    %mul3A_1376 = vector.broadcast %mul3A_1375 : i32 to vector<16xi32>
    %mul3A_1377 = arith.muli %gather3A_1367, %mul3A_1376 : vector<16xi32>
    %add3A_1378 = arith.addi %mul3A_1377, %gather3A_1374 : vector<16xi32>
    %swap3A_1379 = arith.constant 336 : index
    %swap3A_1380 = tpu.vector_load %arg8[%swap3A_1379] {strides = array<i32>} : memref<512xi32, #tpu.memory_space<vmem>>, vector<16xi32>,
    tpu.vector_store %arg8[%swap3A_1379], %add3A_1378 {strides = array<i32>} : memref<512xi32, #tpu.memory_space<vmem>>, vector<16xi32>,
    %shift_right_arithmetic3A_1381 = arith.constant 7 : i32
    %shift_right_arithmetic3A_1382 = vector.broadcast %shift_right_arithmetic3A_1381 : i32 to vector<16xi32>
    %shift_right_arithmetic3A_1383 = arith.shrsi %add3A_1378, %shift_right_arithmetic3A_1382 : vector<16xi32>
    %eq3A_1384 = arith.constant 0 : i32
    %eq3A_1385 = vector.broadcast %eq3A_1384 : i32 to vector<16xi32>
    %eq3A_1386 = arith.cmpi eq, %iota3A, %eq3A_1385 : vector<16xi32>
    %broadcast_in_dim3A_1387 = vector.shape_cast %max3A_6 : vector<16xi32> to vector<16x1xi32>
    %gather3A_1388 = vector.shape_cast %broadcast_in_dim3A_1387 : vector<16x1xi32> to vector<16xi32>
    %gather3A_1389 = tpu.dynamic_gather %shift_right_arithmetic3A_1383[%gather3A_1388] in [0] : vector<16xi32>, vector<16xi32> -> vector<16xi32>
    %broadcast_in_dim3A_1390 = vector.broadcast %reduce_sum3A_1361 : i32 to vector<16xi32>
    %select_n3A_1391 = arith.select %eq3A_1386, %broadcast_in_dim3A_1390, %gather3A_1389 : vector<16xi1>, vector<16xi32>
    %ne3A_1392 = arith.cmpi ne, %shift_right_arithmetic3A_1383, %select_n3A_1391 : vector<16xi32>
    %convert_element_type3A_1393 = arith.extui %ne3A_1392 : vector<16xi1> to vector<16xi32>
    %cumsum3A_1394 = arith.constant true
    %cumsum3A_1395 = vector.broadcast %cumsum3A_1394 : i1 to vector<16xi1>
    %cumsum3A_1396 = tpu.scan <sum>, %convert_element_type3A_1393 masked %cumsum3A_1395 : vector<16xi32>, vector<16xi1> -> vector<16xi32>
    %add3A_1397 = vector.broadcast %add3A_1351 : i32 to vector<16xi32>
    %add3A_1398 = arith.addi %add3A_1397, %cumsum3A_1396 : vector<16xi32>
    %sub3A_1399 = arith.constant 1 : i32
    %sub3A_1400 = vector.broadcast %sub3A_1399 : i32 to vector<16xi32>
    %sub3A_1401 = arith.subi %add3A_1398, %sub3A_1400 : vector<16xi32>
    tpu.vector_store_idx %arg9[%sub3A_1401], %shift_right_arithmetic3A_1383 masked %ne3A_1392 : memref<528xi32, #tpu.memory_space<vmem>>[vector<16xi32>], vector<16xi32>, vector<16xi1>
    %add3A_1402 = arith.constant 336 : i32
    %add3A_1403 = vector.broadcast %add3A_1402 : i32 to vector<16xi32>
    %add3A_1404 = arith.addi %iota3A, %add3A_1403 : vector<16xi32>
    tpu.vector_store_idx %arg10[%sub3A_1401], %add3A_1404 masked %ne3A_1392 : memref<528xi32, #tpu.memory_space<vmem>>[vector<16xi32>], vector<16xi32>, vector<16xi1>
    %eq3A_1405 = arith.constant 15 : i32
    %eq3A_1406 = vector.broadcast %eq3A_1405 : i32 to vector<16xi32>
    %eq3A_1407 = arith.cmpi eq, %iota3A, %eq3A_1406 : vector<16xi32>
    %jit3A_1408 = arith.constant 0 : i32
    %broadcast_in_dim3A_1409 = vector.broadcast %jit3A_1408 : i32 to vector<16xi32>
    %select_n3A_1410 = arith.select %eq3A_1407, %sub3A_1401, %broadcast_in_dim3A_1409 : vector<16xi1>, vector<16xi32>
    %reduce_sum3A_1411 = arith.constant true
    %reduce_sum3A_1412 = vector.broadcast %reduce_sum3A_1411 : i1 to vector<16xi1>
    %reduce_sum3A_1413 = tpu.scan <sum>, %select_n3A_1410 masked %reduce_sum3A_1412 : vector<16xi32>, vector<16xi1> -> vector<16xi32>
    %reduce_sum3A_1414 = vector.extract %reduce_sum3A_1413[15] : i32 from vector<16xi32>
    %add3A_1415 = arith.constant 1 : i32
    %add3A_1416 = arith.addi %reduce_sum3A_1414, %add3A_1415 : i32
    %eq3A_1417 = arith.constant 15 : i32
    %eq3A_1418 = vector.broadcast %eq3A_1417 : i32 to vector<16xi32>
    %eq3A_1419 = arith.cmpi eq, %iota3A, %eq3A_1418 : vector<16xi32>
    %jit3A_1420 = arith.constant 0 : i32
    %broadcast_in_dim3A_1421 = vector.broadcast %jit3A_1420 : i32 to vector<16xi32>
    %select_n3A_1422 = arith.select %eq3A_1419, %shift_right_arithmetic3A_1383, %broadcast_in_dim3A_1421 : vector<16xi1>, vector<16xi32>
    %reduce_sum3A_1423 = arith.constant true
    %reduce_sum3A_1424 = vector.broadcast %reduce_sum3A_1423 : i1 to vector<16xi1>
    %reduce_sum3A_1425 = tpu.scan <sum>, %select_n3A_1422 masked %reduce_sum3A_1424 : vector<16xi32>, vector<16xi1> -> vector<16xi32>
    %reduce_sum3A_1426 = vector.extract %reduce_sum3A_1425[15] : i32 from vector<16xi32>
    %get3A_1427 = arith.constant 352 : index
    %get3A_1428 = tpu.vector_load %arg7[%get3A_1427] {strides = array<i32>} : memref<512xi32, #tpu.memory_space<vmem>>, vector<16xi32>,
    %mul3A_1429 = arith.constant 2 : i32
    %mul3A_1430 = vector.broadcast %mul3A_1429 : i32 to vector<16xi32>
    %mul3A_1431 = arith.muli %get3A_1428, %mul3A_1430 : vector<16xi32>
    %gather3A_1432 = tpu.vector_load_idx %arg6[%mul3A_1431] : memref<32768xi32, #tpu.memory_space<vmem>>[vector<16xi32>], vector<16xi32>,
    %mul3A_1433 = arith.constant 2 : i32
    %mul3A_1434 = vector.broadcast %mul3A_1433 : i32 to vector<16xi32>
    %mul3A_1435 = arith.muli %get3A_1428, %mul3A_1434 : vector<16xi32>
    %add3A_1436 = arith.constant 1 : i32
    %add3A_1437 = vector.broadcast %add3A_1436 : i32 to vector<16xi32>
    %add3A_1438 = arith.addi %mul3A_1435, %add3A_1437 : vector<16xi32>
    %gather3A_1439 = tpu.vector_load_idx %arg6[%add3A_1438] : memref<32768xi32, #tpu.memory_space<vmem>>[vector<16xi32>], vector<16xi32>,
    %mul3A_1440 = arith.constant 1000 : i32
    %mul3A_1441 = vector.broadcast %mul3A_1440 : i32 to vector<16xi32>
    %mul3A_1442 = arith.muli %gather3A_1432, %mul3A_1441 : vector<16xi32>
    %add3A_1443 = arith.addi %mul3A_1442, %gather3A_1439 : vector<16xi32>
    %swap3A_1444 = arith.constant 352 : index
    %swap3A_1445 = tpu.vector_load %arg8[%swap3A_1444] {strides = array<i32>} : memref<512xi32, #tpu.memory_space<vmem>>, vector<16xi32>,
    tpu.vector_store %arg8[%swap3A_1444], %add3A_1443 {strides = array<i32>} : memref<512xi32, #tpu.memory_space<vmem>>, vector<16xi32>,
    %shift_right_arithmetic3A_1446 = arith.constant 7 : i32
    %shift_right_arithmetic3A_1447 = vector.broadcast %shift_right_arithmetic3A_1446 : i32 to vector<16xi32>
    %shift_right_arithmetic3A_1448 = arith.shrsi %add3A_1443, %shift_right_arithmetic3A_1447 : vector<16xi32>
    %eq3A_1449 = arith.constant 0 : i32
    %eq3A_1450 = vector.broadcast %eq3A_1449 : i32 to vector<16xi32>
    %eq3A_1451 = arith.cmpi eq, %iota3A, %eq3A_1450 : vector<16xi32>
    %broadcast_in_dim3A_1452 = vector.shape_cast %max3A_6 : vector<16xi32> to vector<16x1xi32>
    %gather3A_1453 = vector.shape_cast %broadcast_in_dim3A_1452 : vector<16x1xi32> to vector<16xi32>
    %gather3A_1454 = tpu.dynamic_gather %shift_right_arithmetic3A_1448[%gather3A_1453] in [0] : vector<16xi32>, vector<16xi32> -> vector<16xi32>
    %broadcast_in_dim3A_1455 = vector.broadcast %reduce_sum3A_1426 : i32 to vector<16xi32>
    %select_n3A_1456 = arith.select %eq3A_1451, %broadcast_in_dim3A_1455, %gather3A_1454 : vector<16xi1>, vector<16xi32>
    %ne3A_1457 = arith.cmpi ne, %shift_right_arithmetic3A_1448, %select_n3A_1456 : vector<16xi32>
    %convert_element_type3A_1458 = arith.extui %ne3A_1457 : vector<16xi1> to vector<16xi32>
    %cumsum3A_1459 = arith.constant true
    %cumsum3A_1460 = vector.broadcast %cumsum3A_1459 : i1 to vector<16xi1>
    %cumsum3A_1461 = tpu.scan <sum>, %convert_element_type3A_1458 masked %cumsum3A_1460 : vector<16xi32>, vector<16xi1> -> vector<16xi32>
    %add3A_1462 = vector.broadcast %add3A_1416 : i32 to vector<16xi32>
    %add3A_1463 = arith.addi %add3A_1462, %cumsum3A_1461 : vector<16xi32>
    %sub3A_1464 = arith.constant 1 : i32
    %sub3A_1465 = vector.broadcast %sub3A_1464 : i32 to vector<16xi32>
    %sub3A_1466 = arith.subi %add3A_1463, %sub3A_1465 : vector<16xi32>
    tpu.vector_store_idx %arg9[%sub3A_1466], %shift_right_arithmetic3A_1448 masked %ne3A_1457 : memref<528xi32, #tpu.memory_space<vmem>>[vector<16xi32>], vector<16xi32>, vector<16xi1>
    %add3A_1467 = arith.constant 352 : i32
    %add3A_1468 = vector.broadcast %add3A_1467 : i32 to vector<16xi32>
    %add3A_1469 = arith.addi %iota3A, %add3A_1468 : vector<16xi32>
    tpu.vector_store_idx %arg10[%sub3A_1466], %add3A_1469 masked %ne3A_1457 : memref<528xi32, #tpu.memory_space<vmem>>[vector<16xi32>], vector<16xi32>, vector<16xi1>
    %eq3A_1470 = arith.constant 15 : i32
    %eq3A_1471 = vector.broadcast %eq3A_1470 : i32 to vector<16xi32>
    %eq3A_1472 = arith.cmpi eq, %iota3A, %eq3A_1471 : vector<16xi32>
    %jit3A_1473 = arith.constant 0 : i32
    %broadcast_in_dim3A_1474 = vector.broadcast %jit3A_1473 : i32 to vector<16xi32>
    %select_n3A_1475 = arith.select %eq3A_1472, %sub3A_1466, %broadcast_in_dim3A_1474 : vector<16xi1>, vector<16xi32>
    %reduce_sum3A_1476 = arith.constant true
    %reduce_sum3A_1477 = vector.broadcast %reduce_sum3A_1476 : i1 to vector<16xi1>
    %reduce_sum3A_1478 = tpu.scan <sum>, %select_n3A_1475 masked %reduce_sum3A_1477 : vector<16xi32>, vector<16xi1> -> vector<16xi32>
    %reduce_sum3A_1479 = vector.extract %reduce_sum3A_1478[15] : i32 from vector<16xi32>
    %add3A_1480 = arith.constant 1 : i32
    %add3A_1481 = arith.addi %reduce_sum3A_1479, %add3A_1480 : i32
    %eq3A_1482 = arith.constant 15 : i32
    %eq3A_1483 = vector.broadcast %eq3A_1482 : i32 to vector<16xi32>
    %eq3A_1484 = arith.cmpi eq, %iota3A, %eq3A_1483 : vector<16xi32>
    %jit3A_1485 = arith.constant 0 : i32
    %broadcast_in_dim3A_1486 = vector.broadcast %jit3A_1485 : i32 to vector<16xi32>
    %select_n3A_1487 = arith.select %eq3A_1484, %shift_right_arithmetic3A_1448, %broadcast_in_dim3A_1486 : vector<16xi1>, vector<16xi32>
    %reduce_sum3A_1488 = arith.constant true
    %reduce_sum3A_1489 = vector.broadcast %reduce_sum3A_1488 : i1 to vector<16xi1>
    %reduce_sum3A_1490 = tpu.scan <sum>, %select_n3A_1487 masked %reduce_sum3A_1489 : vector<16xi32>, vector<16xi1> -> vector<16xi32>
    %reduce_sum3A_1491 = vector.extract %reduce_sum3A_1490[15] : i32 from vector<16xi32>
    %get3A_1492 = arith.constant 368 : index
    %get3A_1493 = tpu.vector_load %arg7[%get3A_1492] {strides = array<i32>} : memref<512xi32, #tpu.memory_space<vmem>>, vector<16xi32>,
    %mul3A_1494 = arith.constant 2 : i32
    %mul3A_1495 = vector.broadcast %mul3A_1494 : i32 to vector<16xi32>
    %mul3A_1496 = arith.muli %get3A_1493, %mul3A_1495 : vector<16xi32>
    %gather3A_1497 = tpu.vector_load_idx %arg6[%mul3A_1496] : memref<32768xi32, #tpu.memory_space<vmem>>[vector<16xi32>], vector<16xi32>,
    %mul3A_1498 = arith.constant 2 : i32
    %mul3A_1499 = vector.broadcast %mul3A_1498 : i32 to vector<16xi32>
    %mul3A_1500 = arith.muli %get3A_1493, %mul3A_1499 : vector<16xi32>
    %add3A_1501 = arith.constant 1 : i32
    %add3A_1502 = vector.broadcast %add3A_1501 : i32 to vector<16xi32>
    %add3A_1503 = arith.addi %mul3A_1500, %add3A_1502 : vector<16xi32>
    %gather3A_1504 = tpu.vector_load_idx %arg6[%add3A_1503] : memref<32768xi32, #tpu.memory_space<vmem>>[vector<16xi32>], vector<16xi32>,
    %mul3A_1505 = arith.constant 1000 : i32
    %mul3A_1506 = vector.broadcast %mul3A_1505 : i32 to vector<16xi32>
    %mul3A_1507 = arith.muli %gather3A_1497, %mul3A_1506 : vector<16xi32>
    %add3A_1508 = arith.addi %mul3A_1507, %gather3A_1504 : vector<16xi32>
    %swap3A_1509 = arith.constant 368 : index
    %swap3A_1510 = tpu.vector_load %arg8[%swap3A_1509] {strides = array<i32>} : memref<512xi32, #tpu.memory_space<vmem>>, vector<16xi32>,
    tpu.vector_store %arg8[%swap3A_1509], %add3A_1508 {strides = array<i32>} : memref<512xi32, #tpu.memory_space<vmem>>, vector<16xi32>,
    %shift_right_arithmetic3A_1511 = arith.constant 7 : i32
    %shift_right_arithmetic3A_1512 = vector.broadcast %shift_right_arithmetic3A_1511 : i32 to vector<16xi32>
    %shift_right_arithmetic3A_1513 = arith.shrsi %add3A_1508, %shift_right_arithmetic3A_1512 : vector<16xi32>
    %eq3A_1514 = arith.constant 0 : i32
    %eq3A_1515 = vector.broadcast %eq3A_1514 : i32 to vector<16xi32>
    %eq3A_1516 = arith.cmpi eq, %iota3A, %eq3A_1515 : vector<16xi32>
    %broadcast_in_dim3A_1517 = vector.shape_cast %max3A_6 : vector<16xi32> to vector<16x1xi32>
    %gather3A_1518 = vector.shape_cast %broadcast_in_dim3A_1517 : vector<16x1xi32> to vector<16xi32>
    %gather3A_1519 = tpu.dynamic_gather %shift_right_arithmetic3A_1513[%gather3A_1518] in [0] : vector<16xi32>, vector<16xi32> -> vector<16xi32>
    %broadcast_in_dim3A_1520 = vector.broadcast %reduce_sum3A_1491 : i32 to vector<16xi32>
    %select_n3A_1521 = arith.select %eq3A_1516, %broadcast_in_dim3A_1520, %gather3A_1519 : vector<16xi1>, vector<16xi32>
    %ne3A_1522 = arith.cmpi ne, %shift_right_arithmetic3A_1513, %select_n3A_1521 : vector<16xi32>
    %convert_element_type3A_1523 = arith.extui %ne3A_1522 : vector<16xi1> to vector<16xi32>
    %cumsum3A_1524 = arith.constant true
    %cumsum3A_1525 = vector.broadcast %cumsum3A_1524 : i1 to vector<16xi1>
    %cumsum3A_1526 = tpu.scan <sum>, %convert_element_type3A_1523 masked %cumsum3A_1525 : vector<16xi32>, vector<16xi1> -> vector<16xi32>
    %add3A_1527 = vector.broadcast %add3A_1481 : i32 to vector<16xi32>
    %add3A_1528 = arith.addi %add3A_1527, %cumsum3A_1526 : vector<16xi32>
    %sub3A_1529 = arith.constant 1 : i32
    %sub3A_1530 = vector.broadcast %sub3A_1529 : i32 to vector<16xi32>
    %sub3A_1531 = arith.subi %add3A_1528, %sub3A_1530 : vector<16xi32>
    tpu.vector_store_idx %arg9[%sub3A_1531], %shift_right_arithmetic3A_1513 masked %ne3A_1522 : memref<528xi32, #tpu.memory_space<vmem>>[vector<16xi32>], vector<16xi32>, vector<16xi1>
    %add3A_1532 = arith.constant 368 : i32
    %add3A_1533 = vector.broadcast %add3A_1532 : i32 to vector<16xi32>
    %add3A_1534 = arith.addi %iota3A, %add3A_1533 : vector<16xi32>
    tpu.vector_store_idx %arg10[%sub3A_1531], %add3A_1534 masked %ne3A_1522 : memref<528xi32, #tpu.memory_space<vmem>>[vector<16xi32>], vector<16xi32>, vector<16xi1>
    %eq3A_1535 = arith.constant 15 : i32
    %eq3A_1536 = vector.broadcast %eq3A_1535 : i32 to vector<16xi32>
    %eq3A_1537 = arith.cmpi eq, %iota3A, %eq3A_1536 : vector<16xi32>
    %jit3A_1538 = arith.constant 0 : i32
    %broadcast_in_dim3A_1539 = vector.broadcast %jit3A_1538 : i32 to vector<16xi32>
    %select_n3A_1540 = arith.select %eq3A_1537, %sub3A_1531, %broadcast_in_dim3A_1539 : vector<16xi1>, vector<16xi32>
    %reduce_sum3A_1541 = arith.constant true
    %reduce_sum3A_1542 = vector.broadcast %reduce_sum3A_1541 : i1 to vector<16xi1>
    %reduce_sum3A_1543 = tpu.scan <sum>, %select_n3A_1540 masked %reduce_sum3A_1542 : vector<16xi32>, vector<16xi1> -> vector<16xi32>
    %reduce_sum3A_1544 = vector.extract %reduce_sum3A_1543[15] : i32 from vector<16xi32>
    %add3A_1545 = arith.constant 1 : i32
    %add3A_1546 = arith.addi %reduce_sum3A_1544, %add3A_1545 : i32
    %eq3A_1547 = arith.constant 15 : i32
    %eq3A_1548 = vector.broadcast %eq3A_1547 : i32 to vector<16xi32>
    %eq3A_1549 = arith.cmpi eq, %iota3A, %eq3A_1548 : vector<16xi32>
    %jit3A_1550 = arith.constant 0 : i32
    %broadcast_in_dim3A_1551 = vector.broadcast %jit3A_1550 : i32 to vector<16xi32>
    %select_n3A_1552 = arith.select %eq3A_1549, %shift_right_arithmetic3A_1513, %broadcast_in_dim3A_1551 : vector<16xi1>, vector<16xi32>
    %reduce_sum3A_1553 = arith.constant true
    %reduce_sum3A_1554 = vector.broadcast %reduce_sum3A_1553 : i1 to vector<16xi1>
    %reduce_sum3A_1555 = tpu.scan <sum>, %select_n3A_1552 masked %reduce_sum3A_1554 : vector<16xi32>, vector<16xi1> -> vector<16xi32>
    %reduce_sum3A_1556 = vector.extract %reduce_sum3A_1555[15] : i32 from vector<16xi32>
    %get3A_1557 = arith.constant 384 : index
    %get3A_1558 = tpu.vector_load %arg7[%get3A_1557] {strides = array<i32>} : memref<512xi32, #tpu.memory_space<vmem>>, vector<16xi32>,
    %mul3A_1559 = arith.constant 2 : i32
    %mul3A_1560 = vector.broadcast %mul3A_1559 : i32 to vector<16xi32>
    %mul3A_1561 = arith.muli %get3A_1558, %mul3A_1560 : vector<16xi32>
    %gather3A_1562 = tpu.vector_load_idx %arg6[%mul3A_1561] : memref<32768xi32, #tpu.memory_space<vmem>>[vector<16xi32>], vector<16xi32>,
    %mul3A_1563 = arith.constant 2 : i32
    %mul3A_1564 = vector.broadcast %mul3A_1563 : i32 to vector<16xi32>
    %mul3A_1565 = arith.muli %get3A_1558, %mul3A_1564 : vector<16xi32>
    %add3A_1566 = arith.constant 1 : i32
    %add3A_1567 = vector.broadcast %add3A_1566 : i32 to vector<16xi32>
    %add3A_1568 = arith.addi %mul3A_1565, %add3A_1567 : vector<16xi32>
    %gather3A_1569 = tpu.vector_load_idx %arg6[%add3A_1568] : memref<32768xi32, #tpu.memory_space<vmem>>[vector<16xi32>], vector<16xi32>,
    %mul3A_1570 = arith.constant 1000 : i32
    %mul3A_1571 = vector.broadcast %mul3A_1570 : i32 to vector<16xi32>
    %mul3A_1572 = arith.muli %gather3A_1562, %mul3A_1571 : vector<16xi32>
    %add3A_1573 = arith.addi %mul3A_1572, %gather3A_1569 : vector<16xi32>
    %swap3A_1574 = arith.constant 384 : index
    %swap3A_1575 = tpu.vector_load %arg8[%swap3A_1574] {strides = array<i32>} : memref<512xi32, #tpu.memory_space<vmem>>, vector<16xi32>,
    tpu.vector_store %arg8[%swap3A_1574], %add3A_1573 {strides = array<i32>} : memref<512xi32, #tpu.memory_space<vmem>>, vector<16xi32>,
    %shift_right_arithmetic3A_1576 = arith.constant 7 : i32
    %shift_right_arithmetic3A_1577 = vector.broadcast %shift_right_arithmetic3A_1576 : i32 to vector<16xi32>
    %shift_right_arithmetic3A_1578 = arith.shrsi %add3A_1573, %shift_right_arithmetic3A_1577 : vector<16xi32>
    %eq3A_1579 = arith.constant 0 : i32
    %eq3A_1580 = vector.broadcast %eq3A_1579 : i32 to vector<16xi32>
    %eq3A_1581 = arith.cmpi eq, %iota3A, %eq3A_1580 : vector<16xi32>
    %broadcast_in_dim3A_1582 = vector.shape_cast %max3A_6 : vector<16xi32> to vector<16x1xi32>
    %gather3A_1583 = vector.shape_cast %broadcast_in_dim3A_1582 : vector<16x1xi32> to vector<16xi32>
    %gather3A_1584 = tpu.dynamic_gather %shift_right_arithmetic3A_1578[%gather3A_1583] in [0] : vector<16xi32>, vector<16xi32> -> vector<16xi32>
    %broadcast_in_dim3A_1585 = vector.broadcast %reduce_sum3A_1556 : i32 to vector<16xi32>
    %select_n3A_1586 = arith.select %eq3A_1581, %broadcast_in_dim3A_1585, %gather3A_1584 : vector<16xi1>, vector<16xi32>
    %ne3A_1587 = arith.cmpi ne, %shift_right_arithmetic3A_1578, %select_n3A_1586 : vector<16xi32>
    %convert_element_type3A_1588 = arith.extui %ne3A_1587 : vector<16xi1> to vector<16xi32>
    %cumsum3A_1589 = arith.constant true
    %cumsum3A_1590 = vector.broadcast %cumsum3A_1589 : i1 to vector<16xi1>
    %cumsum3A_1591 = tpu.scan <sum>, %convert_element_type3A_1588 masked %cumsum3A_1590 : vector<16xi32>, vector<16xi1> -> vector<16xi32>
    %add3A_1592 = vector.broadcast %add3A_1546 : i32 to vector<16xi32>
    %add3A_1593 = arith.addi %add3A_1592, %cumsum3A_1591 : vector<16xi32>
    %sub3A_1594 = arith.constant 1 : i32
    %sub3A_1595 = vector.broadcast %sub3A_1594 : i32 to vector<16xi32>
    %sub3A_1596 = arith.subi %add3A_1593, %sub3A_1595 : vector<16xi32>
    tpu.vector_store_idx %arg9[%sub3A_1596], %shift_right_arithmetic3A_1578 masked %ne3A_1587 : memref<528xi32, #tpu.memory_space<vmem>>[vector<16xi32>], vector<16xi32>, vector<16xi1>
    %add3A_1597 = arith.constant 384 : i32
    %add3A_1598 = vector.broadcast %add3A_1597 : i32 to vector<16xi32>
    %add3A_1599 = arith.addi %iota3A, %add3A_1598 : vector<16xi32>
    tpu.vector_store_idx %arg10[%sub3A_1596], %add3A_1599 masked %ne3A_1587 : memref<528xi32, #tpu.memory_space<vmem>>[vector<16xi32>], vector<16xi32>, vector<16xi1>
    %eq3A_1600 = arith.constant 15 : i32
    %eq3A_1601 = vector.broadcast %eq3A_1600 : i32 to vector<16xi32>
    %eq3A_1602 = arith.cmpi eq, %iota3A, %eq3A_1601 : vector<16xi32>
    %jit3A_1603 = arith.constant 0 : i32
    %broadcast_in_dim3A_1604 = vector.broadcast %jit3A_1603 : i32 to vector<16xi32>
    %select_n3A_1605 = arith.select %eq3A_1602, %sub3A_1596, %broadcast_in_dim3A_1604 : vector<16xi1>, vector<16xi32>
    %reduce_sum3A_1606 = arith.constant true
    %reduce_sum3A_1607 = vector.broadcast %reduce_sum3A_1606 : i1 to vector<16xi1>
    %reduce_sum3A_1608 = tpu.scan <sum>, %select_n3A_1605 masked %reduce_sum3A_1607 : vector<16xi32>, vector<16xi1> -> vector<16xi32>
    %reduce_sum3A_1609 = vector.extract %reduce_sum3A_1608[15] : i32 from vector<16xi32>
    %add3A_1610 = arith.constant 1 : i32
    %add3A_1611 = arith.addi %reduce_sum3A_1609, %add3A_1610 : i32
    %eq3A_1612 = arith.constant 15 : i32
    %eq3A_1613 = vector.broadcast %eq3A_1612 : i32 to vector<16xi32>
    %eq3A_1614 = arith.cmpi eq, %iota3A, %eq3A_1613 : vector<16xi32>
    %jit3A_1615 = arith.constant 0 : i32
    %broadcast_in_dim3A_1616 = vector.broadcast %jit3A_1615 : i32 to vector<16xi32>
    %select_n3A_1617 = arith.select %eq3A_1614, %shift_right_arithmetic3A_1578, %broadcast_in_dim3A_1616 : vector<16xi1>, vector<16xi32>
    %reduce_sum3A_1618 = arith.constant true
    %reduce_sum3A_1619 = vector.broadcast %reduce_sum3A_1618 : i1 to vector<16xi1>
    %reduce_sum3A_1620 = tpu.scan <sum>, %select_n3A_1617 masked %reduce_sum3A_1619 : vector<16xi32>, vector<16xi1> -> vector<16xi32>
    %reduce_sum3A_1621 = vector.extract %reduce_sum3A_1620[15] : i32 from vector<16xi32>
    %get3A_1622 = arith.constant 400 : index
    %get3A_1623 = tpu.vector_load %arg7[%get3A_1622] {strides = array<i32>} : memref<512xi32, #tpu.memory_space<vmem>>, vector<16xi32>,
    %mul3A_1624 = arith.constant 2 : i32
    %mul3A_1625 = vector.broadcast %mul3A_1624 : i32 to vector<16xi32>
    %mul3A_1626 = arith.muli %get3A_1623, %mul3A_1625 : vector<16xi32>
    %gather3A_1627 = tpu.vector_load_idx %arg6[%mul3A_1626] : memref<32768xi32, #tpu.memory_space<vmem>>[vector<16xi32>], vector<16xi32>,
    %mul3A_1628 = arith.constant 2 : i32
    %mul3A_1629 = vector.broadcast %mul3A_1628 : i32 to vector<16xi32>
    %mul3A_1630 = arith.muli %get3A_1623, %mul3A_1629 : vector<16xi32>
    %add3A_1631 = arith.constant 1 : i32
    %add3A_1632 = vector.broadcast %add3A_1631 : i32 to vector<16xi32>
    %add3A_1633 = arith.addi %mul3A_1630, %add3A_1632 : vector<16xi32>
    %gather3A_1634 = tpu.vector_load_idx %arg6[%add3A_1633] : memref<32768xi32, #tpu.memory_space<vmem>>[vector<16xi32>], vector<16xi32>,
    %mul3A_1635 = arith.constant 1000 : i32
    %mul3A_1636 = vector.broadcast %mul3A_1635 : i32 to vector<16xi32>
    %mul3A_1637 = arith.muli %gather3A_1627, %mul3A_1636 : vector<16xi32>
    %add3A_1638 = arith.addi %mul3A_1637, %gather3A_1634 : vector<16xi32>
    %swap3A_1639 = arith.constant 400 : index
    %swap3A_1640 = tpu.vector_load %arg8[%swap3A_1639] {strides = array<i32>} : memref<512xi32, #tpu.memory_space<vmem>>, vector<16xi32>,
    tpu.vector_store %arg8[%swap3A_1639], %add3A_1638 {strides = array<i32>} : memref<512xi32, #tpu.memory_space<vmem>>, vector<16xi32>,
    %shift_right_arithmetic3A_1641 = arith.constant 7 : i32
    %shift_right_arithmetic3A_1642 = vector.broadcast %shift_right_arithmetic3A_1641 : i32 to vector<16xi32>
    %shift_right_arithmetic3A_1643 = arith.shrsi %add3A_1638, %shift_right_arithmetic3A_1642 : vector<16xi32>
    %eq3A_1644 = arith.constant 0 : i32
    %eq3A_1645 = vector.broadcast %eq3A_1644 : i32 to vector<16xi32>
    %eq3A_1646 = arith.cmpi eq, %iota3A, %eq3A_1645 : vector<16xi32>
    %broadcast_in_dim3A_1647 = vector.shape_cast %max3A_6 : vector<16xi32> to vector<16x1xi32>
    %gather3A_1648 = vector.shape_cast %broadcast_in_dim3A_1647 : vector<16x1xi32> to vector<16xi32>
    %gather3A_1649 = tpu.dynamic_gather %shift_right_arithmetic3A_1643[%gather3A_1648] in [0] : vector<16xi32>, vector<16xi32> -> vector<16xi32>
    %broadcast_in_dim3A_1650 = vector.broadcast %reduce_sum3A_1621 : i32 to vector<16xi32>
    %select_n3A_1651 = arith.select %eq3A_1646, %broadcast_in_dim3A_1650, %gather3A_1649 : vector<16xi1>, vector<16xi32>
    %ne3A_1652 = arith.cmpi ne, %shift_right_arithmetic3A_1643, %select_n3A_1651 : vector<16xi32>
    %convert_element_type3A_1653 = arith.extui %ne3A_1652 : vector<16xi1> to vector<16xi32>
    %cumsum3A_1654 = arith.constant true
    %cumsum3A_1655 = vector.broadcast %cumsum3A_1654 : i1 to vector<16xi1>
    %cumsum3A_1656 = tpu.scan <sum>, %convert_element_type3A_1653 masked %cumsum3A_1655 : vector<16xi32>, vector<16xi1> -> vector<16xi32>
    %add3A_1657 = vector.broadcast %add3A_1611 : i32 to vector<16xi32>
    %add3A_1658 = arith.addi %add3A_1657, %cumsum3A_1656 : vector<16xi32>
    %sub3A_1659 = arith.constant 1 : i32
    %sub3A_1660 = vector.broadcast %sub3A_1659 : i32 to vector<16xi32>
    %sub3A_1661 = arith.subi %add3A_1658, %sub3A_1660 : vector<16xi32>
    tpu.vector_store_idx %arg9[%sub3A_1661], %shift_right_arithmetic3A_1643 masked %ne3A_1652 : memref<528xi32, #tpu.memory_space<vmem>>[vector<16xi32>], vector<16xi32>, vector<16xi1>
    %add3A_1662 = arith.constant 400 : i32
    %add3A_1663 = vector.broadcast %add3A_1662 : i32 to vector<16xi32>
    %add3A_1664 = arith.addi %iota3A, %add3A_1663 : vector<16xi32>
    tpu.vector_store_idx %arg10[%sub3A_1661], %add3A_1664 masked %ne3A_1652 : memref<528xi32, #tpu.memory_space<vmem>>[vector<16xi32>], vector<16xi32>, vector<16xi1>
    %eq3A_1665 = arith.constant 15 : i32
    %eq3A_1666 = vector.broadcast %eq3A_1665 : i32 to vector<16xi32>
    %eq3A_1667 = arith.cmpi eq, %iota3A, %eq3A_1666 : vector<16xi32>
    %jit3A_1668 = arith.constant 0 : i32
    %broadcast_in_dim3A_1669 = vector.broadcast %jit3A_1668 : i32 to vector<16xi32>
    %select_n3A_1670 = arith.select %eq3A_1667, %sub3A_1661, %broadcast_in_dim3A_1669 : vector<16xi1>, vector<16xi32>
    %reduce_sum3A_1671 = arith.constant true
    %reduce_sum3A_1672 = vector.broadcast %reduce_sum3A_1671 : i1 to vector<16xi1>
    %reduce_sum3A_1673 = tpu.scan <sum>, %select_n3A_1670 masked %reduce_sum3A_1672 : vector<16xi32>, vector<16xi1> -> vector<16xi32>
    %reduce_sum3A_1674 = vector.extract %reduce_sum3A_1673[15] : i32 from vector<16xi32>
    %add3A_1675 = arith.constant 1 : i32
    %add3A_1676 = arith.addi %reduce_sum3A_1674, %add3A_1675 : i32
    %eq3A_1677 = arith.constant 15 : i32
    %eq3A_1678 = vector.broadcast %eq3A_1677 : i32 to vector<16xi32>
    %eq3A_1679 = arith.cmpi eq, %iota3A, %eq3A_1678 : vector<16xi32>
    %jit3A_1680 = arith.constant 0 : i32
    %broadcast_in_dim3A_1681 = vector.broadcast %jit3A_1680 : i32 to vector<16xi32>
    %select_n3A_1682 = arith.select %eq3A_1679, %shift_right_arithmetic3A_1643, %broadcast_in_dim3A_1681 : vector<16xi1>, vector<16xi32>
    %reduce_sum3A_1683 = arith.constant true
    %reduce_sum3A_1684 = vector.broadcast %reduce_sum3A_1683 : i1 to vector<16xi1>
    %reduce_sum3A_1685 = tpu.scan <sum>, %select_n3A_1682 masked %reduce_sum3A_1684 : vector<16xi32>, vector<16xi1> -> vector<16xi32>
    %reduce_sum3A_1686 = vector.extract %reduce_sum3A_1685[15] : i32 from vector<16xi32>
    %get3A_1687 = arith.constant 416 : index
    %get3A_1688 = tpu.vector_load %arg7[%get3A_1687] {strides = array<i32>} : memref<512xi32, #tpu.memory_space<vmem>>, vector<16xi32>,
    %mul3A_1689 = arith.constant 2 : i32
    %mul3A_1690 = vector.broadcast %mul3A_1689 : i32 to vector<16xi32>
    %mul3A_1691 = arith.muli %get3A_1688, %mul3A_1690 : vector<16xi32>
    %gather3A_1692 = tpu.vector_load_idx %arg6[%mul3A_1691] : memref<32768xi32, #tpu.memory_space<vmem>>[vector<16xi32>], vector<16xi32>,
    %mul3A_1693 = arith.constant 2 : i32
    %mul3A_1694 = vector.broadcast %mul3A_1693 : i32 to vector<16xi32>
    %mul3A_1695 = arith.muli %get3A_1688, %mul3A_1694 : vector<16xi32>
    %add3A_1696 = arith.constant 1 : i32
    %add3A_1697 = vector.broadcast %add3A_1696 : i32 to vector<16xi32>
    %add3A_1698 = arith.addi %mul3A_1695, %add3A_1697 : vector<16xi32>
    %gather3A_1699 = tpu.vector_load_idx %arg6[%add3A_1698] : memref<32768xi32, #tpu.memory_space<vmem>>[vector<16xi32>], vector<16xi32>,
    %mul3A_1700 = arith.constant 1000 : i32
    %mul3A_1701 = vector.broadcast %mul3A_1700 : i32 to vector<16xi32>
    %mul3A_1702 = arith.muli %gather3A_1692, %mul3A_1701 : vector<16xi32>
    %add3A_1703 = arith.addi %mul3A_1702, %gather3A_1699 : vector<16xi32>
    %swap3A_1704 = arith.constant 416 : index
    %swap3A_1705 = tpu.vector_load %arg8[%swap3A_1704] {strides = array<i32>} : memref<512xi32, #tpu.memory_space<vmem>>, vector<16xi32>,
    tpu.vector_store %arg8[%swap3A_1704], %add3A_1703 {strides = array<i32>} : memref<512xi32, #tpu.memory_space<vmem>>, vector<16xi32>,
    %shift_right_arithmetic3A_1706 = arith.constant 7 : i32
    %shift_right_arithmetic3A_1707 = vector.broadcast %shift_right_arithmetic3A_1706 : i32 to vector<16xi32>
    %shift_right_arithmetic3A_1708 = arith.shrsi %add3A_1703, %shift_right_arithmetic3A_1707 : vector<16xi32>
    %eq3A_1709 = arith.constant 0 : i32
    %eq3A_1710 = vector.broadcast %eq3A_1709 : i32 to vector<16xi32>
    %eq3A_1711 = arith.cmpi eq, %iota3A, %eq3A_1710 : vector<16xi32>
    %broadcast_in_dim3A_1712 = vector.shape_cast %max3A_6 : vector<16xi32> to vector<16x1xi32>
    %gather3A_1713 = vector.shape_cast %broadcast_in_dim3A_1712 : vector<16x1xi32> to vector<16xi32>
    %gather3A_1714 = tpu.dynamic_gather %shift_right_arithmetic3A_1708[%gather3A_1713] in [0] : vector<16xi32>, vector<16xi32> -> vector<16xi32>
    %broadcast_in_dim3A_1715 = vector.broadcast %reduce_sum3A_1686 : i32 to vector<16xi32>
    %select_n3A_1716 = arith.select %eq3A_1711, %broadcast_in_dim3A_1715, %gather3A_1714 : vector<16xi1>, vector<16xi32>
    %ne3A_1717 = arith.cmpi ne, %shift_right_arithmetic3A_1708, %select_n3A_1716 : vector<16xi32>
    %convert_element_type3A_1718 = arith.extui %ne3A_1717 : vector<16xi1> to vector<16xi32>
    %cumsum3A_1719 = arith.constant true
    %cumsum3A_1720 = vector.broadcast %cumsum3A_1719 : i1 to vector<16xi1>
    %cumsum3A_1721 = tpu.scan <sum>, %convert_element_type3A_1718 masked %cumsum3A_1720 : vector<16xi32>, vector<16xi1> -> vector<16xi32>
    %add3A_1722 = vector.broadcast %add3A_1676 : i32 to vector<16xi32>
    %add3A_1723 = arith.addi %add3A_1722, %cumsum3A_1721 : vector<16xi32>
    %sub3A_1724 = arith.constant 1 : i32
    %sub3A_1725 = vector.broadcast %sub3A_1724 : i32 to vector<16xi32>
    %sub3A_1726 = arith.subi %add3A_1723, %sub3A_1725 : vector<16xi32>
    tpu.vector_store_idx %arg9[%sub3A_1726], %shift_right_arithmetic3A_1708 masked %ne3A_1717 : memref<528xi32, #tpu.memory_space<vmem>>[vector<16xi32>], vector<16xi32>, vector<16xi1>
    %add3A_1727 = arith.constant 416 : i32
    %add3A_1728 = vector.broadcast %add3A_1727 : i32 to vector<16xi32>
    %add3A_1729 = arith.addi %iota3A, %add3A_1728 : vector<16xi32>
    tpu.vector_store_idx %arg10[%sub3A_1726], %add3A_1729 masked %ne3A_1717 : memref<528xi32, #tpu.memory_space<vmem>>[vector<16xi32>], vector<16xi32>, vector<16xi1>
    %eq3A_1730 = arith.constant 15 : i32
    %eq3A_1731 = vector.broadcast %eq3A_1730 : i32 to vector<16xi32>
    %eq3A_1732 = arith.cmpi eq, %iota3A, %eq3A_1731 : vector<16xi32>
    %jit3A_1733 = arith.constant 0 : i32
    %broadcast_in_dim3A_1734 = vector.broadcast %jit3A_1733 : i32 to vector<16xi32>
    %select_n3A_1735 = arith.select %eq3A_1732, %sub3A_1726, %broadcast_in_dim3A_1734 : vector<16xi1>, vector<16xi32>
    %reduce_sum3A_1736 = arith.constant true
    %reduce_sum3A_1737 = vector.broadcast %reduce_sum3A_1736 : i1 to vector<16xi1>
    %reduce_sum3A_1738 = tpu.scan <sum>, %select_n3A_1735 masked %reduce_sum3A_1737 : vector<16xi32>, vector<16xi1> -> vector<16xi32>
    %reduce_sum3A_1739 = vector.extract %reduce_sum3A_1738[15] : i32 from vector<16xi32>
    %add3A_1740 = arith.constant 1 : i32
    %add3A_1741 = arith.addi %reduce_sum3A_1739, %add3A_1740 : i32
    %eq3A_1742 = arith.constant 15 : i32
    %eq3A_1743 = vector.broadcast %eq3A_1742 : i32 to vector<16xi32>
    %eq3A_1744 = arith.cmpi eq, %iota3A, %eq3A_1743 : vector<16xi32>
    %jit3A_1745 = arith.constant 0 : i32
    %broadcast_in_dim3A_1746 = vector.broadcast %jit3A_1745 : i32 to vector<16xi32>
    %select_n3A_1747 = arith.select %eq3A_1744, %shift_right_arithmetic3A_1708, %broadcast_in_dim3A_1746 : vector<16xi1>, vector<16xi32>
    %reduce_sum3A_1748 = arith.constant true
    %reduce_sum3A_1749 = vector.broadcast %reduce_sum3A_1748 : i1 to vector<16xi1>
    %reduce_sum3A_1750 = tpu.scan <sum>, %select_n3A_1747 masked %reduce_sum3A_1749 : vector<16xi32>, vector<16xi1> -> vector<16xi32>
    %reduce_sum3A_1751 = vector.extract %reduce_sum3A_1750[15] : i32 from vector<16xi32>
    %get3A_1752 = arith.constant 432 : index
    %get3A_1753 = tpu.vector_load %arg7[%get3A_1752] {strides = array<i32>} : memref<512xi32, #tpu.memory_space<vmem>>, vector<16xi32>,
    %mul3A_1754 = arith.constant 2 : i32
    %mul3A_1755 = vector.broadcast %mul3A_1754 : i32 to vector<16xi32>
    %mul3A_1756 = arith.muli %get3A_1753, %mul3A_1755 : vector<16xi32>
    %gather3A_1757 = tpu.vector_load_idx %arg6[%mul3A_1756] : memref<32768xi32, #tpu.memory_space<vmem>>[vector<16xi32>], vector<16xi32>,
    %mul3A_1758 = arith.constant 2 : i32
    %mul3A_1759 = vector.broadcast %mul3A_1758 : i32 to vector<16xi32>
    %mul3A_1760 = arith.muli %get3A_1753, %mul3A_1759 : vector<16xi32>
    %add3A_1761 = arith.constant 1 : i32
    %add3A_1762 = vector.broadcast %add3A_1761 : i32 to vector<16xi32>
    %add3A_1763 = arith.addi %mul3A_1760, %add3A_1762 : vector<16xi32>
    %gather3A_1764 = tpu.vector_load_idx %arg6[%add3A_1763] : memref<32768xi32, #tpu.memory_space<vmem>>[vector<16xi32>], vector<16xi32>,
    %mul3A_1765 = arith.constant 1000 : i32
    %mul3A_1766 = vector.broadcast %mul3A_1765 : i32 to vector<16xi32>
    %mul3A_1767 = arith.muli %gather3A_1757, %mul3A_1766 : vector<16xi32>
    %add3A_1768 = arith.addi %mul3A_1767, %gather3A_1764 : vector<16xi32>
    %swap3A_1769 = arith.constant 432 : index
    %swap3A_1770 = tpu.vector_load %arg8[%swap3A_1769] {strides = array<i32>} : memref<512xi32, #tpu.memory_space<vmem>>, vector<16xi32>,
    tpu.vector_store %arg8[%swap3A_1769], %add3A_1768 {strides = array<i32>} : memref<512xi32, #tpu.memory_space<vmem>>, vector<16xi32>,
    %shift_right_arithmetic3A_1771 = arith.constant 7 : i32
    %shift_right_arithmetic3A_1772 = vector.broadcast %shift_right_arithmetic3A_1771 : i32 to vector<16xi32>
    %shift_right_arithmetic3A_1773 = arith.shrsi %add3A_1768, %shift_right_arithmetic3A_1772 : vector<16xi32>
    %eq3A_1774 = arith.constant 0 : i32
    %eq3A_1775 = vector.broadcast %eq3A_1774 : i32 to vector<16xi32>
    %eq3A_1776 = arith.cmpi eq, %iota3A, %eq3A_1775 : vector<16xi32>
    %broadcast_in_dim3A_1777 = vector.shape_cast %max3A_6 : vector<16xi32> to vector<16x1xi32>
    %gather3A_1778 = vector.shape_cast %broadcast_in_dim3A_1777 : vector<16x1xi32> to vector<16xi32>
    %gather3A_1779 = tpu.dynamic_gather %shift_right_arithmetic3A_1773[%gather3A_1778] in [0] : vector<16xi32>, vector<16xi32> -> vector<16xi32>
    %broadcast_in_dim3A_1780 = vector.broadcast %reduce_sum3A_1751 : i32 to vector<16xi32>
    %select_n3A_1781 = arith.select %eq3A_1776, %broadcast_in_dim3A_1780, %gather3A_1779 : vector<16xi1>, vector<16xi32>
    %ne3A_1782 = arith.cmpi ne, %shift_right_arithmetic3A_1773, %select_n3A_1781 : vector<16xi32>
    %convert_element_type3A_1783 = arith.extui %ne3A_1782 : vector<16xi1> to vector<16xi32>
    %cumsum3A_1784 = arith.constant true
    %cumsum3A_1785 = vector.broadcast %cumsum3A_1784 : i1 to vector<16xi1>
    %cumsum3A_1786 = tpu.scan <sum>, %convert_element_type3A_1783 masked %cumsum3A_1785 : vector<16xi32>, vector<16xi1> -> vector<16xi32>
    %add3A_1787 = vector.broadcast %add3A_1741 : i32 to vector<16xi32>
    %add3A_1788 = arith.addi %add3A_1787, %cumsum3A_1786 : vector<16xi32>
    %sub3A_1789 = arith.constant 1 : i32
    %sub3A_1790 = vector.broadcast %sub3A_1789 : i32 to vector<16xi32>
    %sub3A_1791 = arith.subi %add3A_1788, %sub3A_1790 : vector<16xi32>
    tpu.vector_store_idx %arg9[%sub3A_1791], %shift_right_arithmetic3A_1773 masked %ne3A_1782 : memref<528xi32, #tpu.memory_space<vmem>>[vector<16xi32>], vector<16xi32>, vector<16xi1>
    %add3A_1792 = arith.constant 432 : i32
    %add3A_1793 = vector.broadcast %add3A_1792 : i32 to vector<16xi32>
    %add3A_1794 = arith.addi %iota3A, %add3A_1793 : vector<16xi32>
    tpu.vector_store_idx %arg10[%sub3A_1791], %add3A_1794 masked %ne3A_1782 : memref<528xi32, #tpu.memory_space<vmem>>[vector<16xi32>], vector<16xi32>, vector<16xi1>
    %eq3A_1795 = arith.constant 15 : i32
    %eq3A_1796 = vector.broadcast %eq3A_1795 : i32 to vector<16xi32>
    %eq3A_1797 = arith.cmpi eq, %iota3A, %eq3A_1796 : vector<16xi32>
    %jit3A_1798 = arith.constant 0 : i32
    %broadcast_in_dim3A_1799 = vector.broadcast %jit3A_1798 : i32 to vector<16xi32>
    %select_n3A_1800 = arith.select %eq3A_1797, %sub3A_1791, %broadcast_in_dim3A_1799 : vector<16xi1>, vector<16xi32>
    %reduce_sum3A_1801 = arith.constant true
    %reduce_sum3A_1802 = vector.broadcast %reduce_sum3A_1801 : i1 to vector<16xi1>
    %reduce_sum3A_1803 = tpu.scan <sum>, %select_n3A_1800 masked %reduce_sum3A_1802 : vector<16xi32>, vector<16xi1> -> vector<16xi32>
    %reduce_sum3A_1804 = vector.extract %reduce_sum3A_1803[15] : i32 from vector<16xi32>
    %add3A_1805 = arith.constant 1 : i32
    %add3A_1806 = arith.addi %reduce_sum3A_1804, %add3A_1805 : i32
    %eq3A_1807 = arith.constant 15 : i32
    %eq3A_1808 = vector.broadcast %eq3A_1807 : i32 to vector<16xi32>
    %eq3A_1809 = arith.cmpi eq, %iota3A, %eq3A_1808 : vector<16xi32>
    %jit3A_1810 = arith.constant 0 : i32
    %broadcast_in_dim3A_1811 = vector.broadcast %jit3A_1810 : i32 to vector<16xi32>
    %select_n3A_1812 = arith.select %eq3A_1809, %shift_right_arithmetic3A_1773, %broadcast_in_dim3A_1811 : vector<16xi1>, vector<16xi32>
    %reduce_sum3A_1813 = arith.constant true
    %reduce_sum3A_1814 = vector.broadcast %reduce_sum3A_1813 : i1 to vector<16xi1>
    %reduce_sum3A_1815 = tpu.scan <sum>, %select_n3A_1812 masked %reduce_sum3A_1814 : vector<16xi32>, vector<16xi1> -> vector<16xi32>
    %reduce_sum3A_1816 = vector.extract %reduce_sum3A_1815[15] : i32 from vector<16xi32>
    %get3A_1817 = arith.constant 448 : index
    %get3A_1818 = tpu.vector_load %arg7[%get3A_1817] {strides = array<i32>} : memref<512xi32, #tpu.memory_space<vmem>>, vector<16xi32>,
    %mul3A_1819 = arith.constant 2 : i32
    %mul3A_1820 = vector.broadcast %mul3A_1819 : i32 to vector<16xi32>
    %mul3A_1821 = arith.muli %get3A_1818, %mul3A_1820 : vector<16xi32>
    %gather3A_1822 = tpu.vector_load_idx %arg6[%mul3A_1821] : memref<32768xi32, #tpu.memory_space<vmem>>[vector<16xi32>], vector<16xi32>,
    %mul3A_1823 = arith.constant 2 : i32
    %mul3A_1824 = vector.broadcast %mul3A_1823 : i32 to vector<16xi32>
    %mul3A_1825 = arith.muli %get3A_1818, %mul3A_1824 : vector<16xi32>
    %add3A_1826 = arith.constant 1 : i32
    %add3A_1827 = vector.broadcast %add3A_1826 : i32 to vector<16xi32>
    %add3A_1828 = arith.addi %mul3A_1825, %add3A_1827 : vector<16xi32>
    %gather3A_1829 = tpu.vector_load_idx %arg6[%add3A_1828] : memref<32768xi32, #tpu.memory_space<vmem>>[vector<16xi32>], vector<16xi32>,
    %mul3A_1830 = arith.constant 1000 : i32
    %mul3A_1831 = vector.broadcast %mul3A_1830 : i32 to vector<16xi32>
    %mul3A_1832 = arith.muli %gather3A_1822, %mul3A_1831 : vector<16xi32>
    %add3A_1833 = arith.addi %mul3A_1832, %gather3A_1829 : vector<16xi32>
    %swap3A_1834 = arith.constant 448 : index
    %swap3A_1835 = tpu.vector_load %arg8[%swap3A_1834] {strides = array<i32>} : memref<512xi32, #tpu.memory_space<vmem>>, vector<16xi32>,
    tpu.vector_store %arg8[%swap3A_1834], %add3A_1833 {strides = array<i32>} : memref<512xi32, #tpu.memory_space<vmem>>, vector<16xi32>,
    %shift_right_arithmetic3A_1836 = arith.constant 7 : i32
    %shift_right_arithmetic3A_1837 = vector.broadcast %shift_right_arithmetic3A_1836 : i32 to vector<16xi32>
    %shift_right_arithmetic3A_1838 = arith.shrsi %add3A_1833, %shift_right_arithmetic3A_1837 : vector<16xi32>
    %eq3A_1839 = arith.constant 0 : i32
    %eq3A_1840 = vector.broadcast %eq3A_1839 : i32 to vector<16xi32>
    %eq3A_1841 = arith.cmpi eq, %iota3A, %eq3A_1840 : vector<16xi32>
    %broadcast_in_dim3A_1842 = vector.shape_cast %max3A_6 : vector<16xi32> to vector<16x1xi32>
    %gather3A_1843 = vector.shape_cast %broadcast_in_dim3A_1842 : vector<16x1xi32> to vector<16xi32>
    %gather3A_1844 = tpu.dynamic_gather %shift_right_arithmetic3A_1838[%gather3A_1843] in [0] : vector<16xi32>, vector<16xi32> -> vector<16xi32>
    %broadcast_in_dim3A_1845 = vector.broadcast %reduce_sum3A_1816 : i32 to vector<16xi32>
    %select_n3A_1846 = arith.select %eq3A_1841, %broadcast_in_dim3A_1845, %gather3A_1844 : vector<16xi1>, vector<16xi32>
    %ne3A_1847 = arith.cmpi ne, %shift_right_arithmetic3A_1838, %select_n3A_1846 : vector<16xi32>
    %convert_element_type3A_1848 = arith.extui %ne3A_1847 : vector<16xi1> to vector<16xi32>
    %cumsum3A_1849 = arith.constant true
    %cumsum3A_1850 = vector.broadcast %cumsum3A_1849 : i1 to vector<16xi1>
    %cumsum3A_1851 = tpu.scan <sum>, %convert_element_type3A_1848 masked %cumsum3A_1850 : vector<16xi32>, vector<16xi1> -> vector<16xi32>
    %add3A_1852 = vector.broadcast %add3A_1806 : i32 to vector<16xi32>
    %add3A_1853 = arith.addi %add3A_1852, %cumsum3A_1851 : vector<16xi32>
    %sub3A_1854 = arith.constant 1 : i32
    %sub3A_1855 = vector.broadcast %sub3A_1854 : i32 to vector<16xi32>
    %sub3A_1856 = arith.subi %add3A_1853, %sub3A_1855 : vector<16xi32>
    tpu.vector_store_idx %arg9[%sub3A_1856], %shift_right_arithmetic3A_1838 masked %ne3A_1847 : memref<528xi32, #tpu.memory_space<vmem>>[vector<16xi32>], vector<16xi32>, vector<16xi1>
    %add3A_1857 = arith.constant 448 : i32
    %add3A_1858 = vector.broadcast %add3A_1857 : i32 to vector<16xi32>
    %add3A_1859 = arith.addi %iota3A, %add3A_1858 : vector<16xi32>
    tpu.vector_store_idx %arg10[%sub3A_1856], %add3A_1859 masked %ne3A_1847 : memref<528xi32, #tpu.memory_space<vmem>>[vector<16xi32>], vector<16xi32>, vector<16xi1>
    %eq3A_1860 = arith.constant 15 : i32
    %eq3A_1861 = vector.broadcast %eq3A_1860 : i32 to vector<16xi32>
    %eq3A_1862 = arith.cmpi eq, %iota3A, %eq3A_1861 : vector<16xi32>
    %jit3A_1863 = arith.constant 0 : i32
    %broadcast_in_dim3A_1864 = vector.broadcast %jit3A_1863 : i32 to vector<16xi32>
    %select_n3A_1865 = arith.select %eq3A_1862, %sub3A_1856, %broadcast_in_dim3A_1864 : vector<16xi1>, vector<16xi32>
    %reduce_sum3A_1866 = arith.constant true
    %reduce_sum3A_1867 = vector.broadcast %reduce_sum3A_1866 : i1 to vector<16xi1>
    %reduce_sum3A_1868 = tpu.scan <sum>, %select_n3A_1865 masked %reduce_sum3A_1867 : vector<16xi32>, vector<16xi1> -> vector<16xi32>
    %reduce_sum3A_1869 = vector.extract %reduce_sum3A_1868[15] : i32 from vector<16xi32>
    %add3A_1870 = arith.constant 1 : i32
    %add3A_1871 = arith.addi %reduce_sum3A_1869, %add3A_1870 : i32
    %eq3A_1872 = arith.constant 15 : i32
    %eq3A_1873 = vector.broadcast %eq3A_1872 : i32 to vector<16xi32>
    %eq3A_1874 = arith.cmpi eq, %iota3A, %eq3A_1873 : vector<16xi32>
    %jit3A_1875 = arith.constant 0 : i32
    %broadcast_in_dim3A_1876 = vector.broadcast %jit3A_1875 : i32 to vector<16xi32>
    %select_n3A_1877 = arith.select %eq3A_1874, %shift_right_arithmetic3A_1838, %broadcast_in_dim3A_1876 : vector<16xi1>, vector<16xi32>
    %reduce_sum3A_1878 = arith.constant true
    %reduce_sum3A_1879 = vector.broadcast %reduce_sum3A_1878 : i1 to vector<16xi1>
    %reduce_sum3A_1880 = tpu.scan <sum>, %select_n3A_1877 masked %reduce_sum3A_1879 : vector<16xi32>, vector<16xi1> -> vector<16xi32>
    %reduce_sum3A_1881 = vector.extract %reduce_sum3A_1880[15] : i32 from vector<16xi32>
    %get3A_1882 = arith.constant 464 : index
    %get3A_1883 = tpu.vector_load %arg7[%get3A_1882] {strides = array<i32>} : memref<512xi32, #tpu.memory_space<vmem>>, vector<16xi32>,
    %mul3A_1884 = arith.constant 2 : i32
    %mul3A_1885 = vector.broadcast %mul3A_1884 : i32 to vector<16xi32>
    %mul3A_1886 = arith.muli %get3A_1883, %mul3A_1885 : vector<16xi32>
    %gather3A_1887 = tpu.vector_load_idx %arg6[%mul3A_1886] : memref<32768xi32, #tpu.memory_space<vmem>>[vector<16xi32>], vector<16xi32>,
    %mul3A_1888 = arith.constant 2 : i32
    %mul3A_1889 = vector.broadcast %mul3A_1888 : i32 to vector<16xi32>
    %mul3A_1890 = arith.muli %get3A_1883, %mul3A_1889 : vector<16xi32>
    %add3A_1891 = arith.constant 1 : i32
    %add3A_1892 = vector.broadcast %add3A_1891 : i32 to vector<16xi32>
    %add3A_1893 = arith.addi %mul3A_1890, %add3A_1892 : vector<16xi32>
    %gather3A_1894 = tpu.vector_load_idx %arg6[%add3A_1893] : memref<32768xi32, #tpu.memory_space<vmem>>[vector<16xi32>], vector<16xi32>,
    %mul3A_1895 = arith.constant 1000 : i32
    %mul3A_1896 = vector.broadcast %mul3A_1895 : i32 to vector<16xi32>
    %mul3A_1897 = arith.muli %gather3A_1887, %mul3A_1896 : vector<16xi32>
    %add3A_1898 = arith.addi %mul3A_1897, %gather3A_1894 : vector<16xi32>
    %swap3A_1899 = arith.constant 464 : index
    %swap3A_1900 = tpu.vector_load %arg8[%swap3A_1899] {strides = array<i32>} : memref<512xi32, #tpu.memory_space<vmem>>, vector<16xi32>,
    tpu.vector_store %arg8[%swap3A_1899], %add3A_1898 {strides = array<i32>} : memref<512xi32, #tpu.memory_space<vmem>>, vector<16xi32>,
    %shift_right_arithmetic3A_1901 = arith.constant 7 : i32
    %shift_right_arithmetic3A_1902 = vector.broadcast %shift_right_arithmetic3A_1901 : i32 to vector<16xi32>
    %shift_right_arithmetic3A_1903 = arith.shrsi %add3A_1898, %shift_right_arithmetic3A_1902 : vector<16xi32>
    %eq3A_1904 = arith.constant 0 : i32
    %eq3A_1905 = vector.broadcast %eq3A_1904 : i32 to vector<16xi32>
    %eq3A_1906 = arith.cmpi eq, %iota3A, %eq3A_1905 : vector<16xi32>
    %broadcast_in_dim3A_1907 = vector.shape_cast %max3A_6 : vector<16xi32> to vector<16x1xi32>
    %gather3A_1908 = vector.shape_cast %broadcast_in_dim3A_1907 : vector<16x1xi32> to vector<16xi32>
    %gather3A_1909 = tpu.dynamic_gather %shift_right_arithmetic3A_1903[%gather3A_1908] in [0] : vector<16xi32>, vector<16xi32> -> vector<16xi32>
    %broadcast_in_dim3A_1910 = vector.broadcast %reduce_sum3A_1881 : i32 to vector<16xi32>
    %select_n3A_1911 = arith.select %eq3A_1906, %broadcast_in_dim3A_1910, %gather3A_1909 : vector<16xi1>, vector<16xi32>
    %ne3A_1912 = arith.cmpi ne, %shift_right_arithmetic3A_1903, %select_n3A_1911 : vector<16xi32>
    %convert_element_type3A_1913 = arith.extui %ne3A_1912 : vector<16xi1> to vector<16xi32>
    %cumsum3A_1914 = arith.constant true
    %cumsum3A_1915 = vector.broadcast %cumsum3A_1914 : i1 to vector<16xi1>
    %cumsum3A_1916 = tpu.scan <sum>, %convert_element_type3A_1913 masked %cumsum3A_1915 : vector<16xi32>, vector<16xi1> -> vector<16xi32>
    %add3A_1917 = vector.broadcast %add3A_1871 : i32 to vector<16xi32>
    %add3A_1918 = arith.addi %add3A_1917, %cumsum3A_1916 : vector<16xi32>
    %sub3A_1919 = arith.constant 1 : i32
    %sub3A_1920 = vector.broadcast %sub3A_1919 : i32 to vector<16xi32>
    %sub3A_1921 = arith.subi %add3A_1918, %sub3A_1920 : vector<16xi32>
    tpu.vector_store_idx %arg9[%sub3A_1921], %shift_right_arithmetic3A_1903 masked %ne3A_1912 : memref<528xi32, #tpu.memory_space<vmem>>[vector<16xi32>], vector<16xi32>, vector<16xi1>
    %add3A_1922 = arith.constant 464 : i32
    %add3A_1923 = vector.broadcast %add3A_1922 : i32 to vector<16xi32>
    %add3A_1924 = arith.addi %iota3A, %add3A_1923 : vector<16xi32>
    tpu.vector_store_idx %arg10[%sub3A_1921], %add3A_1924 masked %ne3A_1912 : memref<528xi32, #tpu.memory_space<vmem>>[vector<16xi32>], vector<16xi32>, vector<16xi1>
    %eq3A_1925 = arith.constant 15 : i32
    %eq3A_1926 = vector.broadcast %eq3A_1925 : i32 to vector<16xi32>
    %eq3A_1927 = arith.cmpi eq, %iota3A, %eq3A_1926 : vector<16xi32>
    %jit3A_1928 = arith.constant 0 : i32
    %broadcast_in_dim3A_1929 = vector.broadcast %jit3A_1928 : i32 to vector<16xi32>
    %select_n3A_1930 = arith.select %eq3A_1927, %sub3A_1921, %broadcast_in_dim3A_1929 : vector<16xi1>, vector<16xi32>
    %reduce_sum3A_1931 = arith.constant true
    %reduce_sum3A_1932 = vector.broadcast %reduce_sum3A_1931 : i1 to vector<16xi1>
    %reduce_sum3A_1933 = tpu.scan <sum>, %select_n3A_1930 masked %reduce_sum3A_1932 : vector<16xi32>, vector<16xi1> -> vector<16xi32>
    %reduce_sum3A_1934 = vector.extract %reduce_sum3A_1933[15] : i32 from vector<16xi32>
    %add3A_1935 = arith.constant 1 : i32
    %add3A_1936 = arith.addi %reduce_sum3A_1934, %add3A_1935 : i32
    %eq3A_1937 = arith.constant 15 : i32
    %eq3A_1938 = vector.broadcast %eq3A_1937 : i32 to vector<16xi32>
    %eq3A_1939 = arith.cmpi eq, %iota3A, %eq3A_1938 : vector<16xi32>
    %jit3A_1940 = arith.constant 0 : i32
    %broadcast_in_dim3A_1941 = vector.broadcast %jit3A_1940 : i32 to vector<16xi32>
    %select_n3A_1942 = arith.select %eq3A_1939, %shift_right_arithmetic3A_1903, %broadcast_in_dim3A_1941 : vector<16xi1>, vector<16xi32>
    %reduce_sum3A_1943 = arith.constant true
    %reduce_sum3A_1944 = vector.broadcast %reduce_sum3A_1943 : i1 to vector<16xi1>
    %reduce_sum3A_1945 = tpu.scan <sum>, %select_n3A_1942 masked %reduce_sum3A_1944 : vector<16xi32>, vector<16xi1> -> vector<16xi32>
    %reduce_sum3A_1946 = vector.extract %reduce_sum3A_1945[15] : i32 from vector<16xi32>
    %get3A_1947 = arith.constant 480 : index
    %get3A_1948 = tpu.vector_load %arg7[%get3A_1947] {strides = array<i32>} : memref<512xi32, #tpu.memory_space<vmem>>, vector<16xi32>,
    %mul3A_1949 = arith.constant 2 : i32
    %mul3A_1950 = vector.broadcast %mul3A_1949 : i32 to vector<16xi32>
    %mul3A_1951 = arith.muli %get3A_1948, %mul3A_1950 : vector<16xi32>
    %gather3A_1952 = tpu.vector_load_idx %arg6[%mul3A_1951] : memref<32768xi32, #tpu.memory_space<vmem>>[vector<16xi32>], vector<16xi32>,
    %mul3A_1953 = arith.constant 2 : i32
    %mul3A_1954 = vector.broadcast %mul3A_1953 : i32 to vector<16xi32>
    %mul3A_1955 = arith.muli %get3A_1948, %mul3A_1954 : vector<16xi32>
    %add3A_1956 = arith.constant 1 : i32
    %add3A_1957 = vector.broadcast %add3A_1956 : i32 to vector<16xi32>
    %add3A_1958 = arith.addi %mul3A_1955, %add3A_1957 : vector<16xi32>
    %gather3A_1959 = tpu.vector_load_idx %arg6[%add3A_1958] : memref<32768xi32, #tpu.memory_space<vmem>>[vector<16xi32>], vector<16xi32>,
    %mul3A_1960 = arith.constant 1000 : i32
    %mul3A_1961 = vector.broadcast %mul3A_1960 : i32 to vector<16xi32>
    %mul3A_1962 = arith.muli %gather3A_1952, %mul3A_1961 : vector<16xi32>
    %add3A_1963 = arith.addi %mul3A_1962, %gather3A_1959 : vector<16xi32>
    %swap3A_1964 = arith.constant 480 : index
    %swap3A_1965 = tpu.vector_load %arg8[%swap3A_1964] {strides = array<i32>} : memref<512xi32, #tpu.memory_space<vmem>>, vector<16xi32>,
    tpu.vector_store %arg8[%swap3A_1964], %add3A_1963 {strides = array<i32>} : memref<512xi32, #tpu.memory_space<vmem>>, vector<16xi32>,
    %shift_right_arithmetic3A_1966 = arith.constant 7 : i32
    %shift_right_arithmetic3A_1967 = vector.broadcast %shift_right_arithmetic3A_1966 : i32 to vector<16xi32>
    %shift_right_arithmetic3A_1968 = arith.shrsi %add3A_1963, %shift_right_arithmetic3A_1967 : vector<16xi32>
    %eq3A_1969 = arith.constant 0 : i32
    %eq3A_1970 = vector.broadcast %eq3A_1969 : i32 to vector<16xi32>
    %eq3A_1971 = arith.cmpi eq, %iota3A, %eq3A_1970 : vector<16xi32>
    %broadcast_in_dim3A_1972 = vector.shape_cast %max3A_6 : vector<16xi32> to vector<16x1xi32>
    %gather3A_1973 = vector.shape_cast %broadcast_in_dim3A_1972 : vector<16x1xi32> to vector<16xi32>
    %gather3A_1974 = tpu.dynamic_gather %shift_right_arithmetic3A_1968[%gather3A_1973] in [0] : vector<16xi32>, vector<16xi32> -> vector<16xi32>
    %broadcast_in_dim3A_1975 = vector.broadcast %reduce_sum3A_1946 : i32 to vector<16xi32>
    %select_n3A_1976 = arith.select %eq3A_1971, %broadcast_in_dim3A_1975, %gather3A_1974 : vector<16xi1>, vector<16xi32>
    %ne3A_1977 = arith.cmpi ne, %shift_right_arithmetic3A_1968, %select_n3A_1976 : vector<16xi32>
    %convert_element_type3A_1978 = arith.extui %ne3A_1977 : vector<16xi1> to vector<16xi32>
    %cumsum3A_1979 = arith.constant true
    %cumsum3A_1980 = vector.broadcast %cumsum3A_1979 : i1 to vector<16xi1>
    %cumsum3A_1981 = tpu.scan <sum>, %convert_element_type3A_1978 masked %cumsum3A_1980 : vector<16xi32>, vector<16xi1> -> vector<16xi32>
    %add3A_1982 = vector.broadcast %add3A_1936 : i32 to vector<16xi32>
    %add3A_1983 = arith.addi %add3A_1982, %cumsum3A_1981 : vector<16xi32>
    %sub3A_1984 = arith.constant 1 : i32
    %sub3A_1985 = vector.broadcast %sub3A_1984 : i32 to vector<16xi32>
    %sub3A_1986 = arith.subi %add3A_1983, %sub3A_1985 : vector<16xi32>
    tpu.vector_store_idx %arg9[%sub3A_1986], %shift_right_arithmetic3A_1968 masked %ne3A_1977 : memref<528xi32, #tpu.memory_space<vmem>>[vector<16xi32>], vector<16xi32>, vector<16xi1>
    %add3A_1987 = arith.constant 480 : i32
    %add3A_1988 = vector.broadcast %add3A_1987 : i32 to vector<16xi32>
    %add3A_1989 = arith.addi %iota3A, %add3A_1988 : vector<16xi32>
    tpu.vector_store_idx %arg10[%sub3A_1986], %add3A_1989 masked %ne3A_1977 : memref<528xi32, #tpu.memory_space<vmem>>[vector<16xi32>], vector<16xi32>, vector<16xi1>
    %eq3A_1990 = arith.constant 15 : i32
    %eq3A_1991 = vector.broadcast %eq3A_1990 : i32 to vector<16xi32>
    %eq3A_1992 = arith.cmpi eq, %iota3A, %eq3A_1991 : vector<16xi32>
    %jit3A_1993 = arith.constant 0 : i32
    %broadcast_in_dim3A_1994 = vector.broadcast %jit3A_1993 : i32 to vector<16xi32>
    %select_n3A_1995 = arith.select %eq3A_1992, %sub3A_1986, %broadcast_in_dim3A_1994 : vector<16xi1>, vector<16xi32>
    %reduce_sum3A_1996 = arith.constant true
    %reduce_sum3A_1997 = vector.broadcast %reduce_sum3A_1996 : i1 to vector<16xi1>
    %reduce_sum3A_1998 = tpu.scan <sum>, %select_n3A_1995 masked %reduce_sum3A_1997 : vector<16xi32>, vector<16xi1> -> vector<16xi32>
    %reduce_sum3A_1999 = vector.extract %reduce_sum3A_1998[15] : i32 from vector<16xi32>
    %add3A_2000 = arith.constant 1 : i32
    %add3A_2001 = arith.addi %reduce_sum3A_1999, %add3A_2000 : i32
    %eq3A_2002 = arith.constant 15 : i32
    %eq3A_2003 = vector.broadcast %eq3A_2002 : i32 to vector<16xi32>
    %eq3A_2004 = arith.cmpi eq, %iota3A, %eq3A_2003 : vector<16xi32>
    %jit3A_2005 = arith.constant 0 : i32
    %broadcast_in_dim3A_2006 = vector.broadcast %jit3A_2005 : i32 to vector<16xi32>
    %select_n3A_2007 = arith.select %eq3A_2004, %shift_right_arithmetic3A_1968, %broadcast_in_dim3A_2006 : vector<16xi1>, vector<16xi32>
    %reduce_sum3A_2008 = arith.constant true
    %reduce_sum3A_2009 = vector.broadcast %reduce_sum3A_2008 : i1 to vector<16xi1>
    %reduce_sum3A_2010 = tpu.scan <sum>, %select_n3A_2007 masked %reduce_sum3A_2009 : vector<16xi32>, vector<16xi1> -> vector<16xi32>
    %reduce_sum3A_2011 = vector.extract %reduce_sum3A_2010[15] : i32 from vector<16xi32>
    %get3A_2012 = arith.constant 496 : index
    %get3A_2013 = tpu.vector_load %arg7[%get3A_2012] {strides = array<i32>} : memref<512xi32, #tpu.memory_space<vmem>>, vector<16xi32>,
    %mul3A_2014 = arith.constant 2 : i32
    %mul3A_2015 = vector.broadcast %mul3A_2014 : i32 to vector<16xi32>
    %mul3A_2016 = arith.muli %get3A_2013, %mul3A_2015 : vector<16xi32>
    %gather3A_2017 = tpu.vector_load_idx %arg6[%mul3A_2016] : memref<32768xi32, #tpu.memory_space<vmem>>[vector<16xi32>], vector<16xi32>,
    %mul3A_2018 = arith.constant 2 : i32
    %mul3A_2019 = vector.broadcast %mul3A_2018 : i32 to vector<16xi32>
    %mul3A_2020 = arith.muli %get3A_2013, %mul3A_2019 : vector<16xi32>
    %add3A_2021 = arith.constant 1 : i32
    %add3A_2022 = vector.broadcast %add3A_2021 : i32 to vector<16xi32>
    %add3A_2023 = arith.addi %mul3A_2020, %add3A_2022 : vector<16xi32>
    %gather3A_2024 = tpu.vector_load_idx %arg6[%add3A_2023] : memref<32768xi32, #tpu.memory_space<vmem>>[vector<16xi32>], vector<16xi32>,
    %mul3A_2025 = arith.constant 1000 : i32
    %mul3A_2026 = vector.broadcast %mul3A_2025 : i32 to vector<16xi32>
    %mul3A_2027 = arith.muli %gather3A_2017, %mul3A_2026 : vector<16xi32>
    %add3A_2028 = arith.addi %mul3A_2027, %gather3A_2024 : vector<16xi32>
    %swap3A_2029 = arith.constant 496 : index
    %swap3A_2030 = tpu.vector_load %arg8[%swap3A_2029] {strides = array<i32>} : memref<512xi32, #tpu.memory_space<vmem>>, vector<16xi32>,
    tpu.vector_store %arg8[%swap3A_2029], %add3A_2028 {strides = array<i32>} : memref<512xi32, #tpu.memory_space<vmem>>, vector<16xi32>,
    %shift_right_arithmetic3A_2031 = arith.constant 7 : i32
    %shift_right_arithmetic3A_2032 = vector.broadcast %shift_right_arithmetic3A_2031 : i32 to vector<16xi32>
    %shift_right_arithmetic3A_2033 = arith.shrsi %add3A_2028, %shift_right_arithmetic3A_2032 : vector<16xi32>
    %eq3A_2034 = arith.constant 0 : i32
    %eq3A_2035 = vector.broadcast %eq3A_2034 : i32 to vector<16xi32>
    %eq3A_2036 = arith.cmpi eq, %iota3A, %eq3A_2035 : vector<16xi32>
    %broadcast_in_dim3A_2037 = vector.shape_cast %max3A_6 : vector<16xi32> to vector<16x1xi32>
    %gather3A_2038 = vector.shape_cast %broadcast_in_dim3A_2037 : vector<16x1xi32> to vector<16xi32>
    %gather3A_2039 = tpu.dynamic_gather %shift_right_arithmetic3A_2033[%gather3A_2038] in [0] : vector<16xi32>, vector<16xi32> -> vector<16xi32>
    %broadcast_in_dim3A_2040 = vector.broadcast %reduce_sum3A_2011 : i32 to vector<16xi32>
    %select_n3A_2041 = arith.select %eq3A_2036, %broadcast_in_dim3A_2040, %gather3A_2039 : vector<16xi1>, vector<16xi32>
    %ne3A_2042 = arith.cmpi ne, %shift_right_arithmetic3A_2033, %select_n3A_2041 : vector<16xi32>
    %convert_element_type3A_2043 = arith.extui %ne3A_2042 : vector<16xi1> to vector<16xi32>
    %cumsum3A_2044 = arith.constant true
    %cumsum3A_2045 = vector.broadcast %cumsum3A_2044 : i1 to vector<16xi1>
    %cumsum3A_2046 = tpu.scan <sum>, %convert_element_type3A_2043 masked %cumsum3A_2045 : vector<16xi32>, vector<16xi1> -> vector<16xi32>
    %add3A_2047 = vector.broadcast %add3A_2001 : i32 to vector<16xi32>
    %add3A_2048 = arith.addi %add3A_2047, %cumsum3A_2046 : vector<16xi32>
    %sub3A_2049 = arith.constant 1 : i32
    %sub3A_2050 = vector.broadcast %sub3A_2049 : i32 to vector<16xi32>
    %sub3A_2051 = arith.subi %add3A_2048, %sub3A_2050 : vector<16xi32>
    tpu.vector_store_idx %arg9[%sub3A_2051], %shift_right_arithmetic3A_2033 masked %ne3A_2042 : memref<528xi32, #tpu.memory_space<vmem>>[vector<16xi32>], vector<16xi32>, vector<16xi1>
    %add3A_2052 = arith.constant 496 : i32
    %add3A_2053 = vector.broadcast %add3A_2052 : i32 to vector<16xi32>
    %add3A_2054 = arith.addi %iota3A, %add3A_2053 : vector<16xi32>
    tpu.vector_store_idx %arg10[%sub3A_2051], %add3A_2054 masked %ne3A_2042 : memref<528xi32, #tpu.memory_space<vmem>>[vector<16xi32>], vector<16xi32>, vector<16xi1>
    %eq3A_2055 = arith.constant 15 : i32
    %eq3A_2056 = vector.broadcast %eq3A_2055 : i32 to vector<16xi32>
    %eq3A_2057 = arith.cmpi eq, %iota3A, %eq3A_2056 : vector<16xi32>
    %jit3A_2058 = arith.constant 0 : i32
    %broadcast_in_dim3A_2059 = vector.broadcast %jit3A_2058 : i32 to vector<16xi32>
    %select_n3A_2060 = arith.select %eq3A_2057, %sub3A_2051, %broadcast_in_dim3A_2059 : vector<16xi1>, vector<16xi32>
    %reduce_sum3A_2061 = arith.constant true
    %reduce_sum3A_2062 = vector.broadcast %reduce_sum3A_2061 : i1 to vector<16xi1>
    %reduce_sum3A_2063 = tpu.scan <sum>, %select_n3A_2060 masked %reduce_sum3A_2062 : vector<16xi32>, vector<16xi1> -> vector<16xi32>
    %reduce_sum3A_2064 = vector.extract %reduce_sum3A_2063[15] : i32 from vector<16xi32>
    %add3A_2065 = arith.constant 1 : i32
    %add3A_2066 = arith.addi %reduce_sum3A_2064, %add3A_2065 : i32
    %eq3A_2067 = arith.constant 15 : i32
    %eq3A_2068 = vector.broadcast %eq3A_2067 : i32 to vector<16xi32>
    %eq3A_2069 = arith.cmpi eq, %iota3A, %eq3A_2068 : vector<16xi32>
    %jit3A_2070 = arith.constant 0 : i32
    %broadcast_in_dim3A_2071 = vector.broadcast %jit3A_2070 : i32 to vector<16xi32>
    %select_n3A_2072 = arith.select %eq3A_2069, %shift_right_arithmetic3A_2033, %broadcast_in_dim3A_2071 : vector<16xi1>, vector<16xi32>
    %reduce_sum3A_2073 = arith.constant true
    %reduce_sum3A_2074 = vector.broadcast %reduce_sum3A_2073 : i1 to vector<16xi1>
    %reduce_sum3A_2075 = tpu.scan <sum>, %select_n3A_2072 masked %reduce_sum3A_2074 : vector<16xi32>, vector<16xi1> -> vector<16xi32>
    %reduce_sum3A_2076 = vector.extract %reduce_sum3A_2075[15] : i32 from vector<16xi32>
    %broadcast_in_dim3A_2077 = vector.broadcast %add3A_2066 : i32 to vector<16xi32>
    %broadcast_in_dim3A_2078 = arith.constant 512 : i32
    %broadcast_in_dim3A_2079 = vector.broadcast %broadcast_in_dim3A_2078 : i32 to vector<16xi32>
    %eq3A_2080 = arith.constant 0 : i32
    %eq3A_2081 = vector.broadcast %eq3A_2080 : i32 to vector<16xi32>
    %eq3A_2082 = arith.cmpi eq, %iota3A, %eq3A_2081 : vector<16xi32>
    tpu.vector_store_idx %arg10[%broadcast_in_dim3A_2077], %broadcast_in_dim3A_2079 masked %eq3A_2082 : memref<528xi32, #tpu.memory_space<vmem>>[vector<16xi32>], vector<16xi32>, vector<16xi1>
    %gt3A = arith.constant 0 : i32
    %gt3A_2083 = arith.cmpi sgt, %add3A_2066, %gt3A : i32
    %convert_element_type3A_2084 = arith.extui %gt3A_2083 : i1 to i32
    %cond3A = arith.constant 0 : i32
    %cond3A_2085 = arith.cmpi ne, %convert_element_type3A_2084, %cond3A : i32
    scf.if %cond3A_2085 {
      %rem3A = arith.constant 0 : i32
      %rem3A_2137 = arith.constant 10 : i32
      %rem3A_2138 = arith.remsi %rem3A, %rem3A_2137 : i32
      %jit3A_2139 = arith.constant 0 : i32
      %jit3A_2140 = arith.constant 16 : i32
      %div3A = arith.divsi %jit3A_2139, %jit3A_2140 : i32
      %sign3A = arith.constant 0 : i32
      %sign3A_2141 = arith.cmpi sgt, %jit3A_2139, %sign3A : i32
      %sign3A_2142 = arith.extui %sign3A_2141 : i1 to i32
      %sign3A_2143 = arith.constant 0 : i32
      %sign3A_2144 = arith.cmpi slt, %jit3A_2139, %sign3A_2143 : i32
      %sign3A_2145 = arith.extui %sign3A_2144 : i1 to i32
      %sign3A_2146 = arith.subi %sign3A_2142, %sign3A_2145 : i32
      %sign3A_2147 = arith.constant 0 : i32
      %sign3A_2148 = arith.cmpi sgt, %jit3A_2140, %sign3A_2147 : i32
      %sign3A_2149 = arith.extui %sign3A_2148 : i1 to i32
      %sign3A_2150 = arith.constant 0 : i32
      %sign3A_2151 = arith.cmpi slt, %jit3A_2140, %sign3A_2150 : i32
      %sign3A_2152 = arith.extui %sign3A_2151 : i1 to i32
      %sign3A_2153 = arith.subi %sign3A_2149, %sign3A_2152 : i32
      %ne3A_2154 = arith.cmpi ne, %sign3A_2146, %sign3A_2153 : i32
      %rem3A_2155 = arith.remsi %jit3A_2139, %jit3A_2140 : i32
      %ne3A_2156 = arith.constant 0 : i32
      %ne3A_2157 = arith.cmpi ne, %rem3A_2155, %ne3A_2156 : i32
      %and3A = arith.andi %ne3A_2154, %ne3A_2157 : i1
      %sub3A_2158 = arith.constant 1 : i32
      %sub3A_2159 = arith.subi %div3A, %sub3A_2158 : i32
      %select_n3A_2160 = arith.select %and3A, %sub3A_2159, %div3A : i32
      %mul3A_2161 = arith.constant 16 : i32
      %mul3A_2162 = arith.muli %select_n3A_2160, %mul3A_2161 : i32
      %get3A_2163 = arith.index_cast %mul3A_2162 : i32 to index
      %get3A_2164 = tpu.vector_load %arg9[%get3A_2163] {strides = array<i32>} : memref<528xi32, #tpu.memory_space<vmem>>, vector<16xi32>,
      %rem3A_2165 = arith.constant 0 : i32
      %rem3A_2166 = arith.constant 16 : i32
      %rem3A_2167 = arith.remsi %rem3A_2165, %rem3A_2166 : i32
      %eq3A_2168 = vector.broadcast %rem3A_2167 : i32 to vector<16xi32>
      %eq3A_2169 = arith.cmpi eq, %iota3A, %eq3A_2168 : vector<16xi32>
      %jit3A_2170 = arith.constant 0 : i32
      %broadcast_in_dim3A_2171 = vector.broadcast %jit3A_2170 : i32 to vector<16xi32>
      %select_n3A_2172 = arith.select %eq3A_2169, %get3A_2164, %broadcast_in_dim3A_2171 : vector<16xi1>, vector<16xi32>
      %reduce_sum3A_2173 = arith.constant true
      %reduce_sum3A_2174 = vector.broadcast %reduce_sum3A_2173 : i1 to vector<16xi1>
      %reduce_sum3A_2175 = tpu.scan <sum>, %select_n3A_2172 masked %reduce_sum3A_2174 : vector<16xi32>, vector<16xi1> -> vector<16xi32>
      %reduce_sum3A_2176 = vector.extract %reduce_sum3A_2175[15] : i32 from vector<16xi32>
      %mul3A_2177 = arith.constant 128 : i32
      %mul3A_2178 = arith.muli %reduce_sum3A_2176, %mul3A_2177 : i32
      %multiple_of3A = tpu.assume_multiple %mul3A_2178, 128 : i32
      %dma_start3A = arith.constant 0 : i32
      %dma_start3A_2179 = arith.constant 0 : i32
      %dma_start3A_2180 = tpu.memref_slice %arg11[%rem3A_2138, %dma_start3A, %dma_start3A_2179] : memref<10x64x128xf32, #tpu.memory_space<vmem>> -> memref<1x64x128xf32, #tpu.memory_space<vmem>>
      %dma_start3A_2181 = tpu.memref_squeeze %dma_start3A_2180 : memref<1x64x128xf32, #tpu.memory_space<vmem>> -> memref<64x128xf32, #tpu.memory_space<vmem>>
      %dma_start3A_2182 = arith.constant 0 : i32
      %dma_start3A_2183 = tpu.memref_slice %arg3[%dma_start3A_2182, %multiple_of3A] : memref<64x1000000xf32, #tpu.memory_space<hbm>> -> memref<64x128xf32, #tpu.memory_space<hbm>>
      %dma_start3A_2184 = tpu.memref_slice %arg13[%rem3A_2138] : memref<10x!tpu.dma_semaphore, #tpu.memory_space<semaphore_mem>> -> memref<1x!tpu.dma_semaphore, #tpu.memory_space<semaphore_mem>>
      %dma_start3A_2185 = tpu.memref_squeeze %dma_start3A_2184 : memref<1x!tpu.dma_semaphore, #tpu.memory_space<semaphore_mem>> -> memref<!tpu.dma_semaphore, #tpu.memory_space<semaphore_mem>>
      %dma_start3A_2186 = arith.constant 0 : i32
      %dma_start3A_2187 = arith.constant 0 : i32
      %dma_start3A_2188 = tpu.memref_slice %arg11[%rem3A_2138, %dma_start3A_2186, %dma_start3A_2187] : memref<10x64x128xf32, #tpu.memory_space<vmem>> -> memref<1x64x128xf32, #tpu.memory_space<vmem>>
      %dma_start3A_2189 = tpu.memref_squeeze %dma_start3A_2188 : memref<1x64x128xf32, #tpu.memory_space<vmem>> -> memref<64x128xf32, #tpu.memory_space<vmem>>
      %dma_start3A_2190 = arith.constant 0 : i32
      %dma_start3A_2191 = tpu.memref_slice %arg3[%dma_start3A_2190, %multiple_of3A] : memref<64x1000000xf32, #tpu.memory_space<hbm>> -> memref<64x128xf32, #tpu.memory_space<hbm>>
      tpu.enqueue_dma source(%dma_start3A_2191 : memref<64x128xf32, #tpu.memory_space<hbm>>) target(%dma_start3A_2189 : memref<64x128xf32, #tpu.memory_space<vmem>>) target_semaphore(%dma_start3A_2185 : memref<!tpu.dma_semaphore, #tpu.memory_space<semaphore_mem>>)
    } else {
    }
    %gt3A_2086 = arith.constant 1 : i32
    %gt3A_2087 = arith.cmpi sgt, %add3A_2066, %gt3A_2086 : i32
    %convert_element_type3A_2088 = arith.extui %gt3A_2087 : i1 to i32
    %cond3A_2089 = arith.constant 0 : i32
    %cond3A_2090 = arith.cmpi ne, %convert_element_type3A_2088, %cond3A_2089 : i32
    scf.if %cond3A_2090 {
      %rem3A = arith.constant 1 : i32
      %rem3A_2137 = arith.constant 10 : i32
      %rem3A_2138 = arith.remsi %rem3A, %rem3A_2137 : i32
      %jit3A_2139 = arith.constant 1 : i32
      %jit3A_2140 = arith.constant 16 : i32
      %div3A = arith.divsi %jit3A_2139, %jit3A_2140 : i32
      %sign3A = arith.constant 0 : i32
      %sign3A_2141 = arith.cmpi sgt, %jit3A_2139, %sign3A : i32
      %sign3A_2142 = arith.extui %sign3A_2141 : i1 to i32
      %sign3A_2143 = arith.constant 0 : i32
      %sign3A_2144 = arith.cmpi slt, %jit3A_2139, %sign3A_2143 : i32
      %sign3A_2145 = arith.extui %sign3A_2144 : i1 to i32
      %sign3A_2146 = arith.subi %sign3A_2142, %sign3A_2145 : i32
      %sign3A_2147 = arith.constant 0 : i32
      %sign3A_2148 = arith.cmpi sgt, %jit3A_2140, %sign3A_2147 : i32
      %sign3A_2149 = arith.extui %sign3A_2148 : i1 to i32
      %sign3A_2150 = arith.constant 0 : i32
      %sign3A_2151 = arith.cmpi slt, %jit3A_2140, %sign3A_2150 : i32
      %sign3A_2152 = arith.extui %sign3A_2151 : i1 to i32
      %sign3A_2153 = arith.subi %sign3A_2149, %sign3A_2152 : i32
      %ne3A_2154 = arith.cmpi ne, %sign3A_2146, %sign3A_2153 : i32
      %rem3A_2155 = arith.remsi %jit3A_2139, %jit3A_2140 : i32
      %ne3A_2156 = arith.constant 0 : i32
      %ne3A_2157 = arith.cmpi ne, %rem3A_2155, %ne3A_2156 : i32
      %and3A = arith.andi %ne3A_2154, %ne3A_2157 : i1
      %sub3A_2158 = arith.constant 1 : i32
      %sub3A_2159 = arith.subi %div3A, %sub3A_2158 : i32
      %select_n3A_2160 = arith.select %and3A, %sub3A_2159, %div3A : i32
      %mul3A_2161 = arith.constant 16 : i32
      %mul3A_2162 = arith.muli %select_n3A_2160, %mul3A_2161 : i32
      %get3A_2163 = arith.index_cast %mul3A_2162 : i32 to index
      %get3A_2164 = tpu.vector_load %arg9[%get3A_2163] {strides = array<i32>} : memref<528xi32, #tpu.memory_space<vmem>>, vector<16xi32>,
      %rem3A_2165 = arith.constant 1 : i32
      %rem3A_2166 = arith.constant 16 : i32
      %rem3A_2167 = arith.remsi %rem3A_2165, %rem3A_2166 : i32
      %eq3A_2168 = vector.broadcast %rem3A_2167 : i32 to vector<16xi32>
      %eq3A_2169 = arith.cmpi eq, %iota3A, %eq3A_2168 : vector<16xi32>
      %jit3A_2170 = arith.constant 0 : i32
      %broadcast_in_dim3A_2171 = vector.broadcast %jit3A_2170 : i32 to vector<16xi32>
      %select_n3A_2172 = arith.select %eq3A_2169, %get3A_2164, %broadcast_in_dim3A_2171 : vector<16xi1>, vector<16xi32>
      %reduce_sum3A_2173 = arith.constant true
      %reduce_sum3A_2174 = vector.broadcast %reduce_sum3A_2173 : i1 to vector<16xi1>
      %reduce_sum3A_2175 = tpu.scan <sum>, %select_n3A_2172 masked %reduce_sum3A_2174 : vector<16xi32>, vector<16xi1> -> vector<16xi32>
      %reduce_sum3A_2176 = vector.extract %reduce_sum3A_2175[15] : i32 from vector<16xi32>
      %mul3A_2177 = arith.constant 128 : i32
      %mul3A_2178 = arith.muli %reduce_sum3A_2176, %mul3A_2177 : i32
      %multiple_of3A = tpu.assume_multiple %mul3A_2178, 128 : i32
      %dma_start3A = arith.constant 0 : i32
      %dma_start3A_2179 = arith.constant 0 : i32
      %dma_start3A_2180 = tpu.memref_slice %arg11[%rem3A_2138, %dma_start3A, %dma_start3A_2179] : memref<10x64x128xf32, #tpu.memory_space<vmem>> -> memref<1x64x128xf32, #tpu.memory_space<vmem>>
      %dma_start3A_2181 = tpu.memref_squeeze %dma_start3A_2180 : memref<1x64x128xf32, #tpu.memory_space<vmem>> -> memref<64x128xf32, #tpu.memory_space<vmem>>
      %dma_start3A_2182 = arith.constant 0 : i32
      %dma_start3A_2183 = tpu.memref_slice %arg3[%dma_start3A_2182, %multiple_of3A] : memref<64x1000000xf32, #tpu.memory_space<hbm>> -> memref<64x128xf32, #tpu.memory_space<hbm>>
      %dma_start3A_2184 = tpu.memref_slice %arg13[%rem3A_2138] : memref<10x!tpu.dma_semaphore, #tpu.memory_space<semaphore_mem>> -> memref<1x!tpu.dma_semaphore, #tpu.memory_space<semaphore_mem>>
      %dma_start3A_2185 = tpu.memref_squeeze %dma_start3A_2184 : memref<1x!tpu.dma_semaphore, #tpu.memory_space<semaphore_mem>> -> memref<!tpu.dma_semaphore, #tpu.memory_space<semaphore_mem>>
      %dma_start3A_2186 = arith.constant 0 : i32
      %dma_start3A_2187 = arith.constant 0 : i32
      %dma_start3A_2188 = tpu.memref_slice %arg11[%rem3A_2138, %dma_start3A_2186, %dma_start3A_2187] : memref<10x64x128xf32, #tpu.memory_space<vmem>> -> memref<1x64x128xf32, #tpu.memory_space<vmem>>
      %dma_start3A_2189 = tpu.memref_squeeze %dma_start3A_2188 : memref<1x64x128xf32, #tpu.memory_space<vmem>> -> memref<64x128xf32, #tpu.memory_space<vmem>>
      %dma_start3A_2190 = arith.constant 0 : i32
      %dma_start3A_2191 = tpu.memref_slice %arg3[%dma_start3A_2190, %multiple_of3A] : memref<64x1000000xf32, #tpu.memory_space<hbm>> -> memref<64x128xf32, #tpu.memory_space<hbm>>
      tpu.enqueue_dma source(%dma_start3A_2191 : memref<64x128xf32, #tpu.memory_space<hbm>>) target(%dma_start3A_2189 : memref<64x128xf32, #tpu.memory_space<vmem>>) target_semaphore(%dma_start3A_2185 : memref<!tpu.dma_semaphore, #tpu.memory_space<semaphore_mem>>)
    } else {
    }
    %gt3A_2091 = arith.constant 2 : i32
    %gt3A_2092 = arith.cmpi sgt, %add3A_2066, %gt3A_2091 : i32
    %convert_element_type3A_2093 = arith.extui %gt3A_2092 : i1 to i32
    %cond3A_2094 = arith.constant 0 : i32
    %cond3A_2095 = arith.cmpi ne, %convert_element_type3A_2093, %cond3A_2094 : i32
    scf.if %cond3A_2095 {
      %rem3A = arith.constant 2 : i32
      %rem3A_2137 = arith.constant 10 : i32
      %rem3A_2138 = arith.remsi %rem3A, %rem3A_2137 : i32
      %jit3A_2139 = arith.constant 2 : i32
      %jit3A_2140 = arith.constant 16 : i32
      %div3A = arith.divsi %jit3A_2139, %jit3A_2140 : i32
      %sign3A = arith.constant 0 : i32
      %sign3A_2141 = arith.cmpi sgt, %jit3A_2139, %sign3A : i32
      %sign3A_2142 = arith.extui %sign3A_2141 : i1 to i32
      %sign3A_2143 = arith.constant 0 : i32
      %sign3A_2144 = arith.cmpi slt, %jit3A_2139, %sign3A_2143 : i32
      %sign3A_2145 = arith.extui %sign3A_2144 : i1 to i32
      %sign3A_2146 = arith.subi %sign3A_2142, %sign3A_2145 : i32
      %sign3A_2147 = arith.constant 0 : i32
      %sign3A_2148 = arith.cmpi sgt, %jit3A_2140, %sign3A_2147 : i32
      %sign3A_2149 = arith.extui %sign3A_2148 : i1 to i32
      %sign3A_2150 = arith.constant 0 : i32
      %sign3A_2151 = arith.cmpi slt, %jit3A_2140, %sign3A_2150 : i32
      %sign3A_2152 = arith.extui %sign3A_2151 : i1 to i32
      %sign3A_2153 = arith.subi %sign3A_2149, %sign3A_2152 : i32
      %ne3A_2154 = arith.cmpi ne, %sign3A_2146, %sign3A_2153 : i32
      %rem3A_2155 = arith.remsi %jit3A_2139, %jit3A_2140 : i32
      %ne3A_2156 = arith.constant 0 : i32
      %ne3A_2157 = arith.cmpi ne, %rem3A_2155, %ne3A_2156 : i32
      %and3A = arith.andi %ne3A_2154, %ne3A_2157 : i1
      %sub3A_2158 = arith.constant 1 : i32
      %sub3A_2159 = arith.subi %div3A, %sub3A_2158 : i32
      %select_n3A_2160 = arith.select %and3A, %sub3A_2159, %div3A : i32
      %mul3A_2161 = arith.constant 16 : i32
      %mul3A_2162 = arith.muli %select_n3A_2160, %mul3A_2161 : i32
      %get3A_2163 = arith.index_cast %mul3A_2162 : i32 to index
      %get3A_2164 = tpu.vector_load %arg9[%get3A_2163] {strides = array<i32>} : memref<528xi32, #tpu.memory_space<vmem>>, vector<16xi32>,
      %rem3A_2165 = arith.constant 2 : i32
      %rem3A_2166 = arith.constant 16 : i32
      %rem3A_2167 = arith.remsi %rem3A_2165, %rem3A_2166 : i32
      %eq3A_2168 = vector.broadcast %rem3A_2167 : i32 to vector<16xi32>
      %eq3A_2169 = arith.cmpi eq, %iota3A, %eq3A_2168 : vector<16xi32>
      %jit3A_2170 = arith.constant 0 : i32
      %broadcast_in_dim3A_2171 = vector.broadcast %jit3A_2170 : i32 to vector<16xi32>
      %select_n3A_2172 = arith.select %eq3A_2169, %get3A_2164, %broadcast_in_dim3A_2171 : vector<16xi1>, vector<16xi32>
      %reduce_sum3A_2173 = arith.constant true
      %reduce_sum3A_2174 = vector.broadcast %reduce_sum3A_2173 : i1 to vector<16xi1>
      %reduce_sum3A_2175 = tpu.scan <sum>, %select_n3A_2172 masked %reduce_sum3A_2174 : vector<16xi32>, vector<16xi1> -> vector<16xi32>
      %reduce_sum3A_2176 = vector.extract %reduce_sum3A_2175[15] : i32 from vector<16xi32>
      %mul3A_2177 = arith.constant 128 : i32
      %mul3A_2178 = arith.muli %reduce_sum3A_2176, %mul3A_2177 : i32
      %multiple_of3A = tpu.assume_multiple %mul3A_2178, 128 : i32
      %dma_start3A = arith.constant 0 : i32
      %dma_start3A_2179 = arith.constant 0 : i32
      %dma_start3A_2180 = tpu.memref_slice %arg11[%rem3A_2138, %dma_start3A, %dma_start3A_2179] : memref<10x64x128xf32, #tpu.memory_space<vmem>> -> memref<1x64x128xf32, #tpu.memory_space<vmem>>
      %dma_start3A_2181 = tpu.memref_squeeze %dma_start3A_2180 : memref<1x64x128xf32, #tpu.memory_space<vmem>> -> memref<64x128xf32, #tpu.memory_space<vmem>>
      %dma_start3A_2182 = arith.constant 0 : i32
      %dma_start3A_2183 = tpu.memref_slice %arg3[%dma_start3A_2182, %multiple_of3A] : memref<64x1000000xf32, #tpu.memory_space<hbm>> -> memref<64x128xf32, #tpu.memory_space<hbm>>
      %dma_start3A_2184 = tpu.memref_slice %arg13[%rem3A_2138] : memref<10x!tpu.dma_semaphore, #tpu.memory_space<semaphore_mem>> -> memref<1x!tpu.dma_semaphore, #tpu.memory_space<semaphore_mem>>
      %dma_start3A_2185 = tpu.memref_squeeze %dma_start3A_2184 : memref<1x!tpu.dma_semaphore, #tpu.memory_space<semaphore_mem>> -> memref<!tpu.dma_semaphore, #tpu.memory_space<semaphore_mem>>
      %dma_start3A_2186 = arith.constant 0 : i32
      %dma_start3A_2187 = arith.constant 0 : i32
      %dma_start3A_2188 = tpu.memref_slice %arg11[%rem3A_2138, %dma_start3A_2186, %dma_start3A_2187] : memref<10x64x128xf32, #tpu.memory_space<vmem>> -> memref<1x64x128xf32, #tpu.memory_space<vmem>>
      %dma_start3A_2189 = tpu.memref_squeeze %dma_start3A_2188 : memref<1x64x128xf32, #tpu.memory_space<vmem>> -> memref<64x128xf32, #tpu.memory_space<vmem>>
      %dma_start3A_2190 = arith.constant 0 : i32
      %dma_start3A_2191 = tpu.memref_slice %arg3[%dma_start3A_2190, %multiple_of3A] : memref<64x1000000xf32, #tpu.memory_space<hbm>> -> memref<64x128xf32, #tpu.memory_space<hbm>>
      tpu.enqueue_dma source(%dma_start3A_2191 : memref<64x128xf32, #tpu.memory_space<hbm>>) target(%dma_start3A_2189 : memref<64x128xf32, #tpu.memory_space<vmem>>) target_semaphore(%dma_start3A_2185 : memref<!tpu.dma_semaphore, #tpu.memory_space<semaphore_mem>>)
    } else {
    }
    %gt3A_2096 = arith.constant 3 : i32
    %gt3A_2097 = arith.cmpi sgt, %add3A_2066, %gt3A_2096 : i32
    %convert_element_type3A_2098 = arith.extui %gt3A_2097 : i1 to i32
    %cond3A_2099 = arith.constant 0 : i32
    %cond3A_2100 = arith.cmpi ne, %convert_element_type3A_2098, %cond3A_2099 : i32
    scf.if %cond3A_2100 {
      %rem3A = arith.constant 3 : i32
      %rem3A_2137 = arith.constant 10 : i32
      %rem3A_2138 = arith.remsi %rem3A, %rem3A_2137 : i32
      %jit3A_2139 = arith.constant 3 : i32
      %jit3A_2140 = arith.constant 16 : i32
      %div3A = arith.divsi %jit3A_2139, %jit3A_2140 : i32
      %sign3A = arith.constant 0 : i32
      %sign3A_2141 = arith.cmpi sgt, %jit3A_2139, %sign3A : i32
      %sign3A_2142 = arith.extui %sign3A_2141 : i1 to i32
      %sign3A_2143 = arith.constant 0 : i32
      %sign3A_2144 = arith.cmpi slt, %jit3A_2139, %sign3A_2143 : i32
      %sign3A_2145 = arith.extui %sign3A_2144 : i1 to i32
      %sign3A_2146 = arith.subi %sign3A_2142, %sign3A_2145 : i32
      %sign3A_2147 = arith.constant 0 : i32
      %sign3A_2148 = arith.cmpi sgt, %jit3A_2140, %sign3A_2147 : i32
      %sign3A_2149 = arith.extui %sign3A_2148 : i1 to i32
      %sign3A_2150 = arith.constant 0 : i32
      %sign3A_2151 = arith.cmpi slt, %jit3A_2140, %sign3A_2150 : i32
      %sign3A_2152 = arith.extui %sign3A_2151 : i1 to i32
      %sign3A_2153 = arith.subi %sign3A_2149, %sign3A_2152 : i32
      %ne3A_2154 = arith.cmpi ne, %sign3A_2146, %sign3A_2153 : i32
      %rem3A_2155 = arith.remsi %jit3A_2139, %jit3A_2140 : i32
      %ne3A_2156 = arith.constant 0 : i32
      %ne3A_2157 = arith.cmpi ne, %rem3A_2155, %ne3A_2156 : i32
      %and3A = arith.andi %ne3A_2154, %ne3A_2157 : i1
      %sub3A_2158 = arith.constant 1 : i32
      %sub3A_2159 = arith.subi %div3A, %sub3A_2158 : i32
      %select_n3A_2160 = arith.select %and3A, %sub3A_2159, %div3A : i32
      %mul3A_2161 = arith.constant 16 : i32
      %mul3A_2162 = arith.muli %select_n3A_2160, %mul3A_2161 : i32
      %get3A_2163 = arith.index_cast %mul3A_2162 : i32 to index
      %get3A_2164 = tpu.vector_load %arg9[%get3A_2163] {strides = array<i32>} : memref<528xi32, #tpu.memory_space<vmem>>, vector<16xi32>,
      %rem3A_2165 = arith.constant 3 : i32
      %rem3A_2166 = arith.constant 16 : i32
      %rem3A_2167 = arith.remsi %rem3A_2165, %rem3A_2166 : i32
      %eq3A_2168 = vector.broadcast %rem3A_2167 : i32 to vector<16xi32>
      %eq3A_2169 = arith.cmpi eq, %iota3A, %eq3A_2168 : vector<16xi32>
      %jit3A_2170 = arith.constant 0 : i32
      %broadcast_in_dim3A_2171 = vector.broadcast %jit3A_2170 : i32 to vector<16xi32>
      %select_n3A_2172 = arith.select %eq3A_2169, %get3A_2164, %broadcast_in_dim3A_2171 : vector<16xi1>, vector<16xi32>
      %reduce_sum3A_2173 = arith.constant true
      %reduce_sum3A_2174 = vector.broadcast %reduce_sum3A_2173 : i1 to vector<16xi1>
      %reduce_sum3A_2175 = tpu.scan <sum>, %select_n3A_2172 masked %reduce_sum3A_2174 : vector<16xi32>, vector<16xi1> -> vector<16xi32>
      %reduce_sum3A_2176 = vector.extract %reduce_sum3A_2175[15] : i32 from vector<16xi32>
      %mul3A_2177 = arith.constant 128 : i32
      %mul3A_2178 = arith.muli %reduce_sum3A_2176, %mul3A_2177 : i32
      %multiple_of3A = tpu.assume_multiple %mul3A_2178, 128 : i32
      %dma_start3A = arith.constant 0 : i32
      %dma_start3A_2179 = arith.constant 0 : i32
      %dma_start3A_2180 = tpu.memref_slice %arg11[%rem3A_2138, %dma_start3A, %dma_start3A_2179] : memref<10x64x128xf32, #tpu.memory_space<vmem>> -> memref<1x64x128xf32, #tpu.memory_space<vmem>>
      %dma_start3A_2181 = tpu.memref_squeeze %dma_start3A_2180 : memref<1x64x128xf32, #tpu.memory_space<vmem>> -> memref<64x128xf32, #tpu.memory_space<vmem>>
      %dma_start3A_2182 = arith.constant 0 : i32
      %dma_start3A_2183 = tpu.memref_slice %arg3[%dma_start3A_2182, %multiple_of3A] : memref<64x1000000xf32, #tpu.memory_space<hbm>> -> memref<64x128xf32, #tpu.memory_space<hbm>>
      %dma_start3A_2184 = tpu.memref_slice %arg13[%rem3A_2138] : memref<10x!tpu.dma_semaphore, #tpu.memory_space<semaphore_mem>> -> memref<1x!tpu.dma_semaphore, #tpu.memory_space<semaphore_mem>>
      %dma_start3A_2185 = tpu.memref_squeeze %dma_start3A_2184 : memref<1x!tpu.dma_semaphore, #tpu.memory_space<semaphore_mem>> -> memref<!tpu.dma_semaphore, #tpu.memory_space<semaphore_mem>>
      %dma_start3A_2186 = arith.constant 0 : i32
      %dma_start3A_2187 = arith.constant 0 : i32
      %dma_start3A_2188 = tpu.memref_slice %arg11[%rem3A_2138, %dma_start3A_2186, %dma_start3A_2187] : memref<10x64x128xf32, #tpu.memory_space<vmem>> -> memref<1x64x128xf32, #tpu.memory_space<vmem>>
      %dma_start3A_2189 = tpu.memref_squeeze %dma_start3A_2188 : memref<1x64x128xf32, #tpu.memory_space<vmem>> -> memref<64x128xf32, #tpu.memory_space<vmem>>
      %dma_start3A_2190 = arith.constant 0 : i32
      %dma_start3A_2191 = tpu.memref_slice %arg3[%dma_start3A_2190, %multiple_of3A] : memref<64x1000000xf32, #tpu.memory_space<hbm>> -> memref<64x128xf32, #tpu.memory_space<hbm>>
      tpu.enqueue_dma source(%dma_start3A_2191 : memref<64x128xf32, #tpu.memory_space<hbm>>) target(%dma_start3A_2189 : memref<64x128xf32, #tpu.memory_space<vmem>>) target_semaphore(%dma_start3A_2185 : memref<!tpu.dma_semaphore, #tpu.memory_space<semaphore_mem>>)
    } else {
    }
    %gt3A_2101 = arith.constant 4 : i32
    %gt3A_2102 = arith.cmpi sgt, %add3A_2066, %gt3A_2101 : i32
    %convert_element_type3A_2103 = arith.extui %gt3A_2102 : i1 to i32
    %cond3A_2104 = arith.constant 0 : i32
    %cond3A_2105 = arith.cmpi ne, %convert_element_type3A_2103, %cond3A_2104 : i32
    scf.if %cond3A_2105 {
      %rem3A = arith.constant 4 : i32
      %rem3A_2137 = arith.constant 10 : i32
      %rem3A_2138 = arith.remsi %rem3A, %rem3A_2137 : i32
      %jit3A_2139 = arith.constant 4 : i32
      %jit3A_2140 = arith.constant 16 : i32
      %div3A = arith.divsi %jit3A_2139, %jit3A_2140 : i32
      %sign3A = arith.constant 0 : i32
      %sign3A_2141 = arith.cmpi sgt, %jit3A_2139, %sign3A : i32
      %sign3A_2142 = arith.extui %sign3A_2141 : i1 to i32
      %sign3A_2143 = arith.constant 0 : i32
      %sign3A_2144 = arith.cmpi slt, %jit3A_2139, %sign3A_2143 : i32
      %sign3A_2145 = arith.extui %sign3A_2144 : i1 to i32
      %sign3A_2146 = arith.subi %sign3A_2142, %sign3A_2145 : i32
      %sign3A_2147 = arith.constant 0 : i32
      %sign3A_2148 = arith.cmpi sgt, %jit3A_2140, %sign3A_2147 : i32
      %sign3A_2149 = arith.extui %sign3A_2148 : i1 to i32
      %sign3A_2150 = arith.constant 0 : i32
      %sign3A_2151 = arith.cmpi slt, %jit3A_2140, %sign3A_2150 : i32
      %sign3A_2152 = arith.extui %sign3A_2151 : i1 to i32
      %sign3A_2153 = arith.subi %sign3A_2149, %sign3A_2152 : i32
      %ne3A_2154 = arith.cmpi ne, %sign3A_2146, %sign3A_2153 : i32
      %rem3A_2155 = arith.remsi %jit3A_2139, %jit3A_2140 : i32
      %ne3A_2156 = arith.constant 0 : i32
      %ne3A_2157 = arith.cmpi ne, %rem3A_2155, %ne3A_2156 : i32
      %and3A = arith.andi %ne3A_2154, %ne3A_2157 : i1
      %sub3A_2158 = arith.constant 1 : i32
      %sub3A_2159 = arith.subi %div3A, %sub3A_2158 : i32
      %select_n3A_2160 = arith.select %and3A, %sub3A_2159, %div3A : i32
      %mul3A_2161 = arith.constant 16 : i32
      %mul3A_2162 = arith.muli %select_n3A_2160, %mul3A_2161 : i32
      %get3A_2163 = arith.index_cast %mul3A_2162 : i32 to index
      %get3A_2164 = tpu.vector_load %arg9[%get3A_2163] {strides = array<i32>} : memref<528xi32, #tpu.memory_space<vmem>>, vector<16xi32>,
      %rem3A_2165 = arith.constant 4 : i32
      %rem3A_2166 = arith.constant 16 : i32
      %rem3A_2167 = arith.remsi %rem3A_2165, %rem3A_2166 : i32
      %eq3A_2168 = vector.broadcast %rem3A_2167 : i32 to vector<16xi32>
      %eq3A_2169 = arith.cmpi eq, %iota3A, %eq3A_2168 : vector<16xi32>
      %jit3A_2170 = arith.constant 0 : i32
      %broadcast_in_dim3A_2171 = vector.broadcast %jit3A_2170 : i32 to vector<16xi32>
      %select_n3A_2172 = arith.select %eq3A_2169, %get3A_2164, %broadcast_in_dim3A_2171 : vector<16xi1>, vector<16xi32>
      %reduce_sum3A_2173 = arith.constant true
      %reduce_sum3A_2174 = vector.broadcast %reduce_sum3A_2173 : i1 to vector<16xi1>
      %reduce_sum3A_2175 = tpu.scan <sum>, %select_n3A_2172 masked %reduce_sum3A_2174 : vector<16xi32>, vector<16xi1> -> vector<16xi32>
      %reduce_sum3A_2176 = vector.extract %reduce_sum3A_2175[15] : i32 from vector<16xi32>
      %mul3A_2177 = arith.constant 128 : i32
      %mul3A_2178 = arith.muli %reduce_sum3A_2176, %mul3A_2177 : i32
      %multiple_of3A = tpu.assume_multiple %mul3A_2178, 128 : i32
      %dma_start3A = arith.constant 0 : i32
      %dma_start3A_2179 = arith.constant 0 : i32
      %dma_start3A_2180 = tpu.memref_slice %arg11[%rem3A_2138, %dma_start3A, %dma_start3A_2179] : memref<10x64x128xf32, #tpu.memory_space<vmem>> -> memref<1x64x128xf32, #tpu.memory_space<vmem>>
      %dma_start3A_2181 = tpu.memref_squeeze %dma_start3A_2180 : memref<1x64x128xf32, #tpu.memory_space<vmem>> -> memref<64x128xf32, #tpu.memory_space<vmem>>
      %dma_start3A_2182 = arith.constant 0 : i32
      %dma_start3A_2183 = tpu.memref_slice %arg3[%dma_start3A_2182, %multiple_of3A] : memref<64x1000000xf32, #tpu.memory_space<hbm>> -> memref<64x128xf32, #tpu.memory_space<hbm>>
      %dma_start3A_2184 = tpu.memref_slice %arg13[%rem3A_2138] : memref<10x!tpu.dma_semaphore, #tpu.memory_space<semaphore_mem>> -> memref<1x!tpu.dma_semaphore, #tpu.memory_space<semaphore_mem>>
      %dma_start3A_2185 = tpu.memref_squeeze %dma_start3A_2184 : memref<1x!tpu.dma_semaphore, #tpu.memory_space<semaphore_mem>> -> memref<!tpu.dma_semaphore, #tpu.memory_space<semaphore_mem>>
      %dma_start3A_2186 = arith.constant 0 : i32
      %dma_start3A_2187 = arith.constant 0 : i32
      %dma_start3A_2188 = tpu.memref_slice %arg11[%rem3A_2138, %dma_start3A_2186, %dma_start3A_2187] : memref<10x64x128xf32, #tpu.memory_space<vmem>> -> memref<1x64x128xf32, #tpu.memory_space<vmem>>
      %dma_start3A_2189 = tpu.memref_squeeze %dma_start3A_2188 : memref<1x64x128xf32, #tpu.memory_space<vmem>> -> memref<64x128xf32, #tpu.memory_space<vmem>>
      %dma_start3A_2190 = arith.constant 0 : i32
      %dma_start3A_2191 = tpu.memref_slice %arg3[%dma_start3A_2190, %multiple_of3A] : memref<64x1000000xf32, #tpu.memory_space<hbm>> -> memref<64x128xf32, #tpu.memory_space<hbm>>
      tpu.enqueue_dma source(%dma_start3A_2191 : memref<64x128xf32, #tpu.memory_space<hbm>>) target(%dma_start3A_2189 : memref<64x128xf32, #tpu.memory_space<vmem>>) target_semaphore(%dma_start3A_2185 : memref<!tpu.dma_semaphore, #tpu.memory_space<semaphore_mem>>)
    } else {
    }
    %gt3A_2106 = arith.constant 5 : i32
    %gt3A_2107 = arith.cmpi sgt, %add3A_2066, %gt3A_2106 : i32
    %convert_element_type3A_2108 = arith.extui %gt3A_2107 : i1 to i32
    %cond3A_2109 = arith.constant 0 : i32
    %cond3A_2110 = arith.cmpi ne, %convert_element_type3A_2108, %cond3A_2109 : i32
    scf.if %cond3A_2110 {
      %rem3A = arith.constant 5 : i32
      %rem3A_2137 = arith.constant 10 : i32
      %rem3A_2138 = arith.remsi %rem3A, %rem3A_2137 : i32
      %jit3A_2139 = arith.constant 5 : i32
      %jit3A_2140 = arith.constant 16 : i32
      %div3A = arith.divsi %jit3A_2139, %jit3A_2140 : i32
      %sign3A = arith.constant 0 : i32
      %sign3A_2141 = arith.cmpi sgt, %jit3A_2139, %sign3A : i32
      %sign3A_2142 = arith.extui %sign3A_2141 : i1 to i32
      %sign3A_2143 = arith.constant 0 : i32
      %sign3A_2144 = arith.cmpi slt, %jit3A_2139, %sign3A_2143 : i32
      %sign3A_2145 = arith.extui %sign3A_2144 : i1 to i32
      %sign3A_2146 = arith.subi %sign3A_2142, %sign3A_2145 : i32
      %sign3A_2147 = arith.constant 0 : i32
      %sign3A_2148 = arith.cmpi sgt, %jit3A_2140, %sign3A_2147 : i32
      %sign3A_2149 = arith.extui %sign3A_2148 : i1 to i32
      %sign3A_2150 = arith.constant 0 : i32
      %sign3A_2151 = arith.cmpi slt, %jit3A_2140, %sign3A_2150 : i32
      %sign3A_2152 = arith.extui %sign3A_2151 : i1 to i32
      %sign3A_2153 = arith.subi %sign3A_2149, %sign3A_2152 : i32
      %ne3A_2154 = arith.cmpi ne, %sign3A_2146, %sign3A_2153 : i32
      %rem3A_2155 = arith.remsi %jit3A_2139, %jit3A_2140 : i32
      %ne3A_2156 = arith.constant 0 : i32
      %ne3A_2157 = arith.cmpi ne, %rem3A_2155, %ne3A_2156 : i32
      %and3A = arith.andi %ne3A_2154, %ne3A_2157 : i1
      %sub3A_2158 = arith.constant 1 : i32
      %sub3A_2159 = arith.subi %div3A, %sub3A_2158 : i32
      %select_n3A_2160 = arith.select %and3A, %sub3A_2159, %div3A : i32
      %mul3A_2161 = arith.constant 16 : i32
      %mul3A_2162 = arith.muli %select_n3A_2160, %mul3A_2161 : i32
      %get3A_2163 = arith.index_cast %mul3A_2162 : i32 to index
      %get3A_2164 = tpu.vector_load %arg9[%get3A_2163] {strides = array<i32>} : memref<528xi32, #tpu.memory_space<vmem>>, vector<16xi32>,
      %rem3A_2165 = arith.constant 5 : i32
      %rem3A_2166 = arith.constant 16 : i32
      %rem3A_2167 = arith.remsi %rem3A_2165, %rem3A_2166 : i32
      %eq3A_2168 = vector.broadcast %rem3A_2167 : i32 to vector<16xi32>
      %eq3A_2169 = arith.cmpi eq, %iota3A, %eq3A_2168 : vector<16xi32>
      %jit3A_2170 = arith.constant 0 : i32
      %broadcast_in_dim3A_2171 = vector.broadcast %jit3A_2170 : i32 to vector<16xi32>
      %select_n3A_2172 = arith.select %eq3A_2169, %get3A_2164, %broadcast_in_dim3A_2171 : vector<16xi1>, vector<16xi32>
      %reduce_sum3A_2173 = arith.constant true
      %reduce_sum3A_2174 = vector.broadcast %reduce_sum3A_2173 : i1 to vector<16xi1>
      %reduce_sum3A_2175 = tpu.scan <sum>, %select_n3A_2172 masked %reduce_sum3A_2174 : vector<16xi32>, vector<16xi1> -> vector<16xi32>
      %reduce_sum3A_2176 = vector.extract %reduce_sum3A_2175[15] : i32 from vector<16xi32>
      %mul3A_2177 = arith.constant 128 : i32
      %mul3A_2178 = arith.muli %reduce_sum3A_2176, %mul3A_2177 : i32
      %multiple_of3A = tpu.assume_multiple %mul3A_2178, 128 : i32
      %dma_start3A = arith.constant 0 : i32
      %dma_start3A_2179 = arith.constant 0 : i32
      %dma_start3A_2180 = tpu.memref_slice %arg11[%rem3A_2138, %dma_start3A, %dma_start3A_2179] : memref<10x64x128xf32, #tpu.memory_space<vmem>> -> memref<1x64x128xf32, #tpu.memory_space<vmem>>
      %dma_start3A_2181 = tpu.memref_squeeze %dma_start3A_2180 : memref<1x64x128xf32, #tpu.memory_space<vmem>> -> memref<64x128xf32, #tpu.memory_space<vmem>>
      %dma_start3A_2182 = arith.constant 0 : i32
      %dma_start3A_2183 = tpu.memref_slice %arg3[%dma_start3A_2182, %multiple_of3A] : memref<64x1000000xf32, #tpu.memory_space<hbm>> -> memref<64x128xf32, #tpu.memory_space<hbm>>
      %dma_start3A_2184 = tpu.memref_slice %arg13[%rem3A_2138] : memref<10x!tpu.dma_semaphore, #tpu.memory_space<semaphore_mem>> -> memref<1x!tpu.dma_semaphore, #tpu.memory_space<semaphore_mem>>
      %dma_start3A_2185 = tpu.memref_squeeze %dma_start3A_2184 : memref<1x!tpu.dma_semaphore, #tpu.memory_space<semaphore_mem>> -> memref<!tpu.dma_semaphore, #tpu.memory_space<semaphore_mem>>
      %dma_start3A_2186 = arith.constant 0 : i32
      %dma_start3A_2187 = arith.constant 0 : i32
      %dma_start3A_2188 = tpu.memref_slice %arg11[%rem3A_2138, %dma_start3A_2186, %dma_start3A_2187] : memref<10x64x128xf32, #tpu.memory_space<vmem>> -> memref<1x64x128xf32, #tpu.memory_space<vmem>>
      %dma_start3A_2189 = tpu.memref_squeeze %dma_start3A_2188 : memref<1x64x128xf32, #tpu.memory_space<vmem>> -> memref<64x128xf32, #tpu.memory_space<vmem>>
      %dma_start3A_2190 = arith.constant 0 : i32
      %dma_start3A_2191 = tpu.memref_slice %arg3[%dma_start3A_2190, %multiple_of3A] : memref<64x1000000xf32, #tpu.memory_space<hbm>> -> memref<64x128xf32, #tpu.memory_space<hbm>>
      tpu.enqueue_dma source(%dma_start3A_2191 : memref<64x128xf32, #tpu.memory_space<hbm>>) target(%dma_start3A_2189 : memref<64x128xf32, #tpu.memory_space<vmem>>) target_semaphore(%dma_start3A_2185 : memref<!tpu.dma_semaphore, #tpu.memory_space<semaphore_mem>>)
    } else {
    }
    %gt3A_2111 = arith.constant 6 : i32
    %gt3A_2112 = arith.cmpi sgt, %add3A_2066, %gt3A_2111 : i32
    %convert_element_type3A_2113 = arith.extui %gt3A_2112 : i1 to i32
    %cond3A_2114 = arith.constant 0 : i32
    %cond3A_2115 = arith.cmpi ne, %convert_element_type3A_2113, %cond3A_2114 : i32
    scf.if %cond3A_2115 {
      %rem3A = arith.constant 6 : i32
      %rem3A_2137 = arith.constant 10 : i32
      %rem3A_2138 = arith.remsi %rem3A, %rem3A_2137 : i32
      %jit3A_2139 = arith.constant 6 : i32
      %jit3A_2140 = arith.constant 16 : i32
      %div3A = arith.divsi %jit3A_2139, %jit3A_2140 : i32
      %sign3A = arith.constant 0 : i32
      %sign3A_2141 = arith.cmpi sgt, %jit3A_2139, %sign3A : i32
      %sign3A_2142 = arith.extui %sign3A_2141 : i1 to i32
      %sign3A_2143 = arith.constant 0 : i32
      %sign3A_2144 = arith.cmpi slt, %jit3A_2139, %sign3A_2143 : i32
      %sign3A_2145 = arith.extui %sign3A_2144 : i1 to i32
      %sign3A_2146 = arith.subi %sign3A_2142, %sign3A_2145 : i32
      %sign3A_2147 = arith.constant 0 : i32
      %sign3A_2148 = arith.cmpi sgt, %jit3A_2140, %sign3A_2147 : i32
      %sign3A_2149 = arith.extui %sign3A_2148 : i1 to i32
      %sign3A_2150 = arith.constant 0 : i32
      %sign3A_2151 = arith.cmpi slt, %jit3A_2140, %sign3A_2150 : i32
      %sign3A_2152 = arith.extui %sign3A_2151 : i1 to i32
      %sign3A_2153 = arith.subi %sign3A_2149, %sign3A_2152 : i32
      %ne3A_2154 = arith.cmpi ne, %sign3A_2146, %sign3A_2153 : i32
      %rem3A_2155 = arith.remsi %jit3A_2139, %jit3A_2140 : i32
      %ne3A_2156 = arith.constant 0 : i32
      %ne3A_2157 = arith.cmpi ne, %rem3A_2155, %ne3A_2156 : i32
      %and3A = arith.andi %ne3A_2154, %ne3A_2157 : i1
      %sub3A_2158 = arith.constant 1 : i32
      %sub3A_2159 = arith.subi %div3A, %sub3A_2158 : i32
      %select_n3A_2160 = arith.select %and3A, %sub3A_2159, %div3A : i32
      %mul3A_2161 = arith.constant 16 : i32
      %mul3A_2162 = arith.muli %select_n3A_2160, %mul3A_2161 : i32
      %get3A_2163 = arith.index_cast %mul3A_2162 : i32 to index
      %get3A_2164 = tpu.vector_load %arg9[%get3A_2163] {strides = array<i32>} : memref<528xi32, #tpu.memory_space<vmem>>, vector<16xi32>,
      %rem3A_2165 = arith.constant 6 : i32
      %rem3A_2166 = arith.constant 16 : i32
      %rem3A_2167 = arith.remsi %rem3A_2165, %rem3A_2166 : i32
      %eq3A_2168 = vector.broadcast %rem3A_2167 : i32 to vector<16xi32>
      %eq3A_2169 = arith.cmpi eq, %iota3A, %eq3A_2168 : vector<16xi32>
      %jit3A_2170 = arith.constant 0 : i32
      %broadcast_in_dim3A_2171 = vector.broadcast %jit3A_2170 : i32 to vector<16xi32>
      %select_n3A_2172 = arith.select %eq3A_2169, %get3A_2164, %broadcast_in_dim3A_2171 : vector<16xi1>, vector<16xi32>
      %reduce_sum3A_2173 = arith.constant true
      %reduce_sum3A_2174 = vector.broadcast %reduce_sum3A_2173 : i1 to vector<16xi1>
      %reduce_sum3A_2175 = tpu.scan <sum>, %select_n3A_2172 masked %reduce_sum3A_2174 : vector<16xi32>, vector<16xi1> -> vector<16xi32>
      %reduce_sum3A_2176 = vector.extract %reduce_sum3A_2175[15] : i32 from vector<16xi32>
      %mul3A_2177 = arith.constant 128 : i32
      %mul3A_2178 = arith.muli %reduce_sum3A_2176, %mul3A_2177 : i32
      %multiple_of3A = tpu.assume_multiple %mul3A_2178, 128 : i32
      %dma_start3A = arith.constant 0 : i32
      %dma_start3A_2179 = arith.constant 0 : i32
      %dma_start3A_2180 = tpu.memref_slice %arg11[%rem3A_2138, %dma_start3A, %dma_start3A_2179] : memref<10x64x128xf32, #tpu.memory_space<vmem>> -> memref<1x64x128xf32, #tpu.memory_space<vmem>>
      %dma_start3A_2181 = tpu.memref_squeeze %dma_start3A_2180 : memref<1x64x128xf32, #tpu.memory_space<vmem>> -> memref<64x128xf32, #tpu.memory_space<vmem>>
      %dma_start3A_2182 = arith.constant 0 : i32
      %dma_start3A_2183 = tpu.memref_slice %arg3[%dma_start3A_2182, %multiple_of3A] : memref<64x1000000xf32, #tpu.memory_space<hbm>> -> memref<64x128xf32, #tpu.memory_space<hbm>>
      %dma_start3A_2184 = tpu.memref_slice %arg13[%rem3A_2138] : memref<10x!tpu.dma_semaphore, #tpu.memory_space<semaphore_mem>> -> memref<1x!tpu.dma_semaphore, #tpu.memory_space<semaphore_mem>>
      %dma_start3A_2185 = tpu.memref_squeeze %dma_start3A_2184 : memref<1x!tpu.dma_semaphore, #tpu.memory_space<semaphore_mem>> -> memref<!tpu.dma_semaphore, #tpu.memory_space<semaphore_mem>>
      %dma_start3A_2186 = arith.constant 0 : i32
      %dma_start3A_2187 = arith.constant 0 : i32
      %dma_start3A_2188 = tpu.memref_slice %arg11[%rem3A_2138, %dma_start3A_2186, %dma_start3A_2187] : memref<10x64x128xf32, #tpu.memory_space<vmem>> -> memref<1x64x128xf32, #tpu.memory_space<vmem>>
      %dma_start3A_2189 = tpu.memref_squeeze %dma_start3A_2188 : memref<1x64x128xf32, #tpu.memory_space<vmem>> -> memref<64x128xf32, #tpu.memory_space<vmem>>
      %dma_start3A_2190 = arith.constant 0 : i32
      %dma_start3A_2191 = tpu.memref_slice %arg3[%dma_start3A_2190, %multiple_of3A] : memref<64x1000000xf32, #tpu.memory_space<hbm>> -> memref<64x128xf32, #tpu.memory_space<hbm>>
      tpu.enqueue_dma source(%dma_start3A_2191 : memref<64x128xf32, #tpu.memory_space<hbm>>) target(%dma_start3A_2189 : memref<64x128xf32, #tpu.memory_space<vmem>>) target_semaphore(%dma_start3A_2185 : memref<!tpu.dma_semaphore, #tpu.memory_space<semaphore_mem>>)
    } else {
    }
    %gt3A_2116 = arith.constant 7 : i32
    %gt3A_2117 = arith.cmpi sgt, %add3A_2066, %gt3A_2116 : i32
    %convert_element_type3A_2118 = arith.extui %gt3A_2117 : i1 to i32
    %cond3A_2119 = arith.constant 0 : i32
    %cond3A_2120 = arith.cmpi ne, %convert_element_type3A_2118, %cond3A_2119 : i32
    scf.if %cond3A_2120 {
      %rem3A = arith.constant 7 : i32
      %rem3A_2137 = arith.constant 10 : i32
      %rem3A_2138 = arith.remsi %rem3A, %rem3A_2137 : i32
      %jit3A_2139 = arith.constant 7 : i32
      %jit3A_2140 = arith.constant 16 : i32
      %div3A = arith.divsi %jit3A_2139, %jit3A_2140 : i32
      %sign3A = arith.constant 0 : i32
      %sign3A_2141 = arith.cmpi sgt, %jit3A_2139, %sign3A : i32
      %sign3A_2142 = arith.extui %sign3A_2141 : i1 to i32
      %sign3A_2143 = arith.constant 0 : i32
      %sign3A_2144 = arith.cmpi slt, %jit3A_2139, %sign3A_2143 : i32
      %sign3A_2145 = arith.extui %sign3A_2144 : i1 to i32
      %sign3A_2146 = arith.subi %sign3A_2142, %sign3A_2145 : i32
      %sign3A_2147 = arith.constant 0 : i32
      %sign3A_2148 = arith.cmpi sgt, %jit3A_2140, %sign3A_2147 : i32
      %sign3A_2149 = arith.extui %sign3A_2148 : i1 to i32
      %sign3A_2150 = arith.constant 0 : i32
      %sign3A_2151 = arith.cmpi slt, %jit3A_2140, %sign3A_2150 : i32
      %sign3A_2152 = arith.extui %sign3A_2151 : i1 to i32
      %sign3A_2153 = arith.subi %sign3A_2149, %sign3A_2152 : i32
      %ne3A_2154 = arith.cmpi ne, %sign3A_2146, %sign3A_2153 : i32
      %rem3A_2155 = arith.remsi %jit3A_2139, %jit3A_2140 : i32
      %ne3A_2156 = arith.constant 0 : i32
      %ne3A_2157 = arith.cmpi ne, %rem3A_2155, %ne3A_2156 : i32
      %and3A = arith.andi %ne3A_2154, %ne3A_2157 : i1
      %sub3A_2158 = arith.constant 1 : i32
      %sub3A_2159 = arith.subi %div3A, %sub3A_2158 : i32
      %select_n3A_2160 = arith.select %and3A, %sub3A_2159, %div3A : i32
      %mul3A_2161 = arith.constant 16 : i32
      %mul3A_2162 = arith.muli %select_n3A_2160, %mul3A_2161 : i32
      %get3A_2163 = arith.index_cast %mul3A_2162 : i32 to index
      %get3A_2164 = tpu.vector_load %arg9[%get3A_2163] {strides = array<i32>} : memref<528xi32, #tpu.memory_space<vmem>>, vector<16xi32>,
      %rem3A_2165 = arith.constant 7 : i32
      %rem3A_2166 = arith.constant 16 : i32
      %rem3A_2167 = arith.remsi %rem3A_2165, %rem3A_2166 : i32
      %eq3A_2168 = vector.broadcast %rem3A_2167 : i32 to vector<16xi32>
      %eq3A_2169 = arith.cmpi eq, %iota3A, %eq3A_2168 : vector<16xi32>
      %jit3A_2170 = arith.constant 0 : i32
      %broadcast_in_dim3A_2171 = vector.broadcast %jit3A_2170 : i32 to vector<16xi32>
      %select_n3A_2172 = arith.select %eq3A_2169, %get3A_2164, %broadcast_in_dim3A_2171 : vector<16xi1>, vector<16xi32>
      %reduce_sum3A_2173 = arith.constant true
      %reduce_sum3A_2174 = vector.broadcast %reduce_sum3A_2173 : i1 to vector<16xi1>
      %reduce_sum3A_2175 = tpu.scan <sum>, %select_n3A_2172 masked %reduce_sum3A_2174 : vector<16xi32>, vector<16xi1> -> vector<16xi32>
      %reduce_sum3A_2176 = vector.extract %reduce_sum3A_2175[15] : i32 from vector<16xi32>
      %mul3A_2177 = arith.constant 128 : i32
      %mul3A_2178 = arith.muli %reduce_sum3A_2176, %mul3A_2177 : i32
      %multiple_of3A = tpu.assume_multiple %mul3A_2178, 128 : i32
      %dma_start3A = arith.constant 0 : i32
      %dma_start3A_2179 = arith.constant 0 : i32
      %dma_start3A_2180 = tpu.memref_slice %arg11[%rem3A_2138, %dma_start3A, %dma_start3A_2179] : memref<10x64x128xf32, #tpu.memory_space<vmem>> -> memref<1x64x128xf32, #tpu.memory_space<vmem>>
      %dma_start3A_2181 = tpu.memref_squeeze %dma_start3A_2180 : memref<1x64x128xf32, #tpu.memory_space<vmem>> -> memref<64x128xf32, #tpu.memory_space<vmem>>
      %dma_start3A_2182 = arith.constant 0 : i32
      %dma_start3A_2183 = tpu.memref_slice %arg3[%dma_start3A_2182, %multiple_of3A] : memref<64x1000000xf32, #tpu.memory_space<hbm>> -> memref<64x128xf32, #tpu.memory_space<hbm>>
      %dma_start3A_2184 = tpu.memref_slice %arg13[%rem3A_2138] : memref<10x!tpu.dma_semaphore, #tpu.memory_space<semaphore_mem>> -> memref<1x!tpu.dma_semaphore, #tpu.memory_space<semaphore_mem>>
      %dma_start3A_2185 = tpu.memref_squeeze %dma_start3A_2184 : memref<1x!tpu.dma_semaphore, #tpu.memory_space<semaphore_mem>> -> memref<!tpu.dma_semaphore, #tpu.memory_space<semaphore_mem>>
      %dma_start3A_2186 = arith.constant 0 : i32
      %dma_start3A_2187 = arith.constant 0 : i32
      %dma_start3A_2188 = tpu.memref_slice %arg11[%rem3A_2138, %dma_start3A_2186, %dma_start3A_2187] : memref<10x64x128xf32, #tpu.memory_space<vmem>> -> memref<1x64x128xf32, #tpu.memory_space<vmem>>
      %dma_start3A_2189 = tpu.memref_squeeze %dma_start3A_2188 : memref<1x64x128xf32, #tpu.memory_space<vmem>> -> memref<64x128xf32, #tpu.memory_space<vmem>>
      %dma_start3A_2190 = arith.constant 0 : i32
      %dma_start3A_2191 = tpu.memref_slice %arg3[%dma_start3A_2190, %multiple_of3A] : memref<64x1000000xf32, #tpu.memory_space<hbm>> -> memref<64x128xf32, #tpu.memory_space<hbm>>
      tpu.enqueue_dma source(%dma_start3A_2191 : memref<64x128xf32, #tpu.memory_space<hbm>>) target(%dma_start3A_2189 : memref<64x128xf32, #tpu.memory_space<vmem>>) target_semaphore(%dma_start3A_2185 : memref<!tpu.dma_semaphore, #tpu.memory_space<semaphore_mem>>)
    } else {
    }
    %gt3A_2121 = arith.constant 8 : i32
    %gt3A_2122 = arith.cmpi sgt, %add3A_2066, %gt3A_2121 : i32
    %convert_element_type3A_2123 = arith.extui %gt3A_2122 : i1 to i32
    %cond3A_2124 = arith.constant 0 : i32
    %cond3A_2125 = arith.cmpi ne, %convert_element_type3A_2123, %cond3A_2124 : i32
    scf.if %cond3A_2125 {
      %rem3A = arith.constant 8 : i32
      %rem3A_2137 = arith.constant 10 : i32
      %rem3A_2138 = arith.remsi %rem3A, %rem3A_2137 : i32
      %jit3A_2139 = arith.constant 8 : i32
      %jit3A_2140 = arith.constant 16 : i32
      %div3A = arith.divsi %jit3A_2139, %jit3A_2140 : i32
      %sign3A = arith.constant 0 : i32
      %sign3A_2141 = arith.cmpi sgt, %jit3A_2139, %sign3A : i32
      %sign3A_2142 = arith.extui %sign3A_2141 : i1 to i32
      %sign3A_2143 = arith.constant 0 : i32
      %sign3A_2144 = arith.cmpi slt, %jit3A_2139, %sign3A_2143 : i32
      %sign3A_2145 = arith.extui %sign3A_2144 : i1 to i32
      %sign3A_2146 = arith.subi %sign3A_2142, %sign3A_2145 : i32
      %sign3A_2147 = arith.constant 0 : i32
      %sign3A_2148 = arith.cmpi sgt, %jit3A_2140, %sign3A_2147 : i32
      %sign3A_2149 = arith.extui %sign3A_2148 : i1 to i32
      %sign3A_2150 = arith.constant 0 : i32
      %sign3A_2151 = arith.cmpi slt, %jit3A_2140, %sign3A_2150 : i32
      %sign3A_2152 = arith.extui %sign3A_2151 : i1 to i32
      %sign3A_2153 = arith.subi %sign3A_2149, %sign3A_2152 : i32
      %ne3A_2154 = arith.cmpi ne, %sign3A_2146, %sign3A_2153 : i32
      %rem3A_2155 = arith.remsi %jit3A_2139, %jit3A_2140 : i32
      %ne3A_2156 = arith.constant 0 : i32
      %ne3A_2157 = arith.cmpi ne, %rem3A_2155, %ne3A_2156 : i32
      %and3A = arith.andi %ne3A_2154, %ne3A_2157 : i1
      %sub3A_2158 = arith.constant 1 : i32
      %sub3A_2159 = arith.subi %div3A, %sub3A_2158 : i32
      %select_n3A_2160 = arith.select %and3A, %sub3A_2159, %div3A : i32
      %mul3A_2161 = arith.constant 16 : i32
      %mul3A_2162 = arith.muli %select_n3A_2160, %mul3A_2161 : i32
      %get3A_2163 = arith.index_cast %mul3A_2162 : i32 to index
      %get3A_2164 = tpu.vector_load %arg9[%get3A_2163] {strides = array<i32>} : memref<528xi32, #tpu.memory_space<vmem>>, vector<16xi32>,
      %rem3A_2165 = arith.constant 8 : i32
      %rem3A_2166 = arith.constant 16 : i32
      %rem3A_2167 = arith.remsi %rem3A_2165, %rem3A_2166 : i32
      %eq3A_2168 = vector.broadcast %rem3A_2167 : i32 to vector<16xi32>
      %eq3A_2169 = arith.cmpi eq, %iota3A, %eq3A_2168 : vector<16xi32>
      %jit3A_2170 = arith.constant 0 : i32
      %broadcast_in_dim3A_2171 = vector.broadcast %jit3A_2170 : i32 to vector<16xi32>
      %select_n3A_2172 = arith.select %eq3A_2169, %get3A_2164, %broadcast_in_dim3A_2171 : vector<16xi1>, vector<16xi32>
      %reduce_sum3A_2173 = arith.constant true
      %reduce_sum3A_2174 = vector.broadcast %reduce_sum3A_2173 : i1 to vector<16xi1>
      %reduce_sum3A_2175 = tpu.scan <sum>, %select_n3A_2172 masked %reduce_sum3A_2174 : vector<16xi32>, vector<16xi1> -> vector<16xi32>
      %reduce_sum3A_2176 = vector.extract %reduce_sum3A_2175[15] : i32 from vector<16xi32>
      %mul3A_2177 = arith.constant 128 : i32
      %mul3A_2178 = arith.muli %reduce_sum3A_2176, %mul3A_2177 : i32
      %multiple_of3A = tpu.assume_multiple %mul3A_2178, 128 : i32
      %dma_start3A = arith.constant 0 : i32
      %dma_start3A_2179 = arith.constant 0 : i32
      %dma_start3A_2180 = tpu.memref_slice %arg11[%rem3A_2138, %dma_start3A, %dma_start3A_2179] : memref<10x64x128xf32, #tpu.memory_space<vmem>> -> memref<1x64x128xf32, #tpu.memory_space<vmem>>
      %dma_start3A_2181 = tpu.memref_squeeze %dma_start3A_2180 : memref<1x64x128xf32, #tpu.memory_space<vmem>> -> memref<64x128xf32, #tpu.memory_space<vmem>>
      %dma_start3A_2182 = arith.constant 0 : i32
      %dma_start3A_2183 = tpu.memref_slice %arg3[%dma_start3A_2182, %multiple_of3A] : memref<64x1000000xf32, #tpu.memory_space<hbm>> -> memref<64x128xf32, #tpu.memory_space<hbm>>
      %dma_start3A_2184 = tpu.memref_slice %arg13[%rem3A_2138] : memref<10x!tpu.dma_semaphore, #tpu.memory_space<semaphore_mem>> -> memref<1x!tpu.dma_semaphore, #tpu.memory_space<semaphore_mem>>
      %dma_start3A_2185 = tpu.memref_squeeze %dma_start3A_2184 : memref<1x!tpu.dma_semaphore, #tpu.memory_space<semaphore_mem>> -> memref<!tpu.dma_semaphore, #tpu.memory_space<semaphore_mem>>
      %dma_start3A_2186 = arith.constant 0 : i32
      %dma_start3A_2187 = arith.constant 0 : i32
      %dma_start3A_2188 = tpu.memref_slice %arg11[%rem3A_2138, %dma_start3A_2186, %dma_start3A_2187] : memref<10x64x128xf32, #tpu.memory_space<vmem>> -> memref<1x64x128xf32, #tpu.memory_space<vmem>>
      %dma_start3A_2189 = tpu.memref_squeeze %dma_start3A_2188 : memref<1x64x128xf32, #tpu.memory_space<vmem>> -> memref<64x128xf32, #tpu.memory_space<vmem>>
      %dma_start3A_2190 = arith.constant 0 : i32
      %dma_start3A_2191 = tpu.memref_slice %arg3[%dma_start3A_2190, %multiple_of3A] : memref<64x1000000xf32, #tpu.memory_space<hbm>> -> memref<64x128xf32, #tpu.memory_space<hbm>>
      tpu.enqueue_dma source(%dma_start3A_2191 : memref<64x128xf32, #tpu.memory_space<hbm>>) target(%dma_start3A_2189 : memref<64x128xf32, #tpu.memory_space<vmem>>) target_semaphore(%dma_start3A_2185 : memref<!tpu.dma_semaphore, #tpu.memory_space<semaphore_mem>>)
    } else {
    }
    %while3A = arith.constant 0 : i32
    %while3A_2126 = arith.constant 0 : i32
    %while3A_2127 = arith.subi %add3A_2066, %while3A : i32
    %while3A_2128 = arith.addi %while3A, %while3A_2127 : i32
    %while3A_2129 = arith.constant 1 : i32
    %while3A_2130 = arith.divsi %while3A_2127, %while3A_2129 : i32
    %while3A_2131 = arith.muli %while3A_2130, %while3A_2129 : i32
    %while3A_2132 = arith.addi %while3A, %while3A_2131 : i32
    %while3A_2133 = arith.constant 1 : i32
    %while3A_2134 = scf.for %while3A_2137 = %while3A to %while3A_2132 step %while3A_2133 iter_args(%while3A_2138 = %while3A_2126) -> (i32)  : i32 {
      %rem3A = arith.constant 10 : i32
      %rem3A_2139 = arith.remsi %while3A_2137, %rem3A : i32
      %add3A_2140 = arith.constant 9 : i32
      %add3A_2141 = arith.addi %while3A_2137, %add3A_2140 : i32
      %lt3A = arith.cmpi slt, %add3A_2141, %add3A_2066 : i32
      %convert_element_type3A_2142 = arith.extui %lt3A : i1 to i32
      %cond3A_2143 = arith.constant 0 : i32
      %cond3A_2144 = arith.cmpi ne, %convert_element_type3A_2142, %cond3A_2143 : i32
      scf.if %cond3A_2144 {
        %add3A_2249 = arith.constant 9 : i32
        %add3A_2250 = arith.addi %while3A_2137, %add3A_2249 : i32
        %rem3A_2251 = arith.constant 10 : i32
        %rem3A_2252 = arith.remsi %add3A_2250, %rem3A_2251 : i32
        %jit3A_2253 = arith.constant 16 : i32
        %div3A_2254 = arith.divsi %add3A_2250, %jit3A_2253 : i32
        %sign3A_2255 = arith.constant 0 : i32
        %sign3A_2256 = arith.cmpi sgt, %add3A_2250, %sign3A_2255 : i32
        %sign3A_2257 = arith.extui %sign3A_2256 : i1 to i32
        %sign3A_2258 = arith.constant 0 : i32
        %sign3A_2259 = arith.cmpi slt, %add3A_2250, %sign3A_2258 : i32
        %sign3A_2260 = arith.extui %sign3A_2259 : i1 to i32
        %sign3A_2261 = arith.subi %sign3A_2257, %sign3A_2260 : i32
        %sign3A_2262 = arith.constant 0 : i32
        %sign3A_2263 = arith.cmpi sgt, %jit3A_2253, %sign3A_2262 : i32
        %sign3A_2264 = arith.extui %sign3A_2263 : i1 to i32
        %sign3A_2265 = arith.constant 0 : i32
        %sign3A_2266 = arith.cmpi slt, %jit3A_2253, %sign3A_2265 : i32
        %sign3A_2267 = arith.extui %sign3A_2266 : i1 to i32
        %sign3A_2268 = arith.subi %sign3A_2264, %sign3A_2267 : i32
        %ne3A_2269 = arith.cmpi ne, %sign3A_2261, %sign3A_2268 : i32
        %rem3A_2270 = arith.remsi %add3A_2250, %jit3A_2253 : i32
        %ne3A_2271 = arith.constant 0 : i32
        %ne3A_2272 = arith.cmpi ne, %rem3A_2270, %ne3A_2271 : i32
        %and3A_2273 = arith.andi %ne3A_2269, %ne3A_2272 : i1
        %sub3A_2274 = arith.constant 1 : i32
        %sub3A_2275 = arith.subi %div3A_2254, %sub3A_2274 : i32
        %select_n3A_2276 = arith.select %and3A_2273, %sub3A_2275, %div3A_2254 : i32
        %mul3A_2277 = arith.constant 16 : i32
        %mul3A_2278 = arith.muli %select_n3A_2276, %mul3A_2277 : i32
        %get3A_2279 = arith.index_cast %mul3A_2278 : i32 to index
        %get3A_2280 = tpu.vector_load %arg9[%get3A_2279] {strides = array<i32>} : memref<528xi32, #tpu.memory_space<vmem>>, vector<16xi32>,
        %rem3A_2281 = arith.constant 16 : i32
        %rem3A_2282 = arith.remsi %add3A_2250, %rem3A_2281 : i32
        %eq3A_2283 = vector.broadcast %rem3A_2282 : i32 to vector<16xi32>
        %eq3A_2284 = arith.cmpi eq, %iota3A, %eq3A_2283 : vector<16xi32>
        %jit3A_2285 = arith.constant 0 : i32
        %broadcast_in_dim3A_2286 = vector.broadcast %jit3A_2285 : i32 to vector<16xi32>
        %select_n3A_2287 = arith.select %eq3A_2284, %get3A_2280, %broadcast_in_dim3A_2286 : vector<16xi1>, vector<16xi32>
        %reduce_sum3A_2288 = arith.constant true
        %reduce_sum3A_2289 = vector.broadcast %reduce_sum3A_2288 : i1 to vector<16xi1>
        %reduce_sum3A_2290 = tpu.scan <sum>, %select_n3A_2287 masked %reduce_sum3A_2289 : vector<16xi32>, vector<16xi1> -> vector<16xi32>
        %reduce_sum3A_2291 = vector.extract %reduce_sum3A_2290[15] : i32 from vector<16xi32>
        %mul3A_2292 = arith.constant 128 : i32
        %mul3A_2293 = arith.muli %reduce_sum3A_2291, %mul3A_2292 : i32
        %multiple_of3A = tpu.assume_multiple %mul3A_2293, 128 : i32
        %dma_start3A = arith.constant 0 : i32
        %dma_start3A_2294 = arith.constant 0 : i32
        %dma_start3A_2295 = tpu.memref_slice %arg11[%rem3A_2252, %dma_start3A, %dma_start3A_2294] : memref<10x64x128xf32, #tpu.memory_space<vmem>> -> memref<1x64x128xf32, #tpu.memory_space<vmem>>
        %dma_start3A_2296 = tpu.memref_squeeze %dma_start3A_2295 : memref<1x64x128xf32, #tpu.memory_space<vmem>> -> memref<64x128xf32, #tpu.memory_space<vmem>>
        %dma_start3A_2297 = arith.constant 0 : i32
        %dma_start3A_2298 = tpu.memref_slice %arg3[%dma_start3A_2297, %multiple_of3A] : memref<64x1000000xf32, #tpu.memory_space<hbm>> -> memref<64x128xf32, #tpu.memory_space<hbm>>
        %dma_start3A_2299 = tpu.memref_slice %arg13[%rem3A_2252] : memref<10x!tpu.dma_semaphore, #tpu.memory_space<semaphore_mem>> -> memref<1x!tpu.dma_semaphore, #tpu.memory_space<semaphore_mem>>
        %dma_start3A_2300 = tpu.memref_squeeze %dma_start3A_2299 : memref<1x!tpu.dma_semaphore, #tpu.memory_space<semaphore_mem>> -> memref<!tpu.dma_semaphore, #tpu.memory_space<semaphore_mem>>
        %dma_start3A_2301 = arith.constant 0 : i32
        %dma_start3A_2302 = arith.constant 0 : i32
        %dma_start3A_2303 = tpu.memref_slice %arg11[%rem3A_2252, %dma_start3A_2301, %dma_start3A_2302] : memref<10x64x128xf32, #tpu.memory_space<vmem>> -> memref<1x64x128xf32, #tpu.memory_space<vmem>>
        %dma_start3A_2304 = tpu.memref_squeeze %dma_start3A_2303 : memref<1x64x128xf32, #tpu.memory_space<vmem>> -> memref<64x128xf32, #tpu.memory_space<vmem>>
        %dma_start3A_2305 = arith.constant 0 : i32
        %dma_start3A_2306 = tpu.memref_slice %arg3[%dma_start3A_2305, %multiple_of3A] : memref<64x1000000xf32, #tpu.memory_space<hbm>> -> memref<64x128xf32, #tpu.memory_space<hbm>>
        tpu.enqueue_dma source(%dma_start3A_2306 : memref<64x128xf32, #tpu.memory_space<hbm>>) target(%dma_start3A_2304 : memref<64x128xf32, #tpu.memory_space<vmem>>) target_semaphore(%dma_start3A_2300 : memref<!tpu.dma_semaphore, #tpu.memory_space<semaphore_mem>>)
      } else {
      }
      %dma_wait3A = arith.constant 0 : i32
      %dma_wait3A_2145 = arith.constant 0 : i32
      %dma_wait3A_2146 = tpu.memref_slice %arg11[%rem3A_2139, %dma_wait3A, %dma_wait3A_2145] : memref<10x64x128xf32, #tpu.memory_space<vmem>> -> memref<1x64x128xf32, #tpu.memory_space<vmem>>
      %dma_wait3A_2147 = tpu.memref_squeeze %dma_wait3A_2146 : memref<1x64x128xf32, #tpu.memory_space<vmem>> -> memref<64x128xf32, #tpu.memory_space<vmem>>
      %dma_wait3A_2148 = arith.constant 0 : i32
      %dma_wait3A_2149 = arith.constant 0 : i32
      %dma_wait3A_2150 = tpu.memref_slice %arg3[%dma_wait3A_2148, %dma_wait3A_2149] : memref<64x1000000xf32, #tpu.memory_space<hbm>> -> memref<64x128xf32, #tpu.memory_space<hbm>>
      %dma_wait3A_2151 = tpu.memref_slice %arg13[%rem3A_2139] : memref<10x!tpu.dma_semaphore, #tpu.memory_space<semaphore_mem>> -> memref<1x!tpu.dma_semaphore, #tpu.memory_space<semaphore_mem>>
      %dma_wait3A_2152 = tpu.memref_squeeze %dma_wait3A_2151 : memref<1x!tpu.dma_semaphore, #tpu.memory_space<semaphore_mem>> -> memref<!tpu.dma_semaphore, #tpu.memory_space<semaphore_mem>>
      %dma_wait3A_2153 = arith.constant 0 : i32
      %dma_wait3A_2154 = arith.constant 0 : i32
      %dma_wait3A_2155 = tpu.memref_slice %arg11[%rem3A_2139, %dma_wait3A_2153, %dma_wait3A_2154] : memref<10x64x128xf32, #tpu.memory_space<vmem>> -> memref<1x64x128xf32, #tpu.memory_space<vmem>>
      %dma_wait3A_2156 = tpu.memref_squeeze %dma_wait3A_2155 : memref<1x64x128xf32, #tpu.memory_space<vmem>> -> memref<64x128xf32, #tpu.memory_space<vmem>>
      %dma_wait3A_2157 = arith.constant 0 : i32
      %dma_wait3A_2158 = arith.constant 0 : i32
      %dma_wait3A_2159 = tpu.memref_slice %arg3[%dma_wait3A_2157, %dma_wait3A_2158] : memref<64x1000000xf32, #tpu.memory_space<hbm>> -> memref<64x128xf32, #tpu.memory_space<hbm>>
      tpu.wait_dma2 semaphore(%dma_wait3A_2152 : memref<!tpu.dma_semaphore, #tpu.memory_space<semaphore_mem>>) src(%dma_wait3A_2159 : memref<64x128xf32, #tpu.memory_space<hbm>>) dst(%dma_wait3A_2156 : memref<64x128xf32, #tpu.memory_space<vmem>>)
      %jit3A_2160 = arith.constant 16 : i32
      %div3A = arith.divsi %while3A_2137, %jit3A_2160 : i32
      %sign3A = arith.constant 0 : i32
      %sign3A_2161 = arith.cmpi sgt, %while3A_2137, %sign3A : i32
      %sign3A_2162 = arith.extui %sign3A_2161 : i1 to i32
      %sign3A_2163 = arith.constant 0 : i32
      %sign3A_2164 = arith.cmpi slt, %while3A_2137, %sign3A_2163 : i32
      %sign3A_2165 = arith.extui %sign3A_2164 : i1 to i32
      %sign3A_2166 = arith.subi %sign3A_2162, %sign3A_2165 : i32
      %sign3A_2167 = arith.constant 0 : i32
      %sign3A_2168 = arith.cmpi sgt, %jit3A_2160, %sign3A_2167 : i32
      %sign3A_2169 = arith.extui %sign3A_2168 : i1 to i32
      %sign3A_2170 = arith.constant 0 : i32
      %sign3A_2171 = arith.cmpi slt, %jit3A_2160, %sign3A_2170 : i32
      %sign3A_2172 = arith.extui %sign3A_2171 : i1 to i32
      %sign3A_2173 = arith.subi %sign3A_2169, %sign3A_2172 : i32
      %ne3A_2174 = arith.cmpi ne, %sign3A_2166, %sign3A_2173 : i32
      %rem3A_2175 = arith.remsi %while3A_2137, %jit3A_2160 : i32
      %ne3A_2176 = arith.constant 0 : i32
      %ne3A_2177 = arith.cmpi ne, %rem3A_2175, %ne3A_2176 : i32
      %and3A = arith.andi %ne3A_2174, %ne3A_2177 : i1
      %sub3A_2178 = arith.constant 1 : i32
      %sub3A_2179 = arith.subi %div3A, %sub3A_2178 : i32
      %select_n3A_2180 = arith.select %and3A, %sub3A_2179, %div3A : i32
      %mul3A_2181 = arith.constant 16 : i32
      %mul3A_2182 = arith.muli %select_n3A_2180, %mul3A_2181 : i32
      %get3A_2183 = arith.index_cast %mul3A_2182 : i32 to index
      %get3A_2184 = tpu.vector_load %arg10[%get3A_2183] {strides = array<i32>} : memref<528xi32, #tpu.memory_space<vmem>>, vector<16xi32>,
      %rem3A_2185 = arith.constant 16 : i32
      %rem3A_2186 = arith.remsi %while3A_2137, %rem3A_2185 : i32
      %eq3A_2187 = vector.broadcast %rem3A_2186 : i32 to vector<16xi32>
      %eq3A_2188 = arith.cmpi eq, %iota3A, %eq3A_2187 : vector<16xi32>
      %jit3A_2189 = arith.constant 0 : i32
      %broadcast_in_dim3A_2190 = vector.broadcast %jit3A_2189 : i32 to vector<16xi32>
      %select_n3A_2191 = arith.select %eq3A_2188, %get3A_2184, %broadcast_in_dim3A_2190 : vector<16xi1>, vector<16xi32>
      %reduce_sum3A_2192 = arith.constant true
      %reduce_sum3A_2193 = vector.broadcast %reduce_sum3A_2192 : i1 to vector<16xi1>
      %reduce_sum3A_2194 = tpu.scan <sum>, %select_n3A_2191 masked %reduce_sum3A_2193 : vector<16xi32>, vector<16xi1> -> vector<16xi32>
      %reduce_sum3A_2195 = vector.extract %reduce_sum3A_2194[15] : i32 from vector<16xi32>
      %add3A_2196 = arith.constant 1 : i32
      %add3A_2197 = arith.addi %while3A_2137, %add3A_2196 : i32
      %jit3A_2198 = arith.constant 16 : i32
      %div3A_2199 = arith.divsi %add3A_2197, %jit3A_2198 : i32
      %sign3A_2200 = arith.constant 0 : i32
      %sign3A_2201 = arith.cmpi sgt, %add3A_2197, %sign3A_2200 : i32
      %sign3A_2202 = arith.extui %sign3A_2201 : i1 to i32
      %sign3A_2203 = arith.constant 0 : i32
      %sign3A_2204 = arith.cmpi slt, %add3A_2197, %sign3A_2203 : i32
      %sign3A_2205 = arith.extui %sign3A_2204 : i1 to i32
      %sign3A_2206 = arith.subi %sign3A_2202, %sign3A_2205 : i32
      %sign3A_2207 = arith.constant 0 : i32
      %sign3A_2208 = arith.cmpi sgt, %jit3A_2198, %sign3A_2207 : i32
      %sign3A_2209 = arith.extui %sign3A_2208 : i1 to i32
      %sign3A_2210 = arith.constant 0 : i32
      %sign3A_2211 = arith.cmpi slt, %jit3A_2198, %sign3A_2210 : i32
      %sign3A_2212 = arith.extui %sign3A_2211 : i1 to i32
      %sign3A_2213 = arith.subi %sign3A_2209, %sign3A_2212 : i32
      %ne3A_2214 = arith.cmpi ne, %sign3A_2206, %sign3A_2213 : i32
      %rem3A_2215 = arith.remsi %add3A_2197, %jit3A_2198 : i32
      %ne3A_2216 = arith.constant 0 : i32
      %ne3A_2217 = arith.cmpi ne, %rem3A_2215, %ne3A_2216 : i32
      %and3A_2218 = arith.andi %ne3A_2214, %ne3A_2217 : i1
      %sub3A_2219 = arith.constant 1 : i32
      %sub3A_2220 = arith.subi %div3A_2199, %sub3A_2219 : i32
      %select_n3A_2221 = arith.select %and3A_2218, %sub3A_2220, %div3A_2199 : i32
      %mul3A_2222 = arith.constant 16 : i32
      %mul3A_2223 = arith.muli %select_n3A_2221, %mul3A_2222 : i32
      %get3A_2224 = arith.index_cast %mul3A_2223 : i32 to index
      %get3A_2225 = tpu.vector_load %arg10[%get3A_2224] {strides = array<i32>} : memref<528xi32, #tpu.memory_space<vmem>>, vector<16xi32>,
      %rem3A_2226 = arith.constant 16 : i32
      %rem3A_2227 = arith.remsi %add3A_2197, %rem3A_2226 : i32
      %eq3A_2228 = vector.broadcast %rem3A_2227 : i32 to vector<16xi32>
      %eq3A_2229 = arith.cmpi eq, %iota3A, %eq3A_2228 : vector<16xi32>
      %jit3A_2230 = arith.constant 0 : i32
      %broadcast_in_dim3A_2231 = vector.broadcast %jit3A_2230 : i32 to vector<16xi32>
      %select_n3A_2232 = arith.select %eq3A_2229, %get3A_2225, %broadcast_in_dim3A_2231 : vector<16xi1>, vector<16xi32>
      %reduce_sum3A_2233 = arith.constant true
      %reduce_sum3A_2234 = vector.broadcast %reduce_sum3A_2233 : i1 to vector<16xi1>
      %reduce_sum3A_2235 = tpu.scan <sum>, %select_n3A_2232 masked %reduce_sum3A_2234 : vector<16xi32>, vector<16xi1> -> vector<16xi32>
      %reduce_sum3A_2236 = vector.extract %reduce_sum3A_2235[15] : i32 from vector<16xi32>
      %while3A_2237 = arith.constant 0 : i32
      %while3A_2238 = arith.subi %reduce_sum3A_2236, %reduce_sum3A_2195 : i32
      %while3A_2239 = arith.addi %reduce_sum3A_2195, %while3A_2238 : i32
      %while3A_2240 = arith.constant 1 : i32
      %while3A_2241 = arith.divsi %while3A_2238, %while3A_2240 : i32
      %while3A_2242 = arith.muli %while3A_2241, %while3A_2240 : i32
      %while3A_2243 = arith.addi %reduce_sum3A_2195, %while3A_2242 : i32
      %while3A_2244 = arith.constant 1 : i32
      %while3A_2245 = scf.for %while3A_2249 = %reduce_sum3A_2195 to %while3A_2243 step %while3A_2244 iter_args(%while3A_2250 = %while3A_2237) -> (i32)  : i32 {
        %jit3A_2251 = arith.constant 16 : i32
        %div3A_2252 = arith.divsi %while3A_2249, %jit3A_2251 : i32
        %sign3A_2253 = arith.constant 0 : i32
        %sign3A_2254 = arith.cmpi sgt, %while3A_2249, %sign3A_2253 : i32
        %sign3A_2255 = arith.extui %sign3A_2254 : i1 to i32
        %sign3A_2256 = arith.constant 0 : i32
        %sign3A_2257 = arith.cmpi slt, %while3A_2249, %sign3A_2256 : i32
        %sign3A_2258 = arith.extui %sign3A_2257 : i1 to i32
        %sign3A_2259 = arith.subi %sign3A_2255, %sign3A_2258 : i32
        %sign3A_2260 = arith.constant 0 : i32
        %sign3A_2261 = arith.cmpi sgt, %jit3A_2251, %sign3A_2260 : i32
        %sign3A_2262 = arith.extui %sign3A_2261 : i1 to i32
        %sign3A_2263 = arith.constant 0 : i32
        %sign3A_2264 = arith.cmpi slt, %jit3A_2251, %sign3A_2263 : i32
        %sign3A_2265 = arith.extui %sign3A_2264 : i1 to i32
        %sign3A_2266 = arith.subi %sign3A_2262, %sign3A_2265 : i32
        %ne3A_2267 = arith.cmpi ne, %sign3A_2259, %sign3A_2266 : i32
        %rem3A_2268 = arith.remsi %while3A_2249, %jit3A_2251 : i32
        %ne3A_2269 = arith.constant 0 : i32
        %ne3A_2270 = arith.cmpi ne, %rem3A_2268, %ne3A_2269 : i32
        %and3A_2271 = arith.andi %ne3A_2267, %ne3A_2270 : i1
        %sub3A_2272 = arith.constant 1 : i32
        %sub3A_2273 = arith.subi %div3A_2252, %sub3A_2272 : i32
        %select_n3A_2274 = arith.select %and3A_2271, %sub3A_2273, %div3A_2252 : i32
        %mul3A_2275 = arith.constant 16 : i32
        %mul3A_2276 = arith.muli %select_n3A_2274, %mul3A_2275 : i32
        %get3A_2277 = arith.index_cast %mul3A_2276 : i32 to index
        %get3A_2278 = tpu.vector_load %arg8[%get3A_2277] {strides = array<i32>} : memref<512xi32, #tpu.memory_space<vmem>>, vector<16xi32>,
        %rem3A_2279 = arith.constant 16 : i32
        %rem3A_2280 = arith.remsi %while3A_2249, %rem3A_2279 : i32
        %eq3A_2281 = vector.broadcast %rem3A_2280 : i32 to vector<16xi32>
        %eq3A_2282 = arith.cmpi eq, %iota3A, %eq3A_2281 : vector<16xi32>
        %jit3A_2283 = arith.constant 0 : i32
        %broadcast_in_dim3A_2284 = vector.broadcast %jit3A_2283 : i32 to vector<16xi32>
        %select_n3A_2285 = arith.select %eq3A_2282, %get3A_2278, %broadcast_in_dim3A_2284 : vector<16xi1>, vector<16xi32>
        %reduce_sum3A_2286 = arith.constant true
        %reduce_sum3A_2287 = vector.broadcast %reduce_sum3A_2286 : i1 to vector<16xi1>
        %reduce_sum3A_2288 = tpu.scan <sum>, %select_n3A_2285 masked %reduce_sum3A_2287 : vector<16xi32>, vector<16xi1> -> vector<16xi32>
        %reduce_sum3A_2289 = vector.extract %reduce_sum3A_2288[15] : i32 from vector<16xi32>
        %and3A_2290 = arith.constant 127 : i32
        %and3A_2291 = arith.andi %reduce_sum3A_2289, %and3A_2290 : i32
        %and3A_2292 = arith.constant 127 : i32
        %and3A_2293 = arith.andi %while3A_2249, %and3A_2292 : i32
        %broadcast_in_dim3A_2294 = vector.broadcast %and3A_2291 : i32 to vector<16xi32>
        %broadcast_in_dim3A_2295 = vector.broadcast %and3A_2293 : i32 to vector<16xi32>
        %add3A_2296 = arith.constant 0 : i32
        %add3A_2297 = vector.broadcast %add3A_2296 : i32 to vector<16xi32>
        %add3A_2298 = arith.addi %iota3A, %add3A_2297 : vector<16xi32>
        %gather3A_2299 = arith.constant 0 : i32
        %gather3A_2300 = arith.constant 0 : i32
        %gather3A_2301 = tpu.memref_slice %arg11[%rem3A_2139, %gather3A_2299, %gather3A_2300] : memref<10x64x128xf32, #tpu.memory_space<vmem>> -> memref<1x64x128xf32, #tpu.memory_space<vmem>>
        %gather3A_2302 = tpu.memref_squeeze %gather3A_2301 : memref<1x64x128xf32, #tpu.memory_space<vmem>> -> memref<64x128xf32, #tpu.memory_space<vmem>>
        %gather3A_2303 = tpu.vector_load_idx %gather3A_2302[%add3A_2298, %broadcast_in_dim3A_2294] : memref<64x128xf32, #tpu.memory_space<vmem>>[vector<16xi32>, vector<16xi32>], vector<16xf32>,
        tpu.vector_store_idx %arg12[%add3A_2298, %broadcast_in_dim3A_2295], %gather3A_2303 : memref<64x128xf32, #tpu.memory_space<vmem>>[vector<16xi32>, vector<16xi32>], vector<16xf32>,
        %add3A_2304 = arith.constant 16 : i32
        %add3A_2305 = vector.broadcast %add3A_2304 : i32 to vector<16xi32>
        %add3A_2306 = arith.addi %iota3A, %add3A_2305 : vector<16xi32>
        %gather3A_2307 = arith.constant 0 : i32
        %gather3A_2308 = arith.constant 0 : i32
        %gather3A_2309 = tpu.memref_slice %arg11[%rem3A_2139, %gather3A_2307, %gather3A_2308] : memref<10x64x128xf32, #tpu.memory_space<vmem>> -> memref<1x64x128xf32, #tpu.memory_space<vmem>>
        %gather3A_2310 = tpu.memref_squeeze %gather3A_2309 : memref<1x64x128xf32, #tpu.memory_space<vmem>> -> memref<64x128xf32, #tpu.memory_space<vmem>>
        %gather3A_2311 = tpu.vector_load_idx %gather3A_2310[%add3A_2306, %broadcast_in_dim3A_2294] : memref<64x128xf32, #tpu.memory_space<vmem>>[vector<16xi32>, vector<16xi32>], vector<16xf32>,
        tpu.vector_store_idx %arg12[%add3A_2306, %broadcast_in_dim3A_2295], %gather3A_2311 : memref<64x128xf32, #tpu.memory_space<vmem>>[vector<16xi32>, vector<16xi32>], vector<16xf32>,
        %add3A_2312 = arith.constant 32 : i32
        %add3A_2313 = vector.broadcast %add3A_2312 : i32 to vector<16xi32>
        %add3A_2314 = arith.addi %iota3A, %add3A_2313 : vector<16xi32>
        %gather3A_2315 = arith.constant 0 : i32
        %gather3A_2316 = arith.constant 0 : i32
        %gather3A_2317 = tpu.memref_slice %arg11[%rem3A_2139, %gather3A_2315, %gather3A_2316] : memref<10x64x128xf32, #tpu.memory_space<vmem>> -> memref<1x64x128xf32, #tpu.memory_space<vmem>>
        %gather3A_2318 = tpu.memref_squeeze %gather3A_2317 : memref<1x64x128xf32, #tpu.memory_space<vmem>> -> memref<64x128xf32, #tpu.memory_space<vmem>>
        %gather3A_2319 = tpu.vector_load_idx %gather3A_2318[%add3A_2314, %broadcast_in_dim3A_2294] : memref<64x128xf32, #tpu.memory_space<vmem>>[vector<16xi32>, vector<16xi32>], vector<16xf32>,
        tpu.vector_store_idx %arg12[%add3A_2314, %broadcast_in_dim3A_2295], %gather3A_2319 : memref<64x128xf32, #tpu.memory_space<vmem>>[vector<16xi32>, vector<16xi32>], vector<16xf32>,
        %add3A_2320 = arith.constant 48 : i32
        %add3A_2321 = vector.broadcast %add3A_2320 : i32 to vector<16xi32>
        %add3A_2322 = arith.addi %iota3A, %add3A_2321 : vector<16xi32>
        %gather3A_2323 = arith.constant 0 : i32
        %gather3A_2324 = arith.constant 0 : i32
        %gather3A_2325 = tpu.memref_slice %arg11[%rem3A_2139, %gather3A_2323, %gather3A_2324] : memref<10x64x128xf32, #tpu.memory_space<vmem>> -> memref<1x64x128xf32, #tpu.memory_space<vmem>>
        %gather3A_2326 = tpu.memref_squeeze %gather3A_2325 : memref<1x64x128xf32, #tpu.memory_space<vmem>> -> memref<64x128xf32, #tpu.memory_space<vmem>>
        %gather3A_2327 = tpu.vector_load_idx %gather3A_2326[%add3A_2322, %broadcast_in_dim3A_2294] : memref<64x128xf32, #tpu.memory_space<vmem>>[vector<16xi32>, vector<16xi32>], vector<16xf32>,
        tpu.vector_store_idx %arg12[%add3A_2322, %broadcast_in_dim3A_2295], %gather3A_2327 : memref<64x128xf32, #tpu.memory_space<vmem>>[vector<16xi32>, vector<16xi32>], vector<16xf32>,
        %eq3A_2328 = arith.constant 127 : i32
        %eq3A_2329 = arith.cmpi eq, %and3A_2293, %eq3A_2328 : i32
        %convert_element_type3A_2330 = arith.extui %eq3A_2329 : i1 to i32
        %cond3A_2331 = arith.constant 0 : i32
        %cond3A_2332 = arith.cmpi ne, %convert_element_type3A_2330, %cond3A_2331 : i32
        scf.if %cond3A_2332 {
          %jit3A_2334 = arith.constant 128 : i32
          %div3A_2335 = arith.divsi %while3A_2249, %jit3A_2334 : i32
          %sign3A_2336 = arith.constant 0 : i32
          %sign3A_2337 = arith.cmpi sgt, %while3A_2249, %sign3A_2336 : i32
          %sign3A_2338 = arith.extui %sign3A_2337 : i1 to i32
          %sign3A_2339 = arith.constant 0 : i32
          %sign3A_2340 = arith.cmpi slt, %while3A_2249, %sign3A_2339 : i32
          %sign3A_2341 = arith.extui %sign3A_2340 : i1 to i32
          %sign3A_2342 = arith.subi %sign3A_2338, %sign3A_2341 : i32
          %sign3A_2343 = arith.constant 0 : i32
          %sign3A_2344 = arith.cmpi sgt, %jit3A_2334, %sign3A_2343 : i32
          %sign3A_2345 = arith.extui %sign3A_2344 : i1 to i32
          %sign3A_2346 = arith.constant 0 : i32
          %sign3A_2347 = arith.cmpi slt, %jit3A_2334, %sign3A_2346 : i32
          %sign3A_2348 = arith.extui %sign3A_2347 : i1 to i32
          %sign3A_2349 = arith.subi %sign3A_2345, %sign3A_2348 : i32
          %ne3A_2350 = arith.cmpi ne, %sign3A_2342, %sign3A_2349 : i32
          %rem3A_2351 = arith.remsi %while3A_2249, %jit3A_2334 : i32
          %ne3A_2352 = arith.constant 0 : i32
          %ne3A_2353 = arith.cmpi ne, %rem3A_2351, %ne3A_2352 : i32
          %and3A_2354 = arith.andi %ne3A_2350, %ne3A_2353 : i1
          %sub3A_2355 = arith.constant 1 : i32
          %sub3A_2356 = arith.subi %div3A_2335, %sub3A_2355 : i32
          %select_n3A_2357 = arith.select %and3A_2354, %sub3A_2356, %div3A_2335 : i32
          %mul3A_2358 = arith.constant 128 : i32
          %mul3A_2359 = arith.muli %select_n3A_2357, %mul3A_2358 : i32
          %add3A_2360 = arith.addi %mul3A_2, %mul3A_2359 : i32
          %multiple_of3A = tpu.assume_multiple %add3A_2360, 128 : i32
          "tpu.region"() ({
            %run_scoped3A = tpu.sem_alloc : memref<!tpu.dma_semaphore, #tpu.memory_space<semaphore_mem>>
            %dma_start3A = arith.constant 0 : i32
            %dma_start3A_2361 = tpu.memref_slice %arg5[%dma_start3A, %multiple_of3A] : memref<64x16384xf32, #tpu.memory_space<hbm>> -> memref<64x128xf32, #tpu.memory_space<hbm>>
            %dma_start3A_2362 = arith.constant 0 : i32
            %dma_start3A_2363 = tpu.memref_slice %arg5[%dma_start3A_2362, %multiple_of3A] : memref<64x16384xf32, #tpu.memory_space<hbm>> -> memref<64x128xf32, #tpu.memory_space<hbm>>
            tpu.enqueue_dma source(%arg12 : memref<64x128xf32, #tpu.memory_space<vmem>>) target(%dma_start3A_2363 : memref<64x128xf32, #tpu.memory_space<hbm>>) target_semaphore(%run_scoped3A : memref<!tpu.dma_semaphore, #tpu.memory_space<semaphore_mem>>)
            %dma_wait3A_2364 = arith.constant 0 : i32
            %dma_wait3A_2365 = tpu.memref_slice %arg5[%dma_wait3A_2364, %multiple_of3A] : memref<64x16384xf32, #tpu.memory_space<hbm>> -> memref<64x128xf32, #tpu.memory_space<hbm>>
            %dma_wait3A_2366 = arith.constant 0 : i32
            %dma_wait3A_2367 = tpu.memref_slice %arg5[%dma_wait3A_2366, %multiple_of3A] : memref<64x16384xf32, #tpu.memory_space<hbm>> -> memref<64x128xf32, #tpu.memory_space<hbm>>
            tpu.wait_dma2 semaphore(%run_scoped3A : memref<!tpu.dma_semaphore, #tpu.memory_space<semaphore_mem>>) src(%arg12 : memref<64x128xf32, #tpu.memory_space<vmem>>) dst(%dma_wait3A_2367 : memref<64x128xf32, #tpu.memory_space<hbm>>)
            tpu.yield
          }) : () -> ()
        } else {
        }
        %while3A_2333 = arith.constant 0 : i32
        scf.yield %while3A_2333 : i32
      }
      %while3A_2246 = arith.constant 1 : i32
      %while3A_2247 = scf.for %while3A_2249 = %while3A_2243 to %while3A_2239 step %while3A_2246 iter_args(%while3A_2250 = %while3A_2245) -> (i32)  : i32 {
        %jit3A_2251 = arith.constant 16 : i32
        %div3A_2252 = arith.divsi %while3A_2249, %jit3A_2251 : i32
        %sign3A_2253 = arith.constant 0 : i32
        %sign3A_2254 = arith.cmpi sgt, %while3A_2249, %sign3A_2253 : i32
        %sign3A_2255 = arith.extui %sign3A_2254 : i1 to i32
        %sign3A_2256 = arith.constant 0 : i32
        %sign3A_2257 = arith.cmpi slt, %while3A_2249, %sign3A_2256 : i32
        %sign3A_2258 = arith.extui %sign3A_2257 : i1 to i32
        %sign3A_2259 = arith.subi %sign3A_2255, %sign3A_2258 : i32
        %sign3A_2260 = arith.constant 0 : i32
        %sign3A_2261 = arith.cmpi sgt, %jit3A_2251, %sign3A_2260 : i32
        %sign3A_2262 = arith.extui %sign3A_2261 : i1 to i32
        %sign3A_2263 = arith.constant 0 : i32
        %sign3A_2264 = arith.cmpi slt, %jit3A_2251, %sign3A_2263 : i32
        %sign3A_2265 = arith.extui %sign3A_2264 : i1 to i32
        %sign3A_2266 = arith.subi %sign3A_2262, %sign3A_2265 : i32
        %ne3A_2267 = arith.cmpi ne, %sign3A_2259, %sign3A_2266 : i32
        %rem3A_2268 = arith.remsi %while3A_2249, %jit3A_2251 : i32
        %ne3A_2269 = arith.constant 0 : i32
        %ne3A_2270 = arith.cmpi ne, %rem3A_2268, %ne3A_2269 : i32
        %and3A_2271 = arith.andi %ne3A_2267, %ne3A_2270 : i1
        %sub3A_2272 = arith.constant 1 : i32
        %sub3A_2273 = arith.subi %div3A_2252, %sub3A_2272 : i32
        %select_n3A_2274 = arith.select %and3A_2271, %sub3A_2273, %div3A_2252 : i32
        %mul3A_2275 = arith.constant 16 : i32
        %mul3A_2276 = arith.muli %select_n3A_2274, %mul3A_2275 : i32
        %get3A_2277 = arith.index_cast %mul3A_2276 : i32 to index
        %get3A_2278 = tpu.vector_load %arg8[%get3A_2277] {strides = array<i32>} : memref<512xi32, #tpu.memory_space<vmem>>, vector<16xi32>,
        %rem3A_2279 = arith.constant 16 : i32
        %rem3A_2280 = arith.remsi %while3A_2249, %rem3A_2279 : i32
        %eq3A_2281 = vector.broadcast %rem3A_2280 : i32 to vector<16xi32>
        %eq3A_2282 = arith.cmpi eq, %iota3A, %eq3A_2281 : vector<16xi32>
        %jit3A_2283 = arith.constant 0 : i32
        %broadcast_in_dim3A_2284 = vector.broadcast %jit3A_2283 : i32 to vector<16xi32>
        %select_n3A_2285 = arith.select %eq3A_2282, %get3A_2278, %broadcast_in_dim3A_2284 : vector<16xi1>, vector<16xi32>
        %reduce_sum3A_2286 = arith.constant true
        %reduce_sum3A_2287 = vector.broadcast %reduce_sum3A_2286 : i1 to vector<16xi1>
        %reduce_sum3A_2288 = tpu.scan <sum>, %select_n3A_2285 masked %reduce_sum3A_2287 : vector<16xi32>, vector<16xi1> -> vector<16xi32>
        %reduce_sum3A_2289 = vector.extract %reduce_sum3A_2288[15] : i32 from vector<16xi32>
        %and3A_2290 = arith.constant 127 : i32
        %and3A_2291 = arith.andi %reduce_sum3A_2289, %and3A_2290 : i32
        %and3A_2292 = arith.constant 127 : i32
        %and3A_2293 = arith.andi %while3A_2249, %and3A_2292 : i32
        %broadcast_in_dim3A_2294 = vector.broadcast %and3A_2291 : i32 to vector<16xi32>
        %broadcast_in_dim3A_2295 = vector.broadcast %and3A_2293 : i32 to vector<16xi32>
        %add3A_2296 = arith.constant 0 : i32
        %add3A_2297 = vector.broadcast %add3A_2296 : i32 to vector<16xi32>
        %add3A_2298 = arith.addi %iota3A, %add3A_2297 : vector<16xi32>
        %gather3A_2299 = arith.constant 0 : i32
        %gather3A_2300 = arith.constant 0 : i32
        %gather3A_2301 = tpu.memref_slice %arg11[%rem3A_2139, %gather3A_2299, %gather3A_2300] : memref<10x64x128xf32, #tpu.memory_space<vmem>> -> memref<1x64x128xf32, #tpu.memory_space<vmem>>
        %gather3A_2302 = tpu.memref_squeeze %gather3A_2301 : memref<1x64x128xf32, #tpu.memory_space<vmem>> -> memref<64x128xf32, #tpu.memory_space<vmem>>
        %gather3A_2303 = tpu.vector_load_idx %gather3A_2302[%add3A_2298, %broadcast_in_dim3A_2294] : memref<64x128xf32, #tpu.memory_space<vmem>>[vector<16xi32>, vector<16xi32>], vector<16xf32>,
        tpu.vector_store_idx %arg12[%add3A_2298, %broadcast_in_dim3A_2295], %gather3A_2303 : memref<64x128xf32, #tpu.memory_space<vmem>>[vector<16xi32>, vector<16xi32>], vector<16xf32>,
        %add3A_2304 = arith.constant 16 : i32
        %add3A_2305 = vector.broadcast %add3A_2304 : i32 to vector<16xi32>
        %add3A_2306 = arith.addi %iota3A, %add3A_2305 : vector<16xi32>
        %gather3A_2307 = arith.constant 0 : i32
        %gather3A_2308 = arith.constant 0 : i32
        %gather3A_2309 = tpu.memref_slice %arg11[%rem3A_2139, %gather3A_2307, %gather3A_2308] : memref<10x64x128xf32, #tpu.memory_space<vmem>> -> memref<1x64x128xf32, #tpu.memory_space<vmem>>
        %gather3A_2310 = tpu.memref_squeeze %gather3A_2309 : memref<1x64x128xf32, #tpu.memory_space<vmem>> -> memref<64x128xf32, #tpu.memory_space<vmem>>
        %gather3A_2311 = tpu.vector_load_idx %gather3A_2310[%add3A_2306, %broadcast_in_dim3A_2294] : memref<64x128xf32, #tpu.memory_space<vmem>>[vector<16xi32>, vector<16xi32>], vector<16xf32>,
        tpu.vector_store_idx %arg12[%add3A_2306, %broadcast_in_dim3A_2295], %gather3A_2311 : memref<64x128xf32, #tpu.memory_space<vmem>>[vector<16xi32>, vector<16xi32>], vector<16xf32>,
        %add3A_2312 = arith.constant 32 : i32
        %add3A_2313 = vector.broadcast %add3A_2312 : i32 to vector<16xi32>
        %add3A_2314 = arith.addi %iota3A, %add3A_2313 : vector<16xi32>
        %gather3A_2315 = arith.constant 0 : i32
        %gather3A_2316 = arith.constant 0 : i32
        %gather3A_2317 = tpu.memref_slice %arg11[%rem3A_2139, %gather3A_2315, %gather3A_2316] : memref<10x64x128xf32, #tpu.memory_space<vmem>> -> memref<1x64x128xf32, #tpu.memory_space<vmem>>
        %gather3A_2318 = tpu.memref_squeeze %gather3A_2317 : memref<1x64x128xf32, #tpu.memory_space<vmem>> -> memref<64x128xf32, #tpu.memory_space<vmem>>
        %gather3A_2319 = tpu.vector_load_idx %gather3A_2318[%add3A_2314, %broadcast_in_dim3A_2294] : memref<64x128xf32, #tpu.memory_space<vmem>>[vector<16xi32>, vector<16xi32>], vector<16xf32>,
        tpu.vector_store_idx %arg12[%add3A_2314, %broadcast_in_dim3A_2295], %gather3A_2319 : memref<64x128xf32, #tpu.memory_space<vmem>>[vector<16xi32>, vector<16xi32>], vector<16xf32>,
        %add3A_2320 = arith.constant 48 : i32
        %add3A_2321 = vector.broadcast %add3A_2320 : i32 to vector<16xi32>
        %add3A_2322 = arith.addi %iota3A, %add3A_2321 : vector<16xi32>
        %gather3A_2323 = arith.constant 0 : i32
        %gather3A_2324 = arith.constant 0 : i32
        %gather3A_2325 = tpu.memref_slice %arg11[%rem3A_2139, %gather3A_2323, %gather3A_2324] : memref<10x64x128xf32, #tpu.memory_space<vmem>> -> memref<1x64x128xf32, #tpu.memory_space<vmem>>
        %gather3A_2326 = tpu.memref_squeeze %gather3A_2325 : memref<1x64x128xf32, #tpu.memory_space<vmem>> -> memref<64x128xf32, #tpu.memory_space<vmem>>
        %gather3A_2327 = tpu.vector_load_idx %gather3A_2326[%add3A_2322, %broadcast_in_dim3A_2294] : memref<64x128xf32, #tpu.memory_space<vmem>>[vector<16xi32>, vector<16xi32>], vector<16xf32>,
        tpu.vector_store_idx %arg12[%add3A_2322, %broadcast_in_dim3A_2295], %gather3A_2327 : memref<64x128xf32, #tpu.memory_space<vmem>>[vector<16xi32>, vector<16xi32>], vector<16xf32>,
        %eq3A_2328 = arith.constant 127 : i32
        %eq3A_2329 = arith.cmpi eq, %and3A_2293, %eq3A_2328 : i32
        %convert_element_type3A_2330 = arith.extui %eq3A_2329 : i1 to i32
        %cond3A_2331 = arith.constant 0 : i32
        %cond3A_2332 = arith.cmpi ne, %convert_element_type3A_2330, %cond3A_2331 : i32
        scf.if %cond3A_2332 {
          %jit3A_2334 = arith.constant 128 : i32
          %div3A_2335 = arith.divsi %while3A_2249, %jit3A_2334 : i32
          %sign3A_2336 = arith.constant 0 : i32
          %sign3A_2337 = arith.cmpi sgt, %while3A_2249, %sign3A_2336 : i32
          %sign3A_2338 = arith.extui %sign3A_2337 : i1 to i32
          %sign3A_2339 = arith.constant 0 : i32
          %sign3A_2340 = arith.cmpi slt, %while3A_2249, %sign3A_2339 : i32
          %sign3A_2341 = arith.extui %sign3A_2340 : i1 to i32
          %sign3A_2342 = arith.subi %sign3A_2338, %sign3A_2341 : i32
          %sign3A_2343 = arith.constant 0 : i32
          %sign3A_2344 = arith.cmpi sgt, %jit3A_2334, %sign3A_2343 : i32
          %sign3A_2345 = arith.extui %sign3A_2344 : i1 to i32
          %sign3A_2346 = arith.constant 0 : i32
          %sign3A_2347 = arith.cmpi slt, %jit3A_2334, %sign3A_2346 : i32
          %sign3A_2348 = arith.extui %sign3A_2347 : i1 to i32
          %sign3A_2349 = arith.subi %sign3A_2345, %sign3A_2348 : i32
          %ne3A_2350 = arith.cmpi ne, %sign3A_2342, %sign3A_2349 : i32
          %rem3A_2351 = arith.remsi %while3A_2249, %jit3A_2334 : i32
          %ne3A_2352 = arith.constant 0 : i32
          %ne3A_2353 = arith.cmpi ne, %rem3A_2351, %ne3A_2352 : i32
          %and3A_2354 = arith.andi %ne3A_2350, %ne3A_2353 : i1
          %sub3A_2355 = arith.constant 1 : i32
          %sub3A_2356 = arith.subi %div3A_2335, %sub3A_2355 : i32
          %select_n3A_2357 = arith.select %and3A_2354, %sub3A_2356, %div3A_2335 : i32
          %mul3A_2358 = arith.constant 128 : i32
          %mul3A_2359 = arith.muli %select_n3A_2357, %mul3A_2358 : i32
          %add3A_2360 = arith.addi %mul3A_2, %mul3A_2359 : i32
          %multiple_of3A = tpu.assume_multiple %add3A_2360, 128 : i32
          "tpu.region"() ({
            %run_scoped3A = tpu.sem_alloc : memref<!tpu.dma_semaphore, #tpu.memory_space<semaphore_mem>>
            %dma_start3A = arith.constant 0 : i32
            %dma_start3A_2361 = tpu.memref_slice %arg5[%dma_start3A, %multiple_of3A] : memref<64x16384xf32, #tpu.memory_space<hbm>> -> memref<64x128xf32, #tpu.memory_space<hbm>>
            %dma_start3A_2362 = arith.constant 0 : i32
            %dma_start3A_2363 = tpu.memref_slice %arg5[%dma_start3A_2362, %multiple_of3A] : memref<64x16384xf32, #tpu.memory_space<hbm>> -> memref<64x128xf32, #tpu.memory_space<hbm>>
            tpu.enqueue_dma source(%arg12 : memref<64x128xf32, #tpu.memory_space<vmem>>) target(%dma_start3A_2363 : memref<64x128xf32, #tpu.memory_space<hbm>>) target_semaphore(%run_scoped3A : memref<!tpu.dma_semaphore, #tpu.memory_space<semaphore_mem>>)
            %dma_wait3A_2364 = arith.constant 0 : i32
            %dma_wait3A_2365 = tpu.memref_slice %arg5[%dma_wait3A_2364, %multiple_of3A] : memref<64x16384xf32, #tpu.memory_space<hbm>> -> memref<64x128xf32, #tpu.memory_space<hbm>>
            %dma_wait3A_2366 = arith.constant 0 : i32
            %dma_wait3A_2367 = tpu.memref_slice %arg5[%dma_wait3A_2366, %multiple_of3A] : memref<64x16384xf32, #tpu.memory_space<hbm>> -> memref<64x128xf32, #tpu.memory_space<hbm>>
            tpu.wait_dma2 semaphore(%run_scoped3A : memref<!tpu.dma_semaphore, #tpu.memory_space<semaphore_mem>>) src(%arg12 : memref<64x128xf32, #tpu.memory_space<vmem>>) dst(%dma_wait3A_2367 : memref<64x128xf32, #tpu.memory_space<hbm>>)
            tpu.yield
          }) : () -> ()
        } else {
        }
        %while3A_2333 = arith.constant 0 : i32
        scf.yield %while3A_2333 : i32
      }
      %while3A_2248 = arith.constant 0 : i32
      scf.yield %while3A_2248 : i32
    }
    %while3A_2135 = arith.constant 1 : i32
    %while3A_2136 = scf.for %while3A_2137 = %while3A_2132 to %while3A_2128 step %while3A_2135 iter_args(%while3A_2138 = %while3A_2134) -> (i32)  : i32 {
      %rem3A = arith.constant 10 : i32
      %rem3A_2139 = arith.remsi %while3A_2137, %rem3A : i32
      %add3A_2140 = arith.constant 9 : i32
      %add3A_2141 = arith.addi %while3A_2137, %add3A_2140 : i32
      %lt3A = arith.cmpi slt, %add3A_2141, %add3A_2066 : i32
      %convert_element_type3A_2142 = arith.extui %lt3A : i1 to i32
      %cond3A_2143 = arith.constant 0 : i32
      %cond3A_2144 = arith.cmpi ne, %convert_element_type3A_2142, %cond3A_2143 : i32
      scf.if %cond3A_2144 {
        %add3A_2249 = arith.constant 9 : i32
        %add3A_2250 = arith.addi %while3A_2137, %add3A_2249 : i32
        %rem3A_2251 = arith.constant 10 : i32
        %rem3A_2252 = arith.remsi %add3A_2250, %rem3A_2251 : i32
        %jit3A_2253 = arith.constant 16 : i32
        %div3A_2254 = arith.divsi %add3A_2250, %jit3A_2253 : i32
        %sign3A_2255 = arith.constant 0 : i32
        %sign3A_2256 = arith.cmpi sgt, %add3A_2250, %sign3A_2255 : i32
        %sign3A_2257 = arith.extui %sign3A_2256 : i1 to i32
        %sign3A_2258 = arith.constant 0 : i32
        %sign3A_2259 = arith.cmpi slt, %add3A_2250, %sign3A_2258 : i32
        %sign3A_2260 = arith.extui %sign3A_2259 : i1 to i32
        %sign3A_2261 = arith.subi %sign3A_2257, %sign3A_2260 : i32
        %sign3A_2262 = arith.constant 0 : i32
        %sign3A_2263 = arith.cmpi sgt, %jit3A_2253, %sign3A_2262 : i32
        %sign3A_2264 = arith.extui %sign3A_2263 : i1 to i32
        %sign3A_2265 = arith.constant 0 : i32
        %sign3A_2266 = arith.cmpi slt, %jit3A_2253, %sign3A_2265 : i32
        %sign3A_2267 = arith.extui %sign3A_2266 : i1 to i32
        %sign3A_2268 = arith.subi %sign3A_2264, %sign3A_2267 : i32
        %ne3A_2269 = arith.cmpi ne, %sign3A_2261, %sign3A_2268 : i32
        %rem3A_2270 = arith.remsi %add3A_2250, %jit3A_2253 : i32
        %ne3A_2271 = arith.constant 0 : i32
        %ne3A_2272 = arith.cmpi ne, %rem3A_2270, %ne3A_2271 : i32
        %and3A_2273 = arith.andi %ne3A_2269, %ne3A_2272 : i1
        %sub3A_2274 = arith.constant 1 : i32
        %sub3A_2275 = arith.subi %div3A_2254, %sub3A_2274 : i32
        %select_n3A_2276 = arith.select %and3A_2273, %sub3A_2275, %div3A_2254 : i32
        %mul3A_2277 = arith.constant 16 : i32
        %mul3A_2278 = arith.muli %select_n3A_2276, %mul3A_2277 : i32
        %get3A_2279 = arith.index_cast %mul3A_2278 : i32 to index
        %get3A_2280 = tpu.vector_load %arg9[%get3A_2279] {strides = array<i32>} : memref<528xi32, #tpu.memory_space<vmem>>, vector<16xi32>,
        %rem3A_2281 = arith.constant 16 : i32
        %rem3A_2282 = arith.remsi %add3A_2250, %rem3A_2281 : i32
        %eq3A_2283 = vector.broadcast %rem3A_2282 : i32 to vector<16xi32>
        %eq3A_2284 = arith.cmpi eq, %iota3A, %eq3A_2283 : vector<16xi32>
        %jit3A_2285 = arith.constant 0 : i32
        %broadcast_in_dim3A_2286 = vector.broadcast %jit3A_2285 : i32 to vector<16xi32>
        %select_n3A_2287 = arith.select %eq3A_2284, %get3A_2280, %broadcast_in_dim3A_2286 : vector<16xi1>, vector<16xi32>
        %reduce_sum3A_2288 = arith.constant true
        %reduce_sum3A_2289 = vector.broadcast %reduce_sum3A_2288 : i1 to vector<16xi1>
        %reduce_sum3A_2290 = tpu.scan <sum>, %select_n3A_2287 masked %reduce_sum3A_2289 : vector<16xi32>, vector<16xi1> -> vector<16xi32>
        %reduce_sum3A_2291 = vector.extract %reduce_sum3A_2290[15] : i32 from vector<16xi32>
        %mul3A_2292 = arith.constant 128 : i32
        %mul3A_2293 = arith.muli %reduce_sum3A_2291, %mul3A_2292 : i32
        %multiple_of3A = tpu.assume_multiple %mul3A_2293, 128 : i32
        %dma_start3A = arith.constant 0 : i32
        %dma_start3A_2294 = arith.constant 0 : i32
        %dma_start3A_2295 = tpu.memref_slice %arg11[%rem3A_2252, %dma_start3A, %dma_start3A_2294] : memref<10x64x128xf32, #tpu.memory_space<vmem>> -> memref<1x64x128xf32, #tpu.memory_space<vmem>>
        %dma_start3A_2296 = tpu.memref_squeeze %dma_start3A_2295 : memref<1x64x128xf32, #tpu.memory_space<vmem>> -> memref<64x128xf32, #tpu.memory_space<vmem>>
        %dma_start3A_2297 = arith.constant 0 : i32
        %dma_start3A_2298 = tpu.memref_slice %arg3[%dma_start3A_2297, %multiple_of3A] : memref<64x1000000xf32, #tpu.memory_space<hbm>> -> memref<64x128xf32, #tpu.memory_space<hbm>>
        %dma_start3A_2299 = tpu.memref_slice %arg13[%rem3A_2252] : memref<10x!tpu.dma_semaphore, #tpu.memory_space<semaphore_mem>> -> memref<1x!tpu.dma_semaphore, #tpu.memory_space<semaphore_mem>>
        %dma_start3A_2300 = tpu.memref_squeeze %dma_start3A_2299 : memref<1x!tpu.dma_semaphore, #tpu.memory_space<semaphore_mem>> -> memref<!tpu.dma_semaphore, #tpu.memory_space<semaphore_mem>>
        %dma_start3A_2301 = arith.constant 0 : i32
        %dma_start3A_2302 = arith.constant 0 : i32
        %dma_start3A_2303 = tpu.memref_slice %arg11[%rem3A_2252, %dma_start3A_2301, %dma_start3A_2302] : memref<10x64x128xf32, #tpu.memory_space<vmem>> -> memref<1x64x128xf32, #tpu.memory_space<vmem>>
        %dma_start3A_2304 = tpu.memref_squeeze %dma_start3A_2303 : memref<1x64x128xf32, #tpu.memory_space<vmem>> -> memref<64x128xf32, #tpu.memory_space<vmem>>
        %dma_start3A_2305 = arith.constant 0 : i32
        %dma_start3A_2306 = tpu.memref_slice %arg3[%dma_start3A_2305, %multiple_of3A] : memref<64x1000000xf32, #tpu.memory_space<hbm>> -> memref<64x128xf32, #tpu.memory_space<hbm>>
        tpu.enqueue_dma source(%dma_start3A_2306 : memref<64x128xf32, #tpu.memory_space<hbm>>) target(%dma_start3A_2304 : memref<64x128xf32, #tpu.memory_space<vmem>>) target_semaphore(%dma_start3A_2300 : memref<!tpu.dma_semaphore, #tpu.memory_space<semaphore_mem>>)
      } else {
      }
      %dma_wait3A = arith.constant 0 : i32
      %dma_wait3A_2145 = arith.constant 0 : i32
      %dma_wait3A_2146 = tpu.memref_slice %arg11[%rem3A_2139, %dma_wait3A, %dma_wait3A_2145] : memref<10x64x128xf32, #tpu.memory_space<vmem>> -> memref<1x64x128xf32, #tpu.memory_space<vmem>>
      %dma_wait3A_2147 = tpu.memref_squeeze %dma_wait3A_2146 : memref<1x64x128xf32, #tpu.memory_space<vmem>> -> memref<64x128xf32, #tpu.memory_space<vmem>>
      %dma_wait3A_2148 = arith.constant 0 : i32
      %dma_wait3A_2149 = arith.constant 0 : i32
      %dma_wait3A_2150 = tpu.memref_slice %arg3[%dma_wait3A_2148, %dma_wait3A_2149] : memref<64x1000000xf32, #tpu.memory_space<hbm>> -> memref<64x128xf32, #tpu.memory_space<hbm>>
      %dma_wait3A_2151 = tpu.memref_slice %arg13[%rem3A_2139] : memref<10x!tpu.dma_semaphore, #tpu.memory_space<semaphore_mem>> -> memref<1x!tpu.dma_semaphore, #tpu.memory_space<semaphore_mem>>
      %dma_wait3A_2152 = tpu.memref_squeeze %dma_wait3A_2151 : memref<1x!tpu.dma_semaphore, #tpu.memory_space<semaphore_mem>> -> memref<!tpu.dma_semaphore, #tpu.memory_space<semaphore_mem>>
      %dma_wait3A_2153 = arith.constant 0 : i32
      %dma_wait3A_2154 = arith.constant 0 : i32
      %dma_wait3A_2155 = tpu.memref_slice %arg11[%rem3A_2139, %dma_wait3A_2153, %dma_wait3A_2154] : memref<10x64x128xf32, #tpu.memory_space<vmem>> -> memref<1x64x128xf32, #tpu.memory_space<vmem>>
      %dma_wait3A_2156 = tpu.memref_squeeze %dma_wait3A_2155 : memref<1x64x128xf32, #tpu.memory_space<vmem>> -> memref<64x128xf32, #tpu.memory_space<vmem>>
      %dma_wait3A_2157 = arith.constant 0 : i32
      %dma_wait3A_2158 = arith.constant 0 : i32
      %dma_wait3A_2159 = tpu.memref_slice %arg3[%dma_wait3A_2157, %dma_wait3A_2158] : memref<64x1000000xf32, #tpu.memory_space<hbm>> -> memref<64x128xf32, #tpu.memory_space<hbm>>
      tpu.wait_dma2 semaphore(%dma_wait3A_2152 : memref<!tpu.dma_semaphore, #tpu.memory_space<semaphore_mem>>) src(%dma_wait3A_2159 : memref<64x128xf32, #tpu.memory_space<hbm>>) dst(%dma_wait3A_2156 : memref<64x128xf32, #tpu.memory_space<vmem>>)
      %jit3A_2160 = arith.constant 16 : i32
      %div3A = arith.divsi %while3A_2137, %jit3A_2160 : i32
      %sign3A = arith.constant 0 : i32
      %sign3A_2161 = arith.cmpi sgt, %while3A_2137, %sign3A : i32
      %sign3A_2162 = arith.extui %sign3A_2161 : i1 to i32
      %sign3A_2163 = arith.constant 0 : i32
      %sign3A_2164 = arith.cmpi slt, %while3A_2137, %sign3A_2163 : i32
      %sign3A_2165 = arith.extui %sign3A_2164 : i1 to i32
      %sign3A_2166 = arith.subi %sign3A_2162, %sign3A_2165 : i32
      %sign3A_2167 = arith.constant 0 : i32
      %sign3A_2168 = arith.cmpi sgt, %jit3A_2160, %sign3A_2167 : i32
      %sign3A_2169 = arith.extui %sign3A_2168 : i1 to i32
      %sign3A_2170 = arith.constant 0 : i32
      %sign3A_2171 = arith.cmpi slt, %jit3A_2160, %sign3A_2170 : i32
      %sign3A_2172 = arith.extui %sign3A_2171 : i1 to i32
      %sign3A_2173 = arith.subi %sign3A_2169, %sign3A_2172 : i32
      %ne3A_2174 = arith.cmpi ne, %sign3A_2166, %sign3A_2173 : i32
      %rem3A_2175 = arith.remsi %while3A_2137, %jit3A_2160 : i32
      %ne3A_2176 = arith.constant 0 : i32
      %ne3A_2177 = arith.cmpi ne, %rem3A_2175, %ne3A_2176 : i32
      %and3A = arith.andi %ne3A_2174, %ne3A_2177 : i1
      %sub3A_2178 = arith.constant 1 : i32
      %sub3A_2179 = arith.subi %div3A, %sub3A_2178 : i32
      %select_n3A_2180 = arith.select %and3A, %sub3A_2179, %div3A : i32
      %mul3A_2181 = arith.constant 16 : i32
      %mul3A_2182 = arith.muli %select_n3A_2180, %mul3A_2181 : i32
      %get3A_2183 = arith.index_cast %mul3A_2182 : i32 to index
      %get3A_2184 = tpu.vector_load %arg10[%get3A_2183] {strides = array<i32>} : memref<528xi32, #tpu.memory_space<vmem>>, vector<16xi32>,
      %rem3A_2185 = arith.constant 16 : i32
      %rem3A_2186 = arith.remsi %while3A_2137, %rem3A_2185 : i32
      %eq3A_2187 = vector.broadcast %rem3A_2186 : i32 to vector<16xi32>
      %eq3A_2188 = arith.cmpi eq, %iota3A, %eq3A_2187 : vector<16xi32>
      %jit3A_2189 = arith.constant 0 : i32
      %broadcast_in_dim3A_2190 = vector.broadcast %jit3A_2189 : i32 to vector<16xi32>
      %select_n3A_2191 = arith.select %eq3A_2188, %get3A_2184, %broadcast_in_dim3A_2190 : vector<16xi1>, vector<16xi32>
      %reduce_sum3A_2192 = arith.constant true
      %reduce_sum3A_2193 = vector.broadcast %reduce_sum3A_2192 : i1 to vector<16xi1>
      %reduce_sum3A_2194 = tpu.scan <sum>, %select_n3A_2191 masked %reduce_sum3A_2193 : vector<16xi32>, vector<16xi1> -> vector<16xi32>
      %reduce_sum3A_2195 = vector.extract %reduce_sum3A_2194[15] : i32 from vector<16xi32>
      %add3A_2196 = arith.constant 1 : i32
      %add3A_2197 = arith.addi %while3A_2137, %add3A_2196 : i32
      %jit3A_2198 = arith.constant 16 : i32
      %div3A_2199 = arith.divsi %add3A_2197, %jit3A_2198 : i32
      %sign3A_2200 = arith.constant 0 : i32
      %sign3A_2201 = arith.cmpi sgt, %add3A_2197, %sign3A_2200 : i32
      %sign3A_2202 = arith.extui %sign3A_2201 : i1 to i32
      %sign3A_2203 = arith.constant 0 : i32
      %sign3A_2204 = arith.cmpi slt, %add3A_2197, %sign3A_2203 : i32
      %sign3A_2205 = arith.extui %sign3A_2204 : i1 to i32
      %sign3A_2206 = arith.subi %sign3A_2202, %sign3A_2205 : i32
      %sign3A_2207 = arith.constant 0 : i32
      %sign3A_2208 = arith.cmpi sgt, %jit3A_2198, %sign3A_2207 : i32
      %sign3A_2209 = arith.extui %sign3A_2208 : i1 to i32
      %sign3A_2210 = arith.constant 0 : i32
      %sign3A_2211 = arith.cmpi slt, %jit3A_2198, %sign3A_2210 : i32
      %sign3A_2212 = arith.extui %sign3A_2211 : i1 to i32
      %sign3A_2213 = arith.subi %sign3A_2209, %sign3A_2212 : i32
      %ne3A_2214 = arith.cmpi ne, %sign3A_2206, %sign3A_2213 : i32
      %rem3A_2215 = arith.remsi %add3A_2197, %jit3A_2198 : i32
      %ne3A_2216 = arith.constant 0 : i32
      %ne3A_2217 = arith.cmpi ne, %rem3A_2215, %ne3A_2216 : i32
      %and3A_2218 = arith.andi %ne3A_2214, %ne3A_2217 : i1
      %sub3A_2219 = arith.constant 1 : i32
      %sub3A_2220 = arith.subi %div3A_2199, %sub3A_2219 : i32
      %select_n3A_2221 = arith.select %and3A_2218, %sub3A_2220, %div3A_2199 : i32
      %mul3A_2222 = arith.constant 16 : i32
      %mul3A_2223 = arith.muli %select_n3A_2221, %mul3A_2222 : i32
      %get3A_2224 = arith.index_cast %mul3A_2223 : i32 to index
      %get3A_2225 = tpu.vector_load %arg10[%get3A_2224] {strides = array<i32>} : memref<528xi32, #tpu.memory_space<vmem>>, vector<16xi32>,
      %rem3A_2226 = arith.constant 16 : i32
      %rem3A_2227 = arith.remsi %add3A_2197, %rem3A_2226 : i32
      %eq3A_2228 = vector.broadcast %rem3A_2227 : i32 to vector<16xi32>
      %eq3A_2229 = arith.cmpi eq, %iota3A, %eq3A_2228 : vector<16xi32>
      %jit3A_2230 = arith.constant 0 : i32
      %broadcast_in_dim3A_2231 = vector.broadcast %jit3A_2230 : i32 to vector<16xi32>
      %select_n3A_2232 = arith.select %eq3A_2229, %get3A_2225, %broadcast_in_dim3A_2231 : vector<16xi1>, vector<16xi32>
      %reduce_sum3A_2233 = arith.constant true
      %reduce_sum3A_2234 = vector.broadcast %reduce_sum3A_2233 : i1 to vector<16xi1>
      %reduce_sum3A_2235 = tpu.scan <sum>, %select_n3A_2232 masked %reduce_sum3A_2234 : vector<16xi32>, vector<16xi1> -> vector<16xi32>
      %reduce_sum3A_2236 = vector.extract %reduce_sum3A_2235[15] : i32 from vector<16xi32>
      %while3A_2237 = arith.constant 0 : i32
      %while3A_2238 = arith.subi %reduce_sum3A_2236, %reduce_sum3A_2195 : i32
      %while3A_2239 = arith.addi %reduce_sum3A_2195, %while3A_2238 : i32
      %while3A_2240 = arith.constant 1 : i32
      %while3A_2241 = arith.divsi %while3A_2238, %while3A_2240 : i32
      %while3A_2242 = arith.muli %while3A_2241, %while3A_2240 : i32
      %while3A_2243 = arith.addi %reduce_sum3A_2195, %while3A_2242 : i32
      %while3A_2244 = arith.constant 1 : i32
      %while3A_2245 = scf.for %while3A_2249 = %reduce_sum3A_2195 to %while3A_2243 step %while3A_2244 iter_args(%while3A_2250 = %while3A_2237) -> (i32)  : i32 {
        %jit3A_2251 = arith.constant 16 : i32
        %div3A_2252 = arith.divsi %while3A_2249, %jit3A_2251 : i32
        %sign3A_2253 = arith.constant 0 : i32
        %sign3A_2254 = arith.cmpi sgt, %while3A_2249, %sign3A_2253 : i32
        %sign3A_2255 = arith.extui %sign3A_2254 : i1 to i32
        %sign3A_2256 = arith.constant 0 : i32
        %sign3A_2257 = arith.cmpi slt, %while3A_2249, %sign3A_2256 : i32
        %sign3A_2258 = arith.extui %sign3A_2257 : i1 to i32
        %sign3A_2259 = arith.subi %sign3A_2255, %sign3A_2258 : i32
        %sign3A_2260 = arith.constant 0 : i32
        %sign3A_2261 = arith.cmpi sgt, %jit3A_2251, %sign3A_2260 : i32
        %sign3A_2262 = arith.extui %sign3A_2261 : i1 to i32
        %sign3A_2263 = arith.constant 0 : i32
        %sign3A_2264 = arith.cmpi slt, %jit3A_2251, %sign3A_2263 : i32
        %sign3A_2265 = arith.extui %sign3A_2264 : i1 to i32
        %sign3A_2266 = arith.subi %sign3A_2262, %sign3A_2265 : i32
        %ne3A_2267 = arith.cmpi ne, %sign3A_2259, %sign3A_2266 : i32
        %rem3A_2268 = arith.remsi %while3A_2249, %jit3A_2251 : i32
        %ne3A_2269 = arith.constant 0 : i32
        %ne3A_2270 = arith.cmpi ne, %rem3A_2268, %ne3A_2269 : i32
        %and3A_2271 = arith.andi %ne3A_2267, %ne3A_2270 : i1
        %sub3A_2272 = arith.constant 1 : i32
        %sub3A_2273 = arith.subi %div3A_2252, %sub3A_2272 : i32
        %select_n3A_2274 = arith.select %and3A_2271, %sub3A_2273, %div3A_2252 : i32
        %mul3A_2275 = arith.constant 16 : i32
        %mul3A_2276 = arith.muli %select_n3A_2274, %mul3A_2275 : i32
        %get3A_2277 = arith.index_cast %mul3A_2276 : i32 to index
        %get3A_2278 = tpu.vector_load %arg8[%get3A_2277] {strides = array<i32>} : memref<512xi32, #tpu.memory_space<vmem>>, vector<16xi32>,
        %rem3A_2279 = arith.constant 16 : i32
        %rem3A_2280 = arith.remsi %while3A_2249, %rem3A_2279 : i32
        %eq3A_2281 = vector.broadcast %rem3A_2280 : i32 to vector<16xi32>
        %eq3A_2282 = arith.cmpi eq, %iota3A, %eq3A_2281 : vector<16xi32>
        %jit3A_2283 = arith.constant 0 : i32
        %broadcast_in_dim3A_2284 = vector.broadcast %jit3A_2283 : i32 to vector<16xi32>
        %select_n3A_2285 = arith.select %eq3A_2282, %get3A_2278, %broadcast_in_dim3A_2284 : vector<16xi1>, vector<16xi32>
        %reduce_sum3A_2286 = arith.constant true
        %reduce_sum3A_2287 = vector.broadcast %reduce_sum3A_2286 : i1 to vector<16xi1>
        %reduce_sum3A_2288 = tpu.scan <sum>, %select_n3A_2285 masked %reduce_sum3A_2287 : vector<16xi32>, vector<16xi1> -> vector<16xi32>
        %reduce_sum3A_2289 = vector.extract %reduce_sum3A_2288[15] : i32 from vector<16xi32>
        %and3A_2290 = arith.constant 127 : i32
        %and3A_2291 = arith.andi %reduce_sum3A_2289, %and3A_2290 : i32
        %and3A_2292 = arith.constant 127 : i32
        %and3A_2293 = arith.andi %while3A_2249, %and3A_2292 : i32
        %broadcast_in_dim3A_2294 = vector.broadcast %and3A_2291 : i32 to vector<16xi32>
        %broadcast_in_dim3A_2295 = vector.broadcast %and3A_2293 : i32 to vector<16xi32>
        %add3A_2296 = arith.constant 0 : i32
        %add3A_2297 = vector.broadcast %add3A_2296 : i32 to vector<16xi32>
        %add3A_2298 = arith.addi %iota3A, %add3A_2297 : vector<16xi32>
        %gather3A_2299 = arith.constant 0 : i32
        %gather3A_2300 = arith.constant 0 : i32
        %gather3A_2301 = tpu.memref_slice %arg11[%rem3A_2139, %gather3A_2299, %gather3A_2300] : memref<10x64x128xf32, #tpu.memory_space<vmem>> -> memref<1x64x128xf32, #tpu.memory_space<vmem>>
        %gather3A_2302 = tpu.memref_squeeze %gather3A_2301 : memref<1x64x128xf32, #tpu.memory_space<vmem>> -> memref<64x128xf32, #tpu.memory_space<vmem>>
        %gather3A_2303 = tpu.vector_load_idx %gather3A_2302[%add3A_2298, %broadcast_in_dim3A_2294] : memref<64x128xf32, #tpu.memory_space<vmem>>[vector<16xi32>, vector<16xi32>], vector<16xf32>,
        tpu.vector_store_idx %arg12[%add3A_2298, %broadcast_in_dim3A_2295], %gather3A_2303 : memref<64x128xf32, #tpu.memory_space<vmem>>[vector<16xi32>, vector<16xi32>], vector<16xf32>,
        %add3A_2304 = arith.constant 16 : i32
        %add3A_2305 = vector.broadcast %add3A_2304 : i32 to vector<16xi32>
        %add3A_2306 = arith.addi %iota3A, %add3A_2305 : vector<16xi32>
        %gather3A_2307 = arith.constant 0 : i32
        %gather3A_2308 = arith.constant 0 : i32
        %gather3A_2309 = tpu.memref_slice %arg11[%rem3A_2139, %gather3A_2307, %gather3A_2308] : memref<10x64x128xf32, #tpu.memory_space<vmem>> -> memref<1x64x128xf32, #tpu.memory_space<vmem>>
        %gather3A_2310 = tpu.memref_squeeze %gather3A_2309 : memref<1x64x128xf32, #tpu.memory_space<vmem>> -> memref<64x128xf32, #tpu.memory_space<vmem>>
        %gather3A_2311 = tpu.vector_load_idx %gather3A_2310[%add3A_2306, %broadcast_in_dim3A_2294] : memref<64x128xf32, #tpu.memory_space<vmem>>[vector<16xi32>, vector<16xi32>], vector<16xf32>,
        tpu.vector_store_idx %arg12[%add3A_2306, %broadcast_in_dim3A_2295], %gather3A_2311 : memref<64x128xf32, #tpu.memory_space<vmem>>[vector<16xi32>, vector<16xi32>], vector<16xf32>,
        %add3A_2312 = arith.constant 32 : i32
        %add3A_2313 = vector.broadcast %add3A_2312 : i32 to vector<16xi32>
        %add3A_2314 = arith.addi %iota3A, %add3A_2313 : vector<16xi32>
        %gather3A_2315 = arith.constant 0 : i32
        %gather3A_2316 = arith.constant 0 : i32
        %gather3A_2317 = tpu.memref_slice %arg11[%rem3A_2139, %gather3A_2315, %gather3A_2316] : memref<10x64x128xf32, #tpu.memory_space<vmem>> -> memref<1x64x128xf32, #tpu.memory_space<vmem>>
        %gather3A_2318 = tpu.memref_squeeze %gather3A_2317 : memref<1x64x128xf32, #tpu.memory_space<vmem>> -> memref<64x128xf32, #tpu.memory_space<vmem>>
        %gather3A_2319 = tpu.vector_load_idx %gather3A_2318[%add3A_2314, %broadcast_in_dim3A_2294] : memref<64x128xf32, #tpu.memory_space<vmem>>[vector<16xi32>, vector<16xi32>], vector<16xf32>,
        tpu.vector_store_idx %arg12[%add3A_2314, %broadcast_in_dim3A_2295], %gather3A_2319 : memref<64x128xf32, #tpu.memory_space<vmem>>[vector<16xi32>, vector<16xi32>], vector<16xf32>,
        %add3A_2320 = arith.constant 48 : i32
        %add3A_2321 = vector.broadcast %add3A_2320 : i32 to vector<16xi32>
        %add3A_2322 = arith.addi %iota3A, %add3A_2321 : vector<16xi32>
        %gather3A_2323 = arith.constant 0 : i32
        %gather3A_2324 = arith.constant 0 : i32
        %gather3A_2325 = tpu.memref_slice %arg11[%rem3A_2139, %gather3A_2323, %gather3A_2324] : memref<10x64x128xf32, #tpu.memory_space<vmem>> -> memref<1x64x128xf32, #tpu.memory_space<vmem>>
        %gather3A_2326 = tpu.memref_squeeze %gather3A_2325 : memref<1x64x128xf32, #tpu.memory_space<vmem>> -> memref<64x128xf32, #tpu.memory_space<vmem>>
        %gather3A_2327 = tpu.vector_load_idx %gather3A_2326[%add3A_2322, %broadcast_in_dim3A_2294] : memref<64x128xf32, #tpu.memory_space<vmem>>[vector<16xi32>, vector<16xi32>], vector<16xf32>,
        tpu.vector_store_idx %arg12[%add3A_2322, %broadcast_in_dim3A_2295], %gather3A_2327 : memref<64x128xf32, #tpu.memory_space<vmem>>[vector<16xi32>, vector<16xi32>], vector<16xf32>,
        %eq3A_2328 = arith.constant 127 : i32
        %eq3A_2329 = arith.cmpi eq, %and3A_2293, %eq3A_2328 : i32
        %convert_element_type3A_2330 = arith.extui %eq3A_2329 : i1 to i32
        %cond3A_2331 = arith.constant 0 : i32
        %cond3A_2332 = arith.cmpi ne, %convert_element_type3A_2330, %cond3A_2331 : i32
        scf.if %cond3A_2332 {
          %jit3A_2334 = arith.constant 128 : i32
          %div3A_2335 = arith.divsi %while3A_2249, %jit3A_2334 : i32
          %sign3A_2336 = arith.constant 0 : i32
          %sign3A_2337 = arith.cmpi sgt, %while3A_2249, %sign3A_2336 : i32
          %sign3A_2338 = arith.extui %sign3A_2337 : i1 to i32
          %sign3A_2339 = arith.constant 0 : i32
          %sign3A_2340 = arith.cmpi slt, %while3A_2249, %sign3A_2339 : i32
          %sign3A_2341 = arith.extui %sign3A_2340 : i1 to i32
          %sign3A_2342 = arith.subi %sign3A_2338, %sign3A_2341 : i32
          %sign3A_2343 = arith.constant 0 : i32
          %sign3A_2344 = arith.cmpi sgt, %jit3A_2334, %sign3A_2343 : i32
          %sign3A_2345 = arith.extui %sign3A_2344 : i1 to i32
          %sign3A_2346 = arith.constant 0 : i32
          %sign3A_2347 = arith.cmpi slt, %jit3A_2334, %sign3A_2346 : i32
          %sign3A_2348 = arith.extui %sign3A_2347 : i1 to i32
          %sign3A_2349 = arith.subi %sign3A_2345, %sign3A_2348 : i32
          %ne3A_2350 = arith.cmpi ne, %sign3A_2342, %sign3A_2349 : i32
          %rem3A_2351 = arith.remsi %while3A_2249, %jit3A_2334 : i32
          %ne3A_2352 = arith.constant 0 : i32
          %ne3A_2353 = arith.cmpi ne, %rem3A_2351, %ne3A_2352 : i32
          %and3A_2354 = arith.andi %ne3A_2350, %ne3A_2353 : i1
          %sub3A_2355 = arith.constant 1 : i32
          %sub3A_2356 = arith.subi %div3A_2335, %sub3A_2355 : i32
          %select_n3A_2357 = arith.select %and3A_2354, %sub3A_2356, %div3A_2335 : i32
          %mul3A_2358 = arith.constant 128 : i32
          %mul3A_2359 = arith.muli %select_n3A_2357, %mul3A_2358 : i32
          %add3A_2360 = arith.addi %mul3A_2, %mul3A_2359 : i32
          %multiple_of3A = tpu.assume_multiple %add3A_2360, 128 : i32
          "tpu.region"() ({
            %run_scoped3A = tpu.sem_alloc : memref<!tpu.dma_semaphore, #tpu.memory_space<semaphore_mem>>
            %dma_start3A = arith.constant 0 : i32
            %dma_start3A_2361 = tpu.memref_slice %arg5[%dma_start3A, %multiple_of3A] : memref<64x16384xf32, #tpu.memory_space<hbm>> -> memref<64x128xf32, #tpu.memory_space<hbm>>
            %dma_start3A_2362 = arith.constant 0 : i32
            %dma_start3A_2363 = tpu.memref_slice %arg5[%dma_start3A_2362, %multiple_of3A] : memref<64x16384xf32, #tpu.memory_space<hbm>> -> memref<64x128xf32, #tpu.memory_space<hbm>>
            tpu.enqueue_dma source(%arg12 : memref<64x128xf32, #tpu.memory_space<vmem>>) target(%dma_start3A_2363 : memref<64x128xf32, #tpu.memory_space<hbm>>) target_semaphore(%run_scoped3A : memref<!tpu.dma_semaphore, #tpu.memory_space<semaphore_mem>>)
            %dma_wait3A_2364 = arith.constant 0 : i32
            %dma_wait3A_2365 = tpu.memref_slice %arg5[%dma_wait3A_2364, %multiple_of3A] : memref<64x16384xf32, #tpu.memory_space<hbm>> -> memref<64x128xf32, #tpu.memory_space<hbm>>
            %dma_wait3A_2366 = arith.constant 0 : i32
            %dma_wait3A_2367 = tpu.memref_slice %arg5[%dma_wait3A_2366, %multiple_of3A] : memref<64x16384xf32, #tpu.memory_space<hbm>> -> memref<64x128xf32, #tpu.memory_space<hbm>>
            tpu.wait_dma2 semaphore(%run_scoped3A : memref<!tpu.dma_semaphore, #tpu.memory_space<semaphore_mem>>) src(%arg12 : memref<64x128xf32, #tpu.memory_space<vmem>>) dst(%dma_wait3A_2367 : memref<64x128xf32, #tpu.memory_space<hbm>>)
            tpu.yield
          }) : () -> ()
        } else {
        }
        %while3A_2333 = arith.constant 0 : i32
        scf.yield %while3A_2333 : i32
      }
      %while3A_2246 = arith.constant 1 : i32
      %while3A_2247 = scf.for %while3A_2249 = %while3A_2243 to %while3A_2239 step %while3A_2246 iter_args(%while3A_2250 = %while3A_2245) -> (i32)  : i32 {
        %jit3A_2251 = arith.constant 16 : i32
        %div3A_2252 = arith.divsi %while3A_2249, %jit3A_2251 : i32
        %sign3A_2253 = arith.constant 0 : i32
        %sign3A_2254 = arith.cmpi sgt, %while3A_2249, %sign3A_2253 : i32
        %sign3A_2255 = arith.extui %sign3A_2254 : i1 to i32
        %sign3A_2256 = arith.constant 0 : i32
        %sign3A_2257 = arith.cmpi slt, %while3A_2249, %sign3A_2256 : i32
        %sign3A_2258 = arith.extui %sign3A_2257 : i1 to i32
        %sign3A_2259 = arith.subi %sign3A_2255, %sign3A_2258 : i32
        %sign3A_2260 = arith.constant 0 : i32
        %sign3A_2261 = arith.cmpi sgt, %jit3A_2251, %sign3A_2260 : i32
        %sign3A_2262 = arith.extui %sign3A_2261 : i1 to i32
        %sign3A_2263 = arith.constant 0 : i32
        %sign3A_2264 = arith.cmpi slt, %jit3A_2251, %sign3A_2263 : i32
        %sign3A_2265 = arith.extui %sign3A_2264 : i1 to i32
        %sign3A_2266 = arith.subi %sign3A_2262, %sign3A_2265 : i32
        %ne3A_2267 = arith.cmpi ne, %sign3A_2259, %sign3A_2266 : i32
        %rem3A_2268 = arith.remsi %while3A_2249, %jit3A_2251 : i32
        %ne3A_2269 = arith.constant 0 : i32
        %ne3A_2270 = arith.cmpi ne, %rem3A_2268, %ne3A_2269 : i32
        %and3A_2271 = arith.andi %ne3A_2267, %ne3A_2270 : i1
        %sub3A_2272 = arith.constant 1 : i32
        %sub3A_2273 = arith.subi %div3A_2252, %sub3A_2272 : i32
        %select_n3A_2274 = arith.select %and3A_2271, %sub3A_2273, %div3A_2252 : i32
        %mul3A_2275 = arith.constant 16 : i32
        %mul3A_2276 = arith.muli %select_n3A_2274, %mul3A_2275 : i32
        %get3A_2277 = arith.index_cast %mul3A_2276 : i32 to index
        %get3A_2278 = tpu.vector_load %arg8[%get3A_2277] {strides = array<i32>} : memref<512xi32, #tpu.memory_space<vmem>>, vector<16xi32>,
        %rem3A_2279 = arith.constant 16 : i32
        %rem3A_2280 = arith.remsi %while3A_2249, %rem3A_2279 : i32
        %eq3A_2281 = vector.broadcast %rem3A_2280 : i32 to vector<16xi32>
        %eq3A_2282 = arith.cmpi eq, %iota3A, %eq3A_2281 : vector<16xi32>
        %jit3A_2283 = arith.constant 0 : i32
        %broadcast_in_dim3A_2284 = vector.broadcast %jit3A_2283 : i32 to vector<16xi32>
        %select_n3A_2285 = arith.select %eq3A_2282, %get3A_2278, %broadcast_in_dim3A_2284 : vector<16xi1>, vector<16xi32>
        %reduce_sum3A_2286 = arith.constant true
        %reduce_sum3A_2287 = vector.broadcast %reduce_sum3A_2286 : i1 to vector<16xi1>
        %reduce_sum3A_2288 = tpu.scan <sum>, %select_n3A_2285 masked %reduce_sum3A_2287 : vector<16xi32>, vector<16xi1> -> vector<16xi32>
        %reduce_sum3A_2289 = vector.extract %reduce_sum3A_2288[15] : i32 from vector<16xi32>
        %and3A_2290 = arith.constant 127 : i32
        %and3A_2291 = arith.andi %reduce_sum3A_2289, %and3A_2290 : i32
        %and3A_2292 = arith.constant 127 : i32
        %and3A_2293 = arith.andi %while3A_2249, %and3A_2292 : i32
        %broadcast_in_dim3A_2294 = vector.broadcast %and3A_2291 : i32 to vector<16xi32>
        %broadcast_in_dim3A_2295 = vector.broadcast %and3A_2293 : i32 to vector<16xi32>
        %add3A_2296 = arith.constant 0 : i32
        %add3A_2297 = vector.broadcast %add3A_2296 : i32 to vector<16xi32>
        %add3A_2298 = arith.addi %iota3A, %add3A_2297 : vector<16xi32>
        %gather3A_2299 = arith.constant 0 : i32
        %gather3A_2300 = arith.constant 0 : i32
        %gather3A_2301 = tpu.memref_slice %arg11[%rem3A_2139, %gather3A_2299, %gather3A_2300] : memref<10x64x128xf32, #tpu.memory_space<vmem>> -> memref<1x64x128xf32, #tpu.memory_space<vmem>>
        %gather3A_2302 = tpu.memref_squeeze %gather3A_2301 : memref<1x64x128xf32, #tpu.memory_space<vmem>> -> memref<64x128xf32, #tpu.memory_space<vmem>>
        %gather3A_2303 = tpu.vector_load_idx %gather3A_2302[%add3A_2298, %broadcast_in_dim3A_2294] : memref<64x128xf32, #tpu.memory_space<vmem>>[vector<16xi32>, vector<16xi32>], vector<16xf32>,
        tpu.vector_store_idx %arg12[%add3A_2298, %broadcast_in_dim3A_2295], %gather3A_2303 : memref<64x128xf32, #tpu.memory_space<vmem>>[vector<16xi32>, vector<16xi32>], vector<16xf32>,
        %add3A_2304 = arith.constant 16 : i32
        %add3A_2305 = vector.broadcast %add3A_2304 : i32 to vector<16xi32>
        %add3A_2306 = arith.addi %iota3A, %add3A_2305 : vector<16xi32>
        %gather3A_2307 = arith.constant 0 : i32
        %gather3A_2308 = arith.constant 0 : i32
        %gather3A_2309 = tpu.memref_slice %arg11[%rem3A_2139, %gather3A_2307, %gather3A_2308] : memref<10x64x128xf32, #tpu.memory_space<vmem>> -> memref<1x64x128xf32, #tpu.memory_space<vmem>>
        %gather3A_2310 = tpu.memref_squeeze %gather3A_2309 : memref<1x64x128xf32, #tpu.memory_space<vmem>> -> memref<64x128xf32, #tpu.memory_space<vmem>>
        %gather3A_2311 = tpu.vector_load_idx %gather3A_2310[%add3A_2306, %broadcast_in_dim3A_2294] : memref<64x128xf32, #tpu.memory_space<vmem>>[vector<16xi32>, vector<16xi32>], vector<16xf32>,
        tpu.vector_store_idx %arg12[%add3A_2306, %broadcast_in_dim3A_2295], %gather3A_2311 : memref<64x128xf32, #tpu.memory_space<vmem>>[vector<16xi32>, vector<16xi32>], vector<16xf32>,
        %add3A_2312 = arith.constant 32 : i32
        %add3A_2313 = vector.broadcast %add3A_2312 : i32 to vector<16xi32>
        %add3A_2314 = arith.addi %iota3A, %add3A_2313 : vector<16xi32>
        %gather3A_2315 = arith.constant 0 : i32
        %gather3A_2316 = arith.constant 0 : i32
        %gather3A_2317 = tpu.memref_slice %arg11[%rem3A_2139, %gather3A_2315, %gather3A_2316] : memref<10x64x128xf32, #tpu.memory_space<vmem>> -> memref<1x64x128xf32, #tpu.memory_space<vmem>>
        %gather3A_2318 = tpu.memref_squeeze %gather3A_2317 : memref<1x64x128xf32, #tpu.memory_space<vmem>> -> memref<64x128xf32, #tpu.memory_space<vmem>>
        %gather3A_2319 = tpu.vector_load_idx %gather3A_2318[%add3A_2314, %broadcast_in_dim3A_2294] : memref<64x128xf32, #tpu.memory_space<vmem>>[vector<16xi32>, vector<16xi32>], vector<16xf32>,
        tpu.vector_store_idx %arg12[%add3A_2314, %broadcast_in_dim3A_2295], %gather3A_2319 : memref<64x128xf32, #tpu.memory_space<vmem>>[vector<16xi32>, vector<16xi32>], vector<16xf32>,
        %add3A_2320 = arith.constant 48 : i32
        %add3A_2321 = vector.broadcast %add3A_2320 : i32 to vector<16xi32>
        %add3A_2322 = arith.addi %iota3A, %add3A_2321 : vector<16xi32>
        %gather3A_2323 = arith.constant 0 : i32
        %gather3A_2324 = arith.constant 0 : i32
        %gather3A_2325 = tpu.memref_slice %arg11[%rem3A_2139, %gather3A_2323, %gather3A_2324] : memref<10x64x128xf32, #tpu.memory_space<vmem>> -> memref<1x64x128xf32, #tpu.memory_space<vmem>>
        %gather3A_2326 = tpu.memref_squeeze %gather3A_2325 : memref<1x64x128xf32, #tpu.memory_space<vmem>> -> memref<64x128xf32, #tpu.memory_space<vmem>>
        %gather3A_2327 = tpu.vector_load_idx %gather3A_2326[%add3A_2322, %broadcast_in_dim3A_2294] : memref<64x128xf32, #tpu.memory_space<vmem>>[vector<16xi32>, vector<16xi32>], vector<16xf32>,
        tpu.vector_store_idx %arg12[%add3A_2322, %broadcast_in_dim3A_2295], %gather3A_2327 : memref<64x128xf32, #tpu.memory_space<vmem>>[vector<16xi32>, vector<16xi32>], vector<16xf32>,
        %eq3A_2328 = arith.constant 127 : i32
        %eq3A_2329 = arith.cmpi eq, %and3A_2293, %eq3A_2328 : i32
        %convert_element_type3A_2330 = arith.extui %eq3A_2329 : i1 to i32
        %cond3A_2331 = arith.constant 0 : i32
        %cond3A_2332 = arith.cmpi ne, %convert_element_type3A_2330, %cond3A_2331 : i32
        scf.if %cond3A_2332 {
          %jit3A_2334 = arith.constant 128 : i32
          %div3A_2335 = arith.divsi %while3A_2249, %jit3A_2334 : i32
          %sign3A_2336 = arith.constant 0 : i32
          %sign3A_2337 = arith.cmpi sgt, %while3A_2249, %sign3A_2336 : i32
          %sign3A_2338 = arith.extui %sign3A_2337 : i1 to i32
          %sign3A_2339 = arith.constant 0 : i32
          %sign3A_2340 = arith.cmpi slt, %while3A_2249, %sign3A_2339 : i32
          %sign3A_2341 = arith.extui %sign3A_2340 : i1 to i32
          %sign3A_2342 = arith.subi %sign3A_2338, %sign3A_2341 : i32
          %sign3A_2343 = arith.constant 0 : i32
          %sign3A_2344 = arith.cmpi sgt, %jit3A_2334, %sign3A_2343 : i32
          %sign3A_2345 = arith.extui %sign3A_2344 : i1 to i32
          %sign3A_2346 = arith.constant 0 : i32
          %sign3A_2347 = arith.cmpi slt, %jit3A_2334, %sign3A_2346 : i32
          %sign3A_2348 = arith.extui %sign3A_2347 : i1 to i32
          %sign3A_2349 = arith.subi %sign3A_2345, %sign3A_2348 : i32
          %ne3A_2350 = arith.cmpi ne, %sign3A_2342, %sign3A_2349 : i32
          %rem3A_2351 = arith.remsi %while3A_2249, %jit3A_2334 : i32
          %ne3A_2352 = arith.constant 0 : i32
          %ne3A_2353 = arith.cmpi ne, %rem3A_2351, %ne3A_2352 : i32
          %and3A_2354 = arith.andi %ne3A_2350, %ne3A_2353 : i1
          %sub3A_2355 = arith.constant 1 : i32
          %sub3A_2356 = arith.subi %div3A_2335, %sub3A_2355 : i32
          %select_n3A_2357 = arith.select %and3A_2354, %sub3A_2356, %div3A_2335 : i32
          %mul3A_2358 = arith.constant 128 : i32
          %mul3A_2359 = arith.muli %select_n3A_2357, %mul3A_2358 : i32
          %add3A_2360 = arith.addi %mul3A_2, %mul3A_2359 : i32
          %multiple_of3A = tpu.assume_multiple %add3A_2360, 128 : i32
          "tpu.region"() ({
            %run_scoped3A = tpu.sem_alloc : memref<!tpu.dma_semaphore, #tpu.memory_space<semaphore_mem>>
            %dma_start3A = arith.constant 0 : i32
            %dma_start3A_2361 = tpu.memref_slice %arg5[%dma_start3A, %multiple_of3A] : memref<64x16384xf32, #tpu.memory_space<hbm>> -> memref<64x128xf32, #tpu.memory_space<hbm>>
            %dma_start3A_2362 = arith.constant 0 : i32
            %dma_start3A_2363 = tpu.memref_slice %arg5[%dma_start3A_2362, %multiple_of3A] : memref<64x16384xf32, #tpu.memory_space<hbm>> -> memref<64x128xf32, #tpu.memory_space<hbm>>
            tpu.enqueue_dma source(%arg12 : memref<64x128xf32, #tpu.memory_space<vmem>>) target(%dma_start3A_2363 : memref<64x128xf32, #tpu.memory_space<hbm>>) target_semaphore(%run_scoped3A : memref<!tpu.dma_semaphore, #tpu.memory_space<semaphore_mem>>)
            %dma_wait3A_2364 = arith.constant 0 : i32
            %dma_wait3A_2365 = tpu.memref_slice %arg5[%dma_wait3A_2364, %multiple_of3A] : memref<64x16384xf32, #tpu.memory_space<hbm>> -> memref<64x128xf32, #tpu.memory_space<hbm>>
            %dma_wait3A_2366 = arith.constant 0 : i32
            %dma_wait3A_2367 = tpu.memref_slice %arg5[%dma_wait3A_2366, %multiple_of3A] : memref<64x16384xf32, #tpu.memory_space<hbm>> -> memref<64x128xf32, #tpu.memory_space<hbm>>
            tpu.wait_dma2 semaphore(%run_scoped3A : memref<!tpu.dma_semaphore, #tpu.memory_space<semaphore_mem>>) src(%arg12 : memref<64x128xf32, #tpu.memory_space<vmem>>) dst(%dma_wait3A_2367 : memref<64x128xf32, #tpu.memory_space<hbm>>)
            tpu.yield
          }) : () -> ()
        } else {
        }
        %while3A_2333 = arith.constant 0 : i32
        scf.yield %while3A_2333 : i32
      }
      %while3A_2248 = arith.constant 0 : i32
      scf.yield %while3A_2248 : i32
    }
    return
  }
}

#map = affine_map<(d0, d1) -> (0, 0)>
#map1 = affine_map<(d0, d1) -> (0)>
module attributes {stable_mosaic.version = 14 : i64} {
  func.func @_unpermute_sc(%arg0: i32, %arg1: i32, %arg2: memref<16384x64xf32, #tpu.memory_space<hbm>>, %arg3: memref<16384xi32, #tpu.memory_space<hbm>>, %arg4: memref<16384x64xf32, #tpu.memory_space<hbm>>, %arg5: memref<4x128xi32, #tpu.memory_space<vmem>>, %arg6: memref<512x64xf32, #tpu.memory_space<vmem>>, %arg7: memref<!tpu.dma_semaphore, #tpu.memory_space<semaphore_mem>>) attributes {dimension_semantics = [#tpu.dimension_semantics<core_parallel>, #tpu.dimension_semantics<subcore_parallel>], iteration_bounds = array<i64: 2, 16>, scalar_prefetch = 0 : i64, scratch_operands = 3 : i64, tpu.core_type = #tpu.core_type<sc_vector_subcore>, window_params = [{transform_indices = #map}, {transform_indices = #map1}, {transform_indices = #map}]} {
    %mul3A = arith.constant 2 : i32
    %mul3A_0 = arith.muli %arg1, %mul3A : i32
    %add3A = arith.addi %mul3A_0, %arg0 : i32
    %mul3A_1 = arith.constant 512 : i32
    %mul3A_2 = arith.muli %add3A, %mul3A_1 : i32
    %add3A_3 = arith.constant 0 : i32
    %add3A_4 = arith.addi %mul3A_2, %add3A_3 : i32
    %run_scoped3A = arith.constant 0 : i32
    "tpu.region"() ({
      %run_scoped3A_92 = tpu.sem_alloc : memref<!tpu.dma_semaphore, #tpu.memory_space<semaphore_mem>>
      %dma_start3A_93 = arith.constant 0 : i32
      %dma_start3A_94 = tpu.memref_slice %arg5[%run_scoped3A, %dma_start3A_93] : memref<4x128xi32, #tpu.memory_space<vmem>> -> memref<1x128xi32, #tpu.memory_space<vmem>>
      %dma_start3A_95 = tpu.memref_squeeze %dma_start3A_94 : memref<1x128xi32, #tpu.memory_space<vmem>> -> memref<128xi32, #tpu.memory_space<vmem>>
      %dma_start3A_96 = tpu.memref_slice %arg3[%add3A_4] : memref<16384xi32, #tpu.memory_space<hbm>> -> memref<128xi32, #tpu.memory_space<hbm>>
      %dma_start3A_97 = arith.constant 0 : i32
      %dma_start3A_98 = tpu.memref_slice %arg5[%run_scoped3A, %dma_start3A_97] : memref<4x128xi32, #tpu.memory_space<vmem>> -> memref<1x128xi32, #tpu.memory_space<vmem>>
      %dma_start3A_99 = tpu.memref_squeeze %dma_start3A_98 : memref<1x128xi32, #tpu.memory_space<vmem>> -> memref<128xi32, #tpu.memory_space<vmem>>
      %dma_start3A_100 = tpu.memref_slice %arg3[%add3A_4] : memref<16384xi32, #tpu.memory_space<hbm>> -> memref<128xi32, #tpu.memory_space<hbm>>
      tpu.enqueue_dma source(%dma_start3A_100 : memref<128xi32, #tpu.memory_space<hbm>>) target(%dma_start3A_99 : memref<128xi32, #tpu.memory_space<vmem>>) target_semaphore(%run_scoped3A_92 : memref<!tpu.dma_semaphore, #tpu.memory_space<semaphore_mem>>)
      %dma_wait3A_101 = arith.constant 0 : i32
      %dma_wait3A_102 = tpu.memref_slice %arg5[%run_scoped3A, %dma_wait3A_101] : memref<4x128xi32, #tpu.memory_space<vmem>> -> memref<1x128xi32, #tpu.memory_space<vmem>>
      %dma_wait3A_103 = tpu.memref_squeeze %dma_wait3A_102 : memref<1x128xi32, #tpu.memory_space<vmem>> -> memref<128xi32, #tpu.memory_space<vmem>>
      %dma_wait3A_104 = tpu.memref_slice %arg3[%add3A_4] : memref<16384xi32, #tpu.memory_space<hbm>> -> memref<128xi32, #tpu.memory_space<hbm>>
      %dma_wait3A_105 = arith.constant 0 : i32
      %dma_wait3A_106 = tpu.memref_slice %arg5[%run_scoped3A, %dma_wait3A_105] : memref<4x128xi32, #tpu.memory_space<vmem>> -> memref<1x128xi32, #tpu.memory_space<vmem>>
      %dma_wait3A_107 = tpu.memref_squeeze %dma_wait3A_106 : memref<1x128xi32, #tpu.memory_space<vmem>> -> memref<128xi32, #tpu.memory_space<vmem>>
      %dma_wait3A_108 = tpu.memref_slice %arg3[%add3A_4] : memref<16384xi32, #tpu.memory_space<hbm>> -> memref<128xi32, #tpu.memory_space<hbm>>
      tpu.wait_dma2 semaphore(%run_scoped3A_92 : memref<!tpu.dma_semaphore, #tpu.memory_space<semaphore_mem>>) src(%dma_wait3A_108 : memref<128xi32, #tpu.memory_space<hbm>>) dst(%dma_wait3A_107 : memref<128xi32, #tpu.memory_space<vmem>>)
      tpu.yield
    }) : () -> ()
    %add3A_5 = arith.constant 128 : i32
    %add3A_6 = arith.addi %mul3A_2, %add3A_5 : i32
    %run_scoped3A_7 = arith.constant 1 : i32
    "tpu.region"() ({
      %run_scoped3A_92 = tpu.sem_alloc : memref<!tpu.dma_semaphore, #tpu.memory_space<semaphore_mem>>
      %dma_start3A_93 = arith.constant 0 : i32
      %dma_start3A_94 = tpu.memref_slice %arg5[%run_scoped3A_7, %dma_start3A_93] : memref<4x128xi32, #tpu.memory_space<vmem>> -> memref<1x128xi32, #tpu.memory_space<vmem>>
      %dma_start3A_95 = tpu.memref_squeeze %dma_start3A_94 : memref<1x128xi32, #tpu.memory_space<vmem>> -> memref<128xi32, #tpu.memory_space<vmem>>
      %dma_start3A_96 = tpu.memref_slice %arg3[%add3A_6] : memref<16384xi32, #tpu.memory_space<hbm>> -> memref<128xi32, #tpu.memory_space<hbm>>
      %dma_start3A_97 = arith.constant 0 : i32
      %dma_start3A_98 = tpu.memref_slice %arg5[%run_scoped3A_7, %dma_start3A_97] : memref<4x128xi32, #tpu.memory_space<vmem>> -> memref<1x128xi32, #tpu.memory_space<vmem>>
      %dma_start3A_99 = tpu.memref_squeeze %dma_start3A_98 : memref<1x128xi32, #tpu.memory_space<vmem>> -> memref<128xi32, #tpu.memory_space<vmem>>
      %dma_start3A_100 = tpu.memref_slice %arg3[%add3A_6] : memref<16384xi32, #tpu.memory_space<hbm>> -> memref<128xi32, #tpu.memory_space<hbm>>
      tpu.enqueue_dma source(%dma_start3A_100 : memref<128xi32, #tpu.memory_space<hbm>>) target(%dma_start3A_99 : memref<128xi32, #tpu.memory_space<vmem>>) target_semaphore(%run_scoped3A_92 : memref<!tpu.dma_semaphore, #tpu.memory_space<semaphore_mem>>)
      %dma_wait3A_101 = arith.constant 0 : i32
      %dma_wait3A_102 = tpu.memref_slice %arg5[%run_scoped3A_7, %dma_wait3A_101] : memref<4x128xi32, #tpu.memory_space<vmem>> -> memref<1x128xi32, #tpu.memory_space<vmem>>
      %dma_wait3A_103 = tpu.memref_squeeze %dma_wait3A_102 : memref<1x128xi32, #tpu.memory_space<vmem>> -> memref<128xi32, #tpu.memory_space<vmem>>
      %dma_wait3A_104 = tpu.memref_slice %arg3[%add3A_6] : memref<16384xi32, #tpu.memory_space<hbm>> -> memref<128xi32, #tpu.memory_space<hbm>>
      %dma_wait3A_105 = arith.constant 0 : i32
      %dma_wait3A_106 = tpu.memref_slice %arg5[%run_scoped3A_7, %dma_wait3A_105] : memref<4x128xi32, #tpu.memory_space<vmem>> -> memref<1x128xi32, #tpu.memory_space<vmem>>
      %dma_wait3A_107 = tpu.memref_squeeze %dma_wait3A_106 : memref<1x128xi32, #tpu.memory_space<vmem>> -> memref<128xi32, #tpu.memory_space<vmem>>
      %dma_wait3A_108 = tpu.memref_slice %arg3[%add3A_6] : memref<16384xi32, #tpu.memory_space<hbm>> -> memref<128xi32, #tpu.memory_space<hbm>>
      tpu.wait_dma2 semaphore(%run_scoped3A_92 : memref<!tpu.dma_semaphore, #tpu.memory_space<semaphore_mem>>) src(%dma_wait3A_108 : memref<128xi32, #tpu.memory_space<hbm>>) dst(%dma_wait3A_107 : memref<128xi32, #tpu.memory_space<vmem>>)
      tpu.yield
    }) : () -> ()
    %add3A_8 = arith.constant 256 : i32
    %add3A_9 = arith.addi %mul3A_2, %add3A_8 : i32
    %run_scoped3A_10 = arith.constant 2 : i32
    "tpu.region"() ({
      %run_scoped3A_92 = tpu.sem_alloc : memref<!tpu.dma_semaphore, #tpu.memory_space<semaphore_mem>>
      %dma_start3A_93 = arith.constant 0 : i32
      %dma_start3A_94 = tpu.memref_slice %arg5[%run_scoped3A_10, %dma_start3A_93] : memref<4x128xi32, #tpu.memory_space<vmem>> -> memref<1x128xi32, #tpu.memory_space<vmem>>
      %dma_start3A_95 = tpu.memref_squeeze %dma_start3A_94 : memref<1x128xi32, #tpu.memory_space<vmem>> -> memref<128xi32, #tpu.memory_space<vmem>>
      %dma_start3A_96 = tpu.memref_slice %arg3[%add3A_9] : memref<16384xi32, #tpu.memory_space<hbm>> -> memref<128xi32, #tpu.memory_space<hbm>>
      %dma_start3A_97 = arith.constant 0 : i32
      %dma_start3A_98 = tpu.memref_slice %arg5[%run_scoped3A_10, %dma_start3A_97] : memref<4x128xi32, #tpu.memory_space<vmem>> -> memref<1x128xi32, #tpu.memory_space<vmem>>
      %dma_start3A_99 = tpu.memref_squeeze %dma_start3A_98 : memref<1x128xi32, #tpu.memory_space<vmem>> -> memref<128xi32, #tpu.memory_space<vmem>>
      %dma_start3A_100 = tpu.memref_slice %arg3[%add3A_9] : memref<16384xi32, #tpu.memory_space<hbm>> -> memref<128xi32, #tpu.memory_space<hbm>>
      tpu.enqueue_dma source(%dma_start3A_100 : memref<128xi32, #tpu.memory_space<hbm>>) target(%dma_start3A_99 : memref<128xi32, #tpu.memory_space<vmem>>) target_semaphore(%run_scoped3A_92 : memref<!tpu.dma_semaphore, #tpu.memory_space<semaphore_mem>>)
      %dma_wait3A_101 = arith.constant 0 : i32
      %dma_wait3A_102 = tpu.memref_slice %arg5[%run_scoped3A_10, %dma_wait3A_101] : memref<4x128xi32, #tpu.memory_space<vmem>> -> memref<1x128xi32, #tpu.memory_space<vmem>>
      %dma_wait3A_103 = tpu.memref_squeeze %dma_wait3A_102 : memref<1x128xi32, #tpu.memory_space<vmem>> -> memref<128xi32, #tpu.memory_space<vmem>>
      %dma_wait3A_104 = tpu.memref_slice %arg3[%add3A_9] : memref<16384xi32, #tpu.memory_space<hbm>> -> memref<128xi32, #tpu.memory_space<hbm>>
      %dma_wait3A_105 = arith.constant 0 : i32
      %dma_wait3A_106 = tpu.memref_slice %arg5[%run_scoped3A_10, %dma_wait3A_105] : memref<4x128xi32, #tpu.memory_space<vmem>> -> memref<1x128xi32, #tpu.memory_space<vmem>>
      %dma_wait3A_107 = tpu.memref_squeeze %dma_wait3A_106 : memref<1x128xi32, #tpu.memory_space<vmem>> -> memref<128xi32, #tpu.memory_space<vmem>>
      %dma_wait3A_108 = tpu.memref_slice %arg3[%add3A_9] : memref<16384xi32, #tpu.memory_space<hbm>> -> memref<128xi32, #tpu.memory_space<hbm>>
      tpu.wait_dma2 semaphore(%run_scoped3A_92 : memref<!tpu.dma_semaphore, #tpu.memory_space<semaphore_mem>>) src(%dma_wait3A_108 : memref<128xi32, #tpu.memory_space<hbm>>) dst(%dma_wait3A_107 : memref<128xi32, #tpu.memory_space<vmem>>)
      tpu.yield
    }) : () -> ()
    %add3A_11 = arith.constant 384 : i32
    %add3A_12 = arith.addi %mul3A_2, %add3A_11 : i32
    %run_scoped3A_13 = arith.constant 3 : i32
    "tpu.region"() ({
      %run_scoped3A_92 = tpu.sem_alloc : memref<!tpu.dma_semaphore, #tpu.memory_space<semaphore_mem>>
      %dma_start3A_93 = arith.constant 0 : i32
      %dma_start3A_94 = tpu.memref_slice %arg5[%run_scoped3A_13, %dma_start3A_93] : memref<4x128xi32, #tpu.memory_space<vmem>> -> memref<1x128xi32, #tpu.memory_space<vmem>>
      %dma_start3A_95 = tpu.memref_squeeze %dma_start3A_94 : memref<1x128xi32, #tpu.memory_space<vmem>> -> memref<128xi32, #tpu.memory_space<vmem>>
      %dma_start3A_96 = tpu.memref_slice %arg3[%add3A_12] : memref<16384xi32, #tpu.memory_space<hbm>> -> memref<128xi32, #tpu.memory_space<hbm>>
      %dma_start3A_97 = arith.constant 0 : i32
      %dma_start3A_98 = tpu.memref_slice %arg5[%run_scoped3A_13, %dma_start3A_97] : memref<4x128xi32, #tpu.memory_space<vmem>> -> memref<1x128xi32, #tpu.memory_space<vmem>>
      %dma_start3A_99 = tpu.memref_squeeze %dma_start3A_98 : memref<1x128xi32, #tpu.memory_space<vmem>> -> memref<128xi32, #tpu.memory_space<vmem>>
      %dma_start3A_100 = tpu.memref_slice %arg3[%add3A_12] : memref<16384xi32, #tpu.memory_space<hbm>> -> memref<128xi32, #tpu.memory_space<hbm>>
      tpu.enqueue_dma source(%dma_start3A_100 : memref<128xi32, #tpu.memory_space<hbm>>) target(%dma_start3A_99 : memref<128xi32, #tpu.memory_space<vmem>>) target_semaphore(%run_scoped3A_92 : memref<!tpu.dma_semaphore, #tpu.memory_space<semaphore_mem>>)
      %dma_wait3A_101 = arith.constant 0 : i32
      %dma_wait3A_102 = tpu.memref_slice %arg5[%run_scoped3A_13, %dma_wait3A_101] : memref<4x128xi32, #tpu.memory_space<vmem>> -> memref<1x128xi32, #tpu.memory_space<vmem>>
      %dma_wait3A_103 = tpu.memref_squeeze %dma_wait3A_102 : memref<1x128xi32, #tpu.memory_space<vmem>> -> memref<128xi32, #tpu.memory_space<vmem>>
      %dma_wait3A_104 = tpu.memref_slice %arg3[%add3A_12] : memref<16384xi32, #tpu.memory_space<hbm>> -> memref<128xi32, #tpu.memory_space<hbm>>
      %dma_wait3A_105 = arith.constant 0 : i32
      %dma_wait3A_106 = tpu.memref_slice %arg5[%run_scoped3A_13, %dma_wait3A_105] : memref<4x128xi32, #tpu.memory_space<vmem>> -> memref<1x128xi32, #tpu.memory_space<vmem>>
      %dma_wait3A_107 = tpu.memref_squeeze %dma_wait3A_106 : memref<1x128xi32, #tpu.memory_space<vmem>> -> memref<128xi32, #tpu.memory_space<vmem>>
      %dma_wait3A_108 = tpu.memref_slice %arg3[%add3A_12] : memref<16384xi32, #tpu.memory_space<hbm>> -> memref<128xi32, #tpu.memory_space<hbm>>
      tpu.wait_dma2 semaphore(%run_scoped3A_92 : memref<!tpu.dma_semaphore, #tpu.memory_space<semaphore_mem>>) src(%dma_wait3A_108 : memref<128xi32, #tpu.memory_space<hbm>>) dst(%dma_wait3A_107 : memref<128xi32, #tpu.memory_space<vmem>>)
      tpu.yield
    }) : () -> ()
    "tpu.region"() ({
      %run_scoped3A_92 = tpu.sem_alloc : memref<!tpu.dma_semaphore, #tpu.memory_space<semaphore_mem>>
      %dma_start3A_93 = arith.constant 0 : i32
      %dma_start3A_94 = tpu.memref_slice %arg2[%mul3A_2, %dma_start3A_93] : memref<16384x64xf32, #tpu.memory_space<hbm>> -> memref<512x64xf32, #tpu.memory_space<hbm>>
      %dma_start3A_95 = arith.constant 0 : i32
      %dma_start3A_96 = tpu.memref_slice %arg2[%mul3A_2, %dma_start3A_95] : memref<16384x64xf32, #tpu.memory_space<hbm>> -> memref<512x64xf32, #tpu.memory_space<hbm>>
      tpu.enqueue_dma source(%dma_start3A_96 : memref<512x64xf32, #tpu.memory_space<hbm>>) target(%arg6 : memref<512x64xf32, #tpu.memory_space<vmem>>) target_semaphore(%run_scoped3A_92 : memref<!tpu.dma_semaphore, #tpu.memory_space<semaphore_mem>>)
      %dma_wait3A_97 = arith.constant 0 : i32
      %dma_wait3A_98 = tpu.memref_slice %arg2[%mul3A_2, %dma_wait3A_97] : memref<16384x64xf32, #tpu.memory_space<hbm>> -> memref<512x64xf32, #tpu.memory_space<hbm>>
      %dma_wait3A_99 = arith.constant 0 : i32
      %dma_wait3A_100 = tpu.memref_slice %arg2[%mul3A_2, %dma_wait3A_99] : memref<16384x64xf32, #tpu.memory_space<hbm>> -> memref<512x64xf32, #tpu.memory_space<hbm>>
      tpu.wait_dma2 semaphore(%run_scoped3A_92 : memref<!tpu.dma_semaphore, #tpu.memory_space<semaphore_mem>>) src(%dma_wait3A_100 : memref<512x64xf32, #tpu.memory_space<hbm>>) dst(%arg6 : memref<512x64xf32, #tpu.memory_space<vmem>>)
      tpu.yield
    }) : () -> ()
    %dma_start3A = arith.constant 0 : i32
    %dma_start3A_14 = arith.constant 0 : i32
    %dma_start3A_15 = arith.constant 0 : i32
    %dma_start3A_16 = tpu.memref_slice %arg6[%dma_start3A_14, %dma_start3A_15] : memref<512x64xf32, #tpu.memory_space<vmem>> -> memref<128x64xf32, #tpu.memory_space<vmem>>
    %dma_start3A_17 = arith.constant 0 : i32
    %dma_start3A_18 = tpu.memref_slice %arg5[%dma_start3A, %dma_start3A_17] : memref<4x128xi32, #tpu.memory_space<vmem>> -> memref<1x128xi32, #tpu.memory_space<vmem>>
    %dma_start3A_19 = tpu.memref_squeeze %dma_start3A_18 : memref<1x128xi32, #tpu.memory_space<vmem>> -> memref<128xi32, #tpu.memory_space<vmem>>
    %dma_start3A_20 = arith.constant 0 : i32
    %dma_start3A_21 = arith.constant 0 : i32
    %dma_start3A_22 = tpu.memref_slice %arg4[%dma_start3A_20, %dma_start3A_21] : memref<16384x64xf32, #tpu.memory_space<hbm>> -> memref<16384x64xf32, #tpu.memory_space<hbm>>
    tpu.enqueue_indirect_dma source(%dma_start3A_16 : memref<128x64xf32, #tpu.memory_space<vmem>>) target(%dma_start3A_22 : memref<16384x64xf32, #tpu.memory_space<hbm>>) offsets(%dma_start3A_19 : memref<128xi32, #tpu.memory_space<vmem>>) semaphore(%arg7 : memref<!tpu.dma_semaphore, #tpu.memory_space<semaphore_mem>>)
    %dma_start3A_23 = arith.constant 1 : i32
    %dma_start3A_24 = arith.constant 128 : i32
    %dma_start3A_25 = arith.constant 0 : i32
    %dma_start3A_26 = tpu.memref_slice %arg6[%dma_start3A_24, %dma_start3A_25] : memref<512x64xf32, #tpu.memory_space<vmem>> -> memref<128x64xf32, #tpu.memory_space<vmem>>
    %dma_start3A_27 = arith.constant 0 : i32
    %dma_start3A_28 = tpu.memref_slice %arg5[%dma_start3A_23, %dma_start3A_27] : memref<4x128xi32, #tpu.memory_space<vmem>> -> memref<1x128xi32, #tpu.memory_space<vmem>>
    %dma_start3A_29 = tpu.memref_squeeze %dma_start3A_28 : memref<1x128xi32, #tpu.memory_space<vmem>> -> memref<128xi32, #tpu.memory_space<vmem>>
    %dma_start3A_30 = arith.constant 0 : i32
    %dma_start3A_31 = arith.constant 0 : i32
    %dma_start3A_32 = tpu.memref_slice %arg4[%dma_start3A_30, %dma_start3A_31] : memref<16384x64xf32, #tpu.memory_space<hbm>> -> memref<16384x64xf32, #tpu.memory_space<hbm>>
    tpu.enqueue_indirect_dma source(%dma_start3A_26 : memref<128x64xf32, #tpu.memory_space<vmem>>) target(%dma_start3A_32 : memref<16384x64xf32, #tpu.memory_space<hbm>>) offsets(%dma_start3A_29 : memref<128xi32, #tpu.memory_space<vmem>>) semaphore(%arg7 : memref<!tpu.dma_semaphore, #tpu.memory_space<semaphore_mem>>)
    %dma_start3A_33 = arith.constant 2 : i32
    %dma_start3A_34 = arith.constant 256 : i32
    %dma_start3A_35 = arith.constant 0 : i32
    %dma_start3A_36 = tpu.memref_slice %arg6[%dma_start3A_34, %dma_start3A_35] : memref<512x64xf32, #tpu.memory_space<vmem>> -> memref<128x64xf32, #tpu.memory_space<vmem>>
    %dma_start3A_37 = arith.constant 0 : i32
    %dma_start3A_38 = tpu.memref_slice %arg5[%dma_start3A_33, %dma_start3A_37] : memref<4x128xi32, #tpu.memory_space<vmem>> -> memref<1x128xi32, #tpu.memory_space<vmem>>
    %dma_start3A_39 = tpu.memref_squeeze %dma_start3A_38 : memref<1x128xi32, #tpu.memory_space<vmem>> -> memref<128xi32, #tpu.memory_space<vmem>>
    %dma_start3A_40 = arith.constant 0 : i32
    %dma_start3A_41 = arith.constant 0 : i32
    %dma_start3A_42 = tpu.memref_slice %arg4[%dma_start3A_40, %dma_start3A_41] : memref<16384x64xf32, #tpu.memory_space<hbm>> -> memref<16384x64xf32, #tpu.memory_space<hbm>>
    tpu.enqueue_indirect_dma source(%dma_start3A_36 : memref<128x64xf32, #tpu.memory_space<vmem>>) target(%dma_start3A_42 : memref<16384x64xf32, #tpu.memory_space<hbm>>) offsets(%dma_start3A_39 : memref<128xi32, #tpu.memory_space<vmem>>) semaphore(%arg7 : memref<!tpu.dma_semaphore, #tpu.memory_space<semaphore_mem>>)
    %dma_start3A_43 = arith.constant 3 : i32
    %dma_start3A_44 = arith.constant 384 : i32
    %dma_start3A_45 = arith.constant 0 : i32
    %dma_start3A_46 = tpu.memref_slice %arg6[%dma_start3A_44, %dma_start3A_45] : memref<512x64xf32, #tpu.memory_space<vmem>> -> memref<128x64xf32, #tpu.memory_space<vmem>>
    %dma_start3A_47 = arith.constant 0 : i32
    %dma_start3A_48 = tpu.memref_slice %arg5[%dma_start3A_43, %dma_start3A_47] : memref<4x128xi32, #tpu.memory_space<vmem>> -> memref<1x128xi32, #tpu.memory_space<vmem>>
    %dma_start3A_49 = tpu.memref_squeeze %dma_start3A_48 : memref<1x128xi32, #tpu.memory_space<vmem>> -> memref<128xi32, #tpu.memory_space<vmem>>
    %dma_start3A_50 = arith.constant 0 : i32
    %dma_start3A_51 = arith.constant 0 : i32
    %dma_start3A_52 = tpu.memref_slice %arg4[%dma_start3A_50, %dma_start3A_51] : memref<16384x64xf32, #tpu.memory_space<hbm>> -> memref<16384x64xf32, #tpu.memory_space<hbm>>
    tpu.enqueue_indirect_dma source(%dma_start3A_46 : memref<128x64xf32, #tpu.memory_space<vmem>>) target(%dma_start3A_52 : memref<16384x64xf32, #tpu.memory_space<hbm>>) offsets(%dma_start3A_49 : memref<128xi32, #tpu.memory_space<vmem>>) semaphore(%arg7 : memref<!tpu.dma_semaphore, #tpu.memory_space<semaphore_mem>>)
    %dma_wait3A = arith.constant 0 : i32
    %dma_wait3A_53 = arith.constant 0 : i32
    %dma_wait3A_54 = arith.constant 0 : i32
    %dma_wait3A_55 = tpu.memref_slice %arg6[%dma_wait3A_53, %dma_wait3A_54] : memref<512x64xf32, #tpu.memory_space<vmem>> -> memref<128x64xf32, #tpu.memory_space<vmem>>
    %dma_wait3A_56 = arith.constant 0 : i32
    %dma_wait3A_57 = tpu.memref_slice %arg5[%dma_wait3A, %dma_wait3A_56] : memref<4x128xi32, #tpu.memory_space<vmem>> -> memref<1x128xi32, #tpu.memory_space<vmem>>
    %dma_wait3A_58 = tpu.memref_squeeze %dma_wait3A_57 : memref<1x128xi32, #tpu.memory_space<vmem>> -> memref<128xi32, #tpu.memory_space<vmem>>
    %dma_wait3A_59 = arith.constant 0 : i32
    %dma_wait3A_60 = arith.constant 0 : i32
    %dma_wait3A_61 = tpu.memref_slice %arg4[%dma_wait3A_59, %dma_wait3A_60] : memref<16384x64xf32, #tpu.memory_space<hbm>> -> memref<16384x64xf32, #tpu.memory_space<hbm>>
    tpu.wait_indirect_dma semaphore(%arg7 : memref<!tpu.dma_semaphore, #tpu.memory_space<semaphore_mem>>) src(%dma_wait3A_55 : memref<128x64xf32, #tpu.memory_space<vmem>>) dst(%dma_wait3A_61 : memref<16384x64xf32, #tpu.memory_space<hbm>>)
    %dma_wait3A_62 = arith.constant 1 : i32
    %dma_wait3A_63 = arith.constant 128 : i32
    %dma_wait3A_64 = arith.constant 0 : i32
    %dma_wait3A_65 = tpu.memref_slice %arg6[%dma_wait3A_63, %dma_wait3A_64] : memref<512x64xf32, #tpu.memory_space<vmem>> -> memref<128x64xf32, #tpu.memory_space<vmem>>
    %dma_wait3A_66 = arith.constant 0 : i32
    %dma_wait3A_67 = tpu.memref_slice %arg5[%dma_wait3A_62, %dma_wait3A_66] : memref<4x128xi32, #tpu.memory_space<vmem>> -> memref<1x128xi32, #tpu.memory_space<vmem>>
    %dma_wait3A_68 = tpu.memref_squeeze %dma_wait3A_67 : memref<1x128xi32, #tpu.memory_space<vmem>> -> memref<128xi32, #tpu.memory_space<vmem>>
    %dma_wait3A_69 = arith.constant 0 : i32
    %dma_wait3A_70 = arith.constant 0 : i32
    %dma_wait3A_71 = tpu.memref_slice %arg4[%dma_wait3A_69, %dma_wait3A_70] : memref<16384x64xf32, #tpu.memory_space<hbm>> -> memref<16384x64xf32, #tpu.memory_space<hbm>>
    tpu.wait_indirect_dma semaphore(%arg7 : memref<!tpu.dma_semaphore, #tpu.memory_space<semaphore_mem>>) src(%dma_wait3A_65 : memref<128x64xf32, #tpu.memory_space<vmem>>) dst(%dma_wait3A_71 : memref<16384x64xf32, #tpu.memory_space<hbm>>)
    %dma_wait3A_72 = arith.constant 2 : i32
    %dma_wait3A_73 = arith.constant 256 : i32
    %dma_wait3A_74 = arith.constant 0 : i32
    %dma_wait3A_75 = tpu.memref_slice %arg6[%dma_wait3A_73, %dma_wait3A_74] : memref<512x64xf32, #tpu.memory_space<vmem>> -> memref<128x64xf32, #tpu.memory_space<vmem>>
    %dma_wait3A_76 = arith.constant 0 : i32
    %dma_wait3A_77 = tpu.memref_slice %arg5[%dma_wait3A_72, %dma_wait3A_76] : memref<4x128xi32, #tpu.memory_space<vmem>> -> memref<1x128xi32, #tpu.memory_space<vmem>>
    %dma_wait3A_78 = tpu.memref_squeeze %dma_wait3A_77 : memref<1x128xi32, #tpu.memory_space<vmem>> -> memref<128xi32, #tpu.memory_space<vmem>>
    %dma_wait3A_79 = arith.constant 0 : i32
    %dma_wait3A_80 = arith.constant 0 : i32
    %dma_wait3A_81 = tpu.memref_slice %arg4[%dma_wait3A_79, %dma_wait3A_80] : memref<16384x64xf32, #tpu.memory_space<hbm>> -> memref<16384x64xf32, #tpu.memory_space<hbm>>
    tpu.wait_indirect_dma semaphore(%arg7 : memref<!tpu.dma_semaphore, #tpu.memory_space<semaphore_mem>>) src(%dma_wait3A_75 : memref<128x64xf32, #tpu.memory_space<vmem>>) dst(%dma_wait3A_81 : memref<16384x64xf32, #tpu.memory_space<hbm>>)
    %dma_wait3A_82 = arith.constant 3 : i32
    %dma_wait3A_83 = arith.constant 384 : i32
    %dma_wait3A_84 = arith.constant 0 : i32
    %dma_wait3A_85 = tpu.memref_slice %arg6[%dma_wait3A_83, %dma_wait3A_84] : memref<512x64xf32, #tpu.memory_space<vmem>> -> memref<128x64xf32, #tpu.memory_space<vmem>>
    %dma_wait3A_86 = arith.constant 0 : i32
    %dma_wait3A_87 = tpu.memref_slice %arg5[%dma_wait3A_82, %dma_wait3A_86] : memref<4x128xi32, #tpu.memory_space<vmem>> -> memref<1x128xi32, #tpu.memory_space<vmem>>
    %dma_wait3A_88 = tpu.memref_squeeze %dma_wait3A_87 : memref<1x128xi32, #tpu.memory_space<vmem>> -> memref<128xi32, #tpu.memory_space<vmem>>
    %dma_wait3A_89 = arith.constant 0 : i32
    %dma_wait3A_90 = arith.constant 0 : i32
    %dma_wait3A_91 = tpu.memref_slice %arg4[%dma_wait3A_89, %dma_wait3A_90] : memref<16384x64xf32, #tpu.memory_space<hbm>> -> memref<16384x64xf32, #tpu.memory_space<hbm>>
    tpu.wait_indirect_dma semaphore(%arg7 : memref<!tpu.dma_semaphore, #tpu.memory_space<semaphore_mem>>) src(%dma_wait3A_85 : memref<128x64xf32, #tpu.memory_space<vmem>>) dst(%dma_wait3A_91 : memref<16384x64xf32, #tpu.memory_space<hbm>>)
    return
  }
}

</mosaic_0001>

<sc_bundles>
// kernel: kernel.4.cloned.1.call-start
scs
__scs_entry_jumppad:
0x0: {  	(pc) =	sbr.rel $0x88, $3  }
0x1: {  	(tag) =	ssettag $0x0;
	lr =	simm.s32 $0x1  }
0x2: {  	[smem:$0x3F9F] =	sst lr;
	_ =	strace $0xD0000000  }
0x3: {  	_ = 	snop  }
0x4: {  	_ = 	snop  }
0x5: {  	_ = 	snop  }
0x6: {  	_ = 	snop  }
0x7: {  	_ = 	snop  }
__scs_overlays_trampoline_lowered:
0x8: {  	[smem:$0x3FAE] =	sst s0  }
0x9: {  	[smem:$0x3FAF] =	sst s1  }
0xa: {  	[smem:$0x3FB0] =	sst s2  }
0xb: {  	[smem:$0x3FB1] =	sst s3  }
0xc: {  	[smem:$0x3FB2] =	sst s4  }
0xd: {  	[smem:$0x3FB3] =	sst s5  }
0xe: {  	[smem:$0x3FB4] =	sst s6  }
0xf: {  	[smem:$0x3FB5] =	sst s7  }
0x10: {  	[smem:$0x3FB6] =	sst s8  }
0x11: {  	[smem:$0x3FB7] =	sst s9;
	s0 =	simm.s32 @!p0 $0x0  }
0x12: {  	s1 =	sld [smem:$0x3F9D];
	s0 =	simm.s32 @p0 $0x1  }
0x13: {  	[smem:$0x3FB8] =	sst s0;
	s0 =	simm.s32 @!p1 $0x0  }
0x14: {  	s2 =	sld [smem:$0x3F9C];
	s0 =	simm.s32 @p1 $0x1  }
0x15: {  	[smem:$0x3FB9] =	sst s0;
	s0 =	simm.s32 @!p2 $0x0  }
0x16: {  	s3 =	sld [smem:$0x3FDB];
	s0 =	simm.s32 @p2 $0x1  }
0x17: {  	s4 =	simm.s32 $0x1BF5;
	[smem:$0x3FBB] =	sst s0  }
0x18: {  	s0 =	sld [smem:$0x3F9E];
	_ =	swait.ge [sflag:s4], $0x0  }
0x19: {  	s7 =	sld [smem:$0x3F9F]  }
0x1a: {  	s8 =	sadd.s32 $0xFFFFE003, lr  }
0x1b: {  	s9 =	sadd.s32 $0xFFFFFEF7, lr;
	s5 =	simm.s32 $0xFFFFFFFF;
	p2 =	slt.u32 s8, $0xFFFFF086  }
0x1c: {  	p1 =	slt.u32 s9, $0xF7A;
	s5 =	simm.s32 @!p2 $0x0  }
0x1d: {  	s5 =	simm.s32 @p1 $0x1;
	p0 =	seq.s32 s7, s2  }
0x1e: {  	s7 =	smul.u32 @!p0 $0xF7A, s2;
	p2 =	seq.s32 @!p0 s5, $0x0  }
0x1f: {  	s9 =	smul.u32 $0xF7A, s1;
	s8 =	simm.s32 @!p0 $0x1BF5;
	p2 =	por !p2, p0  }
0x20: {  	[sflag:s8] =	ssyncset.s32 @!p0 $0xFFFFF086;
	s6 =	sadd.s32 @!p0 s3, s7;
	s7 =	simm.s32 @!p0 $0x108  }
0x21: {  	s3 =	sadd.s32 s3, s9;
	s6 =	sadd.s32 @!p0 $0x88, s6;
	s7 =	simm.s32 @p2 $0x1082  }
0x22: {  	[simem:s7], [sflag:s8] =	dma.local @!p0 [hbm:s6], $0xF7A  }
0x23: {  	s9 =	sor.u32 $0xD0000000, s2;
	s6 =	simm.s32 $0x108;
	_ =	swait.ge @!p0 [sflag:s8], $0x0  }
0x24: {  	s3 =	sadd.s32 $0x88, s3;
	s6 =	simm.s32 @!p1 $0x1082;
	[sflag:s4] =	ssyncset.s32 $0xFFFFF086  }
0x25: {  	[simem:s6], [sflag:s4] =	dma.local [hbm:s3], $0xF7A  }
0x26: {  	[smem:$0x3F9F] =	sst s1;
	(tag) =	ssettag s2;
	_ =	strace s9  }
0x27: {  	s1 =	sld [smem:$0x3FAF]  }
0x28: {  	s2 =	sld [smem:$0x3FB0]  }
0x29: {  	s4 =	sld [smem:$0x3FB2]  }
0x2a: {  	p0 =	seq.s32 s5, $0x0;
	s5 =	sld [smem:$0x3FB3]  }
0x2b: {  	s6 =	sld [smem:$0x3FB4]  }
0x2c: {  	s7 =	sld [smem:$0x3FB5]  }
0x2d: {  	s3 =	simm.s32 $0x108;
	s8 =	sld [smem:$0x3FB6]  }
0x2e: {  	s3 =	simm.s32 @!p0 $0x1082;
	s9 =	sld [smem:$0x3FB7]  }
0x2f: {  	lr =	sadd.s32 s0, s3;
	s0 =	sld [smem:$0x3FAE]  }
0x30: {  	s3 =	sld [smem:$0x3FB1]  }
0x31: {  	[smem:$0x3FBA] =	sst s10  }
0x32: {  	s10 =	sld [smem:$0x3FB8];
	_ =	sdelay $0x3  }
0x33: {  	p0 =	seq.s32 s10, $0x1;
	s10 =	sld [smem:$0x3FBA];
	_ =	sdelay $0x3  }
0x34: {  	[smem:$0x3FBA] =	sst s10  }
0x35: {  	s10 =	sld [smem:$0x3FB9];
	_ =	sdelay $0x3  }
0x36: {  	p1 =	seq.s32 s10, $0x1;
	s10 =	sld [smem:$0x3FBA];
	_ =	sdelay $0x3  }
0x37: {  	[smem:$0x3FBA] =	sst s10  }
0x38: {  	s10 =	sld [smem:$0x3FBB]  }
0x39: {  	_ = 	snop;
	(pc) =	sbr.ind lr, $3  }
0x3a: {  	_ = 	snop  }
0x3b: {  	_ = 	snop  }
0x3c: {  	p2 =	seq.s32 s10, $0x1;
	s10 =	sld [smem:$0x3FBA]  }
0x3d: {  	_ =	shalt  }
0x3e: {  	_ =	shalt  }
0x3f: {  	_ =	shalt  }
0x40: {  	_ =	shalt  }
0x41: {  	_ =	shalt  }
0x42: {  	_ =	shalt  }
0x43: {  	_ =	shalt  }
0x44: {  	_ =	shalt  }
0x45: {  	_ =	shalt  }
0x46: {  	_ =	shalt  }
0x47: {  	_ =	shalt  }
0x48: {  	_ =	shalt  }
0x49: {  	_ =	shalt  }
0x4a: {  	_ =	shalt  }
0x4b: {  	_ =	shalt  }
0x4c: {  	_ =	shalt  }
0x4d: {  	_ =	shalt  }
0x4e: {  	_ =	shalt  }
0x4f: {  	_ =	shalt  }
0x50: {  	_ =	shalt  }
0x51: {  	_ =	shalt  }
0x52: {  	_ =	shalt  }
0x53: {  	_ =	shalt  }
0x54: {  	_ =	shalt  }
0x55: {  	_ =	shalt  }
0x56: {  	_ =	shalt  }
0x57: {  	_ =	shalt  }
0x58: {  	_ =	shalt  }
0x59: {  	_ =	shalt  }
0x5a: {  	_ =	shalt  }
0x5b: {  	_ =	shalt  }
0x5c: {  	_ =	shalt  }
0x5d: {  	_ =	shalt  }
0x5e: {  	_ =	shalt  }
0x5f: {  	_ =	shalt  }
0x60: {  	_ =	shalt  }
0x61: {  	_ =	shalt  }
0x62: {  	_ =	shalt  }
0x63: {  	_ =	shalt  }
0x64: {  	_ =	shalt  }
0x65: {  	_ =	shalt  }
0x66: {  	_ =	shalt  }
0x67: {  	_ =	shalt  }
0x68: {  	_ =	shalt  }
0x69: {  	_ =	shalt  }
0x6a: {  	_ =	shalt  }
0x6b: {  	_ =	shalt  }
0x6c: {  	_ =	shalt  }
0x6d: {  	_ =	shalt  }
0x6e: {  	_ =	shalt  }
0x6f: {  	_ =	shalt  }
0x70: {  	_ =	shalt  }
0x71: {  	_ =	shalt  }
0x72: {  	_ =	shalt  }
0x73: {  	_ =	shalt  }
0x74: {  	_ =	shalt  }
0x75: {  	_ =	shalt  }
0x76: {  	_ =	shalt  }
0x77: {  	_ =	shalt  }
0x78: {  	_ =	shalt  }
0x79: {  	_ =	shalt  }
0x7a: {  	_ =	shalt  }
0x7b: {  	_ =	shalt  }
0x7c: {  	_ =	shalt  }
0x7d: {  	_ =	shalt  }
0x7e: {  	_ =	shalt  }
0x7f: {  	_ =	shalt  }
0x80: {  	_ =	shalt  }
0x81: {  	_ =	shalt  }
0x82: {  	_ =	shalt  }
0x83: {  	_ =	shalt  }
0x84: {  	_ =	shalt  }
0x85: {  	_ =	shalt  }
0x86: {  	_ =	shalt  }
0x87: {  	_ =	shalt  }
.Lfunc_end0:
.L_simem_size_0:
called_computation_lowered:
.L_overlay_start_0:
0x88: {  	s2 =	sld [smem:$0x3FD9]  }
0x89: {  	s3 =	sld [smem:$0x3FFE];
	_ =	sdelay $0x1  }
0x8a: {  	s1 =	srdreg.scid  }
0x8b: {  	s0 =	sand.u32 $0x1, s1  }
0x8c: {  	s17 =	sshll.u32 s0, $0xA;
	s2 =	sadd.s32 s3, s2  }
0x8d: {  	s2 =	sadd.s32 s2, s17  }
0x8e: {  	[smem:$0x3FC6] =	sst s2  }
0x8f: {  	_ = 	snop  }
0x90: {  	s2 =	sld [smem:$0x3FC8]  }
0x91: {  	s18 =	sld [smem:$0x3FD0];
	(tm) =	ssettm $0x1  }
0x92: {  	s4 =	sld [smem:$0x3FFB];
	_ =	sdelay $0x3  }
0x93: {  	_ =	strace s4  }
0x94: {  	s4 =	sld [smem:$0x3FFC];
	_ =	sdelay $0x3  }
0x95: {  	_ =	strace s4  }
0x96: {  	s4 =	sld [smem:$0x3FFD];
	_ =	sdelay $0x3  }
0x97: {  	_ =	strace s4  }
0x98: {  	_ =	strace $0x8FFFFFFF  }
0x99: {  	s19 =	sld [smem:$0x3FDB];
	_ =	sdelay $0x1  }
0x9a: {  	s5 =	simm.s32 $_scs_section_size  }
0x9b: {  	s6 =	simm.s32 $_size__tile_overlayer_lowered;
	s7 =	simm.s32 $_tile_overlayer_lowered  }
0x9c: {  	s22 =	simm.s32 $0x1BFF;
	s21 =	sshll.u32 s7, $0x1;
	s4 =	sadd.s32 s5, s19  }
0x9d: {  	s8 =	simm.s32 $0x0;
	s20 =	sshll.u32 s6, $0x1;
	s6 =	sadd.s32 s21, s4  }
0x9e: {  	[timem:s8], [sflag:s22] =	dma.local [hbm:s6], s20  }
0x9f: {  	_ =	swait.ge [sflag:s22], s20  }
0xa0: {  	s5 =	ssub.s32 $0x0, s20;
	[sflag:s22] =	ssyncset.done $0x0  }
0xa1: {  	[sflag:s22] =	ssyncadd.s32 s5;
	_ =	sdelay $0x1  }
0xa2: {  	s23 =	simm.s32 $0x1B8B  }
0xa3: {  	_ =	swait.ge [sflag:s23], $0x1  }
0xa4: {  	[sflag:s23] =	ssyncset.done $0x0  }
0xa5: {  	s25 =	simm.s32 $0x1B8E;
	s24 =	sld [smem:$0x3FFE];
	[sflag:s23] =	ssyncadd.s32 $0xFFFFFFFF  }
0xa6: {  	s26 =	simm.s32 $execute0_lowered;
	[smem:$0x3FD2] =	sst s25  }
0xa7: {  	s6 =	sshll.u32 s26, $0x1;
	_ =	strace $0x80000046;
	[dreg:$0x1] =	wrdreg $0xFFFFFFFF  }
0xa8: {  	s28 =	simm.s32 $_size_execute0_lowered;
	s4 =	sadd.s32 s4, s6;
	[dreg:$0x0] =	wrdreg $0x0  }
0xa9: {  	s6 =	sshll.u32 s28, $0x1;
	[dreg:$0x2] =	wrdreg s4  }
0xaa: {  	[dreg:$0x3] =	wrdreg s6  }
0xab: {  	[dreg:$0x4] =	wrdreg $0xC0  }
0xac: {  	_ =	task [dreg:s8], $0x5FFFF  }
0xad: {  	[dreg:$0x1] =	wrdreg $0xFFFFFFFF  }
0xae: {  	[dreg:$0x0] =	wrdreg $0x60  }
0xaf: {  	[dreg:$0x2] =	wrdreg s24  }
0xb0: {  	[dreg:$0x3] =	wrdreg s2  }
0xb1: {  	[dreg:$0x4] =	wrdreg s18  }
0xb2: {  	[dreg:$0x5] =	wrdreg $0x9  }
0xb3: {  	_ =	task.clear_ibuf [dreg:s8], $0x6FFFF;
	_ =	strace $0x90000046  }
0xb4: {  	s29 =	simm.s32 $0x9;
	_ =	strace $0x80000048  }
0xb5: {  	_ =	swait.ge [sflag:s29], $0x1  }
0xb6: {  	[sflag:s29] =	ssyncadd.s32 $0xFFFFFFFF  }
0xb7: {  	_ =	strace $0x90000048  }
0xb8: {  	_ =	sfence  }
0xb9: {  	s30 =	sld [smem:$0x0];
	_ =	sdelay $0x2  }
0xba: {  	s31 =	sshll.u32 s1, $0xD;
	s1 =	sshrl.u32 s1, $0x2  }
0xbb: {  	s3 =	sand.u32 $0x4000, s31;
	s1 =	sadd.s32 s1, s30  }
0xbc: {  	s0 =	sor.u32 s3, s0;
	s1 =	sshll.u32 s1, $0x11  }
0xbd: {  	s0 =	sor.u32 s1, s0  }
0xbe: {  	s0 =	sadd.s32 $0x8F2B, s0  }
0xbf: {  	[sflag:s0] =	ssyncadd.remote.s32 $0x1  }
0xc0: {  	_ =	sfence.sel $0xFFFF  }
0xc1: {  	[dreg:$0x0] =	wrdreg $0xFFFFFFFF;
	(pc) =	sbr.abs _section_cstart, $3  }
0xc2: {  	[dreg:$0x1] =	wrdreg $0xFFFFFFFF  }
0xc3: {  	_ =	task.clear_ibuf [dreg:s8], $0x2FFFF;
	_ =	strace $0x9FFFFFFF  }
0xc4: {  	(tm) =	ssettm $0x7FFFFFFF  }
0xc5: {  	_ =	shalt  }
tec
execute0_lowered:
.L_overlay_start_1:
0x0: {  	(tag) =	ssettag $0x1  }
0x1: {  	v0 =	vimm.s32 $0xEDCBA987  }
0x2: {  	v1 =	vimm.s32 $0x65432100;
	v0 =	vunpack.c.l.s4.s8 v0  }
0x3: {  	v1 =	vunpack.c.l.s4.s8 v1  }
0x4: {  	v0 =	vunpack.c.0.s8.s32 v0  }
0x5: {  	v1 =	vunpack.c.0.s8.s32 v1  }
0x6: {  	v2 =	vimm.s32 $0x0;
	vm0 =	vmmov $0x7fff;
	v0 =	vand.u32 $0xF, v0  }
0x7: {  	vm1 =	vmmov $0x1;
	v0 =	vcombine.low v1, v0;
	v1 =	vlaneseq.u32  }
0x8: {  	s1 =	rddreg [dreg:$0x0];
	v34 =	vimm.s32 $0x200;
	vm2 =	vcmask $0x1318;
	v3 =	vor.u32 $0x10, v1  }
0x9: {  	s0 =	rddreg [dreg:$0x1];
	v4 =	vor.u32 $0x20, v1;
	v5 =	vor.u32 $0x30, v1;
	v6 =	vor.u32 $0x40, v1  }
0xa: {  	s2 =	rddreg [dreg:$0x2];
	s3 =	srdreg.scid;
	s4 =	simm.s32 $0x0;
	v7 =	vor.u32 $0x50, v1;
	v8 =	vor.u32 $0x60, v1;
	v9 =	vor.u32 $0x70, v1  }
0xb: {  	s5 =	stileid.u32;
	s9 =	simm.s32 $0x8000;
	s10 =	simm.s32 $0x8400;
	v10 =	vor.u32 $0x80, v1;
	v11 =	vor.u32 $0x90, v1;
	v12 =	vor.u32 $0xA0, v1  }
0xc: {  	s11 =	simm.s32 $0x8680;
	s14 =	simm.s32 $0x7A1400;
	s31 =	simm.s32 $0x1;
	v13 =	vor.u32 $0xB0, v1;
	v14 =	vor.u32 $0xC0, v1;
	v15 =	vor.u32 $0xD0, v1  }
0xd: {  	s17 =	simm.s32 $0x1C900;
	s18 =	simm.s32 $0x0;
	s3 =	sand.u32 $0x1, s3;
	v16 =	vor.u32 $0xE0, v1;
	v17 =	vor.u32 $0xF0, v1;
	v18 =	vor.u32 $0x100, v1  }
.Ltmp0:
0xe: {  	[smem:$0x7FF] =	sst s4;
	s5 =	sshll.u32 s5, $0xA;
	v19 =	vor.u32 $0x110, v1;
	v20 =	vor.u32 $0x120, v1;
	v21 =	vor.u32 $0x130, v1;
	(pc) =	sbr.rel .LBB2_1-.Ltmp0, $4  }
0xf: {  	s6 =	sshll.u32 s3, $0x9;
	_ =	strace $0x80000047;
	s3 =	ssub.s32 $0x2, s3;
	v22 =	vor.u32 $0x140, v1;
	v23 =	vor.u32 $0x150, v1;
	v24 =	vor.u32 $0x160, v1  }
0x10: {  	[dreg:$0x4] =	wrdreg s31;
	s5 =	sor.u32 s6, s5;
	s7 =	sshrl.u32 s3, $0x1;
	v25 =	vor.u32 $0x170, v1;
	v26 =	vor.u32 $0x180, v1;
	v27 =	vor.u32 $0x190, v1  }
0x11: {  	s6 =	sadd.s32 $0x800, s1;
	s8 =	sshrl.u32 s5, $0x3;
	s3 =	ssub.s32 s3, s7;
	v28 =	vor.u32 $0x1A0, v1;
	v29 =	vor.u32 $0x1B0, v1;
	v30 =	vor.u32 $0x1C0, v1  }
0x12: {  	s7 =	sadd.s32 s1, s8;
	s8 =	simm.s32 $0xB;
	s12 =	smax.u32 s3, $0x1;
	v31 =	vor.u32 $0x1D0, v1;
	v32 =	vor.u32 $0x1E0, v1;
	v33 =	vor.u32 $0x1F0, v1  }
.LBB2_14:
0x13: {  	s18 =	sadd.s32 $0x1, s18  }
0x14: {  	p0 =	sne.s32 s18, s12  }
.Ltmp1:
0x15: {  	_ = 	snop;
	(pc) =	sbr.rel @!p0 .LBB2_15-.Ltmp1, $1  }
0x16: {  	_ =	sdelay $0x3  }
.LBB2_1:
0x17: {  	[tilespmem:s4], [sflag:$0xB] =	stream.linear.gather [hbm4b:s6+s4], $0x8000, $0x38;
	[tilespmem:$0x1E900] =	vst v63  }
0x18: {  	_ =	swait.ge [sflag:s8], $0x8000  }
0x19: {  	[sflag:s8] =	ssyncset.done $0x0  }
0x1a: {  	[sflag:s8] =	ssyncadd.s32 $0xFFFF8000  }
0x1b: {  	[tilespmem:s9], [sflag:$0xB] =	stream.linear.gather [hbm4b:s7+s4], $0x200, $0x38;
	[tilespmem:$0x1E900] =	vst v63  }
0x1c: {  	_ =	swait.ge [sflag:s8], $0x200  }
0x1d: {  	[sflag:s8] =	ssyncset.done $0x0  }
0x1e: {  	[sflag:s8] =	ssyncadd.s32 $0xFFFFFE00  }
0x1f: {  	v35 =	vld [tilespmem:$0x8000];
	_ =	sdelay $0x4  }
0x20: {  	v35 =	vshll.u32 v35, $0x1;
	_ =	sdelay $0x1  }
0x21: {  	v36 =	vor.u32 $0x1, v35;
	_ =	sdelay $0x2  }
0x22: {  	v35 =	vld.idx.msk [tilespmem:v35+s4+$0x0], $0xffff;
	_ =	sdelay $0x1  }
0x23: {  	v36 =	vld.idx.msk [tilespmem:v36+s4+$0x0], $0xffff;
	_ =	sdelay $0x2  }
0x24: {  	v35 =	vmul.u32 $0x3E8, v35;
	_ =	sdelay $0x1  }
0x25: {  	v35 =	vadd.s32 v36, v35  }
0x26: {  	v36 =	vshra.s32 v35, $0x7  }
0x27: {  	v37 =	vperm.xlane v36, v0  }
0x28: {  	vm3 =	veq.s32 v1, $0x0  }
0x29: {  	v37 =	vsel vm3, $0xFFFFFFFF, v37  }
0x2a: {  	vm3 =	vne.s32 v36, v37  }
0x2b: {  	v37 =	vsel vm3, $0x1, v2  }
0x2c: {  	(xrf0) =	vadd.scan.msk.s32 $0xffff, v37;
	_ =	sdelay $0x5  }
0x2d: {  	v37, _, _ =	vpop (xrf0)  }
0x2e: {  	v37 =	vadd.s32 $0xFFFFFFFF, v37;
	_ =	sdelay $0x3  }
0x2f: {  	[tilespmem:$0x8200] =	vst v35  }
0x30: {  	[tilespmem:v37+s10+$0x0] =	vst.idx.msk vm3, v36  }
0x31: {  	[tilespmem:v37+s11+$0x0] =	vst.idx.msk vm3, v1  }
0x32: {  	v55 =	vld [tilespmem:$0x8010];
	_ =	sdelay $0x1  }
0x33: {  	v37 =	vsel vm0, $0x0, v37  }
0x34: {  	(xrf0) =	vadd.scan.msk.s32 $0xffff, v37;
	_ =	sdelay $0x1  }
0x35: {  	v35 =	vshll.u32 v55, $0x1;
	_ =	sdelay $0x1  }
0x36: {  	v56 =	vor.u32 $0x1, v35;
	_ =	sdelay $0x1  }
0x37: {  	v38, _, _ =	vpop (xrf0)  }
0x38: {  	(v2sf) =	vpush v38, $0xF;
	v35 =	vld.idx.msk [tilespmem:v35+s4+$0x0], $0xffff  }
0x39: {  	v36 =	vsel vm0, $0x0, v36  }
0x3a: {  	(xrf0) =	vadd.scan.msk.s32 $0xffff, v36;
	v57 =	vld.idx.msk [tilespmem:v56+s4+$0x0], $0xffff;
	_ =	sdelay $0x2  }
0x3b: {  	v35 =	vmul.u32 $0x3E8, v35;
	_ =	sdelay $0x1  }
0x3c: {  	v35 =	vadd.s32 v57, v35  }
0x3d: {  	v58, _, _ =	vpop (xrf0);
	v59 =	vshra.s32 v35, $0x7  }
0x3e: {  	v36 =	vbroadcast v58, $0xF;
	v60 =	vperm.xlane v59, v0;
	_ =	sdelay $0x1  }
0x3f: {  	v36 =	vsel vm1, v36, v60  }
0x40: {  	vm3 =	vne.s32 v59, v36  }
0x41: {  	v36 =	vsel vm3, $0x1, v2  }
0x42: {  	(xrf0) =	vadd.scan.msk.s32 $0xffff, v36  }
0x43: {  	s1 =	spop (v2sf)  }
0x44: {  	s1 =	sadd.s32 $0x1, s1  }
0x45: {  	v61 =	vmov s1  }
0x46: {  	v36 =	vadd.s32 $0xFFFFFFFF, v61  }
0x47: {  	v36 =	vbroadcast v36, $0x0  }
0x48: {  	v62, _, _ =	vpop (xrf0)  }
0x49: {  	v36 =	vadd.s32 v62, v36;
	_ =	sdelay $0x3  }
0x4a: {  	[tilespmem:$0x8210] =	vst v35  }
0x4b: {  	[tilespmem:v36+s10+$0x0] =	vst.idx.msk vm3, v59  }
0x4c: {  	[tilespmem:v36+s11+$0x0] =	vst.idx.msk vm3, v3  }
0x4d: {  	v63 =	vld [tilespmem:$0x8020];
	_ =	sdelay $0x1  }
0x4e: {  	v36 =	vsel vm0, $0x0, v36  }
0x4f: {  	(xrf0) =	vadd.scan.msk.s32 $0xffff, v36;
	_ =	sdelay $0x1  }
0x50: {  	v35 =	vshll.u32 v63, $0x1;
	_ =	sdelay $0x1  }
0x51: {  	v40 =	vor.u32 $0x1, v35;
	_ =	sdelay $0x1  }
0x52: {  	v41, _, _ =	vpop (xrf0)  }
0x53: {  	(v2sf) =	vpush v41, $0xF;
	v35 =	vld.idx.msk [tilespmem:v35+s4+$0x0], $0xffff  }
0x54: {  	v37 =	vsel vm0, $0x0, v59  }
0x55: {  	(xrf0) =	vadd.scan.msk.s32 $0xffff, v37;
	v36 =	vld.idx.msk [tilespmem:v40+s4+$0x0], $0xffff;
	_ =	sdelay $0x2  }
0x56: {  	v35 =	vmul.u32 $0x3E8, v35;
	_ =	sdelay $0x1  }
0x57: {  	v35 =	vadd.s32 v36, v35  }
0x58: {  	v42, _, _ =	vpop (xrf0);
	v43 =	vshra.s32 v35, $0x7  }
0x59: {  	v36 =	vbroadcast v42, $0xF;
	v44 =	vperm.xlane v43, v0;
	_ =	sdelay $0x1  }
0x5a: {  	v36 =	vsel vm1, v36, v44  }
0x5b: {  	vm3 =	vne.s32 v43, v36  }
0x5c: {  	v36 =	vsel vm3, $0x1, v2  }
0x5d: {  	(xrf0) =	vadd.scan.msk.s32 $0xffff, v36  }
0x5e: {  	s15 =	spop (v2sf)  }
0x5f: {  	s1 =	sadd.s32 $0x1, s15  }
0x60: {  	v45 =	vmov s1  }
0x61: {  	v36 =	vadd.s32 $0xFFFFFFFF, v45  }
0x62: {  	v36 =	vbroadcast v36, $0x0  }
0x63: {  	v46, _, _ =	vpop (xrf0)  }
0x64: {  	v36 =	vadd.s32 v46, v36;
	_ =	sdelay $0x3  }
0x65: {  	[tilespmem:$0x8220] =	vst v35  }
0x66: {  	[tilespmem:v36+s10+$0x0] =	vst.idx.msk vm3, v43  }
0x67: {  	[tilespmem:v36+s11+$0x0] =	vst.idx.msk vm3, v4  }
0x68: {  	v47 =	vld [tilespmem:$0x8030];
	_ =	sdelay $0x1  }
0x69: {  	v36 =	vsel vm0, $0x0, v36  }
0x6a: {  	(xrf0) =	vadd.scan.msk.s32 $0xffff, v36;
	_ =	sdelay $0x1  }
0x6b: {  	v35 =	vshll.u32 v47, $0x1;
	_ =	sdelay $0x1  }
0x6c: {  	v48 =	vor.u32 $0x1, v35;
	_ =	sdelay $0x1  }
0x6d: {  	v49, _, _ =	vpop (xrf0)  }
0x6e: {  	(v2sf) =	vpush v49, $0xF;
	v35 =	vld.idx.msk [tilespmem:v35+s4+$0x0], $0xffff  }
0x6f: {  	v37 =	vsel vm0, $0x0, v43  }
0x70: {  	(xrf0) =	vadd.scan.msk.s32 $0xffff, v37;
	v36 =	vld.idx.msk [tilespmem:v48+s4+$0x0], $0xffff;
	_ =	sdelay $0x2  }
0x71: {  	v35 =	vmul.u32 $0x3E8, v35;
	_ =	sdelay $0x1  }
0x72: {  	v35 =	vadd.s32 v36, v35  }
0x73: {  	v50, _, _ =	vpop (xrf0);
	v51 =	vshra.s32 v35, $0x7  }
0x74: {  	v36 =	vbroadcast v50, $0xF;
	v52 =	vperm.xlane v51, v0;
	_ =	sdelay $0x1  }
0x75: {  	v36 =	vsel vm1, v36, v52  }
0x76: {  	vm3 =	vne.s32 v51, v36  }
0x77: {  	v36 =	vsel vm3, $0x1, v2  }
0x78: {  	(xrf0) =	vadd.scan.msk.s32 $0xffff, v36  }
0x79: {  	s16 =	spop (v2sf)  }
0x7a: {  	s1 =	sadd.s32 $0x1, s16  }
0x7b: {  	v53 =	vmov s1  }
0x7c: {  	v36 =	vadd.s32 $0xFFFFFFFF, v53  }
0x7d: {  	v36 =	vbroadcast v36, $0x0  }
0x7e: {  	v54, _, _ =	vpop (xrf0)  }
0x7f: {  	v36 =	vadd.s32 v54, v36;
	_ =	sdelay $0x3  }
0x80: {  	[tilespmem:$0x8230] =	vst v35  }
0x81: {  	[tilespmem:v36+s10+$0x0] =	vst.idx.msk vm3, v51  }
0x82: {  	[tilespmem:v36+s11+$0x0] =	vst.idx.msk vm3, v5  }
0x83: {  	v55 =	vld [tilespmem:$0x8040];
	_ =	sdelay $0x1  }
0x84: {  	v36 =	vsel vm0, $0x0, v36  }
0x85: {  	(xrf0) =	vadd.scan.msk.s32 $0xffff, v36;
	_ =	sdelay $0x1  }
0x86: {  	v35 =	vshll.u32 v55, $0x1;
	_ =	sdelay $0x1  }
0x87: {  	v56 =	vor.u32 $0x1, v35;
	_ =	sdelay $0x1  }
0x88: {  	v57, _, _ =	vpop (xrf0)  }
0x89: {  	(v2sf) =	vpush v57, $0xF;
	v35 =	vld.idx.msk [tilespmem:v35+s4+$0x0], $0xffff  }
0x8a: {  	v37 =	vsel vm0, $0x0, v51  }
0x8b: {  	(xrf0) =	vadd.scan.msk.s32 $0xffff, v37;
	v36 =	vld.idx.msk [tilespmem:v56+s4+$0x0], $0xffff;
	_ =	sdelay $0x2  }
0x8c: {  	v35 =	vmul.u32 $0x3E8, v35;
	_ =	sdelay $0x1  }
0x8d: {  	v35 =	vadd.s32 v36, v35  }
0x8e: {  	v58, _, _ =	vpop (xrf0);
	v59 =	vshra.s32 v35, $0x7  }
0x8f: {  	v36 =	vbroadcast v58, $0xF;
	v60 =	vperm.xlane v59, v0;
	_ =	sdelay $0x1  }
0x90: {  	v36 =	vsel vm1, v36, v60  }
0x91: {  	vm3 =	vne.s32 v59, v36  }
0x92: {  	v36 =	vsel vm3, $0x1, v2  }
0x93: {  	(xrf0) =	vadd.scan.msk.s32 $0xffff, v36  }
0x94: {  	s19 =	spop (v2sf)  }
0x95: {  	s1 =	sadd.s32 $0x1, s19  }
0x96: {  	v61 =	vmov s1  }
0x97: {  	v36 =	vadd.s32 $0xFFFFFFFF, v61  }
0x98: {  	v36 =	vbroadcast v36, $0x0  }
0x99: {  	v62, _, _ =	vpop (xrf0)  }
0x9a: {  	v36 =	vadd.s32 v62, v36;
	_ =	sdelay $0x3  }
0x9b: {  	[tilespmem:$0x8240] =	vst v35  }
0x9c: {  	[tilespmem:v36+s10+$0x0] =	vst.idx.msk vm3, v59  }
0x9d: {  	[tilespmem:v36+s11+$0x0] =	vst.idx.msk vm3, v6  }
0x9e: {  	v63 =	vld [tilespmem:$0x8050];
	_ =	sdelay $0x1  }
0x9f: {  	v36 =	vsel vm0, $0x0, v36  }
0xa0: {  	(xrf0) =	vadd.scan.msk.s32 $0xffff, v36;
	_ =	sdelay $0x1  }
0xa1: {  	v35 =	vshll.u32 v63, $0x1;
	_ =	sdelay $0x1  }
0xa2: {  	v40 =	vor.u32 $0x1, v35;
	_ =	sdelay $0x1  }
0xa3: {  	v41, _, _ =	vpop (xrf0)  }
0xa4: {  	(v2sf) =	vpush v41, $0xF;
	v35 =	vld.idx.msk [tilespmem:v35+s4+$0x0], $0xffff  }
0xa5: {  	v37 =	vsel vm0, $0x0, v59  }
0xa6: {  	(xrf0) =	vadd.scan.msk.s32 $0xffff, v37;
	v36 =	vld.idx.msk [tilespmem:v40+s4+$0x0], $0xffff;
	_ =	sdelay $0x2  }
0xa7: {  	v35 =	vmul.u32 $0x3E8, v35;
	_ =	sdelay $0x1  }
0xa8: {  	v35 =	vadd.s32 v36, v35  }
0xa9: {  	v42, _, _ =	vpop (xrf0);
	v43 =	vshra.s32 v35, $0x7  }
0xaa: {  	v36 =	vbroadcast v42, $0xF;
	v44 =	vperm.xlane v43, v0;
	_ =	sdelay $0x1  }
0xab: {  	v36 =	vsel vm1, v36, v44  }
0xac: {  	vm3 =	vne.s32 v43, v36  }
0xad: {  	v36 =	vsel vm3, $0x1, v2  }
0xae: {  	(xrf0) =	vadd.scan.msk.s32 $0xffff, v36  }
0xaf: {  	s20 =	spop (v2sf)  }
0xb0: {  	s1 =	sadd.s32 $0x1, s20  }
0xb1: {  	v45 =	vmov s1  }
0xb2: {  	v36 =	vadd.s32 $0xFFFFFFFF, v45  }
0xb3: {  	v36 =	vbroadcast v36, $0x0  }
0xb4: {  	v46, _, _ =	vpop (xrf0)  }
0xb5: {  	v36 =	vadd.s32 v46, v36;
	_ =	sdelay $0x3  }
0xb6: {  	[tilespmem:$0x8250] =	vst v35  }
0xb7: {  	[tilespmem:v36+s10+$0x0] =	vst.idx.msk vm3, v43  }
0xb8: {  	[tilespmem:v36+s11+$0x0] =	vst.idx.msk vm3, v7  }
0xb9: {  	v47 =	vld [tilespmem:$0x8060];
	_ =	sdelay $0x1  }
0xba: {  	v36 =	vsel vm0, $0x0, v36  }
0xbb: {  	(xrf0) =	vadd.scan.msk.s32 $0xffff, v36;
	_ =	sdelay $0x1  }
0xbc: {  	v35 =	vshll.u32 v47, $0x1;
	_ =	sdelay $0x1  }
0xbd: {  	v48 =	vor.u32 $0x1, v35;
	_ =	sdelay $0x1  }
0xbe: {  	v49, _, _ =	vpop (xrf0)  }
0xbf: {  	(v2sf) =	vpush v49, $0xF;
	v35 =	vld.idx.msk [tilespmem:v35+s4+$0x0], $0xffff  }
0xc0: {  	v37 =	vsel vm0, $0x0, v43  }
0xc1: {  	(xrf0) =	vadd.scan.msk.s32 $0xffff, v37;
	v36 =	vld.idx.msk [tilespmem:v48+s4+$0x0], $0xffff;
	_ =	sdelay $0x2  }
0xc2: {  	v35 =	vmul.u32 $0x3E8, v35;
	_ =	sdelay $0x1  }
0xc3: {  	v35 =	vadd.s32 v36, v35  }
0xc4: {  	v50, _, _ =	vpop (xrf0);
	v51 =	vshra.s32 v35, $0x7  }
0xc5: {  	v36 =	vbroadcast v50, $0xF;
	v52 =	vperm.xlane v51, v0;
	_ =	sdelay $0x1  }
0xc6: {  	v36 =	vsel vm1, v36, v52  }
0xc7: {  	vm3 =	vne.s32 v51, v36  }
0xc8: {  	v36 =	vsel vm3, $0x1, v2  }
0xc9: {  	(xrf0) =	vadd.scan.msk.s32 $0xffff, v36  }
0xca: {  	s21 =	spop (v2sf)  }
0xcb: {  	s1 =	sadd.s32 $0x1, s21  }
0xcc: {  	v53 =	vmov s1  }
0xcd: {  	v36 =	vadd.s32 $0xFFFFFFFF, v53  }
0xce: {  	v36 =	vbroadcast v36, $0x0  }
0xcf: {  	v54, _, _ =	vpop (xrf0)  }
0xd0: {  	v36 =	vadd.s32 v54, v36;
	_ =	sdelay $0x3  }
0xd1: {  	[tilespmem:$0x8260] =	vst v35  }
0xd2: {  	[tilespmem:v36+s10+$0x0] =	vst.idx.msk vm3, v51  }
0xd3: {  	[tilespmem:v36+s11+$0x0] =	vst.idx.msk vm3, v8  }
0xd4: {  	v55 =	vld [tilespmem:$0x8070];
	_ =	sdelay $0x1  }
0xd5: {  	v36 =	vsel vm0, $0x0, v36  }
0xd6: {  	(xrf0) =	vadd.scan.msk.s32 $0xffff, v36;
	_ =	sdelay $0x1  }
0xd7: {  	v35 =	vshll.u32 v55, $0x1;
	_ =	sdelay $0x1  }
0xd8: {  	v56 =	vor.u32 $0x1, v35;
	_ =	sdelay $0x1  }
0xd9: {  	v57, _, _ =	vpop (xrf0)  }
0xda: {  	(v2sf) =	vpush v57, $0xF;
	v35 =	vld.idx.msk [tilespmem:v35+s4+$0x0], $0xffff  }
0xdb: {  	v37 =	vsel vm0, $0x0, v51  }
0xdc: {  	(xrf0) =	vadd.scan.msk.s32 $0xffff, v37;
	v36 =	vld.idx.msk [tilespmem:v56+s4+$0x0], $0xffff;
	_ =	sdelay $0x2  }
0xdd: {  	v35 =	vmul.u32 $0x3E8, v35;
	_ =	sdelay $0x1  }
0xde: {  	v35 =	vadd.s32 v36, v35  }
0xdf: {  	v58, _, _ =	vpop (xrf0);
	v59 =	vshra.s32 v35, $0x7  }
0xe0: {  	v36 =	vbroadcast v58, $0xF;
	v60 =	vperm.xlane v59, v0;
	_ =	sdelay $0x1  }
0xe1: {  	v36 =	vsel vm1, v36, v60  }
0xe2: {  	vm3 =	vne.s32 v59, v36  }
0xe3: {  	v36 =	vsel vm3, $0x1, v2  }
0xe4: {  	(xrf0) =	vadd.scan.msk.s32 $0xffff, v36  }
0xe5: {  	s22 =	spop (v2sf)  }
0xe6: {  	s1 =	sadd.s32 $0x1, s22  }
0xe7: {  	v61 =	vmov s1  }
0xe8: {  	v36 =	vadd.s32 $0xFFFFFFFF, v61  }
0xe9: {  	v36 =	vbroadcast v36, $0x0  }
0xea: {  	v62, _, _ =	vpop (xrf0)  }
0xeb: {  	v36 =	vadd.s32 v62, v36;
	_ =	sdelay $0x3  }
0xec: {  	[tilespmem:$0x8270] =	vst v35  }
0xed: {  	[tilespmem:v36+s10+$0x0] =	vst.idx.msk vm3, v59  }
0xee: {  	[tilespmem:v36+s11+$0x0] =	vst.idx.msk vm3, v9  }
0xef: {  	v63 =	vld [tilespmem:$0x8080];
	_ =	sdelay $0x1  }
0xf0: {  	v36 =	vsel vm0, $0x0, v36  }
0xf1: {  	(xrf0) =	vadd.scan.msk.s32 $0xffff, v36;
	_ =	sdelay $0x1  }
0xf2: {  	v35 =	vshll.u32 v63, $0x1;
	_ =	sdelay $0x1  }
0xf3: {  	v40 =	vor.u32 $0x1, v35;
	_ =	sdelay $0x1  }
0xf4: {  	v41, _, _ =	vpop (xrf0)  }
0xf5: {  	(v2sf) =	vpush v41, $0xF;
	v35 =	vld.idx.msk [tilespmem:v35+s4+$0x0], $0xffff  }
0xf6: {  	v37 =	vsel vm0, $0x0, v59  }
0xf7: {  	(xrf0) =	vadd.scan.msk.s32 $0xffff, v37;
	v36 =	vld.idx.msk [tilespmem:v40+s4+$0x0], $0xffff;
	_ =	sdelay $0x2  }
0xf8: {  	v35 =	vmul.u32 $0x3E8, v35;
	_ =	sdelay $0x1  }
0xf9: {  	v35 =	vadd.s32 v36, v35  }
0xfa: {  	v42, _, _ =	vpop (xrf0);
	v43 =	vshra.s32 v35, $0x7  }
0xfb: {  	v36 =	vbroadcast v42, $0xF;
	v44 =	vperm.xlane v43, v0;
	_ =	sdelay $0x1  }
0xfc: {  	v36 =	vsel vm1, v36, v44  }
0xfd: {  	vm3 =	vne.s32 v43, v36  }
0xfe: {  	v36 =	vsel vm3, $0x1, v2  }
0xff: {  	(xrf0) =	vadd.scan.msk.s32 $0xffff, v36  }
0x100: {  	s23 =	spop (v2sf)  }
0x101: {  	s1 =	sadd.s32 $0x1, s23  }
0x102: {  	v45 =	vmov s1  }
0x103: {  	v36 =	vadd.s32 $0xFFFFFFFF, v45  }
0x104: {  	v36 =	vbroadcast v36, $0x0  }
0x105: {  	v46, _, _ =	vpop (xrf0)  }
0x106: {  	v36 =	vadd.s32 v46, v36;
	_ =	sdelay $0x3  }
0x107: {  	[tilespmem:$0x8280] =	vst v35  }
0x108: {  	[tilespmem:v36+s10+$0x0] =	vst.idx.msk vm3, v43  }
0x109: {  	[tilespmem:v36+s11+$0x0] =	vst.idx.msk vm3, v10  }
0x10a: {  	v47 =	vld [tilespmem:$0x8090];
	_ =	sdelay $0x1  }
0x10b: {  	v36 =	vsel vm0, $0x0, v36  }
0x10c: {  	(xrf0) =	vadd.scan.msk.s32 $0xffff, v36;
	_ =	sdelay $0x1  }
0x10d: {  	v35 =	vshll.u32 v47, $0x1;
	_ =	sdelay $0x1  }
0x10e: {  	v48 =	vor.u32 $0x1, v35;
	_ =	sdelay $0x1  }
0x10f: {  	v49, _, _ =	vpop (xrf0)  }
0x110: {  	(v2sf) =	vpush v49, $0xF;
	v35 =	vld.idx.msk [tilespmem:v35+s4+$0x0], $0xffff  }
0x111: {  	v37 =	vsel vm0, $0x0, v43  }
0x112: {  	(xrf0) =	vadd.scan.msk.s32 $0xffff, v37;
	v36 =	vld.idx.msk [tilespmem:v48+s4+$0x0], $0xffff;
	_ =	sdelay $0x2  }
0x113: {  	v35 =	vmul.u32 $0x3E8, v35;
	_ =	sdelay $0x1  }
0x114: {  	v35 =	vadd.s32 v36, v35  }
0x115: {  	v50, _, _ =	vpop (xrf0);
	v51 =	vshra.s32 v35, $0x7  }
0x116: {  	v36 =	vbroadcast v50, $0xF;
	v52 =	vperm.xlane v51, v0;
	_ =	sdelay $0x1  }
0x117: {  	v36 =	vsel vm1, v36, v52  }
0x118: {  	vm3 =	vne.s32 v51, v36  }
0x119: {  	v36 =	vsel vm3, $0x1, v2  }
0x11a: {  	(xrf0) =	vadd.scan.msk.s32 $0xffff, v36  }
0x11b: {  	s24 =	spop (v2sf)  }
0x11c: {  	s1 =	sadd.s32 $0x1, s24  }
0x11d: {  	v53 =	vmov s1  }
0x11e: {  	v36 =	vadd.s32 $0xFFFFFFFF, v53  }
0x11f: {  	v36 =	vbroadcast v36, $0x0  }
0x120: {  	v54, _, _ =	vpop (xrf0)  }
0x121: {  	v36 =	vadd.s32 v54, v36;
	_ =	sdelay $0x3  }
0x122: {  	[tilespmem:$0x8290] =	vst v35  }
0x123: {  	[tilespmem:v36+s10+$0x0] =	vst.idx.msk vm3, v51  }
0x124: {  	[tilespmem:v36+s11+$0x0] =	vst.idx.msk vm3, v11  }
0x125: {  	v55 =	vld [tilespmem:$0x80A0];
	_ =	sdelay $0x1  }
0x126: {  	v36 =	vsel vm0, $0x0, v36  }
0x127: {  	(xrf0) =	vadd.scan.msk.s32 $0xffff, v36;
	_ =	sdelay $0x1  }
0x128: {  	v35 =	vshll.u32 v55, $0x1;
	_ =	sdelay $0x1  }
0x129: {  	v56 =	vor.u32 $0x1, v35;
	_ =	sdelay $0x1  }
0x12a: {  	v57, _, _ =	vpop (xrf0)  }
0x12b: {  	(v2sf) =	vpush v57, $0xF;
	v35 =	vld.idx.msk [tilespmem:v35+s4+$0x0], $0xffff  }
0x12c: {  	v37 =	vsel vm0, $0x0, v51  }
0x12d: {  	(xrf0) =	vadd.scan.msk.s32 $0xffff, v37;
	v36 =	vld.idx.msk [tilespmem:v56+s4+$0x0], $0xffff;
	_ =	sdelay $0x2  }
0x12e: {  	v35 =	vmul.u32 $0x3E8, v35;
	_ =	sdelay $0x1  }
0x12f: {  	v35 =	vadd.s32 v36, v35  }
0x130: {  	v58, _, _ =	vpop (xrf0);
	v59 =	vshra.s32 v35, $0x7  }
0x131: {  	v36 =	vbroadcast v58, $0xF;
	v60 =	vperm.xlane v59, v0;
	_ =	sdelay $0x1  }
0x132: {  	v36 =	vsel vm1, v36, v60  }
0x133: {  	vm3 =	vne.s32 v59, v36  }
0x134: {  	v36 =	vsel vm3, $0x1, v2  }
0x135: {  	(xrf0) =	vadd.scan.msk.s32 $0xffff, v36  }
0x136: {  	s25 =	spop (v2sf)  }
0x137: {  	s1 =	sadd.s32 $0x1, s25  }
0x138: {  	v61 =	vmov s1  }
0x139: {  	v36 =	vadd.s32 $0xFFFFFFFF, v61  }
0x13a: {  	v36 =	vbroadcast v36, $0x0  }
0x13b: {  	v62, _, _ =	vpop (xrf0)  }
0x13c: {  	v36 =	vadd.s32 v62, v36;
	_ =	sdelay $0x3  }
0x13d: {  	[tilespmem:$0x82A0] =	vst v35  }
0x13e: {  	[tilespmem:v36+s10+$0x0] =	vst.idx.msk vm3, v59  }
0x13f: {  	[tilespmem:v36+s11+$0x0] =	vst.idx.msk vm3, v12  }
0x140: {  	v63 =	vld [tilespmem:$0x80B0];
	_ =	sdelay $0x1  }
0x141: {  	v36 =	vsel vm0, $0x0, v36  }
0x142: {  	(xrf0) =	vadd.scan.msk.s32 $0xffff, v36;
	_ =	sdelay $0x1  }
0x143: {  	v35 =	vshll.u32 v63, $0x1;
	_ =	sdelay $0x1  }
0x144: {  	v40 =	vor.u32 $0x1, v35;
	_ =	sdelay $0x1  }
0x145: {  	v41, _, _ =	vpop (xrf0)  }
0x146: {  	(v2sf) =	vpush v41, $0xF;
	v35 =	vld.idx.msk [tilespmem:v35+s4+$0x0], $0xffff  }
0x147: {  	v37 =	vsel vm0, $0x0, v59  }
0x148: {  	(xrf0) =	vadd.scan.msk.s32 $0xffff, v37;
	v36 =	vld.idx.msk [tilespmem:v40+s4+$0x0], $0xffff;
	_ =	sdelay $0x2  }
0x149: {  	v35 =	vmul.u32 $0x3E8, v35;
	_ =	sdelay $0x1  }
0x14a: {  	v35 =	vadd.s32 v36, v35  }
0x14b: {  	v42, _, _ =	vpop (xrf0);
	v43 =	vshra.s32 v35, $0x7  }
0x14c: {  	v36 =	vbroadcast v42, $0xF;
	v44 =	vperm.xlane v43, v0;
	_ =	sdelay $0x1  }
0x14d: {  	v36 =	vsel vm1, v36, v44  }
0x14e: {  	vm3 =	vne.s32 v43, v36  }
0x14f: {  	v36 =	vsel vm3, $0x1, v2  }
0x150: {  	(xrf0) =	vadd.scan.msk.s32 $0xffff, v36  }
0x151: {  	s26 =	spop (v2sf)  }
0x152: {  	s1 =	sadd.s32 $0x1, s26  }
0x153: {  	v45 =	vmov s1  }
0x154: {  	v36 =	vadd.s32 $0xFFFFFFFF, v45  }
0x155: {  	v36 =	vbroadcast v36, $0x0  }
0x156: {  	v46, _, _ =	vpop (xrf0)  }
0x157: {  	v36 =	vadd.s32 v46, v36;
	_ =	sdelay $0x3  }
0x158: {  	[tilespmem:$0x82B0] =	vst v35  }
0x159: {  	[tilespmem:v36+s10+$0x0] =	vst.idx.msk vm3, v43  }
0x15a: {  	[tilespmem:v36+s11+$0x0] =	vst.idx.msk vm3, v13  }
0x15b: {  	v47 =	vld [tilespmem:$0x80C0];
	_ =	sdelay $0x1  }
0x15c: {  	v36 =	vsel vm0, $0x0, v36  }
0x15d: {  	(xrf0) =	vadd.scan.msk.s32 $0xffff, v36;
	_ =	sdelay $0x1  }
0x15e: {  	v35 =	vshll.u32 v47, $0x1;
	_ =	sdelay $0x1  }
0x15f: {  	v48 =	vor.u32 $0x1, v35;
	_ =	sdelay $0x1  }
0x160: {  	v49, _, _ =	vpop (xrf0)  }
0x161: {  	(v2sf) =	vpush v49, $0xF;
	v35 =	vld.idx.msk [tilespmem:v35+s4+$0x0], $0xffff  }
0x162: {  	v37 =	vsel vm0, $0x0, v43  }
0x163: {  	(xrf0) =	vadd.scan.msk.s32 $0xffff, v37;
	v36 =	vld.idx.msk [tilespmem:v48+s4+$0x0], $0xffff;
	_ =	sdelay $0x2  }
0x164: {  	v35 =	vmul.u32 $0x3E8, v35;
	_ =	sdelay $0x1  }
0x165: {  	v35 =	vadd.s32 v36, v35  }
0x166: {  	v50, _, _ =	vpop (xrf0);
	v51 =	vshra.s32 v35, $0x7  }
0x167: {  	v36 =	vbroadcast v50, $0xF;
	v52 =	vperm.xlane v51, v0;
	_ =	sdelay $0x1  }
0x168: {  	v36 =	vsel vm1, v36, v52  }
0x169: {  	vm3 =	vne.s32 v51, v36  }
0x16a: {  	v36 =	vsel vm3, $0x1, v2  }
0x16b: {  	(xrf0) =	vadd.scan.msk.s32 $0xffff, v36  }
0x16c: {  	s28 =	spop (v2sf)  }
0x16d: {  	s1 =	sadd.s32 $0x1, s28  }
0x16e: {  	v53 =	vmov s1  }
0x16f: {  	v36 =	vadd.s32 $0xFFFFFFFF, v53  }
0x170: {  	v36 =	vbroadcast v36, $0x0  }
0x171: {  	v54, _, _ =	vpop (xrf0)  }
0x172: {  	v36 =	vadd.s32 v54, v36;
	_ =	sdelay $0x3  }
0x173: {  	[tilespmem:$0x82C0] =	vst v35  }
0x174: {  	[tilespmem:v36+s10+$0x0] =	vst.idx.msk vm3, v51  }
0x175: {  	[tilespmem:v36+s11+$0x0] =	vst.idx.msk vm3, v14  }
0x176: {  	v55 =	vld [tilespmem:$0x80D0];
	_ =	sdelay $0x1  }
0x177: {  	v36 =	vsel vm0, $0x0, v36  }
0x178: {  	(xrf0) =	vadd.scan.msk.s32 $0xffff, v36;
	_ =	sdelay $0x1  }
0x179: {  	v35 =	vshll.u32 v55, $0x1;
	_ =	sdelay $0x1  }
0x17a: {  	v56 =	vor.u32 $0x1, v35;
	_ =	sdelay $0x1  }
0x17b: {  	v57, _, _ =	vpop (xrf0)  }
0x17c: {  	(v2sf) =	vpush v57, $0xF;
	v35 =	vld.idx.msk [tilespmem:v35+s4+$0x0], $0xffff  }
0x17d: {  	v37 =	vsel vm0, $0x0, v51  }
0x17e: {  	(xrf0) =	vadd.scan.msk.s32 $0xffff, v37;
	v36 =	vld.idx.msk [tilespmem:v56+s4+$0x0], $0xffff;
	_ =	sdelay $0x2  }
0x17f: {  	v35 =	vmul.u32 $0x3E8, v35;
	_ =	sdelay $0x1  }
0x180: {  	v35 =	vadd.s32 v36, v35  }
0x181: {  	v58, _, _ =	vpop (xrf0);
	v59 =	vshra.s32 v35, $0x7  }
0x182: {  	v36 =	vbroadcast v58, $0xF;
	v60 =	vperm.xlane v59, v0;
	_ =	sdelay $0x1  }
0x183: {  	v36 =	vsel vm1, v36, v60  }
0x184: {  	vm3 =	vne.s32 v59, v36  }
0x185: {  	v36 =	vsel vm3, $0x1, v2  }
0x186: {  	(xrf0) =	vadd.scan.msk.s32 $0xffff, v36  }
0x187: {  	s29 =	spop (v2sf)  }
0x188: {  	s1 =	sadd.s32 $0x1, s29  }
0x189: {  	v61 =	vmov s1  }
0x18a: {  	v36 =	vadd.s32 $0xFFFFFFFF, v61  }
0x18b: {  	v36 =	vbroadcast v36, $0x0  }
0x18c: {  	v62, _, _ =	vpop (xrf0)  }
0x18d: {  	v36 =	vadd.s32 v62, v36;
	_ =	sdelay $0x3  }
0x18e: {  	[tilespmem:$0x82D0] =	vst v35  }
0x18f: {  	[tilespmem:v36+s10+$0x0] =	vst.idx.msk vm3, v59  }
0x190: {  	[tilespmem:v36+s11+$0x0] =	vst.idx.msk vm3, v15  }
0x191: {  	v63 =	vld [tilespmem:$0x80E0];
	_ =	sdelay $0x1  }
0x192: {  	v36 =	vsel vm0, $0x0, v36  }
0x193: {  	(xrf0) =	vadd.scan.msk.s32 $0xffff, v36;
	_ =	sdelay $0x1  }
0x194: {  	v35 =	vshll.u32 v63, $0x1;
	_ =	sdelay $0x1  }
0x195: {  	v40 =	vor.u32 $0x1, v35;
	_ =	sdelay $0x1  }
0x196: {  	v41, _, _ =	vpop (xrf0)  }
0x197: {  	(v2sf) =	vpush v41, $0xF;
	v35 =	vld.idx.msk [tilespmem:v35+s4+$0x0], $0xffff  }
0x198: {  	v37 =	vsel vm0, $0x0, v59  }
0x199: {  	(xrf0) =	vadd.scan.msk.s32 $0xffff, v37;
	v36 =	vld.idx.msk [tilespmem:v40+s4+$0x0], $0xffff;
	_ =	sdelay $0x2  }
0x19a: {  	v35 =	vmul.u32 $0x3E8, v35;
	_ =	sdelay $0x1  }
0x19b: {  	v35 =	vadd.s32 v36, v35  }
0x19c: {  	v42, _, _ =	vpop (xrf0);
	v43 =	vshra.s32 v35, $0x7  }
0x19d: {  	v36 =	vbroadcast v42, $0xF;
	v44 =	vperm.xlane v43, v0;
	_ =	sdelay $0x1  }
0x19e: {  	v36 =	vsel vm1, v36, v44  }
0x19f: {  	vm3 =	vne.s32 v43, v36  }
0x1a0: {  	v36 =	vsel vm3, $0x1, v2  }
0x1a1: {  	(xrf0) =	vadd.scan.msk.s32 $0xffff, v36  }
0x1a2: {  	s30 =	spop (v2sf)  }
0x1a3: {  	s1 =	sadd.s32 $0x1, s30  }
0x1a4: {  	v45 =	vmov s1  }
0x1a5: {  	v36 =	vadd.s32 $0xFFFFFFFF, v45  }
0x1a6: {  	v36 =	vbroadcast v36, $0x0  }
0x1a7: {  	v46, _, _ =	vpop (xrf0)  }
0x1a8: {  	v36 =	vadd.s32 v46, v36;
	_ =	sdelay $0x3  }
0x1a9: {  	[tilespmem:$0x82E0] =	vst v35  }
0x1aa: {  	[tilespmem:v36+s10+$0x0] =	vst.idx.msk vm3, v43  }
0x1ab: {  	[tilespmem:v36+s11+$0x0] =	vst.idx.msk vm3, v16  }
0x1ac: {  	v47 =	vld [tilespmem:$0x80F0];
	_ =	sdelay $0x1  }
0x1ad: {  	v36 =	vsel vm0, $0x0, v36  }
0x1ae: {  	(xrf0) =	vadd.scan.msk.s32 $0xffff, v36;
	_ =	sdelay $0x1  }
0x1af: {  	v35 =	vshll.u32 v47, $0x1;
	_ =	sdelay $0x1  }
0x1b0: {  	v48 =	vor.u32 $0x1, v35;
	_ =	sdelay $0x1  }
0x1b1: {  	v49, _, _ =	vpop (xrf0)  }
0x1b2: {  	(v2sf) =	vpush v49, $0xF;
	v35 =	vld.idx.msk [tilespmem:v35+s4+$0x0], $0xffff  }
0x1b3: {  	v37 =	vsel vm0, $0x0, v43  }
0x1b4: {  	(xrf0) =	vadd.scan.msk.s32 $0xffff, v37;
	v36 =	vld.idx.msk [tilespmem:v48+s4+$0x0], $0xffff;
	_ =	sdelay $0x2  }
0x1b5: {  	v35 =	vmul.u32 $0x3E8, v35;
	_ =	sdelay $0x1  }
0x1b6: {  	v35 =	vadd.s32 v36, v35  }
0x1b7: {  	v50, _, _ =	vpop (xrf0);
	v51 =	vshra.s32 v35, $0x7  }
0x1b8: {  	v36 =	vbroadcast v50, $0xF;
	v52 =	vperm.xlane v51, v0;
	_ =	sdelay $0x1  }
0x1b9: {  	v36 =	vsel vm1, v36, v52  }
0x1ba: {  	vm3 =	vne.s32 v51, v36  }
0x1bb: {  	v36 =	vsel vm3, $0x1, v2  }
0x1bc: {  	(xrf0) =	vadd.scan.msk.s32 $0xffff, v36  }
0x1bd: {  	s31 =	spop (v2sf)  }
0x1be: {  	s1 =	sadd.s32 $0x1, s31  }
0x1bf: {  	v53 =	vmov s1  }
0x1c0: {  	v36 =	vadd.s32 $0xFFFFFFFF, v53  }
0x1c1: {  	v36 =	vbroadcast v36, $0x0  }
0x1c2: {  	v54, _, _ =	vpop (xrf0)  }
0x1c3: {  	v36 =	vadd.s32 v54, v36;
	_ =	sdelay $0x3  }
0x1c4: {  	[tilespmem:$0x82F0] =	vst v35  }
0x1c5: {  	[tilespmem:v36+s10+$0x0] =	vst.idx.msk vm3, v51  }
0x1c6: {  	[tilespmem:v36+s11+$0x0] =	vst.idx.msk vm3, v17  }
0x1c7: {  	v55 =	vld [tilespmem:$0x8100];
	_ =	sdelay $0x1  }
0x1c8: {  	v36 =	vsel vm0, $0x0, v36  }
0x1c9: {  	(xrf0) =	vadd.scan.msk.s32 $0xffff, v36;
	_ =	sdelay $0x1  }
0x1ca: {  	v35 =	vshll.u32 v55, $0x1;
	_ =	sdelay $0x1  }
0x1cb: {  	v56 =	vor.u32 $0x1, v35;
	_ =	sdelay $0x1  }
0x1cc: {  	v57, _, _ =	vpop (xrf0)  }
0x1cd: {  	(v2sf) =	vpush v57, $0xF;
	v35 =	vld.idx.msk [tilespmem:v35+s4+$0x0], $0xffff  }
0x1ce: {  	v37 =	vsel vm0, $0x0, v51  }
0x1cf: {  	(xrf0) =	vadd.scan.msk.s32 $0xffff, v37;
	v36 =	vld.idx.msk [tilespmem:v56+s4+$0x0], $0xffff;
	_ =	sdelay $0x2  }
0x1d0: {  	v35 =	vmul.u32 $0x3E8, v35;
	_ =	sdelay $0x1  }
0x1d1: {  	v35 =	vadd.s32 v36, v35  }
0x1d2: {  	v58, _, _ =	vpop (xrf0);
	v59 =	vshra.s32 v35, $0x7  }
0x1d3: {  	v36 =	vbroadcast v58, $0xF;
	v60 =	vperm.xlane v59, v0;
	_ =	sdelay $0x1  }
0x1d4: {  	v36 =	vsel vm1, v36, v60  }
0x1d5: {  	vm3 =	vne.s32 v59, v36  }
0x1d6: {  	v36 =	vsel vm3, $0x1, v2  }
0x1d7: {  	(xrf0) =	vadd.scan.msk.s32 $0xffff, v36  }
0x1d8: {  	s3 =	spop (v2sf)  }
0x1d9: {  	s1 =	sadd.s32 $0x1, s3  }
0x1da: {  	v61 =	vmov s1  }
0x1db: {  	v36 =	vadd.s32 $0xFFFFFFFF, v61  }
0x1dc: {  	v36 =	vbroadcast v36, $0x0  }
0x1dd: {  	v62, _, _ =	vpop (xrf0)  }
0x1de: {  	v36 =	vadd.s32 v62, v36;
	_ =	sdelay $0x3  }
0x1df: {  	[tilespmem:$0x8300] =	vst v35  }
0x1e0: {  	[tilespmem:v36+s10+$0x0] =	vst.idx.msk vm3, v59  }
0x1e1: {  	[tilespmem:v36+s11+$0x0] =	vst.idx.msk vm3, v18  }
0x1e2: {  	v63 =	vld [tilespmem:$0x8110];
	_ =	sdelay $0x1  }
0x1e3: {  	v36 =	vsel vm0, $0x0, v36  }
0x1e4: {  	(xrf0) =	vadd.scan.msk.s32 $0xffff, v36;
	_ =	sdelay $0x1  }
0x1e5: {  	v35 =	vshll.u32 v63, $0x1;
	_ =	sdelay $0x1  }
0x1e6: {  	v40 =	vor.u32 $0x1, v35;
	_ =	sdelay $0x1  }
0x1e7: {  	v41, _, _ =	vpop (xrf0)  }
0x1e8: {  	(v2sf) =	vpush v41, $0xF;
	v35 =	vld.idx.msk [tilespmem:v35+s4+$0x0], $0xffff  }
0x1e9: {  	v37 =	vsel vm0, $0x0, v59  }
0x1ea: {  	(xrf0) =	vadd.scan.msk.s32 $0xffff, v37;
	v36 =	vld.idx.msk [tilespmem:v40+s4+$0x0], $0xffff;
	_ =	sdelay $0x2  }
0x1eb: {  	v35 =	vmul.u32 $0x3E8, v35;
	_ =	sdelay $0x1  }
0x1ec: {  	v35 =	vadd.s32 v36, v35  }
0x1ed: {  	v42, _, _ =	vpop (xrf0);
	v43 =	vshra.s32 v35, $0x7  }
0x1ee: {  	v36 =	vbroadcast v42, $0xF;
	v44 =	vperm.xlane v43, v0;
	_ =	sdelay $0x1  }
0x1ef: {  	v36 =	vsel vm1, v36, v44  }
0x1f0: {  	vm3 =	vne.s32 v43, v36  }
0x1f1: {  	v36 =	vsel vm3, $0x1, v2  }
0x1f2: {  	(xrf0) =	vadd.scan.msk.s32 $0xffff, v36  }
0x1f3: {  	s13 =	spop (v2sf)  }
0x1f4: {  	s1 =	sadd.s32 $0x1, s13  }
0x1f5: {  	v45 =	vmov s1  }
0x1f6: {  	v36 =	vadd.s32 $0xFFFFFFFF, v45  }
0x1f7: {  	v36 =	vbroadcast v36, $0x0  }
0x1f8: {  	v46, _, _ =	vpop (xrf0)  }
0x1f9: {  	v36 =	vadd.s32 v46, v36;
	_ =	sdelay $0x3  }
0x1fa: {  	[tilespmem:$0x8310] =	vst v35  }
0x1fb: {  	[tilespmem:v36+s10+$0x0] =	vst.idx.msk vm3, v43  }
0x1fc: {  	[tilespmem:v36+s11+$0x0] =	vst.idx.msk vm3, v19  }
0x1fd: {  	v47 =	vld [tilespmem:$0x8120];
	_ =	sdelay $0x1  }
0x1fe: {  	v36 =	vsel vm0, $0x0, v36  }
0x1ff: {  	(xrf0) =	vadd.scan.msk.s32 $0xffff, v36;
	_ =	sdelay $0x1  }
0x200: {  	v35 =	vshll.u32 v47, $0x1;
	_ =	sdelay $0x1  }
0x201: {  	v48 =	vor.u32 $0x1, v35;
	_ =	sdelay $0x1  }
0x202: {  	v49, _, _ =	vpop (xrf0)  }
0x203: {  	(v2sf) =	vpush v49, $0xF;
	v35 =	vld.idx.msk [tilespmem:v35+s4+$0x0], $0xffff  }
0x204: {  	v37 =	vsel vm0, $0x0, v43  }
0x205: {  	(xrf0) =	vadd.scan.msk.s32 $0xffff, v37;
	v36 =	vld.idx.msk [tilespmem:v48+s4+$0x0], $0xffff;
	_ =	sdelay $0x2  }
0x206: {  	v35 =	vmul.u32 $0x3E8, v35;
	_ =	sdelay $0x1  }
0x207: {  	v35 =	vadd.s32 v36, v35  }
0x208: {  	v50, _, _ =	vpop (xrf0);
	v51 =	vshra.s32 v35, $0x7  }
0x209: {  	v36 =	vbroadcast v50, $0xF;
	v52 =	vperm.xlane v51, v0;
	_ =	sdelay $0x1  }
0x20a: {  	v36 =	vsel vm1, v36, v52  }
0x20b: {  	vm3 =	vne.s32 v51, v36  }
0x20c: {  	v36 =	vsel vm3, $0x1, v2  }
0x20d: {  	(xrf0) =	vadd.scan.msk.s32 $0xffff, v36  }
0x20e: {  	s15 =	spop (v2sf)  }
0x20f: {  	s1 =	sadd.s32 $0x1, s15  }
0x210: {  	v53 =	vmov s1  }
0x211: {  	v36 =	vadd.s32 $0xFFFFFFFF, v53  }
0x212: {  	v36 =	vbroadcast v36, $0x0  }
0x213: {  	v54, _, _ =	vpop (xrf0)  }
0x214: {  	v36 =	vadd.s32 v54, v36;
	_ =	sdelay $0x3  }
0x215: {  	[tilespmem:$0x8320] =	vst v35  }
0x216: {  	[tilespmem:v36+s10+$0x0] =	vst.idx.msk vm3, v51  }
0x217: {  	[tilespmem:v36+s11+$0x0] =	vst.idx.msk vm3, v20  }
0x218: {  	v55 =	vld [tilespmem:$0x8130];
	_ =	sdelay $0x1  }
0x219: {  	v36 =	vsel vm0, $0x0, v36  }
0x21a: {  	(xrf0) =	vadd.scan.msk.s32 $0xffff, v36;
	_ =	sdelay $0x1  }
0x21b: {  	v35 =	vshll.u32 v55, $0x1;
	_ =	sdelay $0x1  }
0x21c: {  	v56 =	vor.u32 $0x1, v35;
	_ =	sdelay $0x1  }
0x21d: {  	v57, _, _ =	vpop (xrf0)  }
0x21e: {  	(v2sf) =	vpush v57, $0xF;
	v35 =	vld.idx.msk [tilespmem:v35+s4+$0x0], $0xffff  }
0x21f: {  	v37 =	vsel vm0, $0x0, v51  }
0x220: {  	(xrf0) =	vadd.scan.msk.s32 $0xffff, v37;
	v36 =	vld.idx.msk [tilespmem:v56+s4+$0x0], $0xffff;
	_ =	sdelay $0x2  }
0x221: {  	v35 =	vmul.u32 $0x3E8, v35;
	_ =	sdelay $0x1  }
0x222: {  	v35 =	vadd.s32 v36, v35  }
0x223: {  	v58, _, _ =	vpop (xrf0);
	v59 =	vshra.s32 v35, $0x7  }
0x224: {  	v36 =	vbroadcast v58, $0xF;
	v60 =	vperm.xlane v59, v0;
	_ =	sdelay $0x1  }
0x225: {  	v36 =	vsel vm1, v36, v60  }
0x226: {  	vm3 =	vne.s32 v59, v36  }
0x227: {  	v36 =	vsel vm3, $0x1, v2  }
0x228: {  	(xrf0) =	vadd.scan.msk.s32 $0xffff, v36  }
0x229: {  	s16 =	spop (v2sf)  }
0x22a: {  	s1 =	sadd.s32 $0x1, s16  }
0x22b: {  	v61 =	vmov s1  }
0x22c: {  	v36 =	vadd.s32 $0xFFFFFFFF, v61  }
0x22d: {  	v36 =	vbroadcast v36, $0x0  }
0x22e: {  	v62, _, _ =	vpop (xrf0)  }
0x22f: {  	v36 =	vadd.s32 v62, v36;
	_ =	sdelay $0x3  }
0x230: {  	[tilespmem:$0x8330] =	vst v35  }
0x231: {  	[tilespmem:v36+s10+$0x0] =	vst.idx.msk vm3, v59  }
0x232: {  	[tilespmem:v36+s11+$0x0] =	vst.idx.msk vm3, v21  }
0x233: {  	v63 =	vld [tilespmem:$0x8140];
	_ =	sdelay $0x1  }
0x234: {  	v36 =	vsel vm0, $0x0, v36  }
0x235: {  	(xrf0) =	vadd.scan.msk.s32 $0xffff, v36;
	_ =	sdelay $0x1  }
0x236: {  	v35 =	vshll.u32 v63, $0x1;
	_ =	sdelay $0x1  }
0x237: {  	v40 =	vor.u32 $0x1, v35;
	_ =	sdelay $0x1  }
0x238: {  	v41, _, _ =	vpop (xrf0)  }
0x239: {  	(v2sf) =	vpush v41, $0xF;
	v35 =	vld.idx.msk [tilespmem:v35+s4+$0x0], $0xffff  }
0x23a: {  	v37 =	vsel vm0, $0x0, v59  }
0x23b: {  	(xrf0) =	vadd.scan.msk.s32 $0xffff, v37;
	v36 =	vld.idx.msk [tilespmem:v40+s4+$0x0], $0xffff;
	_ =	sdelay $0x2  }
0x23c: {  	v35 =	vmul.u32 $0x3E8, v35;
	_ =	sdelay $0x1  }
0x23d: {  	v35 =	vadd.s32 v36, v35  }
0x23e: {  	v42, _, _ =	vpop (xrf0);
	v43 =	vshra.s32 v35, $0x7  }
0x23f: {  	v36 =	vbroadcast v42, $0xF;
	v44 =	vperm.xlane v43, v0;
	_ =	sdelay $0x1  }
0x240: {  	v36 =	vsel vm1, v36, v44  }
0x241: {  	vm3 =	vne.s32 v43, v36  }
0x242: {  	v36 =	vsel vm3, $0x1, v2  }
0x243: {  	(xrf0) =	vadd.scan.msk.s32 $0xffff, v36  }
0x244: {  	s19 =	spop (v2sf)  }
0x245: {  	s1 =	sadd.s32 $0x1, s19  }
0x246: {  	v45 =	vmov s1  }
0x247: {  	v36 =	vadd.s32 $0xFFFFFFFF, v45  }
0x248: {  	v36 =	vbroadcast v36, $0x0  }
0x249: {  	v46, _, _ =	vpop (xrf0)  }
0x24a: {  	v36 =	vadd.s32 v46, v36;
	_ =	sdelay $0x3  }
0x24b: {  	[tilespmem:$0x8340] =	vst v35  }
0x24c: {  	[tilespmem:v36+s10+$0x0] =	vst.idx.msk vm3, v43  }
0x24d: {  	[tilespmem:v36+s11+$0x0] =	vst.idx.msk vm3, v22  }
0x24e: {  	v47 =	vld [tilespmem:$0x8150];
	_ =	sdelay $0x1  }
0x24f: {  	v36 =	vsel vm0, $0x0, v36  }
0x250: {  	(xrf0) =	vadd.scan.msk.s32 $0xffff, v36;
	_ =	sdelay $0x1  }
0x251: {  	v35 =	vshll.u32 v47, $0x1;
	_ =	sdelay $0x1  }
0x252: {  	v48 =	vor.u32 $0x1, v35;
	_ =	sdelay $0x1  }
0x253: {  	v49, _, _ =	vpop (xrf0)  }
0x254: {  	(v2sf) =	vpush v49, $0xF;
	v35 =	vld.idx.msk [tilespmem:v35+s4+$0x0], $0xffff  }
0x255: {  	v37 =	vsel vm0, $0x0, v43  }
0x256: {  	(xrf0) =	vadd.scan.msk.s32 $0xffff, v37;
	v36 =	vld.idx.msk [tilespmem:v48+s4+$0x0], $0xffff;
	_ =	sdelay $0x2  }
0x257: {  	v35 =	vmul.u32 $0x3E8, v35;
	_ =	sdelay $0x1  }
0x258: {  	v35 =	vadd.s32 v36, v35  }
0x259: {  	v50, _, _ =	vpop (xrf0);
	v51 =	vshra.s32 v35, $0x7  }
0x25a: {  	v36 =	vbroadcast v50, $0xF;
	v52 =	vperm.xlane v51, v0;
	_ =	sdelay $0x1  }
0x25b: {  	v36 =	vsel vm1, v36, v52  }
0x25c: {  	vm3 =	vne.s32 v51, v36  }
0x25d: {  	v36 =	vsel vm3, $0x1, v2  }
0x25e: {  	(xrf0) =	vadd.scan.msk.s32 $0xffff, v36  }
0x25f: {  	s20 =	spop (v2sf)  }
0x260: {  	s1 =	sadd.s32 $0x1, s20  }
0x261: {  	v53 =	vmov s1  }
0x262: {  	v36 =	vadd.s32 $0xFFFFFFFF, v53  }
0x263: {  	v36 =	vbroadcast v36, $0x0  }
0x264: {  	v54, _, _ =	vpop (xrf0)  }
0x265: {  	v36 =	vadd.s32 v54, v36;
	_ =	sdelay $0x3  }
0x266: {  	[tilespmem:$0x8350] =	vst v35  }
0x267: {  	[tilespmem:v36+s10+$0x0] =	vst.idx.msk vm3, v51  }
0x268: {  	[tilespmem:v36+s11+$0x0] =	vst.idx.msk vm3, v23  }
0x269: {  	v55 =	vld [tilespmem:$0x8160];
	_ =	sdelay $0x1  }
0x26a: {  	v36 =	vsel vm0, $0x0, v36  }
0x26b: {  	(xrf0) =	vadd.scan.msk.s32 $0xffff, v36;
	_ =	sdelay $0x1  }
0x26c: {  	v35 =	vshll.u32 v55, $0x1;
	_ =	sdelay $0x1  }
0x26d: {  	v56 =	vor.u32 $0x1, v35;
	_ =	sdelay $0x1  }
0x26e: {  	v57, _, _ =	vpop (xrf0)  }
0x26f: {  	(v2sf) =	vpush v57, $0xF;
	v35 =	vld.idx.msk [tilespmem:v35+s4+$0x0], $0xffff  }
0x270: {  	v37 =	vsel vm0, $0x0, v51  }
0x271: {  	(xrf0) =	vadd.scan.msk.s32 $0xffff, v37;
	v36 =	vld.idx.msk [tilespmem:v56+s4+$0x0], $0xffff;
	_ =	sdelay $0x2  }
0x272: {  	v35 =	vmul.u32 $0x3E8, v35;
	_ =	sdelay $0x1  }
0x273: {  	v35 =	vadd.s32 v36, v35  }
0x274: {  	v58, _, _ =	vpop (xrf0);
	v59 =	vshra.s32 v35, $0x7  }
0x275: {  	v36 =	vbroadcast v58, $0xF;
	v60 =	vperm.xlane v59, v0;
	_ =	sdelay $0x1  }
0x276: {  	v36 =	vsel vm1, v36, v60  }
0x277: {  	vm3 =	vne.s32 v59, v36  }
0x278: {  	v36 =	vsel vm3, $0x1, v2  }
0x279: {  	(xrf0) =	vadd.scan.msk.s32 $0xffff, v36  }
0x27a: {  	s21 =	spop (v2sf)  }
0x27b: {  	s1 =	sadd.s32 $0x1, s21  }
0x27c: {  	v61 =	vmov s1  }
0x27d: {  	v36 =	vadd.s32 $0xFFFFFFFF, v61  }
0x27e: {  	v36 =	vbroadcast v36, $0x0  }
0x27f: {  	v62, _, _ =	vpop (xrf0)  }
0x280: {  	v36 =	vadd.s32 v62, v36;
	_ =	sdelay $0x3  }
0x281: {  	[tilespmem:$0x8360] =	vst v35  }
0x282: {  	[tilespmem:v36+s10+$0x0] =	vst.idx.msk vm3, v59  }
0x283: {  	[tilespmem:v36+s11+$0x0] =	vst.idx.msk vm3, v24  }
0x284: {  	v63 =	vld [tilespmem:$0x8170];
	_ =	sdelay $0x1  }
0x285: {  	v36 =	vsel vm0, $0x0, v36  }
0x286: {  	(xrf0) =	vadd.scan.msk.s32 $0xffff, v36;
	_ =	sdelay $0x1  }
0x287: {  	v35 =	vshll.u32 v63, $0x1;
	_ =	sdelay $0x1  }
0x288: {  	v40 =	vor.u32 $0x1, v35;
	_ =	sdelay $0x1  }
0x289: {  	v41, _, _ =	vpop (xrf0)  }
0x28a: {  	(v2sf) =	vpush v41, $0xF;
	v35 =	vld.idx.msk [tilespmem:v35+s4+$0x0], $0xffff  }
0x28b: {  	v37 =	vsel vm0, $0x0, v59  }
0x28c: {  	(xrf0) =	vadd.scan.msk.s32 $0xffff, v37;
	v36 =	vld.idx.msk [tilespmem:v40+s4+$0x0], $0xffff;
	_ =	sdelay $0x2  }
0x28d: {  	v35 =	vmul.u32 $0x3E8, v35;
	_ =	sdelay $0x1  }
0x28e: {  	v35 =	vadd.s32 v36, v35  }
0x28f: {  	v42, _, _ =	vpop (xrf0);
	v43 =	vshra.s32 v35, $0x7  }
0x290: {  	v36 =	vbroadcast v42, $0xF;
	v44 =	vperm.xlane v43, v0;
	_ =	sdelay $0x1  }
0x291: {  	v36 =	vsel vm1, v36, v44  }
0x292: {  	vm3 =	vne.s32 v43, v36  }
0x293: {  	v36 =	vsel vm3, $0x1, v2  }
0x294: {  	(xrf0) =	vadd.scan.msk.s32 $0xffff, v36  }
0x295: {  	s22 =	spop (v2sf)  }
0x296: {  	s1 =	sadd.s32 $0x1, s22  }
0x297: {  	v45 =	vmov s1  }
0x298: {  	v36 =	vadd.s32 $0xFFFFFFFF, v45  }
0x299: {  	v36 =	vbroadcast v36, $0x0  }
0x29a: {  	v46, _, _ =	vpop (xrf0)  }
0x29b: {  	v36 =	vadd.s32 v46, v36;
	_ =	sdelay $0x3  }
0x29c: {  	[tilespmem:$0x8370] =	vst v35  }
0x29d: {  	[tilespmem:v36+s10+$0x0] =	vst.idx.msk vm3, v43  }
0x29e: {  	[tilespmem:v36+s11+$0x0] =	vst.idx.msk vm3, v25  }
0x29f: {  	v47 =	vld [tilespmem:$0x8180];
	_ =	sdelay $0x1  }
0x2a0: {  	v36 =	vsel vm0, $0x0, v36  }
0x2a1: {  	(xrf0) =	vadd.scan.msk.s32 $0xffff, v36;
	_ =	sdelay $0x1  }
0x2a2: {  	v35 =	vshll.u32 v47, $0x1;
	_ =	sdelay $0x1  }
0x2a3: {  	v48 =	vor.u32 $0x1, v35;
	_ =	sdelay $0x1  }
0x2a4: {  	v49, _, _ =	vpop (xrf0)  }
0x2a5: {  	(v2sf) =	vpush v49, $0xF;
	v35 =	vld.idx.msk [tilespmem:v35+s4+$0x0], $0xffff  }
0x2a6: {  	v37 =	vsel vm0, $0x0, v43  }
0x2a7: {  	(xrf0) =	vadd.scan.msk.s32 $0xffff, v37;
	v36 =	vld.idx.msk [tilespmem:v48+s4+$0x0], $0xffff;
	_ =	sdelay $0x2  }
0x2a8: {  	v35 =	vmul.u32 $0x3E8, v35;
	_ =	sdelay $0x1  }
0x2a9: {  	v35 =	vadd.s32 v36, v35  }
0x2aa: {  	v50, _, _ =	vpop (xrf0);
	v51 =	vshra.s32 v35, $0x7  }
0x2ab: {  	v36 =	vbroadcast v50, $0xF;
	v52 =	vperm.xlane v51, v0;
	_ =	sdelay $0x1  }
0x2ac: {  	v36 =	vsel vm1, v36, v52  }
0x2ad: {  	vm3 =	vne.s32 v51, v36  }
0x2ae: {  	v36 =	vsel vm3, $0x1, v2  }
0x2af: {  	(xrf0) =	vadd.scan.msk.s32 $0xffff, v36  }
0x2b0: {  	s23 =	spop (v2sf)  }
0x2b1: {  	s1 =	sadd.s32 $0x1, s23  }
0x2b2: {  	v53 =	vmov s1  }
0x2b3: {  	v36 =	vadd.s32 $0xFFFFFFFF, v53  }
0x2b4: {  	v36 =	vbroadcast v36, $0x0  }
0x2b5: {  	v54, _, _ =	vpop (xrf0)  }
0x2b6: {  	v36 =	vadd.s32 v54, v36;
	_ =	sdelay $0x3  }
0x2b7: {  	[tilespmem:$0x8380] =	vst v35  }
0x2b8: {  	[tilespmem:v36+s10+$0x0] =	vst.idx.msk vm3, v51  }
0x2b9: {  	[tilespmem:v36+s11+$0x0] =	vst.idx.msk vm3, v26  }
0x2ba: {  	v55 =	vld [tilespmem:$0x8190];
	_ =	sdelay $0x1  }
0x2bb: {  	v36 =	vsel vm0, $0x0, v36  }
0x2bc: {  	(xrf0) =	vadd.scan.msk.s32 $0xffff, v36;
	_ =	sdelay $0x1  }
0x2bd: {  	v35 =	vshll.u32 v55, $0x1;
	_ =	sdelay $0x1  }
0x2be: {  	v56 =	vor.u32 $0x1, v35;
	_ =	sdelay $0x1  }
0x2bf: {  	v57, _, _ =	vpop (xrf0)  }
0x2c0: {  	(v2sf) =	vpush v57, $0xF;
	v35 =	vld.idx.msk [tilespmem:v35+s4+$0x0], $0xffff  }
0x2c1: {  	v37 =	vsel vm0, $0x0, v51  }
0x2c2: {  	(xrf0) =	vadd.scan.msk.s32 $0xffff, v37;
	v36 =	vld.idx.msk [tilespmem:v56+s4+$0x0], $0xffff;
	_ =	sdelay $0x2  }
0x2c3: {  	v35 =	vmul.u32 $0x3E8, v35;
	_ =	sdelay $0x1  }
0x2c4: {  	v35 =	vadd.s32 v36, v35  }
0x2c5: {  	v58, _, _ =	vpop (xrf0);
	v59 =	vshra.s32 v35, $0x7  }
0x2c6: {  	v36 =	vbroadcast v58, $0xF;
	v60 =	vperm.xlane v59, v0;
	_ =	sdelay $0x1  }
0x2c7: {  	v36 =	vsel vm1, v36, v60  }
0x2c8: {  	vm3 =	vne.s32 v59, v36  }
0x2c9: {  	v36 =	vsel vm3, $0x1, v2  }
0x2ca: {  	(xrf0) =	vadd.scan.msk.s32 $0xffff, v36  }
0x2cb: {  	s24 =	spop (v2sf)  }
0x2cc: {  	s1 =	sadd.s32 $0x1, s24  }
0x2cd: {  	v61 =	vmov s1  }
0x2ce: {  	v36 =	vadd.s32 $0xFFFFFFFF, v61  }
0x2cf: {  	v36 =	vbroadcast v36, $0x0  }
0x2d0: {  	v62, _, _ =	vpop (xrf0)  }
0x2d1: {  	v36 =	vadd.s32 v62, v36;
	_ =	sdelay $0x3  }
0x2d2: {  	[tilespmem:$0x8390] =	vst v35  }
0x2d3: {  	[tilespmem:v36+s10+$0x0] =	vst.idx.msk vm3, v59  }
0x2d4: {  	[tilespmem:v36+s11+$0x0] =	vst.idx.msk vm3, v27  }
0x2d5: {  	v63 =	vld [tilespmem:$0x81A0];
	_ =	sdelay $0x1  }
0x2d6: {  	v36 =	vsel vm0, $0x0, v36  }
0x2d7: {  	(xrf0) =	vadd.scan.msk.s32 $0xffff, v36;
	_ =	sdelay $0x1  }
0x2d8: {  	v35 =	vshll.u32 v63, $0x1;
	_ =	sdelay $0x1  }
0x2d9: {  	v40 =	vor.u32 $0x1, v35;
	_ =	sdelay $0x1  }
0x2da: {  	v41, _, _ =	vpop (xrf0)  }
0x2db: {  	(v2sf) =	vpush v41, $0xF;
	v35 =	vld.idx.msk [tilespmem:v35+s4+$0x0], $0xffff  }
0x2dc: {  	v37 =	vsel vm0, $0x0, v59  }
0x2dd: {  	(xrf0) =	vadd.scan.msk.s32 $0xffff, v37;
	v36 =	vld.idx.msk [tilespmem:v40+s4+$0x0], $0xffff;
	_ =	sdelay $0x2  }
0x2de: {  	v35 =	vmul.u32 $0x3E8, v35;
	_ =	sdelay $0x1  }
0x2df: {  	v35 =	vadd.s32 v36, v35  }
0x2e0: {  	v42, _, _ =	vpop (xrf0);
	v43 =	vshra.s32 v35, $0x7  }
0x2e1: {  	v36 =	vbroadcast v42, $0xF;
	v44 =	vperm.xlane v43, v0;
	_ =	sdelay $0x1  }
0x2e2: {  	v36 =	vsel vm1, v36, v44  }
0x2e3: {  	vm3 =	vne.s32 v43, v36  }
0x2e4: {  	v36 =	vsel vm3, $0x1, v2  }
0x2e5: {  	(xrf0) =	vadd.scan.msk.s32 $0xffff, v36  }
0x2e6: {  	s25 =	spop (v2sf)  }
0x2e7: {  	s1 =	sadd.s32 $0x1, s25  }
0x2e8: {  	v45 =	vmov s1  }
0x2e9: {  	v36 =	vadd.s32 $0xFFFFFFFF, v45  }
0x2ea: {  	v36 =	vbroadcast v36, $0x0  }
0x2eb: {  	v46, _, _ =	vpop (xrf0)  }
0x2ec: {  	v36 =	vadd.s32 v46, v36;
	_ =	sdelay $0x3  }
0x2ed: {  	[tilespmem:$0x83A0] =	vst v35  }
0x2ee: {  	[tilespmem:v36+s10+$0x0] =	vst.idx.msk vm3, v43  }
0x2ef: {  	[tilespmem:v36+s11+$0x0] =	vst.idx.msk vm3, v28  }
0x2f0: {  	v47 =	vld [tilespmem:$0x81B0];
	_ =	sdelay $0x1  }
0x2f1: {  	v36 =	vsel vm0, $0x0, v36  }
0x2f2: {  	(xrf0) =	vadd.scan.msk.s32 $0xffff, v36;
	_ =	sdelay $0x1  }
0x2f3: {  	v35 =	vshll.u32 v47, $0x1;
	_ =	sdelay $0x1  }
0x2f4: {  	v48 =	vor.u32 $0x1, v35;
	_ =	sdelay $0x1  }
0x2f5: {  	v49, _, _ =	vpop (xrf0)  }
0x2f6: {  	(v2sf) =	vpush v49, $0xF;
	v35 =	vld.idx.msk [tilespmem:v35+s4+$0x0], $0xffff  }
0x2f7: {  	v37 =	vsel vm0, $0x0, v43  }
0x2f8: {  	(xrf0) =	vadd.scan.msk.s32 $0xffff, v37;
	v36 =	vld.idx.msk [tilespmem:v48+s4+$0x0], $0xffff;
	_ =	sdelay $0x2  }
0x2f9: {  	v35 =	vmul.u32 $0x3E8, v35;
	_ =	sdelay $0x1  }
0x2fa: {  	v35 =	vadd.s32 v36, v35  }
0x2fb: {  	v50, _, _ =	vpop (xrf0);
	v51 =	vshra.s32 v35, $0x7  }
0x2fc: {  	v36 =	vbroadcast v50, $0xF;
	v52 =	vperm.xlane v51, v0;
	_ =	sdelay $0x1  }
0x2fd: {  	v36 =	vsel vm1, v36, v52  }
0x2fe: {  	vm3 =	vne.s32 v51, v36  }
0x2ff: {  	v36 =	vsel vm3, $0x1, v2  }
0x300: {  	(xrf0) =	vadd.scan.msk.s32 $0xffff, v36  }
0x301: {  	s26 =	spop (v2sf)  }
0x302: {  	s1 =	sadd.s32 $0x1, s26  }
0x303: {  	v53 =	vmov s1  }
0x304: {  	v36 =	vadd.s32 $0xFFFFFFFF, v53  }
0x305: {  	v36 =	vbroadcast v36, $0x0  }
0x306: {  	v54, _, _ =	vpop (xrf0)  }
0x307: {  	v36 =	vadd.s32 v54, v36;
	_ =	sdelay $0x3  }
0x308: {  	[tilespmem:$0x83B0] =	vst v35  }
0x309: {  	[tilespmem:v36+s10+$0x0] =	vst.idx.msk vm3, v51  }
0x30a: {  	[tilespmem:v36+s11+$0x0] =	vst.idx.msk vm3, v29  }
0x30b: {  	v55 =	vld [tilespmem:$0x81C0];
	_ =	sdelay $0x1  }
0x30c: {  	v36 =	vsel vm0, $0x0, v36  }
0x30d: {  	(xrf0) =	vadd.scan.msk.s32 $0xffff, v36;
	_ =	sdelay $0x1  }
0x30e: {  	v35 =	vshll.u32 v55, $0x1;
	_ =	sdelay $0x1  }
0x30f: {  	v56 =	vor.u32 $0x1, v35;
	_ =	sdelay $0x1  }
0x310: {  	v57, _, _ =	vpop (xrf0)  }
0x311: {  	(v2sf) =	vpush v57, $0xF;
	v35 =	vld.idx.msk [tilespmem:v35+s4+$0x0], $0xffff  }
0x312: {  	v37 =	vsel vm0, $0x0, v51  }
0x313: {  	(xrf0) =	vadd.scan.msk.s32 $0xffff, v37;
	v36 =	vld.idx.msk [tilespmem:v56+s4+$0x0], $0xffff;
	_ =	sdelay $0x2  }
0x314: {  	v35 =	vmul.u32 $0x3E8, v35;
	_ =	sdelay $0x1  }
0x315: {  	v35 =	vadd.s32 v36, v35  }
0x316: {  	v58, _, _ =	vpop (xrf0);
	v59 =	vshra.s32 v35, $0x7  }
0x317: {  	v36 =	vbroadcast v58, $0xF;
	v60 =	vperm.xlane v59, v0;
	_ =	sdelay $0x1  }
0x318: {  	v36 =	vsel vm1, v36, v60  }
0x319: {  	vm3 =	vne.s32 v59, v36  }
0x31a: {  	v36 =	vsel vm3, $0x1, v2  }
0x31b: {  	(xrf0) =	vadd.scan.msk.s32 $0xffff, v36  }
0x31c: {  	s28 =	spop (v2sf)  }
0x31d: {  	s1 =	sadd.s32 $0x1, s28  }
0x31e: {  	v61 =	vmov s1  }
0x31f: {  	v36 =	vadd.s32 $0xFFFFFFFF, v61  }
0x320: {  	v36 =	vbroadcast v36, $0x0  }
0x321: {  	v62, _, _ =	vpop (xrf0)  }
0x322: {  	v36 =	vadd.s32 v62, v36;
	_ =	sdelay $0x3  }
0x323: {  	[tilespmem:$0x83C0] =	vst v35  }
0x324: {  	[tilespmem:v36+s10+$0x0] =	vst.idx.msk vm3, v59  }
0x325: {  	[tilespmem:v36+s11+$0x0] =	vst.idx.msk vm3, v30  }
0x326: {  	v63 =	vld [tilespmem:$0x81D0];
	_ =	sdelay $0x1  }
0x327: {  	v36 =	vsel vm0, $0x0, v36  }
0x328: {  	(xrf0) =	vadd.scan.msk.s32 $0xffff, v36;
	_ =	sdelay $0x1  }
0x329: {  	v35 =	vshll.u32 v63, $0x1;
	_ =	sdelay $0x1  }
0x32a: {  	v40 =	vor.u32 $0x1, v35;
	_ =	sdelay $0x1  }
0x32b: {  	v41, _, _ =	vpop (xrf0)  }
0x32c: {  	(v2sf) =	vpush v41, $0xF;
	v35 =	vld.idx.msk [tilespmem:v35+s4+$0x0], $0xffff  }
0x32d: {  	v37 =	vsel vm0, $0x0, v59  }
0x32e: {  	(xrf0) =	vadd.scan.msk.s32 $0xffff, v37;
	v36 =	vld.idx.msk [tilespmem:v40+s4+$0x0], $0xffff;
	_ =	sdelay $0x2  }
0x32f: {  	v35 =	vmul.u32 $0x3E8, v35;
	_ =	sdelay $0x1  }
0x330: {  	v35 =	vadd.s32 v36, v35  }
0x331: {  	v42, _, _ =	vpop (xrf0);
	v43 =	vshra.s32 v35, $0x7  }
0x332: {  	v36 =	vbroadcast v42, $0xF;
	v44 =	vperm.xlane v43, v0;
	_ =	sdelay $0x1  }
0x333: {  	v36 =	vsel vm1, v36, v44  }
0x334: {  	vm3 =	vne.s32 v43, v36  }
0x335: {  	v36 =	vsel vm3, $0x1, v2  }
0x336: {  	(xrf0) =	vadd.scan.msk.s32 $0xffff, v36  }
0x337: {  	s29 =	spop (v2sf)  }
0x338: {  	s1 =	sadd.s32 $0x1, s29  }
0x339: {  	v45 =	vmov s1  }
0x33a: {  	v36 =	vadd.s32 $0xFFFFFFFF, v45  }
0x33b: {  	v36 =	vbroadcast v36, $0x0  }
0x33c: {  	v46, _, _ =	vpop (xrf0)  }
0x33d: {  	v36 =	vadd.s32 v46, v36;
	_ =	sdelay $0x3  }
0x33e: {  	[tilespmem:$0x83D0] =	vst v35  }
0x33f: {  	[tilespmem:v36+s10+$0x0] =	vst.idx.msk vm3, v43  }
0x340: {  	[tilespmem:v36+s11+$0x0] =	vst.idx.msk vm3, v31  }
0x341: {  	v47 =	vld [tilespmem:$0x81E0];
	_ =	sdelay $0x1  }
0x342: {  	v36 =	vsel vm0, $0x0, v36  }
0x343: {  	(xrf0) =	vadd.scan.msk.s32 $0xffff, v36;
	_ =	sdelay $0x1  }
0x344: {  	v35 =	vshll.u32 v47, $0x1;
	_ =	sdelay $0x1  }
0x345: {  	v48 =	vor.u32 $0x1, v35;
	_ =	sdelay $0x1  }
0x346: {  	v49, _, _ =	vpop (xrf0)  }
0x347: {  	(v2sf) =	vpush v49, $0xF;
	v35 =	vld.idx.msk [tilespmem:v35+s4+$0x0], $0xffff  }
0x348: {  	v37 =	vsel vm0, $0x0, v43  }
0x349: {  	(xrf0) =	vadd.scan.msk.s32 $0xffff, v37;
	v36 =	vld.idx.msk [tilespmem:v48+s4+$0x0], $0xffff;
	_ =	sdelay $0x2  }
0x34a: {  	v35 =	vmul.u32 $0x3E8, v35;
	_ =	sdelay $0x1  }
0x34b: {  	v35 =	vadd.s32 v36, v35  }
0x34c: {  	v50, _, _ =	vpop (xrf0);
	v51 =	vshra.s32 v35, $0x7  }
0x34d: {  	v36 =	vbroadcast v50, $0xF;
	v52 =	vperm.xlane v51, v0;
	_ =	sdelay $0x1  }
0x34e: {  	v36 =	vsel vm1, v36, v52  }
0x34f: {  	vm3 =	vne.s32 v51, v36  }
0x350: {  	v36 =	vsel vm3, $0x1, v2  }
0x351: {  	(xrf0) =	vadd.scan.msk.s32 $0xffff, v36  }
0x352: {  	s30 =	spop (v2sf)  }
0x353: {  	s1 =	sadd.s32 $0x1, s30  }
0x354: {  	v53 =	vmov s1  }
0x355: {  	v36 =	vadd.s32 $0xFFFFFFFF, v53  }
0x356: {  	v36 =	vbroadcast v36, $0x0  }
0x357: {  	v54, _, _ =	vpop (xrf0)  }
0x358: {  	v36 =	vadd.s32 v54, v36;
	_ =	sdelay $0x3  }
0x359: {  	[tilespmem:$0x83E0] =	vst v35  }
0x35a: {  	[tilespmem:v36+s10+$0x0] =	vst.idx.msk vm3, v51  }
0x35b: {  	[tilespmem:v36+s11+$0x0] =	vst.idx.msk vm3, v32  }
0x35c: {  	v55 =	vld [tilespmem:$0x81F0];
	_ =	sdelay $0x1  }
0x35d: {  	v36 =	vsel vm0, $0x0, v36  }
0x35e: {  	(xrf0) =	vadd.scan.msk.s32 $0xffff, v36;
	_ =	sdelay $0x1  }
0x35f: {  	v35 =	vshll.u32 v55, $0x1;
	_ =	sdelay $0x1  }
0x360: {  	v56 =	vor.u32 $0x1, v35;
	_ =	sdelay $0x1  }
0x361: {  	v57, _, _ =	vpop (xrf0)  }
0x362: {  	(v2sf) =	vpush v57, $0xF;
	v35 =	vld.idx.msk [tilespmem:v35+s4+$0x0], $0xffff  }
0x363: {  	v37 =	vsel vm0, $0x0, v51  }
0x364: {  	(xrf0) =	vadd.scan.msk.s32 $0xffff, v37;
	v36 =	vld.idx.msk [tilespmem:v56+s4+$0x0], $0xffff;
	_ =	sdelay $0x2  }
0x365: {  	v35 =	vmul.u32 $0x3E8, v35;
	_ =	sdelay $0x1  }
0x366: {  	v35 =	vadd.s32 v36, v35  }
0x367: {  	v58, _, _ =	vpop (xrf0);
	v59 =	vshra.s32 v35, $0x7  }
0x368: {  	v36 =	vbroadcast v58, $0xF;
	v60 =	vperm.xlane v59, v0;
	_ =	sdelay $0x1  }
0x369: {  	v36 =	vsel vm1, v36, v60  }
0x36a: {  	vm3 =	vne.s32 v59, v36  }
0x36b: {  	v36 =	vsel vm3, $0x1, v2  }
0x36c: {  	(xrf0) =	vadd.scan.msk.s32 $0xffff, v36  }
0x36d: {  	s31 =	spop (v2sf)  }
0x36e: {  	s1 =	sadd.s32 $0x1, s31  }
0x36f: {  	v61 =	vmov s1  }
0x370: {  	v36 =	vadd.s32 $0xFFFFFFFF, v61  }
0x371: {  	v36 =	vbroadcast v36, $0x0  }
0x372: {  	v62, _, _ =	vpop (xrf0)  }
0x373: {  	v36 =	vadd.s32 v62, v36  }
0x374: {  	v38 =	vsel vm0, $0x0, v36  }
0x375: {  	(xrf0) =	vadd.scan.msk.s32 $0xffff, v38;
	_ =	sdelay $0x5  }
0x376: {  	v38, _, _ =	vpop (xrf0)  }
0x377: {  	(v2sf) =	vpush v38, $0xF;
	_ =	sdelay $0xe  }
0x378: {  	s19 =	spop (v2sf)  }
0x379: {  	s20 =	sadd.s32 $0x1, s19  }
0x37a: {  	p0 =	sgt.u32 s19, $0x7FFFFFFE;
	v63 =	vmov s20  }
.Ltmp2:
0x37b: {  	_ = 	snop;
	(pc) =	sbr.rel @p0 .LBB2_14-.Ltmp2, $4  }
0x37c: {  	[tilespmem:$0x83F0] =	vst v35  }
0x37d: {  	[tilespmem:v36+s10+$0x0] =	vst.idx.msk vm3, v59  }
0x37e: {  	[tilespmem:v36+s11+$0x0] =	vst.idx.msk vm3, v33  }
0x37f: {  	[tilespmem:v63+s11+$0x0] =	vst.idx.msk $0x1, v34  }
0x380: {  	v35 =	vld [tilespmem:$0x8400];
	_ =	sdelay $0x4  }
0x381: {  	v35 =	vnsel vm1, $0x0, v35  }
0x382: {  	(xrf0) =	vadd.scan.msk.s32 $0xffff, v35;
	_ =	sdelay $0x5  }
0x383: {  	v35, _, _ =	vpop (xrf0)  }
0x384: {  	(v2sf) =	vpush v35, $0xF;
	_ =	sdelay $0xe  }
0x385: {  	s1 =	spop (v2sf)  }
0x386: {  	s1 =	sshll.u32 s1, $0x7  }
0x387: {  	s3 =	simm.s32 $0x400;
	s1 =	sand.u32 $0x1FFFFF80, s1  }
0x388: {  	s13 =	simm.s32 $0x8900;
	p0 =	slt.u32 s20, $0x2;
	s1 =	sadd.s32 s0, s1  }
0x389: {  	[tilespmem:s13], [sflag:$0x1] =	stream.strided.gather [hbm4b:s1+s3], $0x2000, s14, s3, $0x38;
	[tilespmem:$0x1E900] =	vst v63  }
0x38a: {  	v35 =	vld @!p0 [tilespmem:$0x8400];
	_ =	sdelay $0x3  }
0x38b: {  	vm3 =	vcmask @!p0 $0x308  }
0x38c: {  	v35 =	vsel @!p0 vm3, $0x0, v35  }
0x38d: {  	(xrf0) =	vadd.scan.msk.s32 @!p0 $0xffff, v35;
	_ =	sdelay $0x5  }
0x38e: {  	v35, _, _ =	vpop @!p0 (xrf0)  }
0x38f: {  	(v2sf) =	vpush @!p0 v35, $0xF;
	_ =	sdelay $0xe  }
0x390: {  	s1 =	spop @!p0 (v2sf)  }
0x391: {  	s15 =	simm.s32 @!p0 $0x7A1400;
	s1 =	sshll.u32 @!p0 s1, $0x7  }
0x392: {  	s16 =	simm.s32 @!p0 $0xA900;
	s1 =	sand.u32 @!p0 $0x1FFFFF80, s1  }
0x393: {  	p1 =	seq.s32 @!p0 s20, $0x2;
	s3 =	simm.s32 @!p0 $0x400;
	s1 =	sadd.s32 @!p0 s0, s1  }
0x394: {  	[tilespmem:s16], [sflag:$0x2] =	stream.strided.gather @!p0 [hbm4b:s1+s3], $0x2000, s15, s3, $0x38;
	[tilespmem:$0x1E900] =	vst v63  }
0x395: {  	p0 =	por p0, p1  }
0x396: {  	v35 =	vld @!p0 [tilespmem:$0x8400];
	_ =	sdelay $0x3  }
0x397: {  	vm3 =	vcmask @!p0 $0x70C  }
0x398: {  	v35 =	vsel @!p0 vm3, $0x0, v35  }
0x399: {  	(xrf0) =	vadd.scan.msk.s32 @!p0 $0xffff, v35;
	_ =	sdelay $0x5  }
0x39a: {  	v35, _, _ =	vpop @!p0 (xrf0)  }
0x39b: {  	(v2sf) =	vpush @!p0 v35, $0xF;
	_ =	sdelay $0xe  }
0x39c: {  	s1 =	spop @!p0 (v2sf)  }
0x39d: {  	s3 =	simm.s32 @!p0 $0x400;
	s1 =	sshll.u32 @!p0 s1, $0x7  }
0x39e: {  	s15 =	simm.s32 @!p0 $0x7A1400;
	s1 =	sand.u32 @!p0 $0x1FFFFF80, s1  }
0x39f: {  	s16 =	simm.s32 @!p0 $0xC900;
	p1 =	slt.u32 @!p0 s20, $0x4;
	s1 =	sadd.s32 @!p0 s0, s1  }
0x3a0: {  	[tilespmem:s16], [sflag:$0x3] =	stream.strided.gather @!p0 [hbm4b:s1+s3], $0x2000, s15, s3, $0x38;
	[tilespmem:$0x1E900] =	vst v63  }
0x3a1: {  	p0 =	por p0, p1  }
0x3a2: {  	v35 =	vld @!p0 [tilespmem:$0x8400];
	_ =	sdelay $0x3  }
0x3a3: {  	vm3 =	vcmask @!p0 $0xB10  }
0x3a4: {  	v35 =	vsel @!p0 vm3, $0x0, v35  }
0x3a5: {  	(xrf0) =	vadd.scan.msk.s32 @!p0 $0xffff, v35;
	_ =	sdelay $0x5  }
0x3a6: {  	v35, _, _ =	vpop @!p0 (xrf0)  }
0x3a7: {  	(v2sf) =	vpush @!p0 v35, $0xF;
	_ =	sdelay $0xe  }
0x3a8: {  	s1 =	spop @!p0 (v2sf)  }
0x3a9: {  	s3 =	simm.s32 @!p0 $0x400;
	s1 =	sshll.u32 @!p0 s1, $0x7  }
0x3aa: {  	s15 =	simm.s32 @!p0 $0x7A1400;
	s1 =	sand.u32 @!p0 $0x1FFFFF80, s1  }
0x3ab: {  	s16 =	simm.s32 @!p0 $0xE900;
	p1 =	seq.s32 @!p0 s20, $0x4;
	s1 =	sadd.s32 @!p0 s0, s1  }
0x3ac: {  	[tilespmem:s16], [sflag:$0x4] =	stream.strided.gather @!p0 [hbm4b:s1+s3], $0x2000, s15, s3, $0x38;
	[tilespmem:$0x1E900] =	vst v63  }
0x3ad: {  	p0 =	por p0, p1  }
0x3ae: {  	v35 =	vld @!p0 [tilespmem:$0x8400];
	_ =	sdelay $0x3  }
0x3af: {  	vm3 =	vcmask @!p0 $0xF14  }
0x3b0: {  	v35 =	vsel @!p0 vm3, $0x0, v35  }
0x3b1: {  	(xrf0) =	vadd.scan.msk.s32 @!p0 $0xffff, v35;
	_ =	sdelay $0x5  }
0x3b2: {  	v35, _, _ =	vpop @!p0 (xrf0)  }
0x3b3: {  	(v2sf) =	vpush @!p0 v35, $0xF;
	_ =	sdelay $0xe  }
0x3b4: {  	s1 =	spop @!p0 (v2sf)  }
0x3b5: {  	s3 =	simm.s32 @!p0 $0x400;
	s1 =	sshll.u32 @!p0 s1, $0x7  }
0x3b6: {  	s15 =	simm.s32 @!p0 $0x7A1400;
	s1 =	sand.u32 @!p0 $0x1FFFFF80, s1  }
0x3b7: {  	s16 =	simm.s32 @!p0 $0x10900;
	p1 =	slt.u32 @!p0 s20, $0x6;
	s1 =	sadd.s32 @!p0 s0, s1  }
0x3b8: {  	[tilespmem:s16], [sflag:$0x5] =	stream.strided.gather @!p0 [hbm4b:s1+s3], $0x2000, s15, s3, $0x38;
	[tilespmem:$0x1E900] =	vst v63  }
0x3b9: {  	p0 =	por p0, p1  }
.Ltmp3:
0x3ba: {  	_ = 	snop;
	(pc) =	sbr.rel @p0 .LBB2_4-.Ltmp3, $1  }
0x3bb: {  	_ =	sdelay $0x3  }
0x3bc: {  	v35 =	vld [tilespmem:$0x8400];
	_ =	sdelay $0x4  }
0x3bd: {  	v35 =	vsel vm2, $0x0, v35  }
0x3be: {  	(xrf0) =	vadd.scan.msk.s32 $0xffff, v35;
	_ =	sdelay $0x5  }
0x3bf: {  	v35, _, _ =	vpop (xrf0)  }
0x3c0: {  	(v2sf) =	vpush v35, $0xF;
	_ =	sdelay $0xe  }
0x3c1: {  	s1 =	spop (v2sf)  }
0x3c2: {  	s1 =	sshll.u32 s1, $0x7  }
0x3c3: {  	s3 =	simm.s32 $0x400;
	s1 =	sand.u32 $0x1FFFFF80, s1  }
0x3c4: {  	s13 =	simm.s32 $0x12900;
	p0 =	seq.s32 s20, $0x6;
	s1 =	sadd.s32 s0, s1  }
0x3c5: {  	[tilespmem:s13], [sflag:$0x6] =	stream.strided.gather [hbm4b:s1+s3], $0x2000, s14, s3, $0x38;
	[tilespmem:$0x1E900] =	vst v63  }
0x3c6: {  	v35 =	vld @!p0 [tilespmem:$0x8400];
	_ =	sdelay $0x3  }
0x3c7: {  	vm3 =	vcmask @!p0 $0x171C  }
0x3c8: {  	v35 =	vsel @!p0 vm3, $0x0, v35  }
0x3c9: {  	(xrf0) =	vadd.scan.msk.s32 @!p0 $0xffff, v35;
	_ =	sdelay $0x5  }
0x3ca: {  	v35, _, _ =	vpop @!p0 (xrf0)  }
0x3cb: {  	(v2sf) =	vpush @!p0 v35, $0xF;
	_ =	sdelay $0xe  }
0x3cc: {  	s1 =	spop @!p0 (v2sf)  }
0x3cd: {  	s15 =	simm.s32 @!p0 $0x7A1400;
	s1 =	sshll.u32 @!p0 s1, $0x7  }
0x3ce: {  	s16 =	simm.s32 @!p0 $0x14900;
	p1 =	slt.u32 @!p0 s20, $0x8;
	s1 =	sand.u32 @!p0 $0x1FFFFF80, s1  }
0x3cf: {  	p2 =	por p1, p0;
	s3 =	simm.s32 @!p0 $0x400;
	s1 =	sadd.s32 @!p0 s0, s1  }
0x3d0: {  	[tilespmem:s16], [sflag:$0x7] =	stream.strided.gather @!p0 [hbm4b:s1+s3], $0x2000, s15, s3, $0x38;
	[tilespmem:$0x1E900] =	vst v63  }
0x3d1: {  	v35 =	vld @!p2 [tilespmem:$0x8400];
	_ =	sdelay $0x3  }
0x3d2: {  	vm3 =	vcmask @!p2 $0x1B20  }
0x3d3: {  	v35 =	vsel @!p2 vm3, $0x0, v35  }
0x3d4: {  	(xrf0) =	vadd.scan.msk.s32 @!p2 $0xffff, v35;
	_ =	sdelay $0x5  }
0x3d5: {  	v35, _, _ =	vpop @!p2 (xrf0)  }
0x3d6: {  	(v2sf) =	vpush @!p2 v35, $0xF;
	_ =	sdelay $0xe  }
0x3d7: {  	s1 =	spop @!p2 (v2sf)  }
0x3d8: {  	s1 =	sshll.u32 @!p2 s1, $0x7  }
0x3d9: {  	s3 =	simm.s32 @!p2 $0x400;
	s1 =	sand.u32 @!p2 $0x1FFFFF80, s1  }
0x3da: {  	s15 =	simm.s32 @!p2 $0x7A1400;
	s16 =	simm.s32 @!p2 $0x16900;
	s1 =	sadd.s32 @!p2 s0, s1  }
0x3db: {  	[tilespmem:s16], [sflag:$0x8] =	stream.strided.gather @!p2 [hbm4b:s1+s3], $0x2000, s15, s3, $0x38;
	[tilespmem:$0x1E900] =	vst v63  }
0x3dc: {  	p2 =	seq.s32 @!p2 s20, $0x8  }
0x3dd: {  	p1 =	por @!p0 p2, p1  }
0x3de: {  	p0 =	por p1, p0  }
0x3df: {  	v35 =	vld @!p0 [tilespmem:$0x8400];
	_ =	sdelay $0x3  }
0x3e0: {  	vm3 =	vcmask @!p0 $0x1F24  }
0x3e1: {  	v35 =	vsel @!p0 vm3, $0x0, v35  }
0x3e2: {  	(xrf0) =	vadd.scan.msk.s32 @!p0 $0xffff, v35;
	_ =	sdelay $0x5  }
0x3e3: {  	v35, _, _ =	vpop @!p0 (xrf0)  }
0x3e4: {  	(v2sf) =	vpush @!p0 v35, $0xF;
	_ =	sdelay $0xe  }
0x3e5: {  	s1 =	spop @!p0 (v2sf)  }
0x3e6: {  	s1 =	sshll.u32 @!p0 s1, $0x7  }
0x3e7: {  	s3 =	simm.s32 @!p0 $0x400;
	s1 =	sand.u32 @!p0 $0x1FFFFF80, s1  }
0x3e8: {  	s15 =	simm.s32 @!p0 $0x7A1400;
	s16 =	simm.s32 @!p0 $0x18900;
	s1 =	sadd.s32 @!p0 s0, s1  }
0x3e9: {  	[tilespmem:s16], [sflag:$0x9] =	stream.strided.gather @!p0 [hbm4b:s1+s3], $0x2000, s15, s3, $0x38;
	[tilespmem:$0x1E900] =	vst v63  }
.LBB2_4:
.Ltmp4:
0x3ea: {  	(pc) =	sbr.rel .LBB2_6-.Ltmp4, $2  }
0x3eb: {  	_ =	sdelay $0x2  }
0x3ec: {  	s22 =	simm.s32 $0x0  }
.LBB2_8:
0x3ed: {  	_ = 	snop  }
.LBB2_13:
0x3ee: {  	_ =	sdelay $0x3  }
0x3ef: {  	[tilespmem:v39+s17+$0x0] =	vst.idx.msk @p0 $0xffff, v40;
	p0 =	por p2, !p0  }
0x3f0: {  	[hbm4b:s16+s15] =	stream.strided.scatter @!p0 [tilespmem:s1], [sflag:$0xB], $0x2000, s3, s15, $0x38;
	[tilespmem:$0x1E900] =	vst v63  }
0x3f1: {  	p1 =	por !p3, !p4;
	_ =	swait.ge @!p0 [sflag:s31], $0x2000  }
0x3f2: {  	p1 =	por !p1, !p1;
	s1 =	rddreg [dreg:$0x4]  }
0x3f3: {  	s28 =	sshrl.u32 s30, $0x4;
	s1 =	simm.s32 @!p1 $0x0  }
0x3f4: {  	s1 =	ssub.s32 s28, s1  }
0x3f5: {  	[sflag:s31] =	ssyncset.done @!p0 $0x0;
	s1 =	sshll.u32 s1, $0x6  }
0x3f6: {  	[sflag:s31] =	ssyncadd.s32 @!p0 $0xFFFFE000;
	s1 =	sshra.s32 s1, $0x2  }
0x3f7: {  	v35 =	vld [tilespmem:s1+$0x8200];
	_ =	sdelay $0x2  }
0x3f8: {  	v36 =	vmov s29  }
0x3f9: {  	vm3 =	veq.s32 v36, v1  }
0x3fa: {  	v35 =	vnsel vm3, $0x0, v35  }
0x3fb: {  	(xrf0) =	vadd.scan.msk.s32 $0xffff, v35;
	_ =	sdelay $0x5  }
0x3fc: {  	v35, _, _ =	vpop (xrf0)  }
0x3fd: {  	(v2sf) =	vpush v35, $0xF;
	_ =	sdelay $0xe  }
0x3fe: {  	v56 =	vmul.u32 $0x80, v1;
	s30 =	spop (v2sf)  }
0x3ff: {  	s1 =	sand.u32 $0x7F, s30  }
0x400: {  	v57 =	vor.u32 s1, v56;
	_ =	sdelay $0x3  }
0x401: {  	s31 =	sand.u32 $0x7F, s26  }
0x402: {  	v38 =	vor.u32 $0x800, v56;
	v37 =	vor.u32 s31, v56;
	v36 =	vld.idx.msk [tilespmem:v57+s23+$0x0], $0xffff  }
0x403: {  	v58 =	vor.u32 s1, v38;
	_ =	sdelay $0x3  }
0x404: {  	[tilespmem:v37+s17+$0x0] =	vst.idx.msk $0xffff, v36  }
0x405: {  	v60 =	vor.u32 $0x1000, v56;
	v59 =	vor.u32 s31, v38;
	v36 =	vld.idx.msk [tilespmem:v58+s23+$0x0], $0xffff  }
0x406: {  	v61 =	vor.u32 s1, v60;
	_ =	sdelay $0x3  }
0x407: {  	[tilespmem:v59+s17+$0x0] =	vst.idx.msk $0xffff, v36  }
0x408: {  	v62 =	vor.u32 s31, v60;
	v35 =	vor.u32 $0x1800, v56;
	v36 =	vld.idx.msk [tilespmem:v61+s23+$0x0], $0xffff  }
0x409: {  	v63 =	vor.u32 s1, v35  }
0x40a: {  	p0 =	sne.s32 s31, $0x7F  }
0x40b: {  	s1 =	sshra.s32 @!p0 s26, $0x1F  }
0x40c: {  	p1 =	slt.s32 @!p0 s26, $0x1;
	s1 =	sshrl.u32 @!p0 s1, $0x19  }
0x40d: {  	s13 =	simm.s32 @!p0 $0x1;
	p1 =	por !p1, p0;
	s1 =	sadd.s32 @!p0 s1, s26;
	[tilespmem:v62+s17+$0x0] =	vst.idx.msk $0xffff, v36  }
0x40e: {  	s13 =	simm.s32 @p1 $0x0;
	v35 =	vor.u32 s31, v35;
	s1 =	sshrl.u32 @!p0 s1, $0x7;
	v36 =	vld.idx.msk [tilespmem:v63+s23+$0x0], $0xffff  }
0x40f: {  	s1 =	ssub.s32 @!p0 s1, s13  }
0x410: {  	s1 =	sshll.u32 @!p0 s1, $0x7  }
0x411: {  	s1 =	sadd.s32 @!p0 s5, s1  }
0x412: {  	s3 =	simm.s32 @!p0 $0x1C900;
	s15 =	simm.s32 @!p0 $0xB;
	s1 =	sand.u32 @!p0 $0x1FFFFF80, s1  }
0x413: {  	s16 =	simm.s32 @!p0 $0x400;
	s13 =	simm.s32 @!p0 $0x20000;
	s1 =	sadd.s32 @!p0 s2, s1;
	[tilespmem:v35+s17+$0x0] =	vst.idx.msk $0xffff, v36  }
0x414: {  	[hbm4b:s1+s16] =	stream.strided.scatter @!p0 [tilespmem:s3], [sflag:$0xB], $0x2000, s13, s16, $0x38;
	[tilespmem:$0x1E900] =	vst v63  }
0x415: {  	_ =	swait.ge @!p0 [sflag:s15], $0x2000  }
0x416: {  	[sflag:s15] =	ssyncset.done @!p0 $0x0  }
0x417: {  	[sflag:s15] =	ssyncadd.s32 @!p0 $0xFFFFE000  }
.LBB2_5:
0x418: {  	p0 =	seq.s32 s21, s19  }
.Ltmp5:
0x419: {  	_ = 	snop;
	(pc) =	sbr.rel @p0 .LBB2_14-.Ltmp5, $1  }
0x41a: {  	_ =	sdelay $0x3  }
.LBB2_6:
0x41b: {  	s1 =	sadd.s32 $0x9, s22  }
0x41c: {  	p0 =	sge.s32 s1, s20  }
0x41d: {  	s3 =	sshra.s32 @!p0 s1, $0x1F  }
0x41e: {  	s15 =	sshrl.u32 @!p0 s3, $0x1C  }
0x41f: {  	s15 =	sadd.s32 @!p0 s15, s1  }
0x420: {  	s16 =	sand.u32 @!p0 $0xFFFFFFF0, s15  }
0x421: {  	p1 =	slt.s32 @!p0 s1, $0x1;
	p2 =	sne.s32 @!p0 s1, s16  }
0x422: {  	p1 =	por @!p0 !p1, !p2  }
0x423: {  	p1 =	por @!p0 !p1, !p1  }
0x424: {  	s21 =	smov.u32 s22;
	s22 =	simm.s32 @!p0 $0x1;
	p1 =	por !p1, p0  }
0x425: {  	s15 =	sshrl.u32 @!p0 s15, $0x4;
	s22 =	simm.s32 @p1 $0x0  }
0x426: {  	s15 =	ssub.s32 @!p0 s15, s22  }
0x427: {  	s15 =	sshll.u32 @!p0 s15, $0x6  }
0x428: {  	s15 =	sshra.s32 @!p0 s15, $0x2  }
0x429: {  	v35 =	vld @!p0 [tilespmem:s15+$0x8400];
	_ =	sdelay $0x1  }
0x42a: {  	s15 =	ssub.s32 @!p0 s1, s16  }
0x42b: {  	v37 =	vlaneseq.u32 @!p0;
	v36 =	vmov @!p0 s15  }
0x42c: {  	vm3 =	veq.s32 @!p0 v36, v37  }
0x42d: {  	v35 =	vnsel @!p0 vm3, $0x0, v35  }
0x42e: {  	(xrf0) =	vadd.scan.msk.s32 @!p0 $0xffff, v35;
	_ =	sdelay $0x5  }
0x42f: {  	v35, _, _ =	vpop @!p0 (xrf0)  }
0x430: {  	(v2sf) =	vpush @!p0 v35, $0xF;
	_ =	sdelay $0x5  }
0x431: {  	s3 =	smul.u32 @!p0 $0x66666667, s3  }
0x432: {  	s15 =	smulhi.u32 @!p0 $0x66666667, s1;
	_ =	sdelay $0x1  }
0x433: {  	s3 =	sadd.s32 @!p0 s3, s15  }
0x434: {  	s15 =	sshrl.u32 @!p0 s3, $0x1F;
	s3 =	sshra.s32 @!p0 s3, $0x2  }
0x435: {  	s13 =	smulhi.u32 $0xCCCCCCCD, s21;
	s3 =	sadd.s32 @!p0 s15, s3  }
0x436: {  	s3 =	smul.u32 @!p0 $0xA, s3  }
0x437: {  	s22 =	sshrl.u32 s13, $0x3  }
0x438: {  	s15 =	smul.u32 $0xA, s22;
	s3 =	ssub.s32 @!p0 s1, s3  }
0x439: {  	s16 =	sshll.u32 @!p0 s3, $0xF;
	s22 =	spop @!p0 (v2sf)  }
0x43a: {  	s1 =	ssub.s32 s21, s15;
	s15 =	sshra.s32 @!p0 s16, $0x2;
	s16 =	sshll.u32 @!p0 s22, $0x7  }
0x43b: {  	s23 =	simm.s32 @!p0 $0x7A1400;
	s3 =	sadd.s32 @!p0 $0x1, s3;
	s16 =	sand.u32 @!p0 $0x1FFFFF80, s16  }
0x43c: {  	s15 =	sadd.s32 @!p0 $0x8900, s15;
	s22 =	simm.s32 @!p0 $0x400;
	s16 =	sadd.s32 @!p0 s0, s16  }
0x43d: {  	[tilespmem:s15], [sflag:s3] =	stream.strided.gather @!p0 [hbm4b:s16+s22], $0x2000, s23, s22, $0x38;
	[tilespmem:$0x1E900] =	vst v63  }
0x43e: {  	s23 =	sadd.s32 $0x1, s1  }
0x43f: {  	s24 =	sshll.u32 s21, $0x2;
	s22 =	sadd.s32 $0x1, s21;
	_ =	swait.ge [sflag:s23], $0x2000  }
0x440: {  	s15 =	sshra.s32 s24, $0x2;
	s25 =	sshll.u32 s22, $0x2;
	[sflag:s23] =	ssyncset.done $0x0  }
0x441: {  	s26 =	sand.u32 $0xFFFFFFF0, s15;
	s28 =	sshra.s32 s25, $0x2;
	[sflag:s23] =	ssyncadd.s32 $0xFFFFE000  }
0x442: {  	s29 =	sand.u32 $0xFFFFFFF0, s28;
	v57 =	vld [tilespmem:s26+$0x8680]  }
0x443: {  	v58 =	vld [tilespmem:s29+$0x8680]  }
0x444: {  	s30 =	sand.u32 $0xF, s21  }
0x445: {  	v59 =	vmov s30;
	s31 =	sand.u32 $0xF, s22  }
0x446: {  	vm3 =	veq.s32 v59, v1;
	v60 =	vmov s31  }
0x447: {  	v35 =	vnsel vm3, $0x0, v57;
	vm3 =	veq.s32 v60, v1  }
0x448: {  	(xrf0) =	vadd.scan.msk.s32 $0xffff, v35;
	v61 =	vnsel vm3, $0x0, v58  }
0x449: {  	(xrf0) =	vadd.scan.msk.s32 $0xffff, v61;
	_ =	sdelay $0x4  }
0x44a: {  	v62, _, _ =	vpop (xrf0)  }
0x44b: {  	(v2sf) =	vpush v62, $0xF;
	v63, _, _ =	vpop (xrf0)  }
0x44c: {  	(v2sf) =	vpush v63, $0xF;
	_ =	sdelay $0xd  }
0x44d: {  	s26 =	spop (v2sf)  }
0x44e: {  	s24 =	spop (v2sf)  }
0x44f: {  	p0 =	sge.s32 s26, s24  }
.Ltmp6:
0x450: {  	_ = 	snop;
	(pc) =	sbr.rel @p0 .LBB2_5-.Ltmp6, $1  }
0x451: {  	_ =	sdelay $0x3  }
0x452: {  	s25 =	sadd.s32 $0x1, s26  }
0x453: {  	p1 =	seq.s32 s24, s25  }
.Ltmp7:
0x454: {  	s3 =	sshra.s32 s26, $0x1F;
	(pc) =	sbr.rel @p1 .LBB2_8-.Ltmp7, $4  }
0x455: {  	s3 =	sshrl.u32 s3, $0x1C  }
0x456: {  	s1 =	sshll.u32 s1, $0xD;
	p3 =	slt.s32 s26, $0x1;
	s30 =	sadd.s32 s3, s26  }
0x457: {  	p0 =	por $0x0, $0x0;
	s1 =	sand.u32 $0x3FFFE000, s1;
	s31 =	sand.u32 $0xFFFFFFF0, s30  }
0x458: {  	s23 =	sadd.s32 $0x8900, s1;
	s29 =	ssub.s32 s26, s31;
	p4 =	sne.s32 s26, s31  }
0x459: {  	p0 =	por !p3, !p4  }
0x45a: {  	s1 =	rddreg [dreg:$0x4];
	p0 =	por !p0, !p0  }
0x45b: {  	s3 =	sshrl.u32 s30, $0x4;
	s1 =	simm.s32 @!p0 $0x0  }
0x45c: {  	s1 =	ssub.s32 s3, s1  }
0x45d: {  	s1 =	sshll.u32 s1, $0x6  }
0x45e: {  	s1 =	sshra.s32 s1, $0x2  }
0x45f: {  	v35 =	vld [tilespmem:s1+$0x8200];
	_ =	sdelay $0x2  }
0x460: {  	v36 =	vmov s29  }
0x461: {  	vm3 =	veq.s32 v36, v1  }
0x462: {  	v35 =	vnsel vm3, $0x0, v35  }
0x463: {  	(xrf0) =	vadd.scan.msk.s32 $0xffff, v35;
	_ =	sdelay $0x5  }
0x464: {  	v35, _, _ =	vpop (xrf0)  }
0x465: {  	(v2sf) =	vpush v35, $0xF;
	_ =	sdelay $0xe  }
0x466: {  	v35 =	vmul.u32 $0x80, v1;
	s15 =	spop (v2sf)  }
0x467: {  	s1 =	sand.u32 $0x7F, s15  }
0x468: {  	v61 =	vor.u32 s1, v35;
	_ =	sdelay $0x3  }
0x469: {  	s28 =	sand.u32 $0x7F, s26  }
0x46a: {  	v38 =	vor.u32 s28, v35;
	v36 =	vor.u32 $0x800, v35;
	v37 =	vld.idx.msk [tilespmem:v61+s23+$0x0], $0xffff  }
0x46b: {  	v39 =	vor.u32 s1, v36;
	_ =	sdelay $0x3  }
0x46c: {  	[tilespmem:v38+s17+$0x0] =	vst.idx.msk $0xffff, v37  }
0x46d: {  	v62 =	vor.u32 s28, v36;
	v37 =	vor.u32 $0x1000, v35;
	v38 =	vld.idx.msk [tilespmem:v39+s23+$0x0], $0xffff  }
0x46e: {  	v40 =	vor.u32 s1, v37;
	_ =	sdelay $0x1  }
0x46f: {  	s16 =	sshra.s32 s25, $0x1F;
	p2 =	sne.s32 s28, $0x7F  }
0x470: {  	p3 =	slt.s32 s25, $0x1;
	p0 =	slt.s32 @!p2 s26, $0x1;
	s3 =	sshra.s32 @!p2 s26, $0x1F  }
0x471: {  	s13 =	sshrl.u32 s16, $0x1C;
	p0 =	por !p0, p2;
	s3 =	sshrl.u32 @!p2 s3, $0x19;
	[tilespmem:v62+s17+$0x0] =	vst.idx.msk $0xffff, v38  }
0x472: {  	s3 =	sadd.s32 @!p2 s3, s26;
	s26 =	sadd.s32 $0x1, s25;
	s15 =	simm.s32 @!p2 $0x1;
	v63 =	vor.u32 s28, v37;
	v38 =	vor.u32 $0x1800, v35;
	v39 =	vld.idx.msk [tilespmem:v40+s23+$0x0], $0xffff  }
0x473: {  	s3 =	sshrl.u32 @!p2 s3, $0x7;
	p1 =	seq.s32 s24, s26;
	s15 =	simm.s32 @p0 $0x0;
	v41 =	vor.u32 s1, v38  }
.Ltmp8:
0x474: {  	s30 =	sadd.s32 s13, s25;
	s3 =	ssub.s32 @!p2 s3, s15;
	(pc) =	sbr.rel @p1 .LBB2_10-.Ltmp8, $4  }
0x475: {  	s31 =	simm.s32 @!p2 $0xB;
	s13 =	sand.u32 $0xFFFFFFF0, s30;
	s3 =	sshll.u32 @!p2 s3, $0x7  }
0x476: {  	s29 =	ssub.s32 s25, s13;
	p4 =	sne.s32 s25, s13;
	s3 =	sadd.s32 @!p2 s5, s3  }
0x477: {  	p0 =	por $0x1, $0x1;
	s15 =	simm.s32 @!p2 $0x400;
	s16 =	sand.u32 @!p2 $0x1FFFFF80, s3;
	[tilespmem:v63+s17+$0x0] =	vst.idx.msk $0xffff, v39  }
0x478: {  	s3 =	simm.s32 @!p2 $0x20000;
	s16 =	sadd.s32 @!p2 s2, s16;
	s1 =	simm.s32 @!p2 $0x1C900;
	v39 =	vor.u32 s28, v38;
	v40 =	vld.idx.msk [tilespmem:v41+s23+$0x0], $0xffff  }
.LBB2_11:
0x479: {  	_ =	sdelay $0x3  }
0x47a: {  	[tilespmem:v39+s17+$0x0] =	vst.idx.msk $0xffff, v40  }
0x47b: {  	[hbm4b:s16+s15] =	stream.strided.scatter @!p2 [tilespmem:s1], [sflag:$0xB], $0x2000, s3, s15, $0x38;
	[tilespmem:$0x1E900] =	vst v63  }
0x47c: {  	_ =	swait.ge @!p2 [sflag:s31], $0x2000  }
0x47d: {  	p3 =	por !p3, !p4;
	[sflag:s31] =	ssyncset.done @!p2 $0x0  }
0x47e: {  	s1 =	rddreg [dreg:$0x4];
	[sflag:s31] =	ssyncadd.s32 @!p2 $0xFFFFE000;
	p2 =	por !p3, !p3  }
0x47f: {  	s13 =	sshrl.u32 s30, $0x4;
	s1 =	simm.s32 @!p2 $0x0  }
0x480: {  	s1 =	ssub.s32 s13, s1  }
0x481: {  	s1 =	sshll.u32 s1, $0x6  }
0x482: {  	s1 =	sshra.s32 s1, $0x2  }
0x483: {  	v57 =	vld [tilespmem:s1+$0x8200];
	_ =	sdelay $0x2  }
0x484: {  	v58 =	vmov s29  }
0x485: {  	vm3 =	veq.s32 v58, v1  }
0x486: {  	v39 =	vnsel vm3, $0x0, v57  }
0x487: {  	(xrf0) =	vadd.scan.msk.s32 $0xffff, v39;
	_ =	sdelay $0x5  }
0x488: {  	v39, _, _ =	vpop (xrf0)  }
0x489: {  	(v2sf) =	vpush v39, $0xF;
	_ =	sdelay $0xe  }
0x48a: {  	s15 =	spop (v2sf)  }
0x48b: {  	s1 =	sand.u32 $0x7F, s15  }
0x48c: {  	v59 =	vor.u32 s1, v35;
	_ =	sdelay $0x3  }
0x48d: {  	s16 =	sand.u32 $0x7F, s25  }
0x48e: {  	v60 =	vor.u32 s16, v35;
	v39 =	vld.idx.msk [tilespmem:v59+s23+$0x0], $0xffff  }
0x48f: {  	v41 =	vor.u32 s1, v36;
	_ =	sdelay $0x3  }
0x490: {  	[tilespmem:v60+s17+$0x0] =	vst.idx.msk $0xffff, v39  }
0x491: {  	v61 =	vor.u32 s16, v36;
	v39 =	vld.idx.msk [tilespmem:v41+s23+$0x0], $0xffff  }
0x492: {  	v62 =	vor.u32 s1, v37;
	_ =	sdelay $0x1  }
0x493: {  	s28 =	smov.u32 s26;
	s26 =	sadd.s32 $0x1, s26;
	p2 =	sne.s32 s16, $0x7F  }
0x494: {  	p1 =	seq.s32 s24, s26;
	p3 =	slt.s32 @!p2 s25, $0x1;
	s13 =	sshra.s32 @!p2 s25, $0x1F  }
0x495: {  	s3 =	simm.s32 @!p2 $0x20000;
	s31 =	simm.s32 @!p2 $0xB;
	s13 =	sshrl.u32 @!p2 s13, $0x19;
	[tilespmem:v61+s17+$0x0] =	vst.idx.msk $0xffff, v39  }
0x496: {  	v63 =	vor.u32 s16, v37;
	p3 =	por !p3, p2;
	s13 =	sadd.s32 @!p2 s13, s25;
	s15 =	simm.s32 @!p2 $0x1;
	v40 =	vld.idx.msk [tilespmem:v62+s23+$0x0], $0xffff  }
0x497: {  	s25 =	smov.u32 s28;
	s13 =	sshrl.u32 @!p2 s13, $0x7;
	s15 =	simm.s32 @p3 $0x0;
	v42 =	vor.u32 s1, v38  }
.Ltmp9:
0x498: {  	s13 =	ssub.s32 @!p2 s13, s15;
	v39 =	vor.u32 s16, v38;
	s16 =	sshra.s32 s25, $0x1F;
	(pc) =	sbr.rel @!p1 .LBB2_11-.Ltmp9, $4  }
0x499: {  	s1 =	simm.s32 @!p2 $0x1C900;
	s13 =	sshll.u32 @!p2 s13, $0x7;
	s28 =	sshrl.u32 s16, $0x1C  }
0x49a: {  	p3 =	slt.s32 s25, $0x1;
	s13 =	sadd.s32 @!p2 s5, s13;
	s30 =	sadd.s32 s28, s25  }
0x49b: {  	s15 =	simm.s32 @!p2 $0x400;
	s13 =	sand.u32 @!p2 $0x1FFFFF80, s13;
	s28 =	sand.u32 $0xFFFFFFF0, s30;
	[tilespmem:v63+s17+$0x0] =	vst.idx.msk $0xffff, v40  }
0x49c: {  	s16 =	sadd.s32 @!p2 s2, s13;
	s29 =	ssub.s32 s25, s28;
	p4 =	sne.s32 s25, s28;
	v40 =	vld.idx.msk [tilespmem:v42+s23+$0x0], $0xffff  }
.Ltmp10:
0x49d: {  	(pc) =	sbr.rel .LBB2_13-.Ltmp10, $2  }
0x49e: {  	_ =	sdelay $0x2  }
0x49f: {  	s26 =	smov.u32 s25  }
.LBB2_10:
.Ltmp11:
0x4a0: {  	(pc) =	sbr.rel .LBB2_13-.Ltmp11, $2  }
0x4a1: {  	_ =	sdelay $0x2  }
0x4a2: {  	s26 =	smov.u32 s25  }
.LBB2_15:
0x4a3: {  	_ =	sfence.sel $0x180000  }
0x4a4: {  	[bflag:$0x0] =	sbarrier.arrive $0xFFFF  }
0x4a5: {  	_ =	strace $0x90000047  }
0x4a6: {  	s0 =	stileid.u32;
	[bflag:$0x2] =	sbarrier.arrive $0xFFFF  }
0x4a7: {  	p0 =	sne.s32 s0, $0x0;
	s0 =	rddreg [dreg:$0x3]  }
0x4a8: {  	s0 =	sadd.s32 @!p0 $0x100000, s0  }
0x4a9: {  	[sflag:s0] =	ssyncadd.tile.s32 @!p0 $0x1;
	_ =	shalt  }
.Lfunc_end2:
_tile_overlayer_lowered:
.L_overlay_start_2:
0x4aa: {  	(tag) =	ssettag $0x2  }
0x4ab: {  	s0 =	rddreg [dreg:$0x0];
	s2 =	stileid.u32  }
0x4ac: {  	s1 =	rddreg [dreg:$0x1];
	p0 =	sne.s32 s2, $0x0  }
0x4ad: {  	s3 =	rddreg [dreg:$0x2];
	[bflag:$0x3] =	sbarrier.arrive $0xFFFF;
	s2 =	simm.s32 @!p0 $0x1C0B  }
0x4ae: {  	[timem:s3], [sflag:s2] =	dma.local @!p0 [hbm:s0], s1  }
0x4af: {  	s0 =	simm.s32 @!p0 $0xB  }
0x4b0: {  	_ =	swait.ge @!p0 [sflag:s0], s1  }
0x4b1: {  	s1 =	ssub.s32 @!p0 $0x0, s1;
	[sflag:s0] =	ssyncset.done @!p0 $0x0  }
0x4b2: {  	[sflag:s0] =	ssyncadd.s32 @!p0 s1  }
0x4b3: {  	[bflag:$0x3] =	sbarrier.arrive $0xFFFF  }
0x4b4: {  	_ =	shalt  }

// kernel: kernel.7.cloned.1.call-start
scs
__scs_entry_jumppad:
0x0: {  	(pc) =	sbr.rel $0x88, $3  }
0x1: {  	(tag) =	ssettag $0x0;
	lr =	simm.s32 $0x1  }
0x2: {  	[smem:$0x3F9F] =	sst lr;
	_ =	strace $0xD0000000  }
0x3: {  	_ = 	snop  }
0x4: {  	_ = 	snop  }
0x5: {  	_ = 	snop  }
0x6: {  	_ = 	snop  }
0x7: {  	_ = 	snop  }
__scs_overlays_trampoline_lowered:
0x8: {  	[smem:$0x3FAE] =	sst s0  }
0x9: {  	[smem:$0x3FAF] =	sst s1  }
0xa: {  	[smem:$0x3FB0] =	sst s2  }
0xb: {  	[smem:$0x3FB1] =	sst s3  }
0xc: {  	[smem:$0x3FB2] =	sst s4  }
0xd: {  	[smem:$0x3FB3] =	sst s5  }
0xe: {  	[smem:$0x3FB4] =	sst s6  }
0xf: {  	[smem:$0x3FB5] =	sst s7  }
0x10: {  	[smem:$0x3FB6] =	sst s8  }
0x11: {  	[smem:$0x3FB7] =	sst s9;
	s0 =	simm.s32 @!p0 $0x0  }
0x12: {  	s1 =	sld [smem:$0x3F9D];
	s0 =	simm.s32 @p0 $0x1  }
0x13: {  	[smem:$0x3FB8] =	sst s0;
	s0 =	simm.s32 @!p1 $0x0  }
0x14: {  	s2 =	sld [smem:$0x3F9C];
	s0 =	simm.s32 @p1 $0x1  }
0x15: {  	[smem:$0x3FB9] =	sst s0;
	s0 =	simm.s32 @!p2 $0x0  }
0x16: {  	s3 =	sld [smem:$0x3FDB];
	s0 =	simm.s32 @p2 $0x1  }
0x17: {  	s4 =	simm.s32 $0x1BF5;
	[smem:$0x3FBB] =	sst s0  }
0x18: {  	s0 =	sld [smem:$0x3F9E];
	_ =	swait.ge [sflag:s4], $0x0  }
0x19: {  	s7 =	sld [smem:$0x3F9F]  }
0x1a: {  	s8 =	sadd.s32 $0xFFFFE003, lr  }
0x1b: {  	s9 =	sadd.s32 $0xFFFFFEF7, lr;
	s5 =	simm.s32 $0xFFFFFFFF;
	p2 =	slt.u32 s8, $0xFFFFF086  }
0x1c: {  	p1 =	slt.u32 s9, $0xF7A;
	s5 =	simm.s32 @!p2 $0x0  }
0x1d: {  	s5 =	simm.s32 @p1 $0x1;
	p0 =	seq.s32 s7, s2  }
0x1e: {  	s7 =	smul.u32 @!p0 $0xF7A, s2;
	p2 =	seq.s32 @!p0 s5, $0x0  }
0x1f: {  	s9 =	smul.u32 $0xF7A, s1;
	s8 =	simm.s32 @!p0 $0x1BF5;
	p2 =	por !p2, p0  }
0x20: {  	[sflag:s8] =	ssyncset.s32 @!p0 $0xFFFFF086;
	s6 =	sadd.s32 @!p0 s3, s7;
	s7 =	simm.s32 @!p0 $0x108  }
0x21: {  	s3 =	sadd.s32 s3, s9;
	s6 =	sadd.s32 @!p0 $0x88, s6;
	s7 =	simm.s32 @p2 $0x1082  }
0x22: {  	[simem:s7], [sflag:s8] =	dma.local @!p0 [hbm:s6], $0xF7A  }
0x23: {  	s9 =	sor.u32 $0xD0000000, s2;
	s6 =	simm.s32 $0x108;
	_ =	swait.ge @!p0 [sflag:s8], $0x0  }
0x24: {  	s3 =	sadd.s32 $0x88, s3;
	s6 =	simm.s32 @!p1 $0x1082;
	[sflag:s4] =	ssyncset.s32 $0xFFFFF086  }
0x25: {  	[simem:s6], [sflag:s4] =	dma.local [hbm:s3], $0xF7A  }
0x26: {  	[smem:$0x3F9F] =	sst s1;
	(tag) =	ssettag s2;
	_ =	strace s9  }
0x27: {  	s1 =	sld [smem:$0x3FAF]  }
0x28: {  	s2 =	sld [smem:$0x3FB0]  }
0x29: {  	s4 =	sld [smem:$0x3FB2]  }
0x2a: {  	p0 =	seq.s32 s5, $0x0;
	s5 =	sld [smem:$0x3FB3]  }
0x2b: {  	s6 =	sld [smem:$0x3FB4]  }
0x2c: {  	s7 =	sld [smem:$0x3FB5]  }
0x2d: {  	s3 =	simm.s32 $0x108;
	s8 =	sld [smem:$0x3FB6]  }
0x2e: {  	s3 =	simm.s32 @!p0 $0x1082;
	s9 =	sld [smem:$0x3FB7]  }
0x2f: {  	lr =	sadd.s32 s0, s3;
	s0 =	sld [smem:$0x3FAE]  }
0x30: {  	s3 =	sld [smem:$0x3FB1]  }
0x31: {  	[smem:$0x3FBA] =	sst s10  }
0x32: {  	s10 =	sld [smem:$0x3FB8];
	_ =	sdelay $0x3  }
0x33: {  	p0 =	seq.s32 s10, $0x1;
	s10 =	sld [smem:$0x3FBA];
	_ =	sdelay $0x3  }
0x34: {  	[smem:$0x3FBA] =	sst s10  }
0x35: {  	s10 =	sld [smem:$0x3FB9];
	_ =	sdelay $0x3  }
0x36: {  	p1 =	seq.s32 s10, $0x1;
	s10 =	sld [smem:$0x3FBA];
	_ =	sdelay $0x3  }
0x37: {  	[smem:$0x3FBA] =	sst s10  }
0x38: {  	s10 =	sld [smem:$0x3FBB]  }
0x39: {  	_ = 	snop;
	(pc) =	sbr.ind lr, $3  }
0x3a: {  	_ = 	snop  }
0x3b: {  	_ = 	snop  }
0x3c: {  	p2 =	seq.s32 s10, $0x1;
	s10 =	sld [smem:$0x3FBA]  }
0x3d: {  	_ =	shalt  }
0x3e: {  	_ =	shalt  }
0x3f: {  	_ =	shalt  }
0x40: {  	_ =	shalt  }
0x41: {  	_ =	shalt  }
0x42: {  	_ =	shalt  }
0x43: {  	_ =	shalt  }
0x44: {  	_ =	shalt  }
0x45: {  	_ =	shalt  }
0x46: {  	_ =	shalt  }
0x47: {  	_ =	shalt  }
0x48: {  	_ =	shalt  }
0x49: {  	_ =	shalt  }
0x4a: {  	_ =	shalt  }
0x4b: {  	_ =	shalt  }
0x4c: {  	_ =	shalt  }
0x4d: {  	_ =	shalt  }
0x4e: {  	_ =	shalt  }
0x4f: {  	_ =	shalt  }
0x50: {  	_ =	shalt  }
0x51: {  	_ =	shalt  }
0x52: {  	_ =	shalt  }
0x53: {  	_ =	shalt  }
0x54: {  	_ =	shalt  }
0x55: {  	_ =	shalt  }
0x56: {  	_ =	shalt  }
0x57: {  	_ =	shalt  }
0x58: {  	_ =	shalt  }
0x59: {  	_ =	shalt  }
0x5a: {  	_ =	shalt  }
0x5b: {  	_ =	shalt  }
0x5c: {  	_ =	shalt  }
0x5d: {  	_ =	shalt  }
0x5e: {  	_ =	shalt  }
0x5f: {  	_ =	shalt  }
0x60: {  	_ =	shalt  }
0x61: {  	_ =	shalt  }
0x62: {  	_ =	shalt  }
0x63: {  	_ =	shalt  }
0x64: {  	_ =	shalt  }
0x65: {  	_ =	shalt  }
0x66: {  	_ =	shalt  }
0x67: {  	_ =	shalt  }
0x68: {  	_ =	shalt  }
0x69: {  	_ =	shalt  }
0x6a: {  	_ =	shalt  }
0x6b: {  	_ =	shalt  }
0x6c: {  	_ =	shalt  }
0x6d: {  	_ =	shalt  }
0x6e: {  	_ =	shalt  }
0x6f: {  	_ =	shalt  }
0x70: {  	_ =	shalt  }
0x71: {  	_ =	shalt  }
0x72: {  	_ =	shalt  }
0x73: {  	_ =	shalt  }
0x74: {  	_ =	shalt  }
0x75: {  	_ =	shalt  }
0x76: {  	_ =	shalt  }
0x77: {  	_ =	shalt  }
0x78: {  	_ =	shalt  }
0x79: {  	_ =	shalt  }
0x7a: {  	_ =	shalt  }
0x7b: {  	_ =	shalt  }
0x7c: {  	_ =	shalt  }
0x7d: {  	_ =	shalt  }
0x7e: {  	_ =	shalt  }
0x7f: {  	_ =	shalt  }
0x80: {  	_ =	shalt  }
0x81: {  	_ =	shalt  }
0x82: {  	_ =	shalt  }
0x83: {  	_ =	shalt  }
0x84: {  	_ =	shalt  }
0x85: {  	_ =	shalt  }
0x86: {  	_ =	shalt  }
0x87: {  	_ =	shalt  }
.Lfunc_end0:
.L_simem_size_0:
called_computation.1_lowered:
.L_overlay_start_0:
0x88: {  	s2 =	sld [smem:$0x3FD9]  }
0x89: {  	s3 =	sld [smem:$0x3FFE];
	_ =	sdelay $0x1  }
0x8a: {  	s1 =	srdreg.scid  }
0x8b: {  	s0 =	sand.u32 $0x1, s1  }
0x8c: {  	s17 =	sshll.u32 s0, $0xA;
	s2 =	sadd.s32 s3, s2  }
0x8d: {  	s2 =	sadd.s32 s2, s17  }
0x8e: {  	[smem:$0x3FC6] =	sst s2  }
0x8f: {  	_ = 	snop  }
0x90: {  	s2 =	sld [smem:$0x3FD0];
	(tm) =	ssettm $0x1  }
0x91: {  	s18 =	sld [smem:$0x3FFB];
	_ =	sdelay $0x3  }
0x92: {  	_ =	strace s18  }
0x93: {  	s3 =	sld [smem:$0x3FFC];
	_ =	sdelay $0x3  }
0x94: {  	_ =	strace s3  }
0x95: {  	s3 =	sld [smem:$0x3FFD];
	_ =	sdelay $0x3  }
0x96: {  	_ =	strace s3  }
0x97: {  	_ =	strace $0x8FFFFFFF  }
0x98: {  	s19 =	sld [smem:$0x3FDB];
	_ =	sdelay $0x1  }
0x99: {  	s4 =	simm.s32 $_scs_section_size  }
0x9a: {  	s5 =	simm.s32 $_size__tile_overlayer_lowered;
	s6 =	simm.s32 $_tile_overlayer_lowered  }
0x9b: {  	s22 =	simm.s32 $0x1BFF;
	s21 =	sshll.u32 s6, $0x1;
	s3 =	sadd.s32 s4, s19  }
0x9c: {  	s7 =	simm.s32 $0x0;
	s20 =	sshll.u32 s5, $0x1;
	s5 =	sadd.s32 s21, s3  }
0x9d: {  	[timem:s7], [sflag:s22] =	dma.local [hbm:s5], s20  }
0x9e: {  	_ =	swait.ge [sflag:s22], s20  }
0x9f: {  	s4 =	ssub.s32 $0x0, s20;
	[sflag:s22] =	ssyncset.done $0x0  }
0xa0: {  	[sflag:s22] =	ssyncadd.s32 s4;
	_ =	sdelay $0x1  }
0xa1: {  	s23 =	simm.s32 $0x1B8B  }
0xa2: {  	_ =	swait.ge [sflag:s23], $0x1  }
0xa3: {  	[sflag:s23] =	ssyncset.done $0x0  }
0xa4: {  	s25 =	simm.s32 $0x1B8E;
	s24 =	sld [smem:$0x3FFE];
	[sflag:s23] =	ssyncadd.s32 $0xFFFFFFFF  }
0xa5: {  	s26 =	simm.s32 $execute0_lowered;
	[smem:$0x3FD2] =	sst s25  }
0xa6: {  	s5 =	sshll.u32 s26, $0x1;
	_ =	strace $0x80000049;
	[dreg:$0x1] =	wrdreg $0xFFFFFFFF  }
0xa7: {  	s28 =	simm.s32 $_size_execute0_lowered;
	s3 =	sadd.s32 s3, s5;
	[dreg:$0x0] =	wrdreg $0x0  }
0xa8: {  	s5 =	sshll.u32 s28, $0x1;
	[dreg:$0x2] =	wrdreg s3  }
0xa9: {  	[dreg:$0x3] =	wrdreg s5  }
0xaa: {  	[dreg:$0x4] =	wrdreg $0xC0  }
0xab: {  	_ =	task [dreg:s7], $0x5FFFF  }
0xac: {  	[dreg:$0x1] =	wrdreg $0xFFFFFFFF  }
0xad: {  	[dreg:$0x0] =	wrdreg $0x60  }
0xae: {  	[dreg:$0x2] =	wrdreg s2  }
0xaf: {  	[dreg:$0x3] =	wrdreg s24  }
0xb0: {  	[dreg:$0x4] =	wrdreg $0x9  }
0xb1: {  	_ =	task.clear_ibuf [dreg:s7], $0x5FFFF;
	_ =	strace $0x90000049  }
0xb2: {  	s29 =	simm.s32 $0x9;
	_ =	strace $0x8000004B  }
0xb3: {  	_ =	swait.ge [sflag:s29], $0x1  }
0xb4: {  	[sflag:s29] =	ssyncadd.s32 $0xFFFFFFFF  }
0xb5: {  	_ =	strace $0x9000004B  }
0xb6: {  	_ =	sfence  }
0xb7: {  	s30 =	sld [smem:$0x0];
	_ =	sdelay $0x2  }
0xb8: {  	s31 =	sshll.u32 s1, $0xD;
	s1 =	sshrl.u32 s1, $0x2  }
0xb9: {  	s3 =	sand.u32 $0x4000, s31;
	s1 =	sadd.s32 s1, s30  }
0xba: {  	s0 =	sor.u32 s3, s0;
	s1 =	sshll.u32 s1, $0x11  }
0xbb: {  	s0 =	sor.u32 s1, s0  }
0xbc: {  	s0 =	sadd.s32 $0x8F2B, s0  }
0xbd: {  	[sflag:s0] =	ssyncadd.remote.s32 $0x1  }
0xbe: {  	_ =	sfence.sel $0xFFFF  }
0xbf: {  	[dreg:$0x0] =	wrdreg $0xFFFFFFFF;
	(pc) =	sbr.abs _section_cstart, $3  }
0xc0: {  	[dreg:$0x1] =	wrdreg $0xFFFFFFFF  }
0xc1: {  	_ =	task.clear_ibuf [dreg:s7], $0x2FFFF;
	_ =	strace $0x9FFFFFFF  }
0xc2: {  	(tm) =	ssettm $0x7FFFFFFF  }
0xc3: {  	_ =	shalt  }
tec
execute0_lowered:
.L_overlay_start_1:
0x0: {  	(tag) =	ssettag $0x1  }
0x1: {  	s1 =	srdreg.scid  }
0x2: {  	s11 =	rddreg [dreg:$0x0];
	s0 =	stileid.u32;
	s18 =	sand.u32 $0x1, s1  }
0x3: {  	s13 =	rddreg [dreg:$0x1];
	s3 =	sshll.u32 s0, $0xA;
	s4 =	sshll.u32 s18, $0x9  }
0x4: {  	s2 =	simm.s32 $0x0;
	s1 =	rddreg [dreg:$0x2];
	s12 =	sor.u32 s4, s3  }
0x5: {  	[smem:$0x7FF] =	sst s2;
	s3 =	sshrl.u32 s12, $0x3  }
0x6: {  	_ =	strace $0x8000004A;
	s4 =	simm.s32 $0x2;
	s3 =	sadd.s32 s13, s3  }
0x7: {  	[tilespmem:s2], [sflag:$0x2] =	stream.linear.gather [hbm4b:s3+s2], $0x80, $0x38;
	[tilespmem:$0x8200] =	vst v63  }
0x8: {  	_ =	swait.ge [sflag:s4], $0x80  }
0x9: {  	[sflag:s4] =	ssyncset.done $0x0  }
0xa: {  	s6 =	simm.s32 $0x80;
	s5 =	sadd.s32 $0x10, s3;
	[sflag:s4] =	ssyncadd.s32 $0xFFFFFF80  }
0xb: {  	[tilespmem:s6], [sflag:$0x2] =	stream.linear.gather [hbm4b:s5+s2], $0x80, $0x38;
	[tilespmem:$0x8200] =	vst v63  }
0xc: {  	_ =	swait.ge [sflag:s4], $0x80  }
0xd: {  	[sflag:s4] =	ssyncset.done $0x0  }
0xe: {  	s8 =	simm.s32 $0x100;
	s7 =	sadd.s32 $0x20, s3;
	[sflag:s4] =	ssyncadd.s32 $0xFFFFFF80  }
0xf: {  	[tilespmem:s8], [sflag:$0x2] =	stream.linear.gather [hbm4b:s7+s2], $0x80, $0x38;
	[tilespmem:$0x8200] =	vst v63  }
0x10: {  	_ =	swait.ge [sflag:s4], $0x80  }
0x11: {  	[sflag:s4] =	ssyncset.done $0x0  }
0x12: {  	s10 =	simm.s32 $0x180;
	s9 =	sadd.s32 $0x30, s3;
	[sflag:s4] =	ssyncadd.s32 $0xFFFFFF80  }
0x13: {  	[tilespmem:s10], [sflag:$0x2] =	stream.linear.gather [hbm4b:s9+s2], $0x80, $0x38;
	[tilespmem:$0x8200] =	vst v63  }
0x14: {  	_ =	swait.ge [sflag:s4], $0x80  }
0x15: {  	s12 =	sshll.u32 s12, $0x3;
	[sflag:s4] =	ssyncset.done $0x0  }
0x16: {  	s11 =	sadd.s32 s11, s12;
	s12 =	simm.s32 $0x200;
	[sflag:s4] =	ssyncadd.s32 $0xFFFFFF80  }
0x17: {  	[tilespmem:s12], [sflag:$0x2] =	stream.linear.gather [hbm4b:s11+s2], $0x8000, $0x38;
	[tilespmem:$0x8200] =	vst v63  }
0x18: {  	_ =	swait.ge [sflag:s4], $0x8000  }
0x19: {  	[sflag:s4] =	ssyncset.done $0x0  }
0x1a: {  	s13 =	sadd.s32 $0x800, s13;
	[sflag:s4] =	ssyncadd.s32 $0xFFFF8000  }
0x1b: {  	[hbm4b:s13+s6] =	stream.indirect.scatter [tilespmem:s12], [sflag:$0x1], $0x40, s2, s6, $0xb8;
	[tilespmem:$0x8200] =	vst v63  }
0x1c: {  	s14 =	simm.s32 $0x2200  }
0x1d: {  	[hbm4b:s13+s6] =	stream.indirect.scatter [tilespmem:s14], [sflag:$0x1], $0x40, s6, s6, $0xb8;
	[tilespmem:$0x8200] =	vst v63  }
0x1e: {  	s15 =	simm.s32 $0x4200  }
0x1f: {  	[hbm4b:s13+s6] =	stream.indirect.scatter [tilespmem:s15], [sflag:$0x1], $0x40, s8, s6, $0xb8;
	[tilespmem:$0x8200] =	vst v63  }
0x20: {  	s17 =	simm.s32 $0x6200;
	s16 =	simm.s32 $0x1  }
0x21: {  	[hbm4b:s13+s6] =	stream.indirect.scatter [tilespmem:s17], [sflag:$0x1], $0x40, s10, s6, $0xb8;
	[tilespmem:$0x8200] =	vst v63  }
0x22: {  	_ =	swait.ge [sflag:s16], $0x2000  }
0x23: {  	s18 =	ssub.s32 $0x2, s18;
	[sflag:s16] =	ssyncset.done $0x0  }
0x24: {  	s19 =	sshrl.u32 s18, $0x1;
	[sflag:s16] =	ssyncadd.s32 $0xFFFFE000  }
0x25: {  	s18 =	ssub.s32 s18, s19;
	_ =	swait.ge [sflag:s16], $0x2000  }
0x26: {  	s18 =	smax.u32 s18, $0x1;
	[sflag:s16] =	ssyncset.done $0x0  }
0x27: {  	p0 =	sne.s32 s18, $0x1;
	[sflag:s16] =	ssyncadd.s32 $0xFFFFE000  }
.Ltmp0:
0x28: {  	_ =	swait.ge [sflag:s16], $0x2000;
	(pc) =	sbr.rel @!p0 .LBB2_2-.Ltmp0, $4  }
0x29: {  	[sflag:s16] =	ssyncset.done $0x0  }
0x2a: {  	[sflag:s16] =	ssyncadd.s32 $0xFFFFE000  }
0x2b: {  	_ =	swait.ge [sflag:s16], $0x2000  }
0x2c: {  	s18 =	sadd.s32 $0xFFFFFFFF, s18;
	[sflag:s16] =	ssyncset.done $0x0  }
.LBB2_1:
0x2d: {  	p0 =	sne.s32 s18, $0x1;
	s18 =	sadd.s32 $0xFFFFFFFF, s18;
	[sflag:s16] =	ssyncadd.s32 $0xFFFFE000  }
0x2e: {  	[tilespmem:s2], [sflag:$0x2] =	stream.linear.gather [hbm4b:s3+s2], $0x80, $0x38;
	[tilespmem:$0x8200] =	vst v63  }
0x2f: {  	_ =	swait.ge [sflag:s4], $0x80  }
0x30: {  	[sflag:s4] =	ssyncset.done $0x0  }
0x31: {  	[sflag:s4] =	ssyncadd.s32 $0xFFFFFF80  }
0x32: {  	[tilespmem:s6], [sflag:$0x2] =	stream.linear.gather [hbm4b:s5+s2], $0x80, $0x38;
	[tilespmem:$0x8200] =	vst v63  }
0x33: {  	_ =	swait.ge [sflag:s4], $0x80  }
0x34: {  	[sflag:s4] =	ssyncset.done $0x0  }
0x35: {  	[sflag:s4] =	ssyncadd.s32 $0xFFFFFF80  }
0x36: {  	[tilespmem:s8], [sflag:$0x2] =	stream.linear.gather [hbm4b:s7+s2], $0x80, $0x38;
	[tilespmem:$0x8200] =	vst v63  }
0x37: {  	_ =	swait.ge [sflag:s4], $0x80  }
0x38: {  	[sflag:s4] =	ssyncset.done $0x0  }
0x39: {  	[sflag:s4] =	ssyncadd.s32 $0xFFFFFF80  }
0x3a: {  	[tilespmem:s10], [sflag:$0x2] =	stream.linear.gather [hbm4b:s9+s2], $0x80, $0x38;
	[tilespmem:$0x8200] =	vst v63  }
0x3b: {  	_ =	swait.ge [sflag:s4], $0x80  }
0x3c: {  	[sflag:s4] =	ssyncset.done $0x0  }
0x3d: {  	[sflag:s4] =	ssyncadd.s32 $0xFFFFFF80  }
0x3e: {  	[tilespmem:s12], [sflag:$0x2] =	stream.linear.gather [hbm4b:s11+s2], $0x8000, $0x38;
	[tilespmem:$0x8200] =	vst v63  }
0x3f: {  	_ =	swait.ge [sflag:s4], $0x8000  }
0x40: {  	[sflag:s4] =	ssyncset.done $0x0  }
0x41: {  	[sflag:s4] =	ssyncadd.s32 $0xFFFF8000  }
0x42: {  	[hbm4b:s13+s6] =	stream.indirect.scatter [tilespmem:s12], [sflag:$0x1], $0x40, s2, s6, $0xb8;
	[tilespmem:$0x8200] =	vst v63  }
0x43: {  	_ = 	snop  }
0x44: {  	[hbm4b:s13+s6] =	stream.indirect.scatter [tilespmem:s14], [sflag:$0x1], $0x40, s6, s6, $0xb8;
	[tilespmem:$0x8200] =	vst v63  }
0x45: {  	_ = 	snop  }
0x46: {  	[hbm4b:s13+s6] =	stream.indirect.scatter [tilespmem:s15], [sflag:$0x1], $0x40, s8, s6, $0xb8;
	[tilespmem:$0x8200] =	vst v63  }
0x47: {  	_ = 	snop  }
0x48: {  	[hbm4b:s13+s6] =	stream.indirect.scatter [tilespmem:s17], [sflag:$0x1], $0x40, s10, s6, $0xb8;
	[tilespmem:$0x8200] =	vst v63  }
0x49: {  	_ =	swait.ge [sflag:s16], $0x2000  }
0x4a: {  	[sflag:s16] =	ssyncset.done $0x0  }
0x4b: {  	[sflag:s16] =	ssyncadd.s32 $0xFFFFE000  }
0x4c: {  	_ =	swait.ge [sflag:s16], $0x2000  }
0x4d: {  	[sflag:s16] =	ssyncset.done $0x0  }
0x4e: {  	[sflag:s16] =	ssyncadd.s32 $0xFFFFE000  }
.Ltmp1:
0x4f: {  	_ =	swait.ge [sflag:s16], $0x2000;
	(pc) =	sbr.rel @p0 .LBB2_1-.Ltmp1, $4  }
0x50: {  	[sflag:s16] =	ssyncset.done $0x0  }
0x51: {  	[sflag:s16] =	ssyncadd.s32 $0xFFFFE000  }
0x52: {  	_ =	swait.ge [sflag:s16], $0x2000  }
0x53: {  	[sflag:s16] =	ssyncset.done $0x0  }
.LBB2_2:
0x54: {  	[sflag:s16] =	ssyncadd.s32 $0xFFFFE000  }
0x55: {  	_ =	sfence.sel $0x180000  }
0x56: {  	[bflag:$0x0] =	sbarrier.arrive $0xFFFF  }
0x57: {  	p0 =	sne.s32 s0, $0x0;
	_ =	strace $0x9000004A  }
0x58: {  	s0 =	sadd.s32 @!p0 $0x100000, s1;
	[bflag:$0x2] =	sbarrier.arrive $0xFFFF  }
0x59: {  	[sflag:s0] =	ssyncadd.tile.s32 @!p0 $0x1;
	_ =	shalt  }
.Lfunc_end2:
_tile_overlayer_lowered:
.L_overlay_start_2:
0x5a: {  	(tag) =	ssettag $0x2  }
0x5b: {  	s0 =	rddreg [dreg:$0x0];
	s2 =	stileid.u32  }
0x5c: {  	s1 =	rddreg [dreg:$0x1];
	p0 =	sne.s32 s2, $0x0  }
0x5d: {  	s3 =	rddreg [dreg:$0x2];
	[bflag:$0x3] =	sbarrier.arrive $0xFFFF;
	s2 =	simm.s32 @!p0 $0x1C02  }
0x5e: {  	[timem:s3], [sflag:s2] =	dma.local @!p0 [hbm:s0], s1  }
0x5f: {  	s0 =	simm.s32 @!p0 $0x2  }
0x60: {  	_ =	swait.ge @!p0 [sflag:s0], s1  }
0x61: {  	s1 =	ssub.s32 @!p0 $0x0, s1;
	[sflag:s0] =	ssyncset.done @!p0 $0x0  }
0x62: {  	[sflag:s0] =	ssyncadd.s32 @!p0 s1  }
0x63: {  	[bflag:$0x3] =	sbarrier.arrive $0xFFFF  }
0x64: {  	_ =	shalt  }

</sc_bundles>
